<compile_context>
chip_gen: v7x
topology: tpu7x:2x2x1
jax: 0.10.2.dev20260603
libtpu: 0.0.44.dev20260713+nightly
codegen_flags: <defaults>
</compile_context>

<pallas_src>
import math

import jax
import jax.numpy as jnp
from jax import lax
from jax.experimental import pallas as pl
from jax.experimental.pallas import tpu as pltpu
from jax.experimental.pallas import tpu_sc as plsc

N = 10000
E = 320000
D = 128
H = 8
DK = 16
NT = 3
NET = 6

NC = 2
NS = 16
NW = NC * NS
EW = E // NW
C = 80
NCH = EW // C
NCHT = E // C
GPC = C // 16

NB1 = 25
BN = N // NB1
BC3 = 40
NB3 = NCHT // BC3
ZR = 80
NZC = N // ZR



def _proj_body(x_ref, nt_ref, wk_ref, bk_ref, wq_ref, bq_ref, wv_ref, bv_ref,
               bwa_ref, bwm_ref, et_ref, src_ref, tgt_ref,
               q_ref, k2_ref, v2_ref, pk_ref, ks, qs, vs):
    e = pl.program_id(1)

    @pl.when(e == 0)
    def _():
        pk_ref[...] = (et_ref[...] * N + src_ref[...]) * 16384 + tgt_ref[...]
        x = x_ref[...]
        nt = nt_ref[...]
        kk = jnp.zeros_like(x)
        qq = jnp.zeros_like(x)
        vv = jnp.zeros_like(x)
        dn = (((1,), (1,)), ((), ()))
        for t in range(NT):
            tm = nt == t
            kk = jnp.where(tm, lax.dot_general(x, wk_ref[t], dn) + bk_ref[pl.ds(t, 1)], kk)
            qq = jnp.where(tm, lax.dot_general(x, wq_ref[t], dn) + bq_ref[pl.ds(t, 1)], qq)
            vv = jnp.where(tm, lax.dot_general(x, wv_ref[t], dn) + bv_ref[pl.ds(t, 1)], vv)
        ks[...] = kk
        qs[...] = qq
        vs[...] = vv

    dn2 = (((1,), (0,)), ((), ()))
    q_ref[...] = qs[...]
    k2_ref[0] = lax.dot_general(ks[...], bwa_ref[0], dn2)
    v2_ref[0] = lax.dot_general(vs[...], bwm_ref[0], dn2)


BCS = NCHT // NB1


def _stage1(x, ntb, Wk, bk, Wq, bq, Wv, bv, bWatt, bWmsg, et3, src3, tgt3):
    return pl.pallas_call(
        _proj_body,
        grid=(NB1, NET),
        in_specs=[
            pl.BlockSpec((BN, D), lambda i, e: (i, 0)),
            pl.BlockSpec((BN, D), lambda i, e: (i, 0)),
            pl.BlockSpec((NT, D, D), lambda i, e: (0, 0, 0)),
            pl.BlockSpec((NT, D), lambda i, e: (0, 0)),
            pl.BlockSpec((NT, D, D), lambda i, e: (0, 0, 0)),
            pl.BlockSpec((NT, D), lambda i, e: (0, 0)),
            pl.BlockSpec((NT, D, D), lambda i, e: (0, 0, 0)),
            pl.BlockSpec((NT, D), lambda i, e: (0, 0)),
            pl.BlockSpec((1, D, D), lambda i, e: (e, 0, 0)),
            pl.BlockSpec((1, D, D), lambda i, e: (e, 0, 0)),
            pl.BlockSpec((BCS, C), lambda i, e: (i, 0)),
            pl.BlockSpec((BCS, C), lambda i, e: (i, 0)),
            pl.BlockSpec((BCS, C), lambda i, e: (i, 0)),
        ],
        out_specs=[
            pl.BlockSpec((BN, D), lambda i, e: (i, 0)),
            pl.BlockSpec((1, BN, D), lambda i, e: (e, i, 0)),
            pl.BlockSpec((1, BN, D), lambda i, e: (e, i, 0)),
            pl.BlockSpec((BCS, C), lambda i, e: (i, 0)),
        ],
        out_shape=[
            jax.ShapeDtypeStruct((N, D), jnp.float32),
            jax.ShapeDtypeStruct((NET, N, D), jnp.float32),
            jax.ShapeDtypeStruct((NET, N, D), jnp.float32),
            jax.ShapeDtypeStruct((NCHT, C), jnp.int32),
        ],
        scratch_shapes=[pltpu.VMEM((BN, D), jnp.float32)] * 3,
    )(x, ntb, Wk, bk, Wq, bq, Wv, bv, bWatt, bWmsg, et3, src3, tgt3)



def _sc_mesh():
    return plsc.VectorSubcoreMesh(
        core_axis_name="c", subcore_axis_name="s", num_cores=NC, num_subcores=NS)


def _unpack_idx(pk_v, a, tgt_c, gid_c):
    def u_body(j, _):
        pk = pk_v[a, pl.ds(j * 16, 16)]
        tgt_c[pl.ds(j * 16, 16)] = pk & 16383
        gid_c[pl.ds(j * 16, 16)] = lax.shift_right_logical(pk, 14)
        return 0

    lax.fori_loop(0, GPC, u_body, 0)


def _dot_groups(qrows, krows, att_loc, lanes):
    def grp_body(g, _):
        rows = lanes + g * 16
        zero = jnp.zeros((16,), jnp.float32)

        def t_body(t, acc):
            pt = (lanes + t) & (DK - 1)
            out = []
            for h in range(H):
                colv = pt + h * DK
                qc = plsc.load_gather(qrows, [rows, colv])
                kc = plsc.load_gather(krows, [rows, colv])
                out.append(acc[h] + qc * kc)
            return tuple(out)

        acc = lax.fori_loop(0, DK, t_body, (zero,) * H)
        for h in range(H):
            att_loc[h, pl.ds(g * 16, 16)] = acc[h]
        return 0

    lax.fori_loop(0, GPC, grp_body, 0)


def _att_body(q_hbm, k2_hbm, pk_hbm, att_hbm,
              pk_v, tgt_c0, tgt_c1, gid_c0, gid_c1,
              qrows0, qrows1, krows0, krows1, att_loc0, att_loc1,
              semg0, semg1, semo0, semo1):
    c = lax.axis_index("c")
    s = lax.axis_index("s")
    wid = s * NC + c
    pltpu.sync_copy(pk_hbm.at[wid], pk_v)
    lanes = lax.iota(jnp.int32, 16)

    tgt_c = (tgt_c0, tgt_c1)
    gid_c = (gid_c0, gid_c1)
    qrows = (qrows0, qrows1)
    krows = (krows0, krows1)
    att_loc = (att_loc0, att_loc1)
    semg = (semg0, semg1)
    semo = (semo0, semo1)

    def fire(a, b):
        _unpack_idx(pk_v, a, tgt_c[b], gid_c[b])
        pltpu.async_copy(q_hbm.at[tgt_c[b]], qrows[b], semg[b])
        pltpu.async_copy(k2_hbm.at[gid_c[b]], krows[b], semg[b])

    def wait_gather(b):
        pltpu.make_async_copy(q_hbm.at[tgt_c[b]], qrows[b], semg[b]).wait()
        pltpu.make_async_copy(k2_hbm.at[gid_c[b]], krows[b], semg[b]).wait()

    def wait_out(a, b):
        pltpu.make_async_copy(att_loc[b], att_hbm.at[wid * NCH + a], semo[b]).wait()

    fire(0, 0)
    fire(1, 1)

    def pair_body(p, _):
        for b in (0, 1):
            a = 2 * p + b
            wait_gather(b)

            @pl.when(p > 0)
            def _():
                wait_out(a, b)

            _dot_groups(qrows[b], krows[b], att_loc[b], lanes)
            pltpu.async_copy(att_loc[b], att_hbm.at[wid * NCH + a], semo[b])

            @pl.when(a + 2 < NCH)
            def _():
                fire(a + 2, b)
        return 0

    lax.fori_loop(0, (NCH - 1) // 2, pair_body, 0)

    a_last = NCH - 1
    wait_gather(0)
    wait_out(a_last, 0)
    _dot_groups(qrows[0], krows[0], att_loc[0], lanes)
    pltpu.sync_copy(att_loc[0], att_hbm.at[wid * NCH + a_last])
    wait_out(a_last - 1, 1)


def _sc_att(q, k2f, pk2):
    f = pl.kernel(
        _att_body,
        out_type=jax.ShapeDtypeStruct((NCHT, H, C), jnp.float32),
        mesh=_sc_mesh(),
        compiler_params=pltpu.CompilerParams(needs_layout_passes=False),
        scratch_types=[
            pltpu.VMEM((NCH, C), jnp.int32),
            pltpu.VMEM((C,), jnp.int32),
            pltpu.VMEM((C,), jnp.int32),
            pltpu.VMEM((C,), jnp.int32),
            pltpu.VMEM((C,), jnp.int32),
            pltpu.VMEM((C, D), jnp.float32),
            pltpu.VMEM((C, D), jnp.float32),
            pltpu.VMEM((C, D), jnp.float32),
            pltpu.VMEM((C, D), jnp.float32),
            pltpu.VMEM((H, C), jnp.float32),
            pltpu.VMEM((H, C), jnp.float32),
            pltpu.SemaphoreType.DMA,
            pltpu.SemaphoreType.DMA,
            pltpu.SemaphoreType.DMA,
            pltpu.SemaphoreType.DMA,
        ],
    )
    return f(q, k2f, pk2)



def _sm_body(att_ref, et_ref, em_ref, w_ref, mx_s, den_s):
    p = pl.program_id(0)
    b = pl.program_id(1)
    att = att_ref[...]
    m_em = em_ref[...] > 0.0
    lane = lax.broadcasted_iota(jnp.int32, (H, D), 1)

    @pl.when((p == 0) & (b == 0))
    def _():
        mx_s[...] = jnp.full((H, D), -jnp.inf, jnp.float32)

    @pl.when(p == 0)
    def _():
        for e in range(NET):
            mb = jnp.broadcast_to(((et_ref[...] == e) & m_em)[:, None, :],
                                  (BC3, H, C))
            cur = jnp.max(jnp.max(jnp.where(mb, att, -jnp.inf), axis=2), axis=0)
            upd = jnp.where(lane == e, cur[:, None], -jnp.inf)
            mx_s[...] = jnp.maximum(mx_s[...], upd)

    @pl.when((p == 1) & (b == 0))
    def _():
        mx_s[...] = jnp.where(jnp.isfinite(mx_s[...]), mx_s[...], 0.0)
        den_s[...] = jnp.zeros((H, D), jnp.float32)

    @pl.when(p == 1)
    def _():
        mx = mx_s[...]
        for e in range(NET):
            mb = jnp.broadcast_to(((et_ref[...] == e) & m_em)[:, None, :],
                                  (BC3, H, C))
            ex = jnp.where(mb, jnp.exp(att - mx[:, e][None, :, None]), 0.0)
            ssum = jnp.sum(jnp.sum(ex, axis=2), axis=0)
            den_s[...] = den_s[...] + jnp.where(lane == e, ssum[:, None], 0.0)

    @pl.when(p == 2)
    def _():
        mx = mx_s[...]
        den = den_s[...]
        out = jnp.zeros((BC3, H, C), jnp.float32)
        for e in range(NET):
            mb = jnp.broadcast_to(((et_ref[...] == e) & m_em)[:, None, :],
                                  (BC3, H, C))
            we = jnp.exp(att - mx[:, e][None, :, None]) / jnp.maximum(
                den[:, e][None, :, None], 1e-30)
            out = jnp.where(mb, we, out)
        w_ref[...] = out


def _softmax_w(att3, et3, em3):
    return pl.pallas_call(
        _sm_body,
        grid=(3, NB3),
        in_specs=[
            pl.BlockSpec((BC3, H, C), lambda p, b: (b, 0, 0)),
            pl.BlockSpec((BC3, C), lambda p, b: (b, 0)),
            pl.BlockSpec((BC3, C), lambda p, b: (b, 0)),
        ],
        out_specs=pl.BlockSpec((BC3, H, C), lambda p, b: (b, 0, 0)),
        out_shape=jax.ShapeDtypeStruct((NCHT, H, C), jnp.float32),
        scratch_shapes=[pltpu.VMEM((H, D), jnp.float32)] * 2,
    )(att3, et3, em3)



def _scale_groups(vrows, srows, w_loc, lanes):
    def grp_body(g, _):
        rows = lanes + g * 16
        wv = [w_loc[h, pl.ds(g * 16, 16)] for h in range(H)]

        def t_body(t, carry):
            pt = (lanes + t) & (DK - 1)
            for h in range(H):
                colv = pt + h * DK
                vc = plsc.load_gather(vrows, [rows, colv])
                plsc.store_scatter(srows, [rows, colv], vc * wv[h])
            return carry

        lax.fori_loop(0, DK, t_body, 0)
        return 0

    lax.fori_loop(0, GPC, grp_body, 0)


def _agg_body(v2_hbm, wt_hbm, pk_hbm, acc_hbm,
              pk_v, tgt_c0, tgt_c1, gid_c0, gid_c1,
              vrows0, vrows1, srows, w_loc0, w_loc1, acc_sp, semg0, semg1):
    c = lax.axis_index("c")
    s = lax.axis_index("s")
    wid = s * NC + c
    pltpu.sync_copy(pk_hbm.at[wid], pk_v)

    tgt_c = (tgt_c0, tgt_c1)
    gid_c = (gid_c0, gid_c1)
    vrows = (vrows0, vrows1)
    w_loc = (w_loc0, w_loc1)
    semg = (semg0, semg1)
    lanes = lax.iota(jnp.int32, 16)

    zf = jnp.zeros((16,), jnp.float32)

    def z_body(i, _):
        r = i // 8
        j = (i % 8) * 16
        vrows0[r, pl.ds(j, 16)] = zf
        return 0

    lax.fori_loop(0, ZR * 8, z_body, 0)

    def zcp_body(t, _):
        @pl.when(t % NS == s)
        def _():
            pltpu.sync_copy(vrows0, acc_sp.at[pl.ds(t * ZR, ZR)])
        return 0

    lax.fori_loop(0, NZC, zcp_body, 0)
    plsc.subcore_barrier()

    def fire(a, b):
        _unpack_idx(pk_v, a, tgt_c[b], gid_c[b])
        pltpu.async_copy(v2_hbm.at[gid_c[b]], vrows[b], semg[b])
        pltpu.async_copy(wt_hbm.at[wid * NCH + a], w_loc[b], semg[b])

    def wait_gather(a, b):
        pltpu.make_async_copy(v2_hbm.at[gid_c[b]], vrows[b], semg[b]).wait()
        pltpu.make_async_copy(wt_hbm.at[wid * NCH + a], w_loc[b], semg[b]).wait()

    fire(0, 0)
    fire(1, 1)

    def pair_body(p, _):
        for b in (0, 1):
            a = 2 * p + b
            wait_gather(a, b)
            _scale_groups(vrows[b], srows, w_loc[b], lanes)
            pltpu.sync_copy(srows, acc_sp.at[tgt_c[b]], add=True)

            @pl.when(a + 2 < NCH)
            def _():
                fire(a + 2, b)
        return 0

    lax.fori_loop(0, (NCH - 1) // 2, pair_body, 0)

    a_last = NCH - 1
    wait_gather(a_last, 0)
    _scale_groups(vrows[0], srows, w_loc[0], lanes)
    pltpu.sync_copy(srows, acc_sp.at[tgt_c[0]], add=True)

    plsc.subcore_barrier()

    def out_body(t, _):
        @pl.when(t % NS == s)
        def _():
            pltpu.sync_copy(acc_sp.at[pl.ds(t * ZR, ZR)],
                            acc_hbm.at[pl.ds(c * N + t * ZR, ZR)])
        return 0

    lax.fori_loop(0, NZC, out_body, 0)


def _sc_agg(v2f, w3, pk2):
    f = pl.kernel(
        _agg_body,
        out_type=jax.ShapeDtypeStruct((NC * N, D), jnp.float32),
        mesh=_sc_mesh(),
        compiler_params=pltpu.CompilerParams(needs_layout_passes=False),
        scratch_types=[
            pltpu.VMEM((NCH, C), jnp.int32),
            pltpu.VMEM((C,), jnp.int32),
            pltpu.VMEM((C,), jnp.int32),
            pltpu.VMEM((C,), jnp.int32),
            pltpu.VMEM((C,), jnp.int32),
            pltpu.VMEM((C, D), jnp.float32),
            pltpu.VMEM((C, D), jnp.float32),
            pltpu.VMEM((C, D), jnp.float32),
            pltpu.VMEM((H, C), jnp.float32),
            pltpu.VMEM((H, C), jnp.float32),
            pltpu.VMEM_SHARED((N, D), jnp.float32),
            pltpu.SemaphoreType.DMA,
            pltpu.SemaphoreType.DMA,
        ],
    )
    return f(v2f, w3, pk2)



def _out_body(a0_ref, a1_ref, x_ref, nm_ref, wo_ref, bo_ref, g_ref, b_ref, o_ref):
    hsum = a0_ref[...] + a1_ref[...]
    o = lax.dot_general(hsum, wo_ref[...], (((1,), (1,)), ((), ()))) + bo_ref[...]
    o = o + x_ref[...]
    mu = jnp.mean(o, axis=1, keepdims=True)
    var = jnp.mean((o - mu) ** 2, axis=1, keepdims=True)
    o = g_ref[...] * (o - mu) / jnp.sqrt(var + 1e-5) + b_ref[...]
    o_ref[...] = o * nm_ref[...]


def _c5(accf, x, nmb, Wout, bout1, gamma1, beta1):
    return pl.pallas_call(
        _out_body,
        grid=(NB1,),
        in_specs=[
            pl.BlockSpec((BN, D), lambda i: (i, 0)),
            pl.BlockSpec((BN, D), lambda i: (i + NB1, 0)),
            pl.BlockSpec((BN, D), lambda i: (i, 0)),
            pl.BlockSpec((BN, D), lambda i: (i, 0)),
            pl.BlockSpec((D, D), lambda i: (0, 0)),
            pl.BlockSpec((1, D), lambda i: (0, 0)),
            pl.BlockSpec((1, D), lambda i: (0, 0)),
            pl.BlockSpec((1, D), lambda i: (0, 0)),
        ],
        out_specs=pl.BlockSpec((BN, D), lambda i: (i, 0)),
        out_shape=jax.ShapeDtypeStruct((N, D), jnp.float32),
    )(accf, accf, x, nmb, Wout, bout1, gamma1, beta1)



def _block_diag(A, scale):
    return jnp.einsum('hg,ij->higj', jnp.diag(scale), A.T).reshape(D, D)


def kernel(node_features, edge_index, node_types, edge_types, node_mask,
           edge_mask, Wk, bk, Wq, bq, Wv, bv, Watt, Wmsg, pri, Wout, bout,
           gamma, beta):
    x = node_features[0]
    nt = node_types[0]
    et = edge_types[0]
    src = edge_index[0, 0]
    tgt = edge_index[0, 1]
    em = edge_mask[0]
    nm = node_mask[0]

    ntb = jnp.broadcast_to(nt[:, None], (N, D))
    bWatt = jax.vmap(_block_diag)(Watt, pri / math.sqrt(DK))
    ones_h = jnp.ones((NET, H), dtype=Wmsg.dtype)
    bWmsg = jax.vmap(_block_diag)(Wmsg, ones_h)

    et3 = et.reshape(NCHT, C)
    em3 = em.reshape(NCHT, C)
    src3 = src.reshape(NCHT, C)
    tgt3 = tgt.reshape(NCHT, C)

    q, k2, v2, pk3 = _stage1(x, ntb, Wk, bk, Wq, bq, Wv, bv, bWatt, bWmsg,
                             et3, src3, tgt3)
    k2f = k2.reshape(NET * N, D)
    v2f = v2.reshape(NET * N, D)
    pk2 = pk3.reshape(NW, NCH, C)

    att3 = _sc_att(q, k2f, pk2)
    w3 = _softmax_w(att3, et3, em3)
    accf = _sc_agg(v2f, w3, pk2)

    nmb = jnp.broadcast_to(nm[:, None], (N, D))
    out = _c5(accf, x, nmb, Wout, bout[None, :], gamma[None, :], beta[None, :])
    return out[None]

# --- scband reference (transcript-rebuilt; emitter-appended) ---
"""Pipeline reference for scband-hgtencoder-29343216566602 (READ-ONLY COPY).

The authoritative reference and input builder live on the scoring server;
editing this copy changes nothing except your own understanding.
"""

import jax, jax.numpy as jnp
import numpy as np
import math

B = 1
N_NODES = 10000
N_EDGES = 320000
IN_DIM = 128
OUT_DIM = 128
NUM_HEADS = 8
D_K = OUT_DIM // NUM_HEADS
NUM_NODE_TYPES = 3
NUM_EDGE_TYPES = 6


def setup_inputs(seed: int = 0) -> dict:
    key = jax.random.key(seed)
    ks = jax.random.split(key, 16)
    inp = {}
    inp["node_features"] = jax.random.normal(ks[0], (B, N_NODES, IN_DIM), dtype=jnp.float32)
    inp["edge_index"] = jax.random.randint(ks[1], (B, 2, N_EDGES), 0, N_NODES, dtype=jnp.int32)
    inp["node_types"] = jax.random.randint(ks[2], (B, N_NODES), 0, NUM_NODE_TYPES, dtype=jnp.int32)
    inp["edge_types"] = jax.random.randint(ks[3], (B, N_EDGES), 0, NUM_EDGE_TYPES, dtype=jnp.int32)
    inp["node_mask"] = jnp.ones((B, N_NODES), dtype=jnp.float32)
    inp["edge_mask"] = jnp.ones((B, N_EDGES), dtype=jnp.float32)
    inp["Wk"] = jax.random.normal(ks[4], (NUM_NODE_TYPES, OUT_DIM, IN_DIM), dtype=jnp.float32) * 0.05
    inp["bk"] = jnp.zeros((NUM_NODE_TYPES, OUT_DIM), dtype=jnp.float32)
    inp["Wq"] = jax.random.normal(ks[5], (NUM_NODE_TYPES, OUT_DIM, IN_DIM), dtype=jnp.float32) * 0.05
    inp["bq"] = jnp.zeros((NUM_NODE_TYPES, OUT_DIM), dtype=jnp.float32)
    inp["Wv"] = jax.random.normal(ks[6], (NUM_NODE_TYPES, OUT_DIM, IN_DIM), dtype=jnp.float32) * 0.05
    inp["bv"] = jnp.zeros((NUM_NODE_TYPES, OUT_DIM), dtype=jnp.float32)
    inp["Watt"] = jax.random.normal(ks[7], (NUM_EDGE_TYPES, D_K, D_K), dtype=jnp.float32) * 0.05
    inp["Wmsg"] = jax.random.normal(ks[8], (NUM_EDGE_TYPES, D_K, D_K), dtype=jnp.float32) * 0.05
    inp["pri"] = jnp.ones((NUM_EDGE_TYPES, NUM_HEADS), dtype=jnp.float32)
    inp["Wout"] = jax.random.normal(ks[9], (OUT_DIM, OUT_DIM), dtype=jnp.float32) * 0.05
    inp["bout"] = jnp.zeros((OUT_DIM,), dtype=jnp.float32)
    inp["gamma"] = jnp.ones((OUT_DIM,), dtype=jnp.float32)
    inp["beta"] = jnp.zeros((OUT_DIM,), dtype=jnp.float32)
    return inp


def _forward(node_features, node_mask, edge_mask, Wk, bk, Wq, bq, Wv, bv, Watt, Wmsg, pri, Wout, bout, gamma, beta, edge_index, node_types, edge_types):
    Bs, N, _ = node_features.shape
    K = jnp.zeros((Bs, N, OUT_DIM), dtype=node_features.dtype)
    Q = jnp.zeros_like(K)
    V = jnp.zeros_like(K)
    # type-specific K/Q/V projections (torch: K[type_mask] = k_linears[t](x[type_mask]))
    for t in range(NUM_NODE_TYPES):
        tm = (node_types == t)[..., None]
        K = jnp.where(tm, node_features @ Wk[t].T + bk[t], K)
        Q = jnp.where(tm, node_features @ Wq[t].T + bq[t], Q)
        V = jnp.where(tm, node_features @ Wv[t].T + bv[t], V)
    K = K.reshape(Bs, N, NUM_HEADS, D_K)
    Q = Q.reshape(Bs, N, NUM_HEADS, D_K)
    V = V.reshape(Bs, N, NUM_HEADS, D_K)
    src = edge_index[:, 0, :]
    tgt = edge_index[:, 1, :]
    gather = jax.vmap(lambda arr, idx: arr[idx])
    Ks = gather(K, src)   # [B, E, H, d_k]
    Vs = gather(V, src)
    Qt = gather(Q, tgt)
    valid = edge_mask > 0
    output = jnp.zeros((Bs, N, NUM_HEADS, D_K), dtype=node_features.dtype)
    for e in range(NUM_EDGE_TYPES):
        m = (valid & (edge_types == e))[..., None]  # [B, E, 1]
        k_e = Ks @ Watt[e].T
        v_e = Vs @ Wmsg[e].T
        att = jnp.sum(Qt * k_e, axis=-1) * pri[e] / math.sqrt(D_K)  # [B, E, H]
        # torch: softmax over dim=0, i.e. over all selected edges of this type (per head)
        scores = jnp.where(m, att, -jnp.inf)
        mx = jnp.max(scores, axis=1, keepdims=True)
        mx = jnp.where(jnp.isfinite(mx), mx, 0.0)
        ex = jnp.where(m, jnp.exp(scores - mx), 0.0)
        denom = jnp.sum(ex, axis=1, keepdims=True)
        w = ex / jnp.maximum(denom, 1e-30)
        msgs = w[..., None] * v_e  # [B, E, H, d_k]
        output = jax.vmap(lambda o, i, mm: o.at[i].add(mm))(output, tgt, msgs)
    out = output.reshape(Bs, N, OUT_DIM)
    out = out @ Wout.T + bout
    # dropout p=0.0 -> identity; in_dim == out_dim -> residual + LayerNorm
    res = out + node_features
    mu = jnp.mean(res, axis=-1, keepdims=True)
    var = jnp.mean((res - mu) ** 2, axis=-1, keepdims=True)
    out = gamma * (res - mu) / jnp.sqrt(var + 1e-5) + beta
    out = out * node_mask[..., None]
    return out


def reference(node_features, edge_index, node_types, edge_types, node_mask, edge_mask, Wk, bk, Wq, bq, Wv, bv, Watt, Wmsg, pri, Wout, bout, gamma, beta):
    return _forward(node_features, node_mask, edge_mask, Wk, bk, Wq, bq, Wv, bv, Watt, Wmsg, pri, Wout, bout, gamma, beta, edge_index, node_types, edge_types)

if __name__ == "__main__":
    import jax
    _d = setup_inputs()
    print(jax.jit(kernel)(*tuple(_d.values())))

</pallas_src>

<mosaic_0001>
#map = affine_map<(d0, d1) -> (0, 0)>
#map1 = affine_map<(d0, d1) -> (0, 0, 0)>
module attributes {stable_mosaic.version = 14 : i64} {
  func.func @_att_body(%arg0: i32, %arg1: i32, %arg2: memref<10000x128xf32, #tpu.memory_space<hbm>>, %arg3: memref<60000x128xf32, #tpu.memory_space<hbm>>, %arg4: memref<32x125x80xi32, #tpu.memory_space<hbm>>, %arg5: memref<4000x8x80xf32, #tpu.memory_space<hbm>>, %arg6: memref<125x80xi32, #tpu.memory_space<vmem>>, %arg7: memref<80xi32, #tpu.memory_space<vmem>>, %arg8: memref<80xi32, #tpu.memory_space<vmem>>, %arg9: memref<80xi32, #tpu.memory_space<vmem>>, %arg10: memref<80xi32, #tpu.memory_space<vmem>>, %arg11: memref<80x128xf32, #tpu.memory_space<vmem>>, %arg12: memref<80x128xf32, #tpu.memory_space<vmem>>, %arg13: memref<80x128xf32, #tpu.memory_space<vmem>>, %arg14: memref<80x128xf32, #tpu.memory_space<vmem>>, %arg15: memref<8x80xf32, #tpu.memory_space<vmem>>, %arg16: memref<8x80xf32, #tpu.memory_space<vmem>>, %arg17: memref<!tpu.dma_semaphore, #tpu.memory_space<semaphore_mem>>, %arg18: memref<!tpu.dma_semaphore, #tpu.memory_space<semaphore_mem>>, %arg19: memref<!tpu.dma_semaphore, #tpu.memory_space<semaphore_mem>>, %arg20: memref<!tpu.dma_semaphore, #tpu.memory_space<semaphore_mem>>) attributes {dimension_semantics = [#tpu.dimension_semantics<core_parallel>, #tpu.dimension_semantics<subcore_parallel>], iteration_bounds = array<i64: 2, 16>, scalar_prefetch = 0 : i64, scratch_operands = 15 : i64, tpu.core_type = #tpu.core_type<sc_vector_subcore>, window_params = [{transform_indices = #map}, {transform_indices = #map}, {transform_indices = #map1}, {transform_indices = #map1}]} {
    %mul3A = arith.constant 2 : i32
    %mul3A_0 = arith.muli %arg1, %mul3A : i32
    %add3A = arith.addi %mul3A_0, %arg0 : i32
    "tpu.region"() ({
      %run_scoped3A = tpu.sem_alloc : memref<!tpu.dma_semaphore, #tpu.memory_space<semaphore_mem>>
      %dma_start3A_72 = arith.constant 0 : i32
      %dma_start3A_73 = arith.constant 0 : i32
      %dma_start3A_74 = tpu.memref_slice %arg4[%add3A, %dma_start3A_72, %dma_start3A_73] : memref<32x125x80xi32, #tpu.memory_space<hbm>> -> memref<1x125x80xi32, #tpu.memory_space<hbm>>
      %dma_start3A_75 = tpu.memref_squeeze %dma_start3A_74 : memref<1x125x80xi32, #tpu.memory_space<hbm>> -> memref<125x80xi32, #tpu.memory_space<hbm>>
      %dma_start3A_76 = arith.constant 0 : i32
      %dma_start3A_77 = arith.constant 0 : i32
      %dma_start3A_78 = tpu.memref_slice %arg4[%add3A, %dma_start3A_76, %dma_start3A_77] : memref<32x125x80xi32, #tpu.memory_space<hbm>> -> memref<1x125x80xi32, #tpu.memory_space<hbm>>
      %dma_start3A_79 = tpu.memref_squeeze %dma_start3A_78 : memref<1x125x80xi32, #tpu.memory_space<hbm>> -> memref<125x80xi32, #tpu.memory_space<hbm>>
      tpu.enqueue_dma source(%dma_start3A_79 : memref<125x80xi32, #tpu.memory_space<hbm>>) target(%arg6 : memref<125x80xi32, #tpu.memory_space<vmem>>) target_semaphore(%run_scoped3A : memref<!tpu.dma_semaphore, #tpu.memory_space<semaphore_mem>>)
      %dma_wait3A_80 = arith.constant 0 : i32
      %dma_wait3A_81 = arith.constant 0 : i32
      %dma_wait3A_82 = tpu.memref_slice %arg4[%add3A, %dma_wait3A_80, %dma_wait3A_81] : memref<32x125x80xi32, #tpu.memory_space<hbm>> -> memref<1x125x80xi32, #tpu.memory_space<hbm>>
      %dma_wait3A_83 = tpu.memref_squeeze %dma_wait3A_82 : memref<1x125x80xi32, #tpu.memory_space<hbm>> -> memref<125x80xi32, #tpu.memory_space<hbm>>
      %dma_wait3A_84 = arith.constant 0 : i32
      %dma_wait3A_85 = arith.constant 0 : i32
      %dma_wait3A_86 = tpu.memref_slice %arg4[%add3A, %dma_wait3A_84, %dma_wait3A_85] : memref<32x125x80xi32, #tpu.memory_space<hbm>> -> memref<1x125x80xi32, #tpu.memory_space<hbm>>
      %dma_wait3A_87 = tpu.memref_squeeze %dma_wait3A_86 : memref<1x125x80xi32, #tpu.memory_space<hbm>> -> memref<125x80xi32, #tpu.memory_space<hbm>>
      tpu.wait_dma2 semaphore(%run_scoped3A : memref<!tpu.dma_semaphore, #tpu.memory_space<semaphore_mem>>) src(%dma_wait3A_87 : memref<125x80xi32, #tpu.memory_space<hbm>>) dst(%arg6 : memref<125x80xi32, #tpu.memory_space<vmem>>)
      tpu.yield
    }) : () -> ()
    %iota3A = tpu.iota {dimensions = array<i32: 0>} : vector<16xi32>
    %scan3A = arith.constant 0 : i32
    %scan3A_1 = arith.constant 0 : i32
    %scan3A_2 = arith.constant 5 : i32
    %scan3A_3 = arith.addi %scan3A_1, %scan3A_2 : i32
    %scan3A_4 = arith.constant 1 : i32
    %scan3A_5 = scf.for %scan3A_72 = %scan3A_1 to %scan3A_3 step %scan3A_4 iter_args(%scan3A_73 = %scan3A) -> (i32)  : i32 {
      %mul3A_74 = arith.constant 16 : i32
      %mul3A_75 = arith.muli %scan3A_72, %mul3A_74 : i32
      %get3A = arith.constant 0 : i32
      %get3A_76 = arith.index_cast %get3A : i32 to index
      %get3A_77 = arith.index_cast %mul3A_75 : i32 to index
      %get3A_78 = tpu.vector_load %arg6[%get3A_76, %get3A_77] {strides = array<i32>} : memref<125x80xi32, #tpu.memory_space<vmem>>, vector<16xi32>,
      %and3A = arith.constant 16383 : i32
      %and3A_79 = vector.broadcast %and3A : i32 to vector<16xi32>
      %and3A_80 = arith.andi %get3A_78, %and3A_79 : vector<16xi32>
      %mul3A_81 = arith.constant 16 : i32
      %mul3A_82 = arith.muli %scan3A_72, %mul3A_81 : i32
      %swap3A = arith.index_cast %mul3A_82 : i32 to index
      %swap3A_83 = tpu.vector_load %arg7[%swap3A] {strides = array<i32>} : memref<80xi32, #tpu.memory_space<vmem>>, vector<16xi32>,
      tpu.vector_store %arg7[%swap3A], %and3A_80 {strides = array<i32>} : memref<80xi32, #tpu.memory_space<vmem>>, vector<16xi32>,
      %shift_right_logical3A = arith.constant 14 : i32
      %shift_right_logical3A_84 = vector.broadcast %shift_right_logical3A : i32 to vector<16xi32>
      %shift_right_logical3A_85 = arith.shrui %get3A_78, %shift_right_logical3A_84 : vector<16xi32>
      %mul3A_86 = arith.constant 16 : i32
      %mul3A_87 = arith.muli %scan3A_72, %mul3A_86 : i32
      %swap3A_88 = arith.index_cast %mul3A_87 : i32 to index
      %swap3A_89 = tpu.vector_load %arg9[%swap3A_88] {strides = array<i32>} : memref<80xi32, #tpu.memory_space<vmem>>, vector<16xi32>,
      tpu.vector_store %arg9[%swap3A_88], %shift_right_logical3A_85 {strides = array<i32>} : memref<80xi32, #tpu.memory_space<vmem>>, vector<16xi32>,
      %scan3A_90 = arith.constant 0 : i32
      scf.yield %scan3A_90 : i32
    }
    %scan3A_6 = arith.constant 5 : i32
    %dma_start3A = arith.constant 0 : i32
    %dma_start3A_7 = arith.constant 0 : i32
    %dma_start3A_8 = tpu.memref_slice %arg2[%dma_start3A, %dma_start3A_7] : memref<10000x128xf32, #tpu.memory_space<hbm>> -> memref<10000x128xf32, #tpu.memory_space<hbm>>
    tpu.enqueue_indirect_dma source(%dma_start3A_8 : memref<10000x128xf32, #tpu.memory_space<hbm>>) target(%arg11 : memref<80x128xf32, #tpu.memory_space<vmem>>) offsets(%arg7 : memref<80xi32, #tpu.memory_space<vmem>>) semaphore(%arg17 : memref<!tpu.dma_semaphore, #tpu.memory_space<semaphore_mem>>)
    %dma_start3A_9 = arith.constant 0 : i32
    %dma_start3A_10 = arith.constant 0 : i32
    %dma_start3A_11 = tpu.memref_slice %arg3[%dma_start3A_9, %dma_start3A_10] : memref<60000x128xf32, #tpu.memory_space<hbm>> -> memref<60000x128xf32, #tpu.memory_space<hbm>>
    tpu.enqueue_indirect_dma source(%dma_start3A_11 : memref<60000x128xf32, #tpu.memory_space<hbm>>) target(%arg13 : memref<80x128xf32, #tpu.memory_space<vmem>>) offsets(%arg9 : memref<80xi32, #tpu.memory_space<vmem>>) semaphore(%arg17 : memref<!tpu.dma_semaphore, #tpu.memory_space<semaphore_mem>>)
    %scan3A_12 = arith.constant 0 : i32
    %scan3A_13 = arith.constant 0 : i32
    %scan3A_14 = arith.constant 5 : i32
    %scan3A_15 = arith.addi %scan3A_13, %scan3A_14 : i32
    %scan3A_16 = arith.constant 1 : i32
    %scan3A_17 = scf.for %scan3A_72 = %scan3A_13 to %scan3A_15 step %scan3A_16 iter_args(%scan3A_73 = %scan3A_12) -> (i32)  : i32 {
      %mul3A_74 = arith.constant 16 : i32
      %mul3A_75 = arith.muli %scan3A_72, %mul3A_74 : i32
      %get3A = arith.constant 1 : i32
      %get3A_76 = arith.index_cast %get3A : i32 to index
      %get3A_77 = arith.index_cast %mul3A_75 : i32 to index
      %get3A_78 = tpu.vector_load %arg6[%get3A_76, %get3A_77] {strides = array<i32>} : memref<125x80xi32, #tpu.memory_space<vmem>>, vector<16xi32>,
      %and3A = arith.constant 16383 : i32
      %and3A_79 = vector.broadcast %and3A : i32 to vector<16xi32>
      %and3A_80 = arith.andi %get3A_78, %and3A_79 : vector<16xi32>
      %mul3A_81 = arith.constant 16 : i32
      %mul3A_82 = arith.muli %scan3A_72, %mul3A_81 : i32
      %swap3A = arith.index_cast %mul3A_82 : i32 to index
      %swap3A_83 = tpu.vector_load %arg8[%swap3A] {strides = array<i32>} : memref<80xi32, #tpu.memory_space<vmem>>, vector<16xi32>,
      tpu.vector_store %arg8[%swap3A], %and3A_80 {strides = array<i32>} : memref<80xi32, #tpu.memory_space<vmem>>, vector<16xi32>,
      %shift_right_logical3A = arith.constant 14 : i32
      %shift_right_logical3A_84 = vector.broadcast %shift_right_logical3A : i32 to vector<16xi32>
      %shift_right_logical3A_85 = arith.shrui %get3A_78, %shift_right_logical3A_84 : vector<16xi32>
      %mul3A_86 = arith.constant 16 : i32
      %mul3A_87 = arith.muli %scan3A_72, %mul3A_86 : i32
      %swap3A_88 = arith.index_cast %mul3A_87 : i32 to index
      %swap3A_89 = tpu.vector_load %arg10[%swap3A_88] {strides = array<i32>} : memref<80xi32, #tpu.memory_space<vmem>>, vector<16xi32>,
      tpu.vector_store %arg10[%swap3A_88], %shift_right_logical3A_85 {strides = array<i32>} : memref<80xi32, #tpu.memory_space<vmem>>, vector<16xi32>,
      %scan3A_90 = arith.constant 0 : i32
      scf.yield %scan3A_90 : i32
    }
    %scan3A_18 = arith.constant 5 : i32
    %dma_start3A_19 = arith.constant 0 : i32
    %dma_start3A_20 = arith.constant 0 : i32
    %dma_start3A_21 = tpu.memref_slice %arg2[%dma_start3A_19, %dma_start3A_20] : memref<10000x128xf32, #tpu.memory_space<hbm>> -> memref<10000x128xf32, #tpu.memory_space<hbm>>
    tpu.enqueue_indirect_dma source(%dma_start3A_21 : memref<10000x128xf32, #tpu.memory_space<hbm>>) target(%arg12 : memref<80x128xf32, #tpu.memory_space<vmem>>) offsets(%arg8 : memref<80xi32, #tpu.memory_space<vmem>>) semaphore(%arg18 : memref<!tpu.dma_semaphore, #tpu.memory_space<semaphore_mem>>)
    %dma_start3A_22 = arith.constant 0 : i32
    %dma_start3A_23 = arith.constant 0 : i32
    %dma_start3A_24 = tpu.memref_slice %arg3[%dma_start3A_22, %dma_start3A_23] : memref<60000x128xf32, #tpu.memory_space<hbm>> -> memref<60000x128xf32, #tpu.memory_space<hbm>>
    tpu.enqueue_indirect_dma source(%dma_start3A_24 : memref<60000x128xf32, #tpu.memory_space<hbm>>) target(%arg14 : memref<80x128xf32, #tpu.memory_space<vmem>>) offsets(%arg10 : memref<80xi32, #tpu.memory_space<vmem>>) semaphore(%arg18 : memref<!tpu.dma_semaphore, #tpu.memory_space<semaphore_mem>>)
    %scan3A_25 = arith.constant 0 : i32
    %scan3A_26 = arith.constant 0 : i32
    %scan3A_27 = arith.constant 62 : i32
    %scan3A_28 = arith.addi %scan3A_26, %scan3A_27 : i32
    %scan3A_29 = arith.constant 1 : i32
    %scan3A_30 = scf.for %scan3A_72 = %scan3A_26 to %scan3A_28 step %scan3A_29 iter_args(%scan3A_73 = %scan3A_25) -> (i32)  : i32 {
      %mul3A_74 = arith.constant 2 : i32
      %mul3A_75 = arith.muli %mul3A_74, %scan3A_72 : i32
      %add3A_76 = arith.constant 0 : i32
      %add3A_77 = arith.addi %mul3A_75, %add3A_76 : i32
      %dma_wait3A_78 = arith.constant 0 : i32
      %dma_wait3A_79 = arith.constant 0 : i32
      %dma_wait3A_80 = tpu.memref_slice %arg2[%dma_wait3A_78, %dma_wait3A_79] : memref<10000x128xf32, #tpu.memory_space<hbm>> -> memref<10000x128xf32, #tpu.memory_space<hbm>>
      tpu.wait_indirect_dma semaphore(%arg17 : memref<!tpu.dma_semaphore, #tpu.memory_space<semaphore_mem>>) src(%dma_wait3A_80 : memref<10000x128xf32, #tpu.memory_space<hbm>>) dst(%arg11 : memref<80x128xf32, #tpu.memory_space<vmem>>)
      %dma_wait3A_81 = arith.constant 0 : i32
      %dma_wait3A_82 = arith.constant 0 : i32
      %dma_wait3A_83 = tpu.memref_slice %arg3[%dma_wait3A_81, %dma_wait3A_82] : memref<60000x128xf32, #tpu.memory_space<hbm>> -> memref<60000x128xf32, #tpu.memory_space<hbm>>
      tpu.wait_indirect_dma semaphore(%arg17 : memref<!tpu.dma_semaphore, #tpu.memory_space<semaphore_mem>>) src(%dma_wait3A_83 : memref<60000x128xf32, #tpu.memory_space<hbm>>) dst(%arg13 : memref<80x128xf32, #tpu.memory_space<vmem>>)
      %gt3A = arith.constant 0 : i32
      %gt3A_84 = arith.cmpi sgt, %scan3A_72, %gt3A : i32
      %convert_element_type3A = arith.extui %gt3A_84 : i1 to i32
      %cond3A = arith.constant 0 : i32
      %cond3A_85 = arith.cmpi ne, %convert_element_type3A, %cond3A : i32
      scf.if %cond3A_85 {
        %mul3A_151 = arith.constant 125 : i32
        %mul3A_152 = arith.muli %add3A, %mul3A_151 : i32
        %add3A_153 = arith.addi %mul3A_152, %add3A_77 : i32
        %dma_wait3A_154 = arith.constant 0 : i32
        %dma_wait3A_155 = arith.constant 0 : i32
        %dma_wait3A_156 = tpu.memref_slice %arg5[%add3A_153, %dma_wait3A_154, %dma_wait3A_155] : memref<4000x8x80xf32, #tpu.memory_space<hbm>> -> memref<1x8x80xf32, #tpu.memory_space<hbm>>
        %dma_wait3A_157 = tpu.memref_squeeze %dma_wait3A_156 : memref<1x8x80xf32, #tpu.memory_space<hbm>> -> memref<8x80xf32, #tpu.memory_space<hbm>>
        %dma_wait3A_158 = arith.constant 0 : i32
        %dma_wait3A_159 = arith.constant 0 : i32
        %dma_wait3A_160 = tpu.memref_slice %arg5[%add3A_153, %dma_wait3A_158, %dma_wait3A_159] : memref<4000x8x80xf32, #tpu.memory_space<hbm>> -> memref<1x8x80xf32, #tpu.memory_space<hbm>>
        %dma_wait3A_161 = tpu.memref_squeeze %dma_wait3A_160 : memref<1x8x80xf32, #tpu.memory_space<hbm>> -> memref<8x80xf32, #tpu.memory_space<hbm>>
        tpu.wait_dma2 semaphore(%arg19 : memref<!tpu.dma_semaphore, #tpu.memory_space<semaphore_mem>>) src(%arg15 : memref<8x80xf32, #tpu.memory_space<vmem>>) dst(%dma_wait3A_161 : memref<8x80xf32, #tpu.memory_space<hbm>>)
      } else {
      }
      %scan3A_86 = arith.constant 0 : i32
      %scan3A_87 = arith.constant 0 : i32
      %scan3A_88 = arith.constant 5 : i32
      %scan3A_89 = arith.addi %scan3A_87, %scan3A_88 : i32
      %scan3A_90 = arith.constant 1 : i32
      %scan3A_91 = scf.for %scan3A_151 = %scan3A_87 to %scan3A_89 step %scan3A_90 iter_args(%scan3A_152 = %scan3A_86) -> (i32)  : i32 {
        %mul3A_153 = arith.constant 16 : i32
        %mul3A_154 = arith.muli %scan3A_151, %mul3A_153 : i32
        %add3A_155 = vector.broadcast %mul3A_154 : i32 to vector<16xi32>
        %add3A_156 = arith.addi %iota3A, %add3A_155 : vector<16xi32>
        %broadcast_in_dim3A = arith.constant 0.000000e+00 : f32
        %broadcast_in_dim3A_157 = vector.broadcast %broadcast_in_dim3A : f32 to vector<16xf32>
        %scan3A_158 = arith.constant 0 : i32
        %scan3A_159 = arith.constant 16 : i32
        %scan3A_160 = arith.addi %scan3A_158, %scan3A_159 : i32
        %scan3A_161 = arith.constant 1 : i32
        %scan3A_162:8 = scf.for %scan3A_212 = %scan3A_158 to %scan3A_160 step %scan3A_161 iter_args(%scan3A_213 = %broadcast_in_dim3A_157, %scan3A_214 = %broadcast_in_dim3A_157, %scan3A_215 = %broadcast_in_dim3A_157, %scan3A_216 = %broadcast_in_dim3A_157, %scan3A_217 = %broadcast_in_dim3A_157, %scan3A_218 = %broadcast_in_dim3A_157, %scan3A_219 = %broadcast_in_dim3A_157, %scan3A_220 = %broadcast_in_dim3A_157) -> (vector<16xf32>, vector<16xf32>, vector<16xf32>, vector<16xf32>, vector<16xf32>, vector<16xf32>, vector<16xf32>, vector<16xf32>)  : i32 {
          %add3A_221 = vector.broadcast %scan3A_212 : i32 to vector<16xi32>
          %add3A_222 = arith.addi %iota3A, %add3A_221 : vector<16xi32>
          %and3A = arith.constant 15 : i32
          %and3A_223 = vector.broadcast %and3A : i32 to vector<16xi32>
          %and3A_224 = arith.andi %add3A_222, %and3A_223 : vector<16xi32>
          %add3A_225 = arith.constant 0 : i32
          %add3A_226 = vector.broadcast %add3A_225 : i32 to vector<16xi32>
          %add3A_227 = arith.addi %and3A_224, %add3A_226 : vector<16xi32>
          %gather3A = tpu.vector_load_idx %arg11[%add3A_156, %add3A_227] : memref<80x128xf32, #tpu.memory_space<vmem>>[vector<16xi32>, vector<16xi32>], vector<16xf32>,
          %gather3A_228 = tpu.vector_load_idx %arg13[%add3A_156, %add3A_227] : memref<80x128xf32, #tpu.memory_space<vmem>>[vector<16xi32>, vector<16xi32>], vector<16xf32>,
          %mul3A_229 = arith.mulf %gather3A, %gather3A_228 : vector<16xf32>
          %add3A_230 = arith.addf %scan3A_213, %mul3A_229 : vector<16xf32>
          %add3A_231 = arith.constant 16 : i32
          %add3A_232 = vector.broadcast %add3A_231 : i32 to vector<16xi32>
          %add3A_233 = arith.addi %and3A_224, %add3A_232 : vector<16xi32>
          %gather3A_234 = tpu.vector_load_idx %arg11[%add3A_156, %add3A_233] : memref<80x128xf32, #tpu.memory_space<vmem>>[vector<16xi32>, vector<16xi32>], vector<16xf32>,
          %gather3A_235 = tpu.vector_load_idx %arg13[%add3A_156, %add3A_233] : memref<80x128xf32, #tpu.memory_space<vmem>>[vector<16xi32>, vector<16xi32>], vector<16xf32>,
          %mul3A_236 = arith.mulf %gather3A_234, %gather3A_235 : vector<16xf32>
          %add3A_237 = arith.addf %scan3A_214, %mul3A_236 : vector<16xf32>
          %add3A_238 = arith.constant 32 : i32
          %add3A_239 = vector.broadcast %add3A_238 : i32 to vector<16xi32>
          %add3A_240 = arith.addi %and3A_224, %add3A_239 : vector<16xi32>
          %gather3A_241 = tpu.vector_load_idx %arg11[%add3A_156, %add3A_240] : memref<80x128xf32, #tpu.memory_space<vmem>>[vector<16xi32>, vector<16xi32>], vector<16xf32>,
          %gather3A_242 = tpu.vector_load_idx %arg13[%add3A_156, %add3A_240] : memref<80x128xf32, #tpu.memory_space<vmem>>[vector<16xi32>, vector<16xi32>], vector<16xf32>,
          %mul3A_243 = arith.mulf %gather3A_241, %gather3A_242 : vector<16xf32>
          %add3A_244 = arith.addf %scan3A_215, %mul3A_243 : vector<16xf32>
          %add3A_245 = arith.constant 48 : i32
          %add3A_246 = vector.broadcast %add3A_245 : i32 to vector<16xi32>
          %add3A_247 = arith.addi %and3A_224, %add3A_246 : vector<16xi32>
          %gather3A_248 = tpu.vector_load_idx %arg11[%add3A_156, %add3A_247] : memref<80x128xf32, #tpu.memory_space<vmem>>[vector<16xi32>, vector<16xi32>], vector<16xf32>,
          %gather3A_249 = tpu.vector_load_idx %arg13[%add3A_156, %add3A_247] : memref<80x128xf32, #tpu.memory_space<vmem>>[vector<16xi32>, vector<16xi32>], vector<16xf32>,
          %mul3A_250 = arith.mulf %gather3A_248, %gather3A_249 : vector<16xf32>
          %add3A_251 = arith.addf %scan3A_216, %mul3A_250 : vector<16xf32>
          %add3A_252 = arith.constant 64 : i32
          %add3A_253 = vector.broadcast %add3A_252 : i32 to vector<16xi32>
          %add3A_254 = arith.addi %and3A_224, %add3A_253 : vector<16xi32>
          %gather3A_255 = tpu.vector_load_idx %arg11[%add3A_156, %add3A_254] : memref<80x128xf32, #tpu.memory_space<vmem>>[vector<16xi32>, vector<16xi32>], vector<16xf32>,
          %gather3A_256 = tpu.vector_load_idx %arg13[%add3A_156, %add3A_254] : memref<80x128xf32, #tpu.memory_space<vmem>>[vector<16xi32>, vector<16xi32>], vector<16xf32>,
          %mul3A_257 = arith.mulf %gather3A_255, %gather3A_256 : vector<16xf32>
          %add3A_258 = arith.addf %scan3A_217, %mul3A_257 : vector<16xf32>
          %add3A_259 = arith.constant 80 : i32
          %add3A_260 = vector.broadcast %add3A_259 : i32 to vector<16xi32>
          %add3A_261 = arith.addi %and3A_224, %add3A_260 : vector<16xi32>
          %gather3A_262 = tpu.vector_load_idx %arg11[%add3A_156, %add3A_261] : memref<80x128xf32, #tpu.memory_space<vmem>>[vector<16xi32>, vector<16xi32>], vector<16xf32>,
          %gather3A_263 = tpu.vector_load_idx %arg13[%add3A_156, %add3A_261] : memref<80x128xf32, #tpu.memory_space<vmem>>[vector<16xi32>, vector<16xi32>], vector<16xf32>,
          %mul3A_264 = arith.mulf %gather3A_262, %gather3A_263 : vector<16xf32>
          %add3A_265 = arith.addf %scan3A_218, %mul3A_264 : vector<16xf32>
          %add3A_266 = arith.constant 96 : i32
          %add3A_267 = vector.broadcast %add3A_266 : i32 to vector<16xi32>
          %add3A_268 = arith.addi %and3A_224, %add3A_267 : vector<16xi32>
          %gather3A_269 = tpu.vector_load_idx %arg11[%add3A_156, %add3A_268] : memref<80x128xf32, #tpu.memory_space<vmem>>[vector<16xi32>, vector<16xi32>], vector<16xf32>,
          %gather3A_270 = tpu.vector_load_idx %arg13[%add3A_156, %add3A_268] : memref<80x128xf32, #tpu.memory_space<vmem>>[vector<16xi32>, vector<16xi32>], vector<16xf32>,
          %mul3A_271 = arith.mulf %gather3A_269, %gather3A_270 : vector<16xf32>
          %add3A_272 = arith.addf %scan3A_219, %mul3A_271 : vector<16xf32>
          %add3A_273 = arith.constant 112 : i32
          %add3A_274 = vector.broadcast %add3A_273 : i32 to vector<16xi32>
          %add3A_275 = arith.addi %and3A_224, %add3A_274 : vector<16xi32>
          %gather3A_276 = tpu.vector_load_idx %arg11[%add3A_156, %add3A_275] : memref<80x128xf32, #tpu.memory_space<vmem>>[vector<16xi32>, vector<16xi32>], vector<16xf32>,
          %gather3A_277 = tpu.vector_load_idx %arg13[%add3A_156, %add3A_275] : memref<80x128xf32, #tpu.memory_space<vmem>>[vector<16xi32>, vector<16xi32>], vector<16xf32>,
          %mul3A_278 = arith.mulf %gather3A_276, %gather3A_277 : vector<16xf32>
          %add3A_279 = arith.addf %scan3A_220, %mul3A_278 : vector<16xf32>
          scf.yield %add3A_230, %add3A_237, %add3A_244, %add3A_251, %add3A_258, %add3A_265, %add3A_272, %add3A_279 : vector<16xf32>, vector<16xf32>, vector<16xf32>, vector<16xf32>, vector<16xf32>, vector<16xf32>, vector<16xf32>, vector<16xf32>
        }
        %scan3A_163 = arith.constant 16 : i32
        %mul3A_164 = arith.constant 16 : i32
        %mul3A_165 = arith.muli %scan3A_151, %mul3A_164 : i32
        %swap3A = arith.constant 0 : i32
        %swap3A_166 = arith.index_cast %swap3A : i32 to index
        %swap3A_167 = arith.index_cast %mul3A_165 : i32 to index
        %swap3A_168 = tpu.vector_load %arg15[%swap3A_166, %swap3A_167] {strides = array<i32>} : memref<8x80xf32, #tpu.memory_space<vmem>>, vector<16xf32>,
        tpu.vector_store %arg15[%swap3A_166, %swap3A_167], %scan3A_162#0 {strides = array<i32>} : memref<8x80xf32, #tpu.memory_space<vmem>>, vector<16xf32>,
        %mul3A_169 = arith.constant 16 : i32
        %mul3A_170 = arith.muli %scan3A_151, %mul3A_169 : i32
        %swap3A_171 = arith.constant 1 : i32
        %swap3A_172 = arith.index_cast %swap3A_171 : i32 to index
        %swap3A_173 = arith.index_cast %mul3A_170 : i32 to index
        %swap3A_174 = tpu.vector_load %arg15[%swap3A_172, %swap3A_173] {strides = array<i32>} : memref<8x80xf32, #tpu.memory_space<vmem>>, vector<16xf32>,
        tpu.vector_store %arg15[%swap3A_172, %swap3A_173], %scan3A_162#1 {strides = array<i32>} : memref<8x80xf32, #tpu.memory_space<vmem>>, vector<16xf32>,
        %mul3A_175 = arith.constant 16 : i32
        %mul3A_176 = arith.muli %scan3A_151, %mul3A_175 : i32
        %swap3A_177 = arith.constant 2 : i32
        %swap3A_178 = arith.index_cast %swap3A_177 : i32 to index
        %swap3A_179 = arith.index_cast %mul3A_176 : i32 to index
        %swap3A_180 = tpu.vector_load %arg15[%swap3A_178, %swap3A_179] {strides = array<i32>} : memref<8x80xf32, #tpu.memory_space<vmem>>, vector<16xf32>,
        tpu.vector_store %arg15[%swap3A_178, %swap3A_179], %scan3A_162#2 {strides = array<i32>} : memref<8x80xf32, #tpu.memory_space<vmem>>, vector<16xf32>,
        %mul3A_181 = arith.constant 16 : i32
        %mul3A_182 = arith.muli %scan3A_151, %mul3A_181 : i32
        %swap3A_183 = arith.constant 3 : i32
        %swap3A_184 = arith.index_cast %swap3A_183 : i32 to index
        %swap3A_185 = arith.index_cast %mul3A_182 : i32 to index
        %swap3A_186 = tpu.vector_load %arg15[%swap3A_184, %swap3A_185] {strides = array<i32>} : memref<8x80xf32, #tpu.memory_space<vmem>>, vector<16xf32>,
        tpu.vector_store %arg15[%swap3A_184, %swap3A_185], %scan3A_162#3 {strides = array<i32>} : memref<8x80xf32, #tpu.memory_space<vmem>>, vector<16xf32>,
        %mul3A_187 = arith.constant 16 : i32
        %mul3A_188 = arith.muli %scan3A_151, %mul3A_187 : i32
        %swap3A_189 = arith.constant 4 : i32
        %swap3A_190 = arith.index_cast %swap3A_189 : i32 to index
        %swap3A_191 = arith.index_cast %mul3A_188 : i32 to index
        %swap3A_192 = tpu.vector_load %arg15[%swap3A_190, %swap3A_191] {strides = array<i32>} : memref<8x80xf32, #tpu.memory_space<vmem>>, vector<16xf32>,
        tpu.vector_store %arg15[%swap3A_190, %swap3A_191], %scan3A_162#4 {strides = array<i32>} : memref<8x80xf32, #tpu.memory_space<vmem>>, vector<16xf32>,
        %mul3A_193 = arith.constant 16 : i32
        %mul3A_194 = arith.muli %scan3A_151, %mul3A_193 : i32
        %swap3A_195 = arith.constant 5 : i32
        %swap3A_196 = arith.index_cast %swap3A_195 : i32 to index
        %swap3A_197 = arith.index_cast %mul3A_194 : i32 to index
        %swap3A_198 = tpu.vector_load %arg15[%swap3A_196, %swap3A_197] {strides = array<i32>} : memref<8x80xf32, #tpu.memory_space<vmem>>, vector<16xf32>,
        tpu.vector_store %arg15[%swap3A_196, %swap3A_197], %scan3A_162#5 {strides = array<i32>} : memref<8x80xf32, #tpu.memory_space<vmem>>, vector<16xf32>,
        %mul3A_199 = arith.constant 16 : i32
        %mul3A_200 = arith.muli %scan3A_151, %mul3A_199 : i32
        %swap3A_201 = arith.constant 6 : i32
        %swap3A_202 = arith.index_cast %swap3A_201 : i32 to index
        %swap3A_203 = arith.index_cast %mul3A_200 : i32 to index
        %swap3A_204 = tpu.vector_load %arg15[%swap3A_202, %swap3A_203] {strides = array<i32>} : memref<8x80xf32, #tpu.memory_space<vmem>>, vector<16xf32>,
        tpu.vector_store %arg15[%swap3A_202, %swap3A_203], %scan3A_162#6 {strides = array<i32>} : memref<8x80xf32, #tpu.memory_space<vmem>>, vector<16xf32>,
        %mul3A_205 = arith.constant 16 : i32
        %mul3A_206 = arith.muli %scan3A_151, %mul3A_205 : i32
        %swap3A_207 = arith.constant 7 : i32
        %swap3A_208 = arith.index_cast %swap3A_207 : i32 to index
        %swap3A_209 = arith.index_cast %mul3A_206 : i32 to index
        %swap3A_210 = tpu.vector_load %arg15[%swap3A_208, %swap3A_209] {strides = array<i32>} : memref<8x80xf32, #tpu.memory_space<vmem>>, vector<16xf32>,
        tpu.vector_store %arg15[%swap3A_208, %swap3A_209], %scan3A_162#7 {strides = array<i32>} : memref<8x80xf32, #tpu.memory_space<vmem>>, vector<16xf32>,
        %scan3A_211 = arith.constant 0 : i32
        scf.yield %scan3A_211 : i32
      }
      %scan3A_92 = arith.constant 5 : i32
      %mul3A_93 = arith.constant 125 : i32
      %mul3A_94 = arith.muli %add3A, %mul3A_93 : i32
      %add3A_95 = arith.addi %mul3A_94, %add3A_77 : i32
      %dma_start3A_96 = arith.constant 0 : i32
      %dma_start3A_97 = arith.constant 0 : i32
      %dma_start3A_98 = tpu.memref_slice %arg5[%add3A_95, %dma_start3A_96, %dma_start3A_97] : memref<4000x8x80xf32, #tpu.memory_space<hbm>> -> memref<1x8x80xf32, #tpu.memory_space<hbm>>
      %dma_start3A_99 = tpu.memref_squeeze %dma_start3A_98 : memref<1x8x80xf32, #tpu.memory_space<hbm>> -> memref<8x80xf32, #tpu.memory_space<hbm>>
      %dma_start3A_100 = arith.constant 0 : i32
      %dma_start3A_101 = arith.constant 0 : i32
      %dma_start3A_102 = tpu.memref_slice %arg5[%add3A_95, %dma_start3A_100, %dma_start3A_101] : memref<4000x8x80xf32, #tpu.memory_space<hbm>> -> memref<1x8x80xf32, #tpu.memory_space<hbm>>
      %dma_start3A_103 = tpu.memref_squeeze %dma_start3A_102 : memref<1x8x80xf32, #tpu.memory_space<hbm>> -> memref<8x80xf32, #tpu.memory_space<hbm>>
      tpu.enqueue_dma source(%arg15 : memref<8x80xf32, #tpu.memory_space<vmem>>) target(%dma_start3A_103 : memref<8x80xf32, #tpu.memory_space<hbm>>) target_semaphore(%arg19 : memref<!tpu.dma_semaphore, #tpu.memory_space<semaphore_mem>>)
      %add3A_104 = arith.constant 2 : i32
      %add3A_105 = arith.addi %add3A_77, %add3A_104 : i32
      %lt3A = arith.constant 125 : i32
      %lt3A_106 = arith.cmpi slt, %add3A_105, %lt3A : i32
      %convert_element_type3A_107 = arith.extui %lt3A_106 : i1 to i32
      %cond3A_108 = arith.constant 0 : i32
      %cond3A_109 = arith.cmpi ne, %convert_element_type3A_107, %cond3A_108 : i32
      scf.if %cond3A_109 {
        %add3A_151 = arith.constant 2 : i32
        %add3A_152 = arith.addi %add3A_77, %add3A_151 : i32
        %scan3A_153 = arith.constant 0 : i32
        %scan3A_154 = arith.constant 0 : i32
        %scan3A_155 = arith.constant 5 : i32
        %scan3A_156 = arith.addi %scan3A_154, %scan3A_155 : i32
        %scan3A_157 = arith.constant 1 : i32
        %scan3A_158 = scf.for %scan3A_166 = %scan3A_154 to %scan3A_156 step %scan3A_157 iter_args(%scan3A_167 = %scan3A_153) -> (i32)  : i32 {
          %mul3A_168 = arith.constant 16 : i32
          %mul3A_169 = arith.muli %scan3A_166, %mul3A_168 : i32
          %get3A = arith.index_cast %add3A_152 : i32 to index
          %get3A_170 = arith.index_cast %mul3A_169 : i32 to index
          %get3A_171 = tpu.vector_load %arg6[%get3A, %get3A_170] {strides = array<i32>} : memref<125x80xi32, #tpu.memory_space<vmem>>, vector<16xi32>,
          %and3A = arith.constant 16383 : i32
          %and3A_172 = vector.broadcast %and3A : i32 to vector<16xi32>
          %and3A_173 = arith.andi %get3A_171, %and3A_172 : vector<16xi32>
          %mul3A_174 = arith.constant 16 : i32
          %mul3A_175 = arith.muli %scan3A_166, %mul3A_174 : i32
          %swap3A = arith.index_cast %mul3A_175 : i32 to index
          %swap3A_176 = tpu.vector_load %arg7[%swap3A] {strides = array<i32>} : memref<80xi32, #tpu.memory_space<vmem>>, vector<16xi32>,
          tpu.vector_store %arg7[%swap3A], %and3A_173 {strides = array<i32>} : memref<80xi32, #tpu.memory_space<vmem>>, vector<16xi32>,
          %shift_right_logical3A = arith.constant 14 : i32
          %shift_right_logical3A_177 = vector.broadcast %shift_right_logical3A : i32 to vector<16xi32>
          %shift_right_logical3A_178 = arith.shrui %get3A_171, %shift_right_logical3A_177 : vector<16xi32>
          %mul3A_179 = arith.constant 16 : i32
          %mul3A_180 = arith.muli %scan3A_166, %mul3A_179 : i32
          %swap3A_181 = arith.index_cast %mul3A_180 : i32 to index
          %swap3A_182 = tpu.vector_load %arg9[%swap3A_181] {strides = array<i32>} : memref<80xi32, #tpu.memory_space<vmem>>, vector<16xi32>,
          tpu.vector_store %arg9[%swap3A_181], %shift_right_logical3A_178 {strides = array<i32>} : memref<80xi32, #tpu.memory_space<vmem>>, vector<16xi32>,
          %scan3A_183 = arith.constant 0 : i32
          scf.yield %scan3A_183 : i32
        }
        %scan3A_159 = arith.constant 5 : i32
        %dma_start3A_160 = arith.constant 0 : i32
        %dma_start3A_161 = arith.constant 0 : i32
        %dma_start3A_162 = tpu.memref_slice %arg2[%dma_start3A_160, %dma_start3A_161] : memref<10000x128xf32, #tpu.memory_space<hbm>> -> memref<10000x128xf32, #tpu.memory_space<hbm>>
        tpu.enqueue_indirect_dma source(%dma_start3A_162 : memref<10000x128xf32, #tpu.memory_space<hbm>>) target(%arg11 : memref<80x128xf32, #tpu.memory_space<vmem>>) offsets(%arg7 : memref<80xi32, #tpu.memory_space<vmem>>) semaphore(%arg17 : memref<!tpu.dma_semaphore, #tpu.memory_space<semaphore_mem>>)
        %dma_start3A_163 = arith.constant 0 : i32
        %dma_start3A_164 = arith.constant 0 : i32
        %dma_start3A_165 = tpu.memref_slice %arg3[%dma_start3A_163, %dma_start3A_164] : memref<60000x128xf32, #tpu.memory_space<hbm>> -> memref<60000x128xf32, #tpu.memory_space<hbm>>
        tpu.enqueue_indirect_dma source(%dma_start3A_165 : memref<60000x128xf32, #tpu.memory_space<hbm>>) target(%arg13 : memref<80x128xf32, #tpu.memory_space<vmem>>) offsets(%arg9 : memref<80xi32, #tpu.memory_space<vmem>>) semaphore(%arg17 : memref<!tpu.dma_semaphore, #tpu.memory_space<semaphore_mem>>)
      } else {
      }
      %mul3A_110 = arith.constant 2 : i32
      %mul3A_111 = arith.muli %mul3A_110, %scan3A_72 : i32
      %add3A_112 = arith.constant 1 : i32
      %add3A_113 = arith.addi %mul3A_111, %add3A_112 : i32
      %dma_wait3A_114 = arith.constant 0 : i32
      %dma_wait3A_115 = arith.constant 0 : i32
      %dma_wait3A_116 = tpu.memref_slice %arg2[%dma_wait3A_114, %dma_wait3A_115] : memref<10000x128xf32, #tpu.memory_space<hbm>> -> memref<10000x128xf32, #tpu.memory_space<hbm>>
      tpu.wait_indirect_dma semaphore(%arg18 : memref<!tpu.dma_semaphore, #tpu.memory_space<semaphore_mem>>) src(%dma_wait3A_116 : memref<10000x128xf32, #tpu.memory_space<hbm>>) dst(%arg12 : memref<80x128xf32, #tpu.memory_space<vmem>>)
      %dma_wait3A_117 = arith.constant 0 : i32
      %dma_wait3A_118 = arith.constant 0 : i32
      %dma_wait3A_119 = tpu.memref_slice %arg3[%dma_wait3A_117, %dma_wait3A_118] : memref<60000x128xf32, #tpu.memory_space<hbm>> -> memref<60000x128xf32, #tpu.memory_space<hbm>>
      tpu.wait_indirect_dma semaphore(%arg18 : memref<!tpu.dma_semaphore, #tpu.memory_space<semaphore_mem>>) src(%dma_wait3A_119 : memref<60000x128xf32, #tpu.memory_space<hbm>>) dst(%arg14 : memref<80x128xf32, #tpu.memory_space<vmem>>)
      %gt3A_120 = arith.constant 0 : i32
      %gt3A_121 = arith.cmpi sgt, %scan3A_72, %gt3A_120 : i32
      %convert_element_type3A_122 = arith.extui %gt3A_121 : i1 to i32
      %cond3A_123 = arith.constant 0 : i32
      %cond3A_124 = arith.cmpi ne, %convert_element_type3A_122, %cond3A_123 : i32
      scf.if %cond3A_124 {
        %mul3A_151 = arith.constant 125 : i32
        %mul3A_152 = arith.muli %add3A, %mul3A_151 : i32
        %add3A_153 = arith.addi %mul3A_152, %add3A_113 : i32
        %dma_wait3A_154 = arith.constant 0 : i32
        %dma_wait3A_155 = arith.constant 0 : i32
        %dma_wait3A_156 = tpu.memref_slice %arg5[%add3A_153, %dma_wait3A_154, %dma_wait3A_155] : memref<4000x8x80xf32, #tpu.memory_space<hbm>> -> memref<1x8x80xf32, #tpu.memory_space<hbm>>
        %dma_wait3A_157 = tpu.memref_squeeze %dma_wait3A_156 : memref<1x8x80xf32, #tpu.memory_space<hbm>> -> memref<8x80xf32, #tpu.memory_space<hbm>>
        %dma_wait3A_158 = arith.constant 0 : i32
        %dma_wait3A_159 = arith.constant 0 : i32
        %dma_wait3A_160 = tpu.memref_slice %arg5[%add3A_153, %dma_wait3A_158, %dma_wait3A_159] : memref<4000x8x80xf32, #tpu.memory_space<hbm>> -> memref<1x8x80xf32, #tpu.memory_space<hbm>>
        %dma_wait3A_161 = tpu.memref_squeeze %dma_wait3A_160 : memref<1x8x80xf32, #tpu.memory_space<hbm>> -> memref<8x80xf32, #tpu.memory_space<hbm>>
        tpu.wait_dma2 semaphore(%arg20 : memref<!tpu.dma_semaphore, #tpu.memory_space<semaphore_mem>>) src(%arg16 : memref<8x80xf32, #tpu.memory_space<vmem>>) dst(%dma_wait3A_161 : memref<8x80xf32, #tpu.memory_space<hbm>>)
      } else {
      }
      %scan3A_125 = arith.constant 0 : i32
      %scan3A_126 = arith.constant 0 : i32
      %scan3A_127 = arith.constant 5 : i32
      %scan3A_128 = arith.addi %scan3A_126, %scan3A_127 : i32
      %scan3A_129 = arith.constant 1 : i32
      %scan3A_130 = scf.for %scan3A_151 = %scan3A_126 to %scan3A_128 step %scan3A_129 iter_args(%scan3A_152 = %scan3A_125) -> (i32)  : i32 {
        %mul3A_153 = arith.constant 16 : i32
        %mul3A_154 = arith.muli %scan3A_151, %mul3A_153 : i32
        %add3A_155 = vector.broadcast %mul3A_154 : i32 to vector<16xi32>
        %add3A_156 = arith.addi %iota3A, %add3A_155 : vector<16xi32>
        %broadcast_in_dim3A = arith.constant 0.000000e+00 : f32
        %broadcast_in_dim3A_157 = vector.broadcast %broadcast_in_dim3A : f32 to vector<16xf32>
        %scan3A_158 = arith.constant 0 : i32
        %scan3A_159 = arith.constant 16 : i32
        %scan3A_160 = arith.addi %scan3A_158, %scan3A_159 : i32
        %scan3A_161 = arith.constant 1 : i32
        %scan3A_162:8 = scf.for %scan3A_212 = %scan3A_158 to %scan3A_160 step %scan3A_161 iter_args(%scan3A_213 = %broadcast_in_dim3A_157, %scan3A_214 = %broadcast_in_dim3A_157, %scan3A_215 = %broadcast_in_dim3A_157, %scan3A_216 = %broadcast_in_dim3A_157, %scan3A_217 = %broadcast_in_dim3A_157, %scan3A_218 = %broadcast_in_dim3A_157, %scan3A_219 = %broadcast_in_dim3A_157, %scan3A_220 = %broadcast_in_dim3A_157) -> (vector<16xf32>, vector<16xf32>, vector<16xf32>, vector<16xf32>, vector<16xf32>, vector<16xf32>, vector<16xf32>, vector<16xf32>)  : i32 {
          %add3A_221 = vector.broadcast %scan3A_212 : i32 to vector<16xi32>
          %add3A_222 = arith.addi %iota3A, %add3A_221 : vector<16xi32>
          %and3A = arith.constant 15 : i32
          %and3A_223 = vector.broadcast %and3A : i32 to vector<16xi32>
          %and3A_224 = arith.andi %add3A_222, %and3A_223 : vector<16xi32>
          %add3A_225 = arith.constant 0 : i32
          %add3A_226 = vector.broadcast %add3A_225 : i32 to vector<16xi32>
          %add3A_227 = arith.addi %and3A_224, %add3A_226 : vector<16xi32>
          %gather3A = tpu.vector_load_idx %arg12[%add3A_156, %add3A_227] : memref<80x128xf32, #tpu.memory_space<vmem>>[vector<16xi32>, vector<16xi32>], vector<16xf32>,
          %gather3A_228 = tpu.vector_load_idx %arg14[%add3A_156, %add3A_227] : memref<80x128xf32, #tpu.memory_space<vmem>>[vector<16xi32>, vector<16xi32>], vector<16xf32>,
          %mul3A_229 = arith.mulf %gather3A, %gather3A_228 : vector<16xf32>
          %add3A_230 = arith.addf %scan3A_213, %mul3A_229 : vector<16xf32>
          %add3A_231 = arith.constant 16 : i32
          %add3A_232 = vector.broadcast %add3A_231 : i32 to vector<16xi32>
          %add3A_233 = arith.addi %and3A_224, %add3A_232 : vector<16xi32>
          %gather3A_234 = tpu.vector_load_idx %arg12[%add3A_156, %add3A_233] : memref<80x128xf32, #tpu.memory_space<vmem>>[vector<16xi32>, vector<16xi32>], vector<16xf32>,
          %gather3A_235 = tpu.vector_load_idx %arg14[%add3A_156, %add3A_233] : memref<80x128xf32, #tpu.memory_space<vmem>>[vector<16xi32>, vector<16xi32>], vector<16xf32>,
          %mul3A_236 = arith.mulf %gather3A_234, %gather3A_235 : vector<16xf32>
          %add3A_237 = arith.addf %scan3A_214, %mul3A_236 : vector<16xf32>
          %add3A_238 = arith.constant 32 : i32
          %add3A_239 = vector.broadcast %add3A_238 : i32 to vector<16xi32>
          %add3A_240 = arith.addi %and3A_224, %add3A_239 : vector<16xi32>
          %gather3A_241 = tpu.vector_load_idx %arg12[%add3A_156, %add3A_240] : memref<80x128xf32, #tpu.memory_space<vmem>>[vector<16xi32>, vector<16xi32>], vector<16xf32>,
          %gather3A_242 = tpu.vector_load_idx %arg14[%add3A_156, %add3A_240] : memref<80x128xf32, #tpu.memory_space<vmem>>[vector<16xi32>, vector<16xi32>], vector<16xf32>,
          %mul3A_243 = arith.mulf %gather3A_241, %gather3A_242 : vector<16xf32>
          %add3A_244 = arith.addf %scan3A_215, %mul3A_243 : vector<16xf32>
          %add3A_245 = arith.constant 48 : i32
          %add3A_246 = vector.broadcast %add3A_245 : i32 to vector<16xi32>
          %add3A_247 = arith.addi %and3A_224, %add3A_246 : vector<16xi32>
          %gather3A_248 = tpu.vector_load_idx %arg12[%add3A_156, %add3A_247] : memref<80x128xf32, #tpu.memory_space<vmem>>[vector<16xi32>, vector<16xi32>], vector<16xf32>,
          %gather3A_249 = tpu.vector_load_idx %arg14[%add3A_156, %add3A_247] : memref<80x128xf32, #tpu.memory_space<vmem>>[vector<16xi32>, vector<16xi32>], vector<16xf32>,
          %mul3A_250 = arith.mulf %gather3A_248, %gather3A_249 : vector<16xf32>
          %add3A_251 = arith.addf %scan3A_216, %mul3A_250 : vector<16xf32>
          %add3A_252 = arith.constant 64 : i32
          %add3A_253 = vector.broadcast %add3A_252 : i32 to vector<16xi32>
          %add3A_254 = arith.addi %and3A_224, %add3A_253 : vector<16xi32>
          %gather3A_255 = tpu.vector_load_idx %arg12[%add3A_156, %add3A_254] : memref<80x128xf32, #tpu.memory_space<vmem>>[vector<16xi32>, vector<16xi32>], vector<16xf32>,
          %gather3A_256 = tpu.vector_load_idx %arg14[%add3A_156, %add3A_254] : memref<80x128xf32, #tpu.memory_space<vmem>>[vector<16xi32>, vector<16xi32>], vector<16xf32>,
          %mul3A_257 = arith.mulf %gather3A_255, %gather3A_256 : vector<16xf32>
          %add3A_258 = arith.addf %scan3A_217, %mul3A_257 : vector<16xf32>
          %add3A_259 = arith.constant 80 : i32
          %add3A_260 = vector.broadcast %add3A_259 : i32 to vector<16xi32>
          %add3A_261 = arith.addi %and3A_224, %add3A_260 : vector<16xi32>
          %gather3A_262 = tpu.vector_load_idx %arg12[%add3A_156, %add3A_261] : memref<80x128xf32, #tpu.memory_space<vmem>>[vector<16xi32>, vector<16xi32>], vector<16xf32>,
          %gather3A_263 = tpu.vector_load_idx %arg14[%add3A_156, %add3A_261] : memref<80x128xf32, #tpu.memory_space<vmem>>[vector<16xi32>, vector<16xi32>], vector<16xf32>,
          %mul3A_264 = arith.mulf %gather3A_262, %gather3A_263 : vector<16xf32>
          %add3A_265 = arith.addf %scan3A_218, %mul3A_264 : vector<16xf32>
          %add3A_266 = arith.constant 96 : i32
          %add3A_267 = vector.broadcast %add3A_266 : i32 to vector<16xi32>
          %add3A_268 = arith.addi %and3A_224, %add3A_267 : vector<16xi32>
          %gather3A_269 = tpu.vector_load_idx %arg12[%add3A_156, %add3A_268] : memref<80x128xf32, #tpu.memory_space<vmem>>[vector<16xi32>, vector<16xi32>], vector<16xf32>,
          %gather3A_270 = tpu.vector_load_idx %arg14[%add3A_156, %add3A_268] : memref<80x128xf32, #tpu.memory_space<vmem>>[vector<16xi32>, vector<16xi32>], vector<16xf32>,
          %mul3A_271 = arith.mulf %gather3A_269, %gather3A_270 : vector<16xf32>
          %add3A_272 = arith.addf %scan3A_219, %mul3A_271 : vector<16xf32>
          %add3A_273 = arith.constant 112 : i32
          %add3A_274 = vector.broadcast %add3A_273 : i32 to vector<16xi32>
          %add3A_275 = arith.addi %and3A_224, %add3A_274 : vector<16xi32>
          %gather3A_276 = tpu.vector_load_idx %arg12[%add3A_156, %add3A_275] : memref<80x128xf32, #tpu.memory_space<vmem>>[vector<16xi32>, vector<16xi32>], vector<16xf32>,
          %gather3A_277 = tpu.vector_load_idx %arg14[%add3A_156, %add3A_275] : memref<80x128xf32, #tpu.memory_space<vmem>>[vector<16xi32>, vector<16xi32>], vector<16xf32>,
          %mul3A_278 = arith.mulf %gather3A_276, %gather3A_277 : vector<16xf32>
          %add3A_279 = arith.addf %scan3A_220, %mul3A_278 : vector<16xf32>
          scf.yield %add3A_230, %add3A_237, %add3A_244, %add3A_251, %add3A_258, %add3A_265, %add3A_272, %add3A_279 : vector<16xf32>, vector<16xf32>, vector<16xf32>, vector<16xf32>, vector<16xf32>, vector<16xf32>, vector<16xf32>, vector<16xf32>
        }
        %scan3A_163 = arith.constant 16 : i32
        %mul3A_164 = arith.constant 16 : i32
        %mul3A_165 = arith.muli %scan3A_151, %mul3A_164 : i32
        %swap3A = arith.constant 0 : i32
        %swap3A_166 = arith.index_cast %swap3A : i32 to index
        %swap3A_167 = arith.index_cast %mul3A_165 : i32 to index
        %swap3A_168 = tpu.vector_load %arg16[%swap3A_166, %swap3A_167] {strides = array<i32>} : memref<8x80xf32, #tpu.memory_space<vmem>>, vector<16xf32>,
        tpu.vector_store %arg16[%swap3A_166, %swap3A_167], %scan3A_162#0 {strides = array<i32>} : memref<8x80xf32, #tpu.memory_space<vmem>>, vector<16xf32>,
        %mul3A_169 = arith.constant 16 : i32
        %mul3A_170 = arith.muli %scan3A_151, %mul3A_169 : i32
        %swap3A_171 = arith.constant 1 : i32
        %swap3A_172 = arith.index_cast %swap3A_171 : i32 to index
        %swap3A_173 = arith.index_cast %mul3A_170 : i32 to index
        %swap3A_174 = tpu.vector_load %arg16[%swap3A_172, %swap3A_173] {strides = array<i32>} : memref<8x80xf32, #tpu.memory_space<vmem>>, vector<16xf32>,
        tpu.vector_store %arg16[%swap3A_172, %swap3A_173], %scan3A_162#1 {strides = array<i32>} : memref<8x80xf32, #tpu.memory_space<vmem>>, vector<16xf32>,
        %mul3A_175 = arith.constant 16 : i32
        %mul3A_176 = arith.muli %scan3A_151, %mul3A_175 : i32
        %swap3A_177 = arith.constant 2 : i32
        %swap3A_178 = arith.index_cast %swap3A_177 : i32 to index
        %swap3A_179 = arith.index_cast %mul3A_176 : i32 to index
        %swap3A_180 = tpu.vector_load %arg16[%swap3A_178, %swap3A_179] {strides = array<i32>} : memref<8x80xf32, #tpu.memory_space<vmem>>, vector<16xf32>,
        tpu.vector_store %arg16[%swap3A_178, %swap3A_179], %scan3A_162#2 {strides = array<i32>} : memref<8x80xf32, #tpu.memory_space<vmem>>, vector<16xf32>,
        %mul3A_181 = arith.constant 16 : i32
        %mul3A_182 = arith.muli %scan3A_151, %mul3A_181 : i32
        %swap3A_183 = arith.constant 3 : i32
        %swap3A_184 = arith.index_cast %swap3A_183 : i32 to index
        %swap3A_185 = arith.index_cast %mul3A_182 : i32 to index
        %swap3A_186 = tpu.vector_load %arg16[%swap3A_184, %swap3A_185] {strides = array<i32>} : memref<8x80xf32, #tpu.memory_space<vmem>>, vector<16xf32>,
        tpu.vector_store %arg16[%swap3A_184, %swap3A_185], %scan3A_162#3 {strides = array<i32>} : memref<8x80xf32, #tpu.memory_space<vmem>>, vector<16xf32>,
        %mul3A_187 = arith.constant 16 : i32
        %mul3A_188 = arith.muli %scan3A_151, %mul3A_187 : i32
        %swap3A_189 = arith.constant 4 : i32
        %swap3A_190 = arith.index_cast %swap3A_189 : i32 to index
        %swap3A_191 = arith.index_cast %mul3A_188 : i32 to index
        %swap3A_192 = tpu.vector_load %arg16[%swap3A_190, %swap3A_191] {strides = array<i32>} : memref<8x80xf32, #tpu.memory_space<vmem>>, vector<16xf32>,
        tpu.vector_store %arg16[%swap3A_190, %swap3A_191], %scan3A_162#4 {strides = array<i32>} : memref<8x80xf32, #tpu.memory_space<vmem>>, vector<16xf32>,
        %mul3A_193 = arith.constant 16 : i32
        %mul3A_194 = arith.muli %scan3A_151, %mul3A_193 : i32
        %swap3A_195 = arith.constant 5 : i32
        %swap3A_196 = arith.index_cast %swap3A_195 : i32 to index
        %swap3A_197 = arith.index_cast %mul3A_194 : i32 to index
        %swap3A_198 = tpu.vector_load %arg16[%swap3A_196, %swap3A_197] {strides = array<i32>} : memref<8x80xf32, #tpu.memory_space<vmem>>, vector<16xf32>,
        tpu.vector_store %arg16[%swap3A_196, %swap3A_197], %scan3A_162#5 {strides = array<i32>} : memref<8x80xf32, #tpu.memory_space<vmem>>, vector<16xf32>,
        %mul3A_199 = arith.constant 16 : i32
        %mul3A_200 = arith.muli %scan3A_151, %mul3A_199 : i32
        %swap3A_201 = arith.constant 6 : i32
        %swap3A_202 = arith.index_cast %swap3A_201 : i32 to index
        %swap3A_203 = arith.index_cast %mul3A_200 : i32 to index
        %swap3A_204 = tpu.vector_load %arg16[%swap3A_202, %swap3A_203] {strides = array<i32>} : memref<8x80xf32, #tpu.memory_space<vmem>>, vector<16xf32>,
        tpu.vector_store %arg16[%swap3A_202, %swap3A_203], %scan3A_162#6 {strides = array<i32>} : memref<8x80xf32, #tpu.memory_space<vmem>>, vector<16xf32>,
        %mul3A_205 = arith.constant 16 : i32
        %mul3A_206 = arith.muli %scan3A_151, %mul3A_205 : i32
        %swap3A_207 = arith.constant 7 : i32
        %swap3A_208 = arith.index_cast %swap3A_207 : i32 to index
        %swap3A_209 = arith.index_cast %mul3A_206 : i32 to index
        %swap3A_210 = tpu.vector_load %arg16[%swap3A_208, %swap3A_209] {strides = array<i32>} : memref<8x80xf32, #tpu.memory_space<vmem>>, vector<16xf32>,
        tpu.vector_store %arg16[%swap3A_208, %swap3A_209], %scan3A_162#7 {strides = array<i32>} : memref<8x80xf32, #tpu.memory_space<vmem>>, vector<16xf32>,
        %scan3A_211 = arith.constant 0 : i32
        scf.yield %scan3A_211 : i32
      }
      %scan3A_131 = arith.constant 5 : i32
      %mul3A_132 = arith.constant 125 : i32
      %mul3A_133 = arith.muli %add3A, %mul3A_132 : i32
      %add3A_134 = arith.addi %mul3A_133, %add3A_113 : i32
      %dma_start3A_135 = arith.constant 0 : i32
      %dma_start3A_136 = arith.constant 0 : i32
      %dma_start3A_137 = tpu.memref_slice %arg5[%add3A_134, %dma_start3A_135, %dma_start3A_136] : memref<4000x8x80xf32, #tpu.memory_space<hbm>> -> memref<1x8x80xf32, #tpu.memory_space<hbm>>
      %dma_start3A_138 = tpu.memref_squeeze %dma_start3A_137 : memref<1x8x80xf32, #tpu.memory_space<hbm>> -> memref<8x80xf32, #tpu.memory_space<hbm>>
      %dma_start3A_139 = arith.constant 0 : i32
      %dma_start3A_140 = arith.constant 0 : i32
      %dma_start3A_141 = tpu.memref_slice %arg5[%add3A_134, %dma_start3A_139, %dma_start3A_140] : memref<4000x8x80xf32, #tpu.memory_space<hbm>> -> memref<1x8x80xf32, #tpu.memory_space<hbm>>
      %dma_start3A_142 = tpu.memref_squeeze %dma_start3A_141 : memref<1x8x80xf32, #tpu.memory_space<hbm>> -> memref<8x80xf32, #tpu.memory_space<hbm>>
      tpu.enqueue_dma source(%arg16 : memref<8x80xf32, #tpu.memory_space<vmem>>) target(%dma_start3A_142 : memref<8x80xf32, #tpu.memory_space<hbm>>) target_semaphore(%arg20 : memref<!tpu.dma_semaphore, #tpu.memory_space<semaphore_mem>>)
      %add3A_143 = arith.constant 2 : i32
      %add3A_144 = arith.addi %add3A_113, %add3A_143 : i32
      %lt3A_145 = arith.constant 125 : i32
      %lt3A_146 = arith.cmpi slt, %add3A_144, %lt3A_145 : i32
      %convert_element_type3A_147 = arith.extui %lt3A_146 : i1 to i32
      %cond3A_148 = arith.constant 0 : i32
      %cond3A_149 = arith.cmpi ne, %convert_element_type3A_147, %cond3A_148 : i32
      scf.if %cond3A_149 {
        %add3A_151 = arith.constant 2 : i32
        %add3A_152 = arith.addi %add3A_113, %add3A_151 : i32
        %scan3A_153 = arith.constant 0 : i32
        %scan3A_154 = arith.constant 0 : i32
        %scan3A_155 = arith.constant 5 : i32
        %scan3A_156 = arith.addi %scan3A_154, %scan3A_155 : i32
        %scan3A_157 = arith.constant 1 : i32
        %scan3A_158 = scf.for %scan3A_166 = %scan3A_154 to %scan3A_156 step %scan3A_157 iter_args(%scan3A_167 = %scan3A_153) -> (i32)  : i32 {
          %mul3A_168 = arith.constant 16 : i32
          %mul3A_169 = arith.muli %scan3A_166, %mul3A_168 : i32
          %get3A = arith.index_cast %add3A_152 : i32 to index
          %get3A_170 = arith.index_cast %mul3A_169 : i32 to index
          %get3A_171 = tpu.vector_load %arg6[%get3A, %get3A_170] {strides = array<i32>} : memref<125x80xi32, #tpu.memory_space<vmem>>, vector<16xi32>,
          %and3A = arith.constant 16383 : i32
          %and3A_172 = vector.broadcast %and3A : i32 to vector<16xi32>
          %and3A_173 = arith.andi %get3A_171, %and3A_172 : vector<16xi32>
          %mul3A_174 = arith.constant 16 : i32
          %mul3A_175 = arith.muli %scan3A_166, %mul3A_174 : i32
          %swap3A = arith.index_cast %mul3A_175 : i32 to index
          %swap3A_176 = tpu.vector_load %arg8[%swap3A] {strides = array<i32>} : memref<80xi32, #tpu.memory_space<vmem>>, vector<16xi32>,
          tpu.vector_store %arg8[%swap3A], %and3A_173 {strides = array<i32>} : memref<80xi32, #tpu.memory_space<vmem>>, vector<16xi32>,
          %shift_right_logical3A = arith.constant 14 : i32
          %shift_right_logical3A_177 = vector.broadcast %shift_right_logical3A : i32 to vector<16xi32>
          %shift_right_logical3A_178 = arith.shrui %get3A_171, %shift_right_logical3A_177 : vector<16xi32>
          %mul3A_179 = arith.constant 16 : i32
          %mul3A_180 = arith.muli %scan3A_166, %mul3A_179 : i32
          %swap3A_181 = arith.index_cast %mul3A_180 : i32 to index
          %swap3A_182 = tpu.vector_load %arg10[%swap3A_181] {strides = array<i32>} : memref<80xi32, #tpu.memory_space<vmem>>, vector<16xi32>,
          tpu.vector_store %arg10[%swap3A_181], %shift_right_logical3A_178 {strides = array<i32>} : memref<80xi32, #tpu.memory_space<vmem>>, vector<16xi32>,
          %scan3A_183 = arith.constant 0 : i32
          scf.yield %scan3A_183 : i32
        }
        %scan3A_159 = arith.constant 5 : i32
        %dma_start3A_160 = arith.constant 0 : i32
        %dma_start3A_161 = arith.constant 0 : i32
        %dma_start3A_162 = tpu.memref_slice %arg2[%dma_start3A_160, %dma_start3A_161] : memref<10000x128xf32, #tpu.memory_space<hbm>> -> memref<10000x128xf32, #tpu.memory_space<hbm>>
        tpu.enqueue_indirect_dma source(%dma_start3A_162 : memref<10000x128xf32, #tpu.memory_space<hbm>>) target(%arg12 : memref<80x128xf32, #tpu.memory_space<vmem>>) offsets(%arg8 : memref<80xi32, #tpu.memory_space<vmem>>) semaphore(%arg18 : memref<!tpu.dma_semaphore, #tpu.memory_space<semaphore_mem>>)
        %dma_start3A_163 = arith.constant 0 : i32
        %dma_start3A_164 = arith.constant 0 : i32
        %dma_start3A_165 = tpu.memref_slice %arg3[%dma_start3A_163, %dma_start3A_164] : memref<60000x128xf32, #tpu.memory_space<hbm>> -> memref<60000x128xf32, #tpu.memory_space<hbm>>
        tpu.enqueue_indirect_dma source(%dma_start3A_165 : memref<60000x128xf32, #tpu.memory_space<hbm>>) target(%arg14 : memref<80x128xf32, #tpu.memory_space<vmem>>) offsets(%arg10 : memref<80xi32, #tpu.memory_space<vmem>>) semaphore(%arg18 : memref<!tpu.dma_semaphore, #tpu.memory_space<semaphore_mem>>)
      } else {
      }
      %scan3A_150 = arith.constant 0 : i32
      scf.yield %scan3A_150 : i32
    }
    %scan3A_31 = arith.constant 62 : i32
    %dma_wait3A = arith.constant 0 : i32
    %dma_wait3A_32 = arith.constant 0 : i32
    %dma_wait3A_33 = tpu.memref_slice %arg2[%dma_wait3A, %dma_wait3A_32] : memref<10000x128xf32, #tpu.memory_space<hbm>> -> memref<10000x128xf32, #tpu.memory_space<hbm>>
    tpu.wait_indirect_dma semaphore(%arg17 : memref<!tpu.dma_semaphore, #tpu.memory_space<semaphore_mem>>) src(%dma_wait3A_33 : memref<10000x128xf32, #tpu.memory_space<hbm>>) dst(%arg11 : memref<80x128xf32, #tpu.memory_space<vmem>>)
    %dma_wait3A_34 = arith.constant 0 : i32
    %dma_wait3A_35 = arith.constant 0 : i32
    %dma_wait3A_36 = tpu.memref_slice %arg3[%dma_wait3A_34, %dma_wait3A_35] : memref<60000x128xf32, #tpu.memory_space<hbm>> -> memref<60000x128xf32, #tpu.memory_space<hbm>>
    tpu.wait_indirect_dma semaphore(%arg17 : memref<!tpu.dma_semaphore, #tpu.memory_space<semaphore_mem>>) src(%dma_wait3A_36 : memref<60000x128xf32, #tpu.memory_space<hbm>>) dst(%arg13 : memref<80x128xf32, #tpu.memory_space<vmem>>)
    %mul3A_37 = arith.constant 125 : i32
    %mul3A_38 = arith.muli %add3A, %mul3A_37 : i32
    %add3A_39 = arith.constant 124 : i32
    %add3A_40 = arith.addi %mul3A_38, %add3A_39 : i32
    %dma_wait3A_41 = arith.constant 0 : i32
    %dma_wait3A_42 = arith.constant 0 : i32
    %dma_wait3A_43 = tpu.memref_slice %arg5[%add3A_40, %dma_wait3A_41, %dma_wait3A_42] : memref<4000x8x80xf32, #tpu.memory_space<hbm>> -> memref<1x8x80xf32, #tpu.memory_space<hbm>>
    %dma_wait3A_44 = tpu.memref_squeeze %dma_wait3A_43 : memref<1x8x80xf32, #tpu.memory_space<hbm>> -> memref<8x80xf32, #tpu.memory_space<hbm>>
    %dma_wait3A_45 = arith.constant 0 : i32
    %dma_wait3A_46 = arith.constant 0 : i32
    %dma_wait3A_47 = tpu.memref_slice %arg5[%add3A_40, %dma_wait3A_45, %dma_wait3A_46] : memref<4000x8x80xf32, #tpu.memory_space<hbm>> -> memref<1x8x80xf32, #tpu.memory_space<hbm>>
    %dma_wait3A_48 = tpu.memref_squeeze %dma_wait3A_47 : memref<1x8x80xf32, #tpu.memory_space<hbm>> -> memref<8x80xf32, #tpu.memory_space<hbm>>
    tpu.wait_dma2 semaphore(%arg19 : memref<!tpu.dma_semaphore, #tpu.memory_space<semaphore_mem>>) src(%arg15 : memref<8x80xf32, #tpu.memory_space<vmem>>) dst(%dma_wait3A_48 : memref<8x80xf32, #tpu.memory_space<hbm>>)
    %scan3A_49 = arith.constant 0 : i32
    %scan3A_50 = arith.constant 0 : i32
    %scan3A_51 = arith.constant 5 : i32
    %scan3A_52 = arith.addi %scan3A_50, %scan3A_51 : i32
    %scan3A_53 = arith.constant 1 : i32
    %scan3A_54 = scf.for %scan3A_72 = %scan3A_50 to %scan3A_52 step %scan3A_53 iter_args(%scan3A_73 = %scan3A_49) -> (i32)  : i32 {
      %mul3A_74 = arith.constant 16 : i32
      %mul3A_75 = arith.muli %scan3A_72, %mul3A_74 : i32
      %add3A_76 = vector.broadcast %mul3A_75 : i32 to vector<16xi32>
      %add3A_77 = arith.addi %iota3A, %add3A_76 : vector<16xi32>
      %broadcast_in_dim3A = arith.constant 0.000000e+00 : f32
      %broadcast_in_dim3A_78 = vector.broadcast %broadcast_in_dim3A : f32 to vector<16xf32>
      %scan3A_79 = arith.constant 0 : i32
      %scan3A_80 = arith.constant 16 : i32
      %scan3A_81 = arith.addi %scan3A_79, %scan3A_80 : i32
      %scan3A_82 = arith.constant 1 : i32
      %scan3A_83:8 = scf.for %scan3A_133 = %scan3A_79 to %scan3A_81 step %scan3A_82 iter_args(%scan3A_134 = %broadcast_in_dim3A_78, %scan3A_135 = %broadcast_in_dim3A_78, %scan3A_136 = %broadcast_in_dim3A_78, %scan3A_137 = %broadcast_in_dim3A_78, %scan3A_138 = %broadcast_in_dim3A_78, %scan3A_139 = %broadcast_in_dim3A_78, %scan3A_140 = %broadcast_in_dim3A_78, %scan3A_141 = %broadcast_in_dim3A_78) -> (vector<16xf32>, vector<16xf32>, vector<16xf32>, vector<16xf32>, vector<16xf32>, vector<16xf32>, vector<16xf32>, vector<16xf32>)  : i32 {
        %add3A_142 = vector.broadcast %scan3A_133 : i32 to vector<16xi32>
        %add3A_143 = arith.addi %iota3A, %add3A_142 : vector<16xi32>
        %and3A = arith.constant 15 : i32
        %and3A_144 = vector.broadcast %and3A : i32 to vector<16xi32>
        %and3A_145 = arith.andi %add3A_143, %and3A_144 : vector<16xi32>
        %add3A_146 = arith.constant 0 : i32
        %add3A_147 = vector.broadcast %add3A_146 : i32 to vector<16xi32>
        %add3A_148 = arith.addi %and3A_145, %add3A_147 : vector<16xi32>
        %gather3A = tpu.vector_load_idx %arg11[%add3A_77, %add3A_148] : memref<80x128xf32, #tpu.memory_space<vmem>>[vector<16xi32>, vector<16xi32>], vector<16xf32>,
        %gather3A_149 = tpu.vector_load_idx %arg13[%add3A_77, %add3A_148] : memref<80x128xf32, #tpu.memory_space<vmem>>[vector<16xi32>, vector<16xi32>], vector<16xf32>,
        %mul3A_150 = arith.mulf %gather3A, %gather3A_149 : vector<16xf32>
        %add3A_151 = arith.addf %scan3A_134, %mul3A_150 : vector<16xf32>
        %add3A_152 = arith.constant 16 : i32
        %add3A_153 = vector.broadcast %add3A_152 : i32 to vector<16xi32>
        %add3A_154 = arith.addi %and3A_145, %add3A_153 : vector<16xi32>
        %gather3A_155 = tpu.vector_load_idx %arg11[%add3A_77, %add3A_154] : memref<80x128xf32, #tpu.memory_space<vmem>>[vector<16xi32>, vector<16xi32>], vector<16xf32>,
        %gather3A_156 = tpu.vector_load_idx %arg13[%add3A_77, %add3A_154] : memref<80x128xf32, #tpu.memory_space<vmem>>[vector<16xi32>, vector<16xi32>], vector<16xf32>,
        %mul3A_157 = arith.mulf %gather3A_155, %gather3A_156 : vector<16xf32>
        %add3A_158 = arith.addf %scan3A_135, %mul3A_157 : vector<16xf32>
        %add3A_159 = arith.constant 32 : i32
        %add3A_160 = vector.broadcast %add3A_159 : i32 to vector<16xi32>
        %add3A_161 = arith.addi %and3A_145, %add3A_160 : vector<16xi32>
        %gather3A_162 = tpu.vector_load_idx %arg11[%add3A_77, %add3A_161] : memref<80x128xf32, #tpu.memory_space<vmem>>[vector<16xi32>, vector<16xi32>], vector<16xf32>,
        %gather3A_163 = tpu.vector_load_idx %arg13[%add3A_77, %add3A_161] : memref<80x128xf32, #tpu.memory_space<vmem>>[vector<16xi32>, vector<16xi32>], vector<16xf32>,
        %mul3A_164 = arith.mulf %gather3A_162, %gather3A_163 : vector<16xf32>
        %add3A_165 = arith.addf %scan3A_136, %mul3A_164 : vector<16xf32>
        %add3A_166 = arith.constant 48 : i32
        %add3A_167 = vector.broadcast %add3A_166 : i32 to vector<16xi32>
        %add3A_168 = arith.addi %and3A_145, %add3A_167 : vector<16xi32>
        %gather3A_169 = tpu.vector_load_idx %arg11[%add3A_77, %add3A_168] : memref<80x128xf32, #tpu.memory_space<vmem>>[vector<16xi32>, vector<16xi32>], vector<16xf32>,
        %gather3A_170 = tpu.vector_load_idx %arg13[%add3A_77, %add3A_168] : memref<80x128xf32, #tpu.memory_space<vmem>>[vector<16xi32>, vector<16xi32>], vector<16xf32>,
        %mul3A_171 = arith.mulf %gather3A_169, %gather3A_170 : vector<16xf32>
        %add3A_172 = arith.addf %scan3A_137, %mul3A_171 : vector<16xf32>
        %add3A_173 = arith.constant 64 : i32
        %add3A_174 = vector.broadcast %add3A_173 : i32 to vector<16xi32>
        %add3A_175 = arith.addi %and3A_145, %add3A_174 : vector<16xi32>
        %gather3A_176 = tpu.vector_load_idx %arg11[%add3A_77, %add3A_175] : memref<80x128xf32, #tpu.memory_space<vmem>>[vector<16xi32>, vector<16xi32>], vector<16xf32>,
        %gather3A_177 = tpu.vector_load_idx %arg13[%add3A_77, %add3A_175] : memref<80x128xf32, #tpu.memory_space<vmem>>[vector<16xi32>, vector<16xi32>], vector<16xf32>,
        %mul3A_178 = arith.mulf %gather3A_176, %gather3A_177 : vector<16xf32>
        %add3A_179 = arith.addf %scan3A_138, %mul3A_178 : vector<16xf32>
        %add3A_180 = arith.constant 80 : i32
        %add3A_181 = vector.broadcast %add3A_180 : i32 to vector<16xi32>
        %add3A_182 = arith.addi %and3A_145, %add3A_181 : vector<16xi32>
        %gather3A_183 = tpu.vector_load_idx %arg11[%add3A_77, %add3A_182] : memref<80x128xf32, #tpu.memory_space<vmem>>[vector<16xi32>, vector<16xi32>], vector<16xf32>,
        %gather3A_184 = tpu.vector_load_idx %arg13[%add3A_77, %add3A_182] : memref<80x128xf32, #tpu.memory_space<vmem>>[vector<16xi32>, vector<16xi32>], vector<16xf32>,
        %mul3A_185 = arith.mulf %gather3A_183, %gather3A_184 : vector<16xf32>
        %add3A_186 = arith.addf %scan3A_139, %mul3A_185 : vector<16xf32>
        %add3A_187 = arith.constant 96 : i32
        %add3A_188 = vector.broadcast %add3A_187 : i32 to vector<16xi32>
        %add3A_189 = arith.addi %and3A_145, %add3A_188 : vector<16xi32>
        %gather3A_190 = tpu.vector_load_idx %arg11[%add3A_77, %add3A_189] : memref<80x128xf32, #tpu.memory_space<vmem>>[vector<16xi32>, vector<16xi32>], vector<16xf32>,
        %gather3A_191 = tpu.vector_load_idx %arg13[%add3A_77, %add3A_189] : memref<80x128xf32, #tpu.memory_space<vmem>>[vector<16xi32>, vector<16xi32>], vector<16xf32>,
        %mul3A_192 = arith.mulf %gather3A_190, %gather3A_191 : vector<16xf32>
        %add3A_193 = arith.addf %scan3A_140, %mul3A_192 : vector<16xf32>
        %add3A_194 = arith.constant 112 : i32
        %add3A_195 = vector.broadcast %add3A_194 : i32 to vector<16xi32>
        %add3A_196 = arith.addi %and3A_145, %add3A_195 : vector<16xi32>
        %gather3A_197 = tpu.vector_load_idx %arg11[%add3A_77, %add3A_196] : memref<80x128xf32, #tpu.memory_space<vmem>>[vector<16xi32>, vector<16xi32>], vector<16xf32>,
        %gather3A_198 = tpu.vector_load_idx %arg13[%add3A_77, %add3A_196] : memref<80x128xf32, #tpu.memory_space<vmem>>[vector<16xi32>, vector<16xi32>], vector<16xf32>,
        %mul3A_199 = arith.mulf %gather3A_197, %gather3A_198 : vector<16xf32>
        %add3A_200 = arith.addf %scan3A_141, %mul3A_199 : vector<16xf32>
        scf.yield %add3A_151, %add3A_158, %add3A_165, %add3A_172, %add3A_179, %add3A_186, %add3A_193, %add3A_200 : vector<16xf32>, vector<16xf32>, vector<16xf32>, vector<16xf32>, vector<16xf32>, vector<16xf32>, vector<16xf32>, vector<16xf32>
      }
      %scan3A_84 = arith.constant 16 : i32
      %mul3A_85 = arith.constant 16 : i32
      %mul3A_86 = arith.muli %scan3A_72, %mul3A_85 : i32
      %swap3A = arith.constant 0 : i32
      %swap3A_87 = arith.index_cast %swap3A : i32 to index
      %swap3A_88 = arith.index_cast %mul3A_86 : i32 to index
      %swap3A_89 = tpu.vector_load %arg15[%swap3A_87, %swap3A_88] {strides = array<i32>} : memref<8x80xf32, #tpu.memory_space<vmem>>, vector<16xf32>,
      tpu.vector_store %arg15[%swap3A_87, %swap3A_88], %scan3A_83#0 {strides = array<i32>} : memref<8x80xf32, #tpu.memory_space<vmem>>, vector<16xf32>,
      %mul3A_90 = arith.constant 16 : i32
      %mul3A_91 = arith.muli %scan3A_72, %mul3A_90 : i32
      %swap3A_92 = arith.constant 1 : i32
      %swap3A_93 = arith.index_cast %swap3A_92 : i32 to index
      %swap3A_94 = arith.index_cast %mul3A_91 : i32 to index
      %swap3A_95 = tpu.vector_load %arg15[%swap3A_93, %swap3A_94] {strides = array<i32>} : memref<8x80xf32, #tpu.memory_space<vmem>>, vector<16xf32>,
      tpu.vector_store %arg15[%swap3A_93, %swap3A_94], %scan3A_83#1 {strides = array<i32>} : memref<8x80xf32, #tpu.memory_space<vmem>>, vector<16xf32>,
      %mul3A_96 = arith.constant 16 : i32
      %mul3A_97 = arith.muli %scan3A_72, %mul3A_96 : i32
      %swap3A_98 = arith.constant 2 : i32
      %swap3A_99 = arith.index_cast %swap3A_98 : i32 to index
      %swap3A_100 = arith.index_cast %mul3A_97 : i32 to index
      %swap3A_101 = tpu.vector_load %arg15[%swap3A_99, %swap3A_100] {strides = array<i32>} : memref<8x80xf32, #tpu.memory_space<vmem>>, vector<16xf32>,
      tpu.vector_store %arg15[%swap3A_99, %swap3A_100], %scan3A_83#2 {strides = array<i32>} : memref<8x80xf32, #tpu.memory_space<vmem>>, vector<16xf32>,
      %mul3A_102 = arith.constant 16 : i32
      %mul3A_103 = arith.muli %scan3A_72, %mul3A_102 : i32
      %swap3A_104 = arith.constant 3 : i32
      %swap3A_105 = arith.index_cast %swap3A_104 : i32 to index
      %swap3A_106 = arith.index_cast %mul3A_103 : i32 to index
      %swap3A_107 = tpu.vector_load %arg15[%swap3A_105, %swap3A_106] {strides = array<i32>} : memref<8x80xf32, #tpu.memory_space<vmem>>, vector<16xf32>,
      tpu.vector_store %arg15[%swap3A_105, %swap3A_106], %scan3A_83#3 {strides = array<i32>} : memref<8x80xf32, #tpu.memory_space<vmem>>, vector<16xf32>,
      %mul3A_108 = arith.constant 16 : i32
      %mul3A_109 = arith.muli %scan3A_72, %mul3A_108 : i32
      %swap3A_110 = arith.constant 4 : i32
      %swap3A_111 = arith.index_cast %swap3A_110 : i32 to index
      %swap3A_112 = arith.index_cast %mul3A_109 : i32 to index
      %swap3A_113 = tpu.vector_load %arg15[%swap3A_111, %swap3A_112] {strides = array<i32>} : memref<8x80xf32, #tpu.memory_space<vmem>>, vector<16xf32>,
      tpu.vector_store %arg15[%swap3A_111, %swap3A_112], %scan3A_83#4 {strides = array<i32>} : memref<8x80xf32, #tpu.memory_space<vmem>>, vector<16xf32>,
      %mul3A_114 = arith.constant 16 : i32
      %mul3A_115 = arith.muli %scan3A_72, %mul3A_114 : i32
      %swap3A_116 = arith.constant 5 : i32
      %swap3A_117 = arith.index_cast %swap3A_116 : i32 to index
      %swap3A_118 = arith.index_cast %mul3A_115 : i32 to index
      %swap3A_119 = tpu.vector_load %arg15[%swap3A_117, %swap3A_118] {strides = array<i32>} : memref<8x80xf32, #tpu.memory_space<vmem>>, vector<16xf32>,
      tpu.vector_store %arg15[%swap3A_117, %swap3A_118], %scan3A_83#5 {strides = array<i32>} : memref<8x80xf32, #tpu.memory_space<vmem>>, vector<16xf32>,
      %mul3A_120 = arith.constant 16 : i32
      %mul3A_121 = arith.muli %scan3A_72, %mul3A_120 : i32
      %swap3A_122 = arith.constant 6 : i32
      %swap3A_123 = arith.index_cast %swap3A_122 : i32 to index
      %swap3A_124 = arith.index_cast %mul3A_121 : i32 to index
      %swap3A_125 = tpu.vector_load %arg15[%swap3A_123, %swap3A_124] {strides = array<i32>} : memref<8x80xf32, #tpu.memory_space<vmem>>, vector<16xf32>,
      tpu.vector_store %arg15[%swap3A_123, %swap3A_124], %scan3A_83#6 {strides = array<i32>} : memref<8x80xf32, #tpu.memory_space<vmem>>, vector<16xf32>,
      %mul3A_126 = arith.constant 16 : i32
      %mul3A_127 = arith.muli %scan3A_72, %mul3A_126 : i32
      %swap3A_128 = arith.constant 7 : i32
      %swap3A_129 = arith.index_cast %swap3A_128 : i32 to index
      %swap3A_130 = arith.index_cast %mul3A_127 : i32 to index
      %swap3A_131 = tpu.vector_load %arg15[%swap3A_129, %swap3A_130] {strides = array<i32>} : memref<8x80xf32, #tpu.memory_space<vmem>>, vector<16xf32>,
      tpu.vector_store %arg15[%swap3A_129, %swap3A_130], %scan3A_83#7 {strides = array<i32>} : memref<8x80xf32, #tpu.memory_space<vmem>>, vector<16xf32>,
      %scan3A_132 = arith.constant 0 : i32
      scf.yield %scan3A_132 : i32
    }
    %scan3A_55 = arith.constant 5 : i32
    %mul3A_56 = arith.constant 125 : i32
    %mul3A_57 = arith.muli %add3A, %mul3A_56 : i32
    %add3A_58 = arith.constant 124 : i32
    %add3A_59 = arith.addi %mul3A_57, %add3A_58 : i32
    "tpu.region"() ({
      %run_scoped3A = tpu.sem_alloc : memref<!tpu.dma_semaphore, #tpu.memory_space<semaphore_mem>>
      %dma_start3A_72 = arith.constant 0 : i32
      %dma_start3A_73 = arith.constant 0 : i32
      %dma_start3A_74 = tpu.memref_slice %arg5[%add3A_59, %dma_start3A_72, %dma_start3A_73] : memref<4000x8x80xf32, #tpu.memory_space<hbm>> -> memref<1x8x80xf32, #tpu.memory_space<hbm>>
      %dma_start3A_75 = tpu.memref_squeeze %dma_start3A_74 : memref<1x8x80xf32, #tpu.memory_space<hbm>> -> memref<8x80xf32, #tpu.memory_space<hbm>>
      %dma_start3A_76 = arith.constant 0 : i32
      %dma_start3A_77 = arith.constant 0 : i32
      %dma_start3A_78 = tpu.memref_slice %arg5[%add3A_59, %dma_start3A_76, %dma_start3A_77] : memref<4000x8x80xf32, #tpu.memory_space<hbm>> -> memref<1x8x80xf32, #tpu.memory_space<hbm>>
      %dma_start3A_79 = tpu.memref_squeeze %dma_start3A_78 : memref<1x8x80xf32, #tpu.memory_space<hbm>> -> memref<8x80xf32, #tpu.memory_space<hbm>>
      tpu.enqueue_dma source(%arg15 : memref<8x80xf32, #tpu.memory_space<vmem>>) target(%dma_start3A_79 : memref<8x80xf32, #tpu.memory_space<hbm>>) target_semaphore(%run_scoped3A : memref<!tpu.dma_semaphore, #tpu.memory_space<semaphore_mem>>)
      %dma_wait3A_80 = arith.constant 0 : i32
      %dma_wait3A_81 = arith.constant 0 : i32
      %dma_wait3A_82 = tpu.memref_slice %arg5[%add3A_59, %dma_wait3A_80, %dma_wait3A_81] : memref<4000x8x80xf32, #tpu.memory_space<hbm>> -> memref<1x8x80xf32, #tpu.memory_space<hbm>>
      %dma_wait3A_83 = tpu.memref_squeeze %dma_wait3A_82 : memref<1x8x80xf32, #tpu.memory_space<hbm>> -> memref<8x80xf32, #tpu.memory_space<hbm>>
      %dma_wait3A_84 = arith.constant 0 : i32
      %dma_wait3A_85 = arith.constant 0 : i32
      %dma_wait3A_86 = tpu.memref_slice %arg5[%add3A_59, %dma_wait3A_84, %dma_wait3A_85] : memref<4000x8x80xf32, #tpu.memory_space<hbm>> -> memref<1x8x80xf32, #tpu.memory_space<hbm>>
      %dma_wait3A_87 = tpu.memref_squeeze %dma_wait3A_86 : memref<1x8x80xf32, #tpu.memory_space<hbm>> -> memref<8x80xf32, #tpu.memory_space<hbm>>
      tpu.wait_dma2 semaphore(%run_scoped3A : memref<!tpu.dma_semaphore, #tpu.memory_space<semaphore_mem>>) src(%arg15 : memref<8x80xf32, #tpu.memory_space<vmem>>) dst(%dma_wait3A_87 : memref<8x80xf32, #tpu.memory_space<hbm>>)
      tpu.yield
    }) : () -> ()
    %mul3A_60 = arith.constant 125 : i32
    %mul3A_61 = arith.muli %add3A, %mul3A_60 : i32
    %add3A_62 = arith.constant 123 : i32
    %add3A_63 = arith.addi %mul3A_61, %add3A_62 : i32
    %dma_wait3A_64 = arith.constant 0 : i32
    %dma_wait3A_65 = arith.constant 0 : i32
    %dma_wait3A_66 = tpu.memref_slice %arg5[%add3A_63, %dma_wait3A_64, %dma_wait3A_65] : memref<4000x8x80xf32, #tpu.memory_space<hbm>> -> memref<1x8x80xf32, #tpu.memory_space<hbm>>
    %dma_wait3A_67 = tpu.memref_squeeze %dma_wait3A_66 : memref<1x8x80xf32, #tpu.memory_space<hbm>> -> memref<8x80xf32, #tpu.memory_space<hbm>>
    %dma_wait3A_68 = arith.constant 0 : i32
    %dma_wait3A_69 = arith.constant 0 : i32
    %dma_wait3A_70 = tpu.memref_slice %arg5[%add3A_63, %dma_wait3A_68, %dma_wait3A_69] : memref<4000x8x80xf32, #tpu.memory_space<hbm>> -> memref<1x8x80xf32, #tpu.memory_space<hbm>>
    %dma_wait3A_71 = tpu.memref_squeeze %dma_wait3A_70 : memref<1x8x80xf32, #tpu.memory_space<hbm>> -> memref<8x80xf32, #tpu.memory_space<hbm>>
    tpu.wait_dma2 semaphore(%arg20 : memref<!tpu.dma_semaphore, #tpu.memory_space<semaphore_mem>>) src(%arg16 : memref<8x80xf32, #tpu.memory_space<vmem>>) dst(%dma_wait3A_71 : memref<8x80xf32, #tpu.memory_space<hbm>>)
    return
  }
}

#map = affine_map<(d0, d1) -> (0, 0)>
#map1 = affine_map<(d0, d1) -> (0, 0, 0)>
module attributes {stable_mosaic.version = 14 : i64} {
  func.func @_agg_body(%arg0: i32, %arg1: i32, %arg2: memref<60000x128xf32, #tpu.memory_space<hbm>>, %arg3: memref<4000x8x80xf32, #tpu.memory_space<hbm>>, %arg4: memref<32x125x80xi32, #tpu.memory_space<hbm>>, %arg5: memref<20000x128xf32, #tpu.memory_space<hbm>>, %arg6: memref<125x80xi32, #tpu.memory_space<vmem>>, %arg7: memref<80xi32, #tpu.memory_space<vmem>>, %arg8: memref<80xi32, #tpu.memory_space<vmem>>, %arg9: memref<80xi32, #tpu.memory_space<vmem>>, %arg10: memref<80xi32, #tpu.memory_space<vmem>>, %arg11: memref<80x128xf32, #tpu.memory_space<vmem>>, %arg12: memref<80x128xf32, #tpu.memory_space<vmem>>, %arg13: memref<80x128xf32, #tpu.memory_space<vmem>>, %arg14: memref<8x80xf32, #tpu.memory_space<vmem>>, %arg15: memref<8x80xf32, #tpu.memory_space<vmem>>, %arg16: memref<10000x128xf32, #tpu.memory_space<vmem_shared>>, %arg17: memref<!tpu.dma_semaphore, #tpu.memory_space<semaphore_mem>>, %arg18: memref<!tpu.dma_semaphore, #tpu.memory_space<semaphore_mem>>) attributes {dimension_semantics = [#tpu.dimension_semantics<core_parallel>, #tpu.dimension_semantics<subcore_parallel>], iteration_bounds = array<i64: 2, 16>, scalar_prefetch = 0 : i64, scratch_operands = 13 : i64, tpu.core_type = #tpu.core_type<sc_vector_subcore>, window_params = [{transform_indices = #map}, {transform_indices = #map1}, {transform_indices = #map1}, {transform_indices = #map}]} {
    %mul3A = arith.constant 2 : i32
    %mul3A_0 = arith.muli %arg1, %mul3A : i32
    %add3A = arith.addi %mul3A_0, %arg0 : i32
    "tpu.region"() ({
      %run_scoped3A = tpu.sem_alloc : memref<!tpu.dma_semaphore, #tpu.memory_space<semaphore_mem>>
      %dma_start3A_94 = arith.constant 0 : i32
      %dma_start3A_95 = arith.constant 0 : i32
      %dma_start3A_96 = tpu.memref_slice %arg4[%add3A, %dma_start3A_94, %dma_start3A_95] : memref<32x125x80xi32, #tpu.memory_space<hbm>> -> memref<1x125x80xi32, #tpu.memory_space<hbm>>
      %dma_start3A_97 = tpu.memref_squeeze %dma_start3A_96 : memref<1x125x80xi32, #tpu.memory_space<hbm>> -> memref<125x80xi32, #tpu.memory_space<hbm>>
      %dma_start3A_98 = arith.constant 0 : i32
      %dma_start3A_99 = arith.constant 0 : i32
      %dma_start3A_100 = tpu.memref_slice %arg4[%add3A, %dma_start3A_98, %dma_start3A_99] : memref<32x125x80xi32, #tpu.memory_space<hbm>> -> memref<1x125x80xi32, #tpu.memory_space<hbm>>
      %dma_start3A_101 = tpu.memref_squeeze %dma_start3A_100 : memref<1x125x80xi32, #tpu.memory_space<hbm>> -> memref<125x80xi32, #tpu.memory_space<hbm>>
      tpu.enqueue_dma source(%dma_start3A_101 : memref<125x80xi32, #tpu.memory_space<hbm>>) target(%arg6 : memref<125x80xi32, #tpu.memory_space<vmem>>) target_semaphore(%run_scoped3A : memref<!tpu.dma_semaphore, #tpu.memory_space<semaphore_mem>>)
      %dma_wait3A_102 = arith.constant 0 : i32
      %dma_wait3A_103 = arith.constant 0 : i32
      %dma_wait3A_104 = tpu.memref_slice %arg4[%add3A, %dma_wait3A_102, %dma_wait3A_103] : memref<32x125x80xi32, #tpu.memory_space<hbm>> -> memref<1x125x80xi32, #tpu.memory_space<hbm>>
      %dma_wait3A_105 = tpu.memref_squeeze %dma_wait3A_104 : memref<1x125x80xi32, #tpu.memory_space<hbm>> -> memref<125x80xi32, #tpu.memory_space<hbm>>
      %dma_wait3A_106 = arith.constant 0 : i32
      %dma_wait3A_107 = arith.constant 0 : i32
      %dma_wait3A_108 = tpu.memref_slice %arg4[%add3A, %dma_wait3A_106, %dma_wait3A_107] : memref<32x125x80xi32, #tpu.memory_space<hbm>> -> memref<1x125x80xi32, #tpu.memory_space<hbm>>
      %dma_wait3A_109 = tpu.memref_squeeze %dma_wait3A_108 : memref<1x125x80xi32, #tpu.memory_space<hbm>> -> memref<125x80xi32, #tpu.memory_space<hbm>>
      tpu.wait_dma2 semaphore(%run_scoped3A : memref<!tpu.dma_semaphore, #tpu.memory_space<semaphore_mem>>) src(%dma_wait3A_109 : memref<125x80xi32, #tpu.memory_space<hbm>>) dst(%arg6 : memref<125x80xi32, #tpu.memory_space<vmem>>)
      tpu.yield
    }) : () -> ()
    %iota3A = tpu.iota {dimensions = array<i32: 0>} : vector<16xi32>
    %broadcast_in_dim3A = arith.constant 0.000000e+00 : f32
    %broadcast_in_dim3A_1 = vector.broadcast %broadcast_in_dim3A : f32 to vector<16xf32>
    %scan3A = arith.constant 0 : i32
    %scan3A_2 = arith.constant 0 : i32
    %scan3A_3 = arith.constant 640 : i32
    %scan3A_4 = arith.addi %scan3A_2, %scan3A_3 : i32
    %scan3A_5 = arith.constant 1 : i32
    %scan3A_6 = scf.for %scan3A_94 = %scan3A_2 to %scan3A_4 step %scan3A_5 iter_args(%scan3A_95 = %scan3A) -> (i32)  : i32 {
      %jit3A = arith.constant 8 : i32
      %div3A = arith.divsi %scan3A_94, %jit3A : i32
      %sign3A = arith.constant 0 : i32
      %sign3A_96 = arith.cmpi sgt, %scan3A_94, %sign3A : i32
      %sign3A_97 = arith.extui %sign3A_96 : i1 to i32
      %sign3A_98 = arith.constant 0 : i32
      %sign3A_99 = arith.cmpi slt, %scan3A_94, %sign3A_98 : i32
      %sign3A_100 = arith.extui %sign3A_99 : i1 to i32
      %sign3A_101 = arith.subi %sign3A_97, %sign3A_100 : i32
      %sign3A_102 = arith.constant 0 : i32
      %sign3A_103 = arith.cmpi sgt, %jit3A, %sign3A_102 : i32
      %sign3A_104 = arith.extui %sign3A_103 : i1 to i32
      %sign3A_105 = arith.constant 0 : i32
      %sign3A_106 = arith.cmpi slt, %jit3A, %sign3A_105 : i32
      %sign3A_107 = arith.extui %sign3A_106 : i1 to i32
      %sign3A_108 = arith.subi %sign3A_104, %sign3A_107 : i32
      %ne3A = arith.cmpi ne, %sign3A_101, %sign3A_108 : i32
      %rem3A = arith.remsi %scan3A_94, %jit3A : i32
      %ne3A_109 = arith.constant 0 : i32
      %ne3A_110 = arith.cmpi ne, %rem3A, %ne3A_109 : i32
      %and3A = arith.andi %ne3A, %ne3A_110 : i1
      %sub3A = arith.constant 1 : i32
      %sub3A_111 = arith.subi %div3A, %sub3A : i32
      %select_n3A = arith.select %and3A, %sub3A_111, %div3A : i32
      %jit3A_112 = arith.constant 8 : i32
      %eq3A = arith.constant 0 : i32
      %eq3A_113 = arith.cmpi eq, %jit3A_112, %eq3A : i32
      %jit3A_114 = arith.constant 1 : i32
      %select_n3A_115 = arith.select %eq3A_113, %jit3A_114, %jit3A_112 : i32
      %rem3A_116 = arith.remsi %scan3A_94, %select_n3A_115 : i32
      %ne3A_117 = arith.constant 0 : i32
      %ne3A_118 = arith.cmpi ne, %rem3A_116, %ne3A_117 : i32
      %lt3A = arith.constant 0 : i32
      %lt3A_119 = arith.cmpi slt, %rem3A_116, %lt3A : i32
      %lt3A_120 = arith.constant 0 : i32
      %lt3A_121 = arith.cmpi slt, %select_n3A_115, %lt3A_120 : i32
      %ne3A_122 = arith.xori %lt3A_119, %lt3A_121 : i1
      %and3A_123 = arith.andi %ne3A_122, %ne3A_118 : i1
      %add3A_124 = arith.addi %rem3A_116, %select_n3A_115 : i32
      %select_n3A_125 = arith.select %and3A_123, %add3A_124, %rem3A_116 : i32
      %mul3A_126 = arith.constant 16 : i32
      %mul3A_127 = arith.muli %select_n3A_125, %mul3A_126 : i32
      %swap3A = arith.index_cast %select_n3A : i32 to index
      %swap3A_128 = arith.index_cast %mul3A_127 : i32 to index
      %swap3A_129 = tpu.vector_load %arg11[%swap3A, %swap3A_128] {strides = array<i32>} : memref<80x128xf32, #tpu.memory_space<vmem>>, vector<16xf32>,
      tpu.vector_store %arg11[%swap3A, %swap3A_128], %broadcast_in_dim3A_1 {strides = array<i32>} : memref<80x128xf32, #tpu.memory_space<vmem>>, vector<16xf32>,
      %scan3A_130 = arith.constant 0 : i32
      scf.yield %scan3A_130 : i32
    }
    %scan3A_7 = arith.constant 640 : i32
    %scan3A_8 = arith.constant 0 : i32
    %scan3A_9 = arith.constant 0 : i32
    %scan3A_10 = arith.constant 125 : i32
    %scan3A_11 = arith.addi %scan3A_9, %scan3A_10 : i32
    %scan3A_12 = arith.constant 1 : i32
    %scan3A_13 = scf.for %scan3A_94 = %scan3A_9 to %scan3A_11 step %scan3A_12 iter_args(%scan3A_95 = %scan3A_8) -> (i32)  : i32 {
      %jit3A = arith.constant 16 : i32
      %eq3A = arith.constant 0 : i32
      %eq3A_96 = arith.cmpi eq, %jit3A, %eq3A : i32
      %jit3A_97 = arith.constant 1 : i32
      %select_n3A = arith.select %eq3A_96, %jit3A_97, %jit3A : i32
      %rem3A = arith.remsi %scan3A_94, %select_n3A : i32
      %ne3A = arith.constant 0 : i32
      %ne3A_98 = arith.cmpi ne, %rem3A, %ne3A : i32
      %lt3A = arith.constant 0 : i32
      %lt3A_99 = arith.cmpi slt, %rem3A, %lt3A : i32
      %lt3A_100 = arith.constant 0 : i32
      %lt3A_101 = arith.cmpi slt, %select_n3A, %lt3A_100 : i32
      %ne3A_102 = arith.xori %lt3A_99, %lt3A_101 : i1
      %and3A = arith.andi %ne3A_102, %ne3A_98 : i1
      %add3A_103 = arith.addi %rem3A, %select_n3A : i32
      %select_n3A_104 = arith.select %and3A, %add3A_103, %rem3A : i32
      %eq3A_105 = arith.cmpi eq, %select_n3A_104, %arg1 : i32
      %convert_element_type3A = arith.extui %eq3A_105 : i1 to i32
      %cond3A = arith.constant 0 : i32
      %cond3A_106 = arith.cmpi ne, %convert_element_type3A, %cond3A : i32
      scf.if %cond3A_106 {
        %mul3A_108 = arith.constant 80 : i32
        %mul3A_109 = arith.muli %scan3A_94, %mul3A_108 : i32
        "tpu.region"() ({
          %run_scoped3A = tpu.sem_alloc : memref<!tpu.dma_semaphore, #tpu.memory_space<semaphore_mem>>
          %dma_start3A_110 = arith.constant 0 : i32
          %dma_start3A_111 = tpu.memref_slice %arg16[%mul3A_109, %dma_start3A_110] : memref<10000x128xf32, #tpu.memory_space<vmem_shared>> -> memref<80x128xf32, #tpu.memory_space<vmem_shared>>
          %dma_start3A_112 = arith.constant 0 : i32
          %dma_start3A_113 = tpu.memref_slice %arg16[%mul3A_109, %dma_start3A_112] : memref<10000x128xf32, #tpu.memory_space<vmem_shared>> -> memref<80x128xf32, #tpu.memory_space<vmem_shared>>
          tpu.enqueue_dma source(%arg11 : memref<80x128xf32, #tpu.memory_space<vmem>>) target(%dma_start3A_113 : memref<80x128xf32, #tpu.memory_space<vmem_shared>>) target_semaphore(%run_scoped3A : memref<!tpu.dma_semaphore, #tpu.memory_space<semaphore_mem>>)
          %dma_wait3A_114 = arith.constant 0 : i32
          %dma_wait3A_115 = tpu.memref_slice %arg16[%mul3A_109, %dma_wait3A_114] : memref<10000x128xf32, #tpu.memory_space<vmem_shared>> -> memref<80x128xf32, #tpu.memory_space<vmem_shared>>
          %dma_wait3A_116 = arith.constant 0 : i32
          %dma_wait3A_117 = tpu.memref_slice %arg16[%mul3A_109, %dma_wait3A_116] : memref<10000x128xf32, #tpu.memory_space<vmem_shared>> -> memref<80x128xf32, #tpu.memory_space<vmem_shared>>
          tpu.wait_dma2 semaphore(%run_scoped3A : memref<!tpu.dma_semaphore, #tpu.memory_space<semaphore_mem>>) src(%arg11 : memref<80x128xf32, #tpu.memory_space<vmem>>) dst(%dma_wait3A_117 : memref<80x128xf32, #tpu.memory_space<vmem_shared>>)
          tpu.yield
        }) : () -> ()
      } else {
      }
      %scan3A_107 = arith.constant 0 : i32
      scf.yield %scan3A_107 : i32
    }
    %scan3A_14 = arith.constant 125 : i32
    %barrier3A = arith.constant 0 : index
    tpu.barrier barrier_id(%barrier3A)
    %scan3A_15 = arith.constant 0 : i32
    %scan3A_16 = arith.constant 0 : i32
    %scan3A_17 = arith.constant 5 : i32
    %scan3A_18 = arith.addi %scan3A_16, %scan3A_17 : i32
    %scan3A_19 = arith.constant 1 : i32
    %scan3A_20 = scf.for %scan3A_94 = %scan3A_16 to %scan3A_18 step %scan3A_19 iter_args(%scan3A_95 = %scan3A_15) -> (i32)  : i32 {
      %mul3A_96 = arith.constant 16 : i32
      %mul3A_97 = arith.muli %scan3A_94, %mul3A_96 : i32
      %get3A = arith.constant 0 : i32
      %get3A_98 = arith.index_cast %get3A : i32 to index
      %get3A_99 = arith.index_cast %mul3A_97 : i32 to index
      %get3A_100 = tpu.vector_load %arg6[%get3A_98, %get3A_99] {strides = array<i32>} : memref<125x80xi32, #tpu.memory_space<vmem>>, vector<16xi32>,
      %and3A = arith.constant 16383 : i32
      %and3A_101 = vector.broadcast %and3A : i32 to vector<16xi32>
      %and3A_102 = arith.andi %get3A_100, %and3A_101 : vector<16xi32>
      %mul3A_103 = arith.constant 16 : i32
      %mul3A_104 = arith.muli %scan3A_94, %mul3A_103 : i32
      %swap3A = arith.index_cast %mul3A_104 : i32 to index
      %swap3A_105 = tpu.vector_load %arg7[%swap3A] {strides = array<i32>} : memref<80xi32, #tpu.memory_space<vmem>>, vector<16xi32>,
      tpu.vector_store %arg7[%swap3A], %and3A_102 {strides = array<i32>} : memref<80xi32, #tpu.memory_space<vmem>>, vector<16xi32>,
      %shift_right_logical3A = arith.constant 14 : i32
      %shift_right_logical3A_106 = vector.broadcast %shift_right_logical3A : i32 to vector<16xi32>
      %shift_right_logical3A_107 = arith.shrui %get3A_100, %shift_right_logical3A_106 : vector<16xi32>
      %mul3A_108 = arith.constant 16 : i32
      %mul3A_109 = arith.muli %scan3A_94, %mul3A_108 : i32
      %swap3A_110 = arith.index_cast %mul3A_109 : i32 to index
      %swap3A_111 = tpu.vector_load %arg9[%swap3A_110] {strides = array<i32>} : memref<80xi32, #tpu.memory_space<vmem>>, vector<16xi32>,
      tpu.vector_store %arg9[%swap3A_110], %shift_right_logical3A_107 {strides = array<i32>} : memref<80xi32, #tpu.memory_space<vmem>>, vector<16xi32>,
      %scan3A_112 = arith.constant 0 : i32
      scf.yield %scan3A_112 : i32
    }
    %scan3A_21 = arith.constant 5 : i32
    %dma_start3A = arith.constant 0 : i32
    %dma_start3A_22 = arith.constant 0 : i32
    %dma_start3A_23 = tpu.memref_slice %arg2[%dma_start3A, %dma_start3A_22] : memref<60000x128xf32, #tpu.memory_space<hbm>> -> memref<60000x128xf32, #tpu.memory_space<hbm>>
    tpu.enqueue_indirect_dma source(%dma_start3A_23 : memref<60000x128xf32, #tpu.memory_space<hbm>>) target(%arg11 : memref<80x128xf32, #tpu.memory_space<vmem>>) offsets(%arg9 : memref<80xi32, #tpu.memory_space<vmem>>) semaphore(%arg17 : memref<!tpu.dma_semaphore, #tpu.memory_space<semaphore_mem>>)
    %mul3A_24 = arith.constant 125 : i32
    %mul3A_25 = arith.muli %add3A, %mul3A_24 : i32
    %add3A_26 = arith.constant 0 : i32
    %add3A_27 = arith.addi %mul3A_25, %add3A_26 : i32
    %dma_start3A_28 = arith.constant 0 : i32
    %dma_start3A_29 = arith.constant 0 : i32
    %dma_start3A_30 = tpu.memref_slice %arg3[%add3A_27, %dma_start3A_28, %dma_start3A_29] : memref<4000x8x80xf32, #tpu.memory_space<hbm>> -> memref<1x8x80xf32, #tpu.memory_space<hbm>>
    %dma_start3A_31 = tpu.memref_squeeze %dma_start3A_30 : memref<1x8x80xf32, #tpu.memory_space<hbm>> -> memref<8x80xf32, #tpu.memory_space<hbm>>
    %dma_start3A_32 = arith.constant 0 : i32
    %dma_start3A_33 = arith.constant 0 : i32
    %dma_start3A_34 = tpu.memref_slice %arg3[%add3A_27, %dma_start3A_32, %dma_start3A_33] : memref<4000x8x80xf32, #tpu.memory_space<hbm>> -> memref<1x8x80xf32, #tpu.memory_space<hbm>>
    %dma_start3A_35 = tpu.memref_squeeze %dma_start3A_34 : memref<1x8x80xf32, #tpu.memory_space<hbm>> -> memref<8x80xf32, #tpu.memory_space<hbm>>
    tpu.enqueue_dma source(%dma_start3A_35 : memref<8x80xf32, #tpu.memory_space<hbm>>) target(%arg14 : memref<8x80xf32, #tpu.memory_space<vmem>>) target_semaphore(%arg17 : memref<!tpu.dma_semaphore, #tpu.memory_space<semaphore_mem>>)
    %scan3A_36 = arith.constant 0 : i32
    %scan3A_37 = arith.constant 0 : i32
    %scan3A_38 = arith.constant 5 : i32
    %scan3A_39 = arith.addi %scan3A_37, %scan3A_38 : i32
    %scan3A_40 = arith.constant 1 : i32
    %scan3A_41 = scf.for %scan3A_94 = %scan3A_37 to %scan3A_39 step %scan3A_40 iter_args(%scan3A_95 = %scan3A_36) -> (i32)  : i32 {
      %mul3A_96 = arith.constant 16 : i32
      %mul3A_97 = arith.muli %scan3A_94, %mul3A_96 : i32
      %get3A = arith.constant 1 : i32
      %get3A_98 = arith.index_cast %get3A : i32 to index
      %get3A_99 = arith.index_cast %mul3A_97 : i32 to index
      %get3A_100 = tpu.vector_load %arg6[%get3A_98, %get3A_99] {strides = array<i32>} : memref<125x80xi32, #tpu.memory_space<vmem>>, vector<16xi32>,
      %and3A = arith.constant 16383 : i32
      %and3A_101 = vector.broadcast %and3A : i32 to vector<16xi32>
      %and3A_102 = arith.andi %get3A_100, %and3A_101 : vector<16xi32>
      %mul3A_103 = arith.constant 16 : i32
      %mul3A_104 = arith.muli %scan3A_94, %mul3A_103 : i32
      %swap3A = arith.index_cast %mul3A_104 : i32 to index
      %swap3A_105 = tpu.vector_load %arg8[%swap3A] {strides = array<i32>} : memref<80xi32, #tpu.memory_space<vmem>>, vector<16xi32>,
      tpu.vector_store %arg8[%swap3A], %and3A_102 {strides = array<i32>} : memref<80xi32, #tpu.memory_space<vmem>>, vector<16xi32>,
      %shift_right_logical3A = arith.constant 14 : i32
      %shift_right_logical3A_106 = vector.broadcast %shift_right_logical3A : i32 to vector<16xi32>
      %shift_right_logical3A_107 = arith.shrui %get3A_100, %shift_right_logical3A_106 : vector<16xi32>
      %mul3A_108 = arith.constant 16 : i32
      %mul3A_109 = arith.muli %scan3A_94, %mul3A_108 : i32
      %swap3A_110 = arith.index_cast %mul3A_109 : i32 to index
      %swap3A_111 = tpu.vector_load %arg10[%swap3A_110] {strides = array<i32>} : memref<80xi32, #tpu.memory_space<vmem>>, vector<16xi32>,
      tpu.vector_store %arg10[%swap3A_110], %shift_right_logical3A_107 {strides = array<i32>} : memref<80xi32, #tpu.memory_space<vmem>>, vector<16xi32>,
      %scan3A_112 = arith.constant 0 : i32
      scf.yield %scan3A_112 : i32
    }
    %scan3A_42 = arith.constant 5 : i32
    %dma_start3A_43 = arith.constant 0 : i32
    %dma_start3A_44 = arith.constant 0 : i32
    %dma_start3A_45 = tpu.memref_slice %arg2[%dma_start3A_43, %dma_start3A_44] : memref<60000x128xf32, #tpu.memory_space<hbm>> -> memref<60000x128xf32, #tpu.memory_space<hbm>>
    tpu.enqueue_indirect_dma source(%dma_start3A_45 : memref<60000x128xf32, #tpu.memory_space<hbm>>) target(%arg12 : memref<80x128xf32, #tpu.memory_space<vmem>>) offsets(%arg10 : memref<80xi32, #tpu.memory_space<vmem>>) semaphore(%arg18 : memref<!tpu.dma_semaphore, #tpu.memory_space<semaphore_mem>>)
    %mul3A_46 = arith.constant 125 : i32
    %mul3A_47 = arith.muli %add3A, %mul3A_46 : i32
    %add3A_48 = arith.constant 1 : i32
    %add3A_49 = arith.addi %mul3A_47, %add3A_48 : i32
    %dma_start3A_50 = arith.constant 0 : i32
    %dma_start3A_51 = arith.constant 0 : i32
    %dma_start3A_52 = tpu.memref_slice %arg3[%add3A_49, %dma_start3A_50, %dma_start3A_51] : memref<4000x8x80xf32, #tpu.memory_space<hbm>> -> memref<1x8x80xf32, #tpu.memory_space<hbm>>
    %dma_start3A_53 = tpu.memref_squeeze %dma_start3A_52 : memref<1x8x80xf32, #tpu.memory_space<hbm>> -> memref<8x80xf32, #tpu.memory_space<hbm>>
    %dma_start3A_54 = arith.constant 0 : i32
    %dma_start3A_55 = arith.constant 0 : i32
    %dma_start3A_56 = tpu.memref_slice %arg3[%add3A_49, %dma_start3A_54, %dma_start3A_55] : memref<4000x8x80xf32, #tpu.memory_space<hbm>> -> memref<1x8x80xf32, #tpu.memory_space<hbm>>
    %dma_start3A_57 = tpu.memref_squeeze %dma_start3A_56 : memref<1x8x80xf32, #tpu.memory_space<hbm>> -> memref<8x80xf32, #tpu.memory_space<hbm>>
    tpu.enqueue_dma source(%dma_start3A_57 : memref<8x80xf32, #tpu.memory_space<hbm>>) target(%arg15 : memref<8x80xf32, #tpu.memory_space<vmem>>) target_semaphore(%arg18 : memref<!tpu.dma_semaphore, #tpu.memory_space<semaphore_mem>>)
    %scan3A_58 = arith.constant 0 : i32
    %scan3A_59 = arith.constant 0 : i32
    %scan3A_60 = arith.constant 62 : i32
    %scan3A_61 = arith.addi %scan3A_59, %scan3A_60 : i32
    %scan3A_62 = arith.constant 1 : i32
    %scan3A_63 = scf.for %scan3A_94 = %scan3A_59 to %scan3A_61 step %scan3A_62 iter_args(%scan3A_95 = %scan3A_58) -> (i32)  : i32 {
      %mul3A_96 = arith.constant 2 : i32
      %mul3A_97 = arith.muli %mul3A_96, %scan3A_94 : i32
      %add3A_98 = arith.constant 0 : i32
      %add3A_99 = arith.addi %mul3A_97, %add3A_98 : i32
      %dma_wait3A_100 = arith.constant 0 : i32
      %dma_wait3A_101 = arith.constant 0 : i32
      %dma_wait3A_102 = tpu.memref_slice %arg2[%dma_wait3A_100, %dma_wait3A_101] : memref<60000x128xf32, #tpu.memory_space<hbm>> -> memref<60000x128xf32, #tpu.memory_space<hbm>>
      tpu.wait_indirect_dma semaphore(%arg17 : memref<!tpu.dma_semaphore, #tpu.memory_space<semaphore_mem>>) src(%dma_wait3A_102 : memref<60000x128xf32, #tpu.memory_space<hbm>>) dst(%arg11 : memref<80x128xf32, #tpu.memory_space<vmem>>)
      %mul3A_103 = arith.constant 125 : i32
      %mul3A_104 = arith.muli %add3A, %mul3A_103 : i32
      %add3A_105 = arith.addi %mul3A_104, %add3A_99 : i32
      %dma_wait3A_106 = arith.constant 0 : i32
      %dma_wait3A_107 = arith.constant 0 : i32
      %dma_wait3A_108 = tpu.memref_slice %arg3[%add3A_105, %dma_wait3A_106, %dma_wait3A_107] : memref<4000x8x80xf32, #tpu.memory_space<hbm>> -> memref<1x8x80xf32, #tpu.memory_space<hbm>>
      %dma_wait3A_109 = tpu.memref_squeeze %dma_wait3A_108 : memref<1x8x80xf32, #tpu.memory_space<hbm>> -> memref<8x80xf32, #tpu.memory_space<hbm>>
      %dma_wait3A_110 = arith.constant 0 : i32
      %dma_wait3A_111 = arith.constant 0 : i32
      %dma_wait3A_112 = tpu.memref_slice %arg3[%add3A_105, %dma_wait3A_110, %dma_wait3A_111] : memref<4000x8x80xf32, #tpu.memory_space<hbm>> -> memref<1x8x80xf32, #tpu.memory_space<hbm>>
      %dma_wait3A_113 = tpu.memref_squeeze %dma_wait3A_112 : memref<1x8x80xf32, #tpu.memory_space<hbm>> -> memref<8x80xf32, #tpu.memory_space<hbm>>
      tpu.wait_dma2 semaphore(%arg17 : memref<!tpu.dma_semaphore, #tpu.memory_space<semaphore_mem>>) src(%dma_wait3A_113 : memref<8x80xf32, #tpu.memory_space<hbm>>) dst(%arg14 : memref<8x80xf32, #tpu.memory_space<vmem>>)
      %scan3A_114 = arith.constant 0 : i32
      %scan3A_115 = arith.constant 0 : i32
      %scan3A_116 = arith.constant 5 : i32
      %scan3A_117 = arith.addi %scan3A_115, %scan3A_116 : i32
      %scan3A_118 = arith.constant 1 : i32
      %scan3A_119 = scf.for %scan3A_158 = %scan3A_115 to %scan3A_117 step %scan3A_118 iter_args(%scan3A_159 = %scan3A_114) -> (i32)  : i32 {
        %mul3A_160 = arith.constant 16 : i32
        %mul3A_161 = arith.muli %scan3A_158, %mul3A_160 : i32
        %add3A_162 = vector.broadcast %mul3A_161 : i32 to vector<16xi32>
        %add3A_163 = arith.addi %iota3A, %add3A_162 : vector<16xi32>
        %mul3A_164 = arith.constant 16 : i32
        %mul3A_165 = arith.muli %scan3A_158, %mul3A_164 : i32
        %get3A = arith.constant 0 : i32
        %get3A_166 = arith.index_cast %get3A : i32 to index
        %get3A_167 = arith.index_cast %mul3A_165 : i32 to index
        %get3A_168 = tpu.vector_load %arg14[%get3A_166, %get3A_167] {strides = array<i32>} : memref<8x80xf32, #tpu.memory_space<vmem>>, vector<16xf32>,
        %mul3A_169 = arith.constant 16 : i32
        %mul3A_170 = arith.muli %scan3A_158, %mul3A_169 : i32
        %get3A_171 = arith.constant 1 : i32
        %get3A_172 = arith.index_cast %get3A_171 : i32 to index
        %get3A_173 = arith.index_cast %mul3A_170 : i32 to index
        %get3A_174 = tpu.vector_load %arg14[%get3A_172, %get3A_173] {strides = array<i32>} : memref<8x80xf32, #tpu.memory_space<vmem>>, vector<16xf32>,
        %mul3A_175 = arith.constant 16 : i32
        %mul3A_176 = arith.muli %scan3A_158, %mul3A_175 : i32
        %get3A_177 = arith.constant 2 : i32
        %get3A_178 = arith.index_cast %get3A_177 : i32 to index
        %get3A_179 = arith.index_cast %mul3A_176 : i32 to index
        %get3A_180 = tpu.vector_load %arg14[%get3A_178, %get3A_179] {strides = array<i32>} : memref<8x80xf32, #tpu.memory_space<vmem>>, vector<16xf32>,
        %mul3A_181 = arith.constant 16 : i32
        %mul3A_182 = arith.muli %scan3A_158, %mul3A_181 : i32
        %get3A_183 = arith.constant 3 : i32
        %get3A_184 = arith.index_cast %get3A_183 : i32 to index
        %get3A_185 = arith.index_cast %mul3A_182 : i32 to index
        %get3A_186 = tpu.vector_load %arg14[%get3A_184, %get3A_185] {strides = array<i32>} : memref<8x80xf32, #tpu.memory_space<vmem>>, vector<16xf32>,
        %mul3A_187 = arith.constant 16 : i32
        %mul3A_188 = arith.muli %scan3A_158, %mul3A_187 : i32
        %get3A_189 = arith.constant 4 : i32
        %get3A_190 = arith.index_cast %get3A_189 : i32 to index
        %get3A_191 = arith.index_cast %mul3A_188 : i32 to index
        %get3A_192 = tpu.vector_load %arg14[%get3A_190, %get3A_191] {strides = array<i32>} : memref<8x80xf32, #tpu.memory_space<vmem>>, vector<16xf32>,
        %mul3A_193 = arith.constant 16 : i32
        %mul3A_194 = arith.muli %scan3A_158, %mul3A_193 : i32
        %get3A_195 = arith.constant 5 : i32
        %get3A_196 = arith.index_cast %get3A_195 : i32 to index
        %get3A_197 = arith.index_cast %mul3A_194 : i32 to index
        %get3A_198 = tpu.vector_load %arg14[%get3A_196, %get3A_197] {strides = array<i32>} : memref<8x80xf32, #tpu.memory_space<vmem>>, vector<16xf32>,
        %mul3A_199 = arith.constant 16 : i32
        %mul3A_200 = arith.muli %scan3A_158, %mul3A_199 : i32
        %get3A_201 = arith.constant 6 : i32
        %get3A_202 = arith.index_cast %get3A_201 : i32 to index
        %get3A_203 = arith.index_cast %mul3A_200 : i32 to index
        %get3A_204 = tpu.vector_load %arg14[%get3A_202, %get3A_203] {strides = array<i32>} : memref<8x80xf32, #tpu.memory_space<vmem>>, vector<16xf32>,
        %mul3A_205 = arith.constant 16 : i32
        %mul3A_206 = arith.muli %scan3A_158, %mul3A_205 : i32
        %get3A_207 = arith.constant 7 : i32
        %get3A_208 = arith.index_cast %get3A_207 : i32 to index
        %get3A_209 = arith.index_cast %mul3A_206 : i32 to index
        %get3A_210 = tpu.vector_load %arg14[%get3A_208, %get3A_209] {strides = array<i32>} : memref<8x80xf32, #tpu.memory_space<vmem>>, vector<16xf32>,
        %scan3A_211 = arith.constant 0 : i32
        %scan3A_212 = arith.constant 0 : i32
        %scan3A_213 = arith.constant 16 : i32
        %scan3A_214 = arith.addi %scan3A_212, %scan3A_213 : i32
        %scan3A_215 = arith.constant 1 : i32
        scf.for %scan3A_218 = %scan3A_212 to %scan3A_214 step %scan3A_215  : i32 {
          %add3A_219 = vector.broadcast %scan3A_218 : i32 to vector<16xi32>
          %add3A_220 = arith.addi %iota3A, %add3A_219 : vector<16xi32>
          %and3A = arith.constant 15 : i32
          %and3A_221 = vector.broadcast %and3A : i32 to vector<16xi32>
          %and3A_222 = arith.andi %add3A_220, %and3A_221 : vector<16xi32>
          %add3A_223 = arith.constant 0 : i32
          %add3A_224 = vector.broadcast %add3A_223 : i32 to vector<16xi32>
          %add3A_225 = arith.addi %and3A_222, %add3A_224 : vector<16xi32>
          %gather3A = tpu.vector_load_idx %arg11[%add3A_163, %add3A_225] : memref<80x128xf32, #tpu.memory_space<vmem>>[vector<16xi32>, vector<16xi32>], vector<16xf32>,
          %mul3A_226 = arith.mulf %gather3A, %get3A_168 : vector<16xf32>
          tpu.vector_store_idx %arg13[%add3A_163, %add3A_225], %mul3A_226 : memref<80x128xf32, #tpu.memory_space<vmem>>[vector<16xi32>, vector<16xi32>], vector<16xf32>,
          %add3A_227 = arith.constant 16 : i32
          %add3A_228 = vector.broadcast %add3A_227 : i32 to vector<16xi32>
          %add3A_229 = arith.addi %and3A_222, %add3A_228 : vector<16xi32>
          %gather3A_230 = tpu.vector_load_idx %arg11[%add3A_163, %add3A_229] : memref<80x128xf32, #tpu.memory_space<vmem>>[vector<16xi32>, vector<16xi32>], vector<16xf32>,
          %mul3A_231 = arith.mulf %gather3A_230, %get3A_174 : vector<16xf32>
          tpu.vector_store_idx %arg13[%add3A_163, %add3A_229], %mul3A_231 : memref<80x128xf32, #tpu.memory_space<vmem>>[vector<16xi32>, vector<16xi32>], vector<16xf32>,
          %add3A_232 = arith.constant 32 : i32
          %add3A_233 = vector.broadcast %add3A_232 : i32 to vector<16xi32>
          %add3A_234 = arith.addi %and3A_222, %add3A_233 : vector<16xi32>
          %gather3A_235 = tpu.vector_load_idx %arg11[%add3A_163, %add3A_234] : memref<80x128xf32, #tpu.memory_space<vmem>>[vector<16xi32>, vector<16xi32>], vector<16xf32>,
          %mul3A_236 = arith.mulf %gather3A_235, %get3A_180 : vector<16xf32>
          tpu.vector_store_idx %arg13[%add3A_163, %add3A_234], %mul3A_236 : memref<80x128xf32, #tpu.memory_space<vmem>>[vector<16xi32>, vector<16xi32>], vector<16xf32>,
          %add3A_237 = arith.constant 48 : i32
          %add3A_238 = vector.broadcast %add3A_237 : i32 to vector<16xi32>
          %add3A_239 = arith.addi %and3A_222, %add3A_238 : vector<16xi32>
          %gather3A_240 = tpu.vector_load_idx %arg11[%add3A_163, %add3A_239] : memref<80x128xf32, #tpu.memory_space<vmem>>[vector<16xi32>, vector<16xi32>], vector<16xf32>,
          %mul3A_241 = arith.mulf %gather3A_240, %get3A_186 : vector<16xf32>
          tpu.vector_store_idx %arg13[%add3A_163, %add3A_239], %mul3A_241 : memref<80x128xf32, #tpu.memory_space<vmem>>[vector<16xi32>, vector<16xi32>], vector<16xf32>,
          %add3A_242 = arith.constant 64 : i32
          %add3A_243 = vector.broadcast %add3A_242 : i32 to vector<16xi32>
          %add3A_244 = arith.addi %and3A_222, %add3A_243 : vector<16xi32>
          %gather3A_245 = tpu.vector_load_idx %arg11[%add3A_163, %add3A_244] : memref<80x128xf32, #tpu.memory_space<vmem>>[vector<16xi32>, vector<16xi32>], vector<16xf32>,
          %mul3A_246 = arith.mulf %gather3A_245, %get3A_192 : vector<16xf32>
          tpu.vector_store_idx %arg13[%add3A_163, %add3A_244], %mul3A_246 : memref<80x128xf32, #tpu.memory_space<vmem>>[vector<16xi32>, vector<16xi32>], vector<16xf32>,
          %add3A_247 = arith.constant 80 : i32
          %add3A_248 = vector.broadcast %add3A_247 : i32 to vector<16xi32>
          %add3A_249 = arith.addi %and3A_222, %add3A_248 : vector<16xi32>
          %gather3A_250 = tpu.vector_load_idx %arg11[%add3A_163, %add3A_249] : memref<80x128xf32, #tpu.memory_space<vmem>>[vector<16xi32>, vector<16xi32>], vector<16xf32>,
          %mul3A_251 = arith.mulf %gather3A_250, %get3A_198 : vector<16xf32>
          tpu.vector_store_idx %arg13[%add3A_163, %add3A_249], %mul3A_251 : memref<80x128xf32, #tpu.memory_space<vmem>>[vector<16xi32>, vector<16xi32>], vector<16xf32>,
          %add3A_252 = arith.constant 96 : i32
          %add3A_253 = vector.broadcast %add3A_252 : i32 to vector<16xi32>
          %add3A_254 = arith.addi %and3A_222, %add3A_253 : vector<16xi32>
          %gather3A_255 = tpu.vector_load_idx %arg11[%add3A_163, %add3A_254] : memref<80x128xf32, #tpu.memory_space<vmem>>[vector<16xi32>, vector<16xi32>], vector<16xf32>,
          %mul3A_256 = arith.mulf %gather3A_255, %get3A_204 : vector<16xf32>
          tpu.vector_store_idx %arg13[%add3A_163, %add3A_254], %mul3A_256 : memref<80x128xf32, #tpu.memory_space<vmem>>[vector<16xi32>, vector<16xi32>], vector<16xf32>,
          %add3A_257 = arith.constant 112 : i32
          %add3A_258 = vector.broadcast %add3A_257 : i32 to vector<16xi32>
          %add3A_259 = arith.addi %and3A_222, %add3A_258 : vector<16xi32>
          %gather3A_260 = tpu.vector_load_idx %arg11[%add3A_163, %add3A_259] : memref<80x128xf32, #tpu.memory_space<vmem>>[vector<16xi32>, vector<16xi32>], vector<16xf32>,
          %mul3A_261 = arith.mulf %gather3A_260, %get3A_210 : vector<16xf32>
          tpu.vector_store_idx %arg13[%add3A_163, %add3A_259], %mul3A_261 : memref<80x128xf32, #tpu.memory_space<vmem>>[vector<16xi32>, vector<16xi32>], vector<16xf32>,
        }
        %scan3A_216 = arith.constant 16 : i32
        %scan3A_217 = arith.constant 0 : i32
        scf.yield %scan3A_217 : i32
      }
      %scan3A_120 = arith.constant 5 : i32
      "tpu.region"() ({
        %run_scoped3A = tpu.sem_alloc : memref<!tpu.dma_semaphore, #tpu.memory_space<semaphore_mem>>
        %dma_start3A_158 = arith.constant 0 : i32
        %dma_start3A_159 = arith.constant 0 : i32
        %dma_start3A_160 = tpu.memref_slice %arg16[%dma_start3A_158, %dma_start3A_159] : memref<10000x128xf32, #tpu.memory_space<vmem_shared>> -> memref<10000x128xf32, #tpu.memory_space<vmem_shared>>
        tpu.enqueue_indirect_dma source(%arg13 : memref<80x128xf32, #tpu.memory_space<vmem>>) target(%dma_start3A_160 : memref<10000x128xf32, #tpu.memory_space<vmem_shared>>) offsets(%arg7 : memref<80xi32, #tpu.memory_space<vmem>>) semaphore(%run_scoped3A : memref<!tpu.dma_semaphore, #tpu.memory_space<semaphore_mem>>) {add = true}
        %dma_wait3A_161 = arith.constant 0 : i32
        %dma_wait3A_162 = arith.constant 0 : i32
        %dma_wait3A_163 = tpu.memref_slice %arg16[%dma_wait3A_161, %dma_wait3A_162] : memref<10000x128xf32, #tpu.memory_space<vmem_shared>> -> memref<10000x128xf32, #tpu.memory_space<vmem_shared>>
        tpu.wait_indirect_dma semaphore(%run_scoped3A : memref<!tpu.dma_semaphore, #tpu.memory_space<semaphore_mem>>) src(%arg13 : memref<80x128xf32, #tpu.memory_space<vmem>>) dst(%dma_wait3A_163 : memref<10000x128xf32, #tpu.memory_space<vmem_shared>>)
        tpu.yield
      }) : () -> ()
      %add3A_121 = arith.constant 2 : i32
      %add3A_122 = arith.addi %add3A_99, %add3A_121 : i32
      %lt3A = arith.constant 125 : i32
      %lt3A_123 = arith.cmpi slt, %add3A_122, %lt3A : i32
      %convert_element_type3A = arith.extui %lt3A_123 : i1 to i32
      %cond3A = arith.constant 0 : i32
      %cond3A_124 = arith.cmpi ne, %convert_element_type3A, %cond3A : i32
      scf.if %cond3A_124 {
        %add3A_158 = arith.constant 2 : i32
        %add3A_159 = arith.addi %add3A_99, %add3A_158 : i32
        %scan3A_160 = arith.constant 0 : i32
        %scan3A_161 = arith.constant 0 : i32
        %scan3A_162 = arith.constant 5 : i32
        %scan3A_163 = arith.addi %scan3A_161, %scan3A_162 : i32
        %scan3A_164 = arith.constant 1 : i32
        %scan3A_165 = scf.for %scan3A_181 = %scan3A_161 to %scan3A_163 step %scan3A_164 iter_args(%scan3A_182 = %scan3A_160) -> (i32)  : i32 {
          %mul3A_183 = arith.constant 16 : i32
          %mul3A_184 = arith.muli %scan3A_181, %mul3A_183 : i32
          %get3A = arith.index_cast %add3A_159 : i32 to index
          %get3A_185 = arith.index_cast %mul3A_184 : i32 to index
          %get3A_186 = tpu.vector_load %arg6[%get3A, %get3A_185] {strides = array<i32>} : memref<125x80xi32, #tpu.memory_space<vmem>>, vector<16xi32>,
          %and3A = arith.constant 16383 : i32
          %and3A_187 = vector.broadcast %and3A : i32 to vector<16xi32>
          %and3A_188 = arith.andi %get3A_186, %and3A_187 : vector<16xi32>
          %mul3A_189 = arith.constant 16 : i32
          %mul3A_190 = arith.muli %scan3A_181, %mul3A_189 : i32
          %swap3A = arith.index_cast %mul3A_190 : i32 to index
          %swap3A_191 = tpu.vector_load %arg7[%swap3A] {strides = array<i32>} : memref<80xi32, #tpu.memory_space<vmem>>, vector<16xi32>,
          tpu.vector_store %arg7[%swap3A], %and3A_188 {strides = array<i32>} : memref<80xi32, #tpu.memory_space<vmem>>, vector<16xi32>,
          %shift_right_logical3A = arith.constant 14 : i32
          %shift_right_logical3A_192 = vector.broadcast %shift_right_logical3A : i32 to vector<16xi32>
          %shift_right_logical3A_193 = arith.shrui %get3A_186, %shift_right_logical3A_192 : vector<16xi32>
          %mul3A_194 = arith.constant 16 : i32
          %mul3A_195 = arith.muli %scan3A_181, %mul3A_194 : i32
          %swap3A_196 = arith.index_cast %mul3A_195 : i32 to index
          %swap3A_197 = tpu.vector_load %arg9[%swap3A_196] {strides = array<i32>} : memref<80xi32, #tpu.memory_space<vmem>>, vector<16xi32>,
          tpu.vector_store %arg9[%swap3A_196], %shift_right_logical3A_193 {strides = array<i32>} : memref<80xi32, #tpu.memory_space<vmem>>, vector<16xi32>,
          %scan3A_198 = arith.constant 0 : i32
          scf.yield %scan3A_198 : i32
        }
        %scan3A_166 = arith.constant 5 : i32
        %dma_start3A_167 = arith.constant 0 : i32
        %dma_start3A_168 = arith.constant 0 : i32
        %dma_start3A_169 = tpu.memref_slice %arg2[%dma_start3A_167, %dma_start3A_168] : memref<60000x128xf32, #tpu.memory_space<hbm>> -> memref<60000x128xf32, #tpu.memory_space<hbm>>
        tpu.enqueue_indirect_dma source(%dma_start3A_169 : memref<60000x128xf32, #tpu.memory_space<hbm>>) target(%arg11 : memref<80x128xf32, #tpu.memory_space<vmem>>) offsets(%arg9 : memref<80xi32, #tpu.memory_space<vmem>>) semaphore(%arg17 : memref<!tpu.dma_semaphore, #tpu.memory_space<semaphore_mem>>)
        %mul3A_170 = arith.constant 125 : i32
        %mul3A_171 = arith.muli %add3A, %mul3A_170 : i32
        %add3A_172 = arith.addi %mul3A_171, %add3A_159 : i32
        %dma_start3A_173 = arith.constant 0 : i32
        %dma_start3A_174 = arith.constant 0 : i32
        %dma_start3A_175 = tpu.memref_slice %arg3[%add3A_172, %dma_start3A_173, %dma_start3A_174] : memref<4000x8x80xf32, #tpu.memory_space<hbm>> -> memref<1x8x80xf32, #tpu.memory_space<hbm>>
        %dma_start3A_176 = tpu.memref_squeeze %dma_start3A_175 : memref<1x8x80xf32, #tpu.memory_space<hbm>> -> memref<8x80xf32, #tpu.memory_space<hbm>>
        %dma_start3A_177 = arith.constant 0 : i32
        %dma_start3A_178 = arith.constant 0 : i32
        %dma_start3A_179 = tpu.memref_slice %arg3[%add3A_172, %dma_start3A_177, %dma_start3A_178] : memref<4000x8x80xf32, #tpu.memory_space<hbm>> -> memref<1x8x80xf32, #tpu.memory_space<hbm>>
        %dma_start3A_180 = tpu.memref_squeeze %dma_start3A_179 : memref<1x8x80xf32, #tpu.memory_space<hbm>> -> memref<8x80xf32, #tpu.memory_space<hbm>>
        tpu.enqueue_dma source(%dma_start3A_180 : memref<8x80xf32, #tpu.memory_space<hbm>>) target(%arg14 : memref<8x80xf32, #tpu.memory_space<vmem>>) target_semaphore(%arg17 : memref<!tpu.dma_semaphore, #tpu.memory_space<semaphore_mem>>)
      } else {
      }
      %mul3A_125 = arith.constant 2 : i32
      %mul3A_126 = arith.muli %mul3A_125, %scan3A_94 : i32
      %add3A_127 = arith.constant 1 : i32
      %add3A_128 = arith.addi %mul3A_126, %add3A_127 : i32
      %dma_wait3A_129 = arith.constant 0 : i32
      %dma_wait3A_130 = arith.constant 0 : i32
      %dma_wait3A_131 = tpu.memref_slice %arg2[%dma_wait3A_129, %dma_wait3A_130] : memref<60000x128xf32, #tpu.memory_space<hbm>> -> memref<60000x128xf32, #tpu.memory_space<hbm>>
      tpu.wait_indirect_dma semaphore(%arg18 : memref<!tpu.dma_semaphore, #tpu.memory_space<semaphore_mem>>) src(%dma_wait3A_131 : memref<60000x128xf32, #tpu.memory_space<hbm>>) dst(%arg12 : memref<80x128xf32, #tpu.memory_space<vmem>>)
      %mul3A_132 = arith.constant 125 : i32
      %mul3A_133 = arith.muli %add3A, %mul3A_132 : i32
      %add3A_134 = arith.addi %mul3A_133, %add3A_128 : i32
      %dma_wait3A_135 = arith.constant 0 : i32
      %dma_wait3A_136 = arith.constant 0 : i32
      %dma_wait3A_137 = tpu.memref_slice %arg3[%add3A_134, %dma_wait3A_135, %dma_wait3A_136] : memref<4000x8x80xf32, #tpu.memory_space<hbm>> -> memref<1x8x80xf32, #tpu.memory_space<hbm>>
      %dma_wait3A_138 = tpu.memref_squeeze %dma_wait3A_137 : memref<1x8x80xf32, #tpu.memory_space<hbm>> -> memref<8x80xf32, #tpu.memory_space<hbm>>
      %dma_wait3A_139 = arith.constant 0 : i32
      %dma_wait3A_140 = arith.constant 0 : i32
      %dma_wait3A_141 = tpu.memref_slice %arg3[%add3A_134, %dma_wait3A_139, %dma_wait3A_140] : memref<4000x8x80xf32, #tpu.memory_space<hbm>> -> memref<1x8x80xf32, #tpu.memory_space<hbm>>
      %dma_wait3A_142 = tpu.memref_squeeze %dma_wait3A_141 : memref<1x8x80xf32, #tpu.memory_space<hbm>> -> memref<8x80xf32, #tpu.memory_space<hbm>>
      tpu.wait_dma2 semaphore(%arg18 : memref<!tpu.dma_semaphore, #tpu.memory_space<semaphore_mem>>) src(%dma_wait3A_142 : memref<8x80xf32, #tpu.memory_space<hbm>>) dst(%arg15 : memref<8x80xf32, #tpu.memory_space<vmem>>)
      %scan3A_143 = arith.constant 0 : i32
      %scan3A_144 = arith.constant 0 : i32
      %scan3A_145 = arith.constant 5 : i32
      %scan3A_146 = arith.addi %scan3A_144, %scan3A_145 : i32
      %scan3A_147 = arith.constant 1 : i32
      %scan3A_148 = scf.for %scan3A_158 = %scan3A_144 to %scan3A_146 step %scan3A_147 iter_args(%scan3A_159 = %scan3A_143) -> (i32)  : i32 {
        %mul3A_160 = arith.constant 16 : i32
        %mul3A_161 = arith.muli %scan3A_158, %mul3A_160 : i32
        %add3A_162 = vector.broadcast %mul3A_161 : i32 to vector<16xi32>
        %add3A_163 = arith.addi %iota3A, %add3A_162 : vector<16xi32>
        %mul3A_164 = arith.constant 16 : i32
        %mul3A_165 = arith.muli %scan3A_158, %mul3A_164 : i32
        %get3A = arith.constant 0 : i32
        %get3A_166 = arith.index_cast %get3A : i32 to index
        %get3A_167 = arith.index_cast %mul3A_165 : i32 to index
        %get3A_168 = tpu.vector_load %arg15[%get3A_166, %get3A_167] {strides = array<i32>} : memref<8x80xf32, #tpu.memory_space<vmem>>, vector<16xf32>,
        %mul3A_169 = arith.constant 16 : i32
        %mul3A_170 = arith.muli %scan3A_158, %mul3A_169 : i32
        %get3A_171 = arith.constant 1 : i32
        %get3A_172 = arith.index_cast %get3A_171 : i32 to index
        %get3A_173 = arith.index_cast %mul3A_170 : i32 to index
        %get3A_174 = tpu.vector_load %arg15[%get3A_172, %get3A_173] {strides = array<i32>} : memref<8x80xf32, #tpu.memory_space<vmem>>, vector<16xf32>,
        %mul3A_175 = arith.constant 16 : i32
        %mul3A_176 = arith.muli %scan3A_158, %mul3A_175 : i32
        %get3A_177 = arith.constant 2 : i32
        %get3A_178 = arith.index_cast %get3A_177 : i32 to index
        %get3A_179 = arith.index_cast %mul3A_176 : i32 to index
        %get3A_180 = tpu.vector_load %arg15[%get3A_178, %get3A_179] {strides = array<i32>} : memref<8x80xf32, #tpu.memory_space<vmem>>, vector<16xf32>,
        %mul3A_181 = arith.constant 16 : i32
        %mul3A_182 = arith.muli %scan3A_158, %mul3A_181 : i32
        %get3A_183 = arith.constant 3 : i32
        %get3A_184 = arith.index_cast %get3A_183 : i32 to index
        %get3A_185 = arith.index_cast %mul3A_182 : i32 to index
        %get3A_186 = tpu.vector_load %arg15[%get3A_184, %get3A_185] {strides = array<i32>} : memref<8x80xf32, #tpu.memory_space<vmem>>, vector<16xf32>,
        %mul3A_187 = arith.constant 16 : i32
        %mul3A_188 = arith.muli %scan3A_158, %mul3A_187 : i32
        %get3A_189 = arith.constant 4 : i32
        %get3A_190 = arith.index_cast %get3A_189 : i32 to index
        %get3A_191 = arith.index_cast %mul3A_188 : i32 to index
        %get3A_192 = tpu.vector_load %arg15[%get3A_190, %get3A_191] {strides = array<i32>} : memref<8x80xf32, #tpu.memory_space<vmem>>, vector<16xf32>,
        %mul3A_193 = arith.constant 16 : i32
        %mul3A_194 = arith.muli %scan3A_158, %mul3A_193 : i32
        %get3A_195 = arith.constant 5 : i32
        %get3A_196 = arith.index_cast %get3A_195 : i32 to index
        %get3A_197 = arith.index_cast %mul3A_194 : i32 to index
        %get3A_198 = tpu.vector_load %arg15[%get3A_196, %get3A_197] {strides = array<i32>} : memref<8x80xf32, #tpu.memory_space<vmem>>, vector<16xf32>,
        %mul3A_199 = arith.constant 16 : i32
        %mul3A_200 = arith.muli %scan3A_158, %mul3A_199 : i32
        %get3A_201 = arith.constant 6 : i32
        %get3A_202 = arith.index_cast %get3A_201 : i32 to index
        %get3A_203 = arith.index_cast %mul3A_200 : i32 to index
        %get3A_204 = tpu.vector_load %arg15[%get3A_202, %get3A_203] {strides = array<i32>} : memref<8x80xf32, #tpu.memory_space<vmem>>, vector<16xf32>,
        %mul3A_205 = arith.constant 16 : i32
        %mul3A_206 = arith.muli %scan3A_158, %mul3A_205 : i32
        %get3A_207 = arith.constant 7 : i32
        %get3A_208 = arith.index_cast %get3A_207 : i32 to index
        %get3A_209 = arith.index_cast %mul3A_206 : i32 to index
        %get3A_210 = tpu.vector_load %arg15[%get3A_208, %get3A_209] {strides = array<i32>} : memref<8x80xf32, #tpu.memory_space<vmem>>, vector<16xf32>,
        %scan3A_211 = arith.constant 0 : i32
        %scan3A_212 = arith.constant 0 : i32
        %scan3A_213 = arith.constant 16 : i32
        %scan3A_214 = arith.addi %scan3A_212, %scan3A_213 : i32
        %scan3A_215 = arith.constant 1 : i32
        scf.for %scan3A_218 = %scan3A_212 to %scan3A_214 step %scan3A_215  : i32 {
          %add3A_219 = vector.broadcast %scan3A_218 : i32 to vector<16xi32>
          %add3A_220 = arith.addi %iota3A, %add3A_219 : vector<16xi32>
          %and3A = arith.constant 15 : i32
          %and3A_221 = vector.broadcast %and3A : i32 to vector<16xi32>
          %and3A_222 = arith.andi %add3A_220, %and3A_221 : vector<16xi32>
          %add3A_223 = arith.constant 0 : i32
          %add3A_224 = vector.broadcast %add3A_223 : i32 to vector<16xi32>
          %add3A_225 = arith.addi %and3A_222, %add3A_224 : vector<16xi32>
          %gather3A = tpu.vector_load_idx %arg12[%add3A_163, %add3A_225] : memref<80x128xf32, #tpu.memory_space<vmem>>[vector<16xi32>, vector<16xi32>], vector<16xf32>,
          %mul3A_226 = arith.mulf %gather3A, %get3A_168 : vector<16xf32>
          tpu.vector_store_idx %arg13[%add3A_163, %add3A_225], %mul3A_226 : memref<80x128xf32, #tpu.memory_space<vmem>>[vector<16xi32>, vector<16xi32>], vector<16xf32>,
          %add3A_227 = arith.constant 16 : i32
          %add3A_228 = vector.broadcast %add3A_227 : i32 to vector<16xi32>
          %add3A_229 = arith.addi %and3A_222, %add3A_228 : vector<16xi32>
          %gather3A_230 = tpu.vector_load_idx %arg12[%add3A_163, %add3A_229] : memref<80x128xf32, #tpu.memory_space<vmem>>[vector<16xi32>, vector<16xi32>], vector<16xf32>,
          %mul3A_231 = arith.mulf %gather3A_230, %get3A_174 : vector<16xf32>
          tpu.vector_store_idx %arg13[%add3A_163, %add3A_229], %mul3A_231 : memref<80x128xf32, #tpu.memory_space<vmem>>[vector<16xi32>, vector<16xi32>], vector<16xf32>,
          %add3A_232 = arith.constant 32 : i32
          %add3A_233 = vector.broadcast %add3A_232 : i32 to vector<16xi32>
          %add3A_234 = arith.addi %and3A_222, %add3A_233 : vector<16xi32>
          %gather3A_235 = tpu.vector_load_idx %arg12[%add3A_163, %add3A_234] : memref<80x128xf32, #tpu.memory_space<vmem>>[vector<16xi32>, vector<16xi32>], vector<16xf32>,
          %mul3A_236 = arith.mulf %gather3A_235, %get3A_180 : vector<16xf32>
          tpu.vector_store_idx %arg13[%add3A_163, %add3A_234], %mul3A_236 : memref<80x128xf32, #tpu.memory_space<vmem>>[vector<16xi32>, vector<16xi32>], vector<16xf32>,
          %add3A_237 = arith.constant 48 : i32
          %add3A_238 = vector.broadcast %add3A_237 : i32 to vector<16xi32>
          %add3A_239 = arith.addi %and3A_222, %add3A_238 : vector<16xi32>
          %gather3A_240 = tpu.vector_load_idx %arg12[%add3A_163, %add3A_239] : memref<80x128xf32, #tpu.memory_space<vmem>>[vector<16xi32>, vector<16xi32>], vector<16xf32>,
          %mul3A_241 = arith.mulf %gather3A_240, %get3A_186 : vector<16xf32>
          tpu.vector_store_idx %arg13[%add3A_163, %add3A_239], %mul3A_241 : memref<80x128xf32, #tpu.memory_space<vmem>>[vector<16xi32>, vector<16xi32>], vector<16xf32>,
          %add3A_242 = arith.constant 64 : i32
          %add3A_243 = vector.broadcast %add3A_242 : i32 to vector<16xi32>
          %add3A_244 = arith.addi %and3A_222, %add3A_243 : vector<16xi32>
          %gather3A_245 = tpu.vector_load_idx %arg12[%add3A_163, %add3A_244] : memref<80x128xf32, #tpu.memory_space<vmem>>[vector<16xi32>, vector<16xi32>], vector<16xf32>,
          %mul3A_246 = arith.mulf %gather3A_245, %get3A_192 : vector<16xf32>
          tpu.vector_store_idx %arg13[%add3A_163, %add3A_244], %mul3A_246 : memref<80x128xf32, #tpu.memory_space<vmem>>[vector<16xi32>, vector<16xi32>], vector<16xf32>,
          %add3A_247 = arith.constant 80 : i32
          %add3A_248 = vector.broadcast %add3A_247 : i32 to vector<16xi32>
          %add3A_249 = arith.addi %and3A_222, %add3A_248 : vector<16xi32>
          %gather3A_250 = tpu.vector_load_idx %arg12[%add3A_163, %add3A_249] : memref<80x128xf32, #tpu.memory_space<vmem>>[vector<16xi32>, vector<16xi32>], vector<16xf32>,
          %mul3A_251 = arith.mulf %gather3A_250, %get3A_198 : vector<16xf32>
          tpu.vector_store_idx %arg13[%add3A_163, %add3A_249], %mul3A_251 : memref<80x128xf32, #tpu.memory_space<vmem>>[vector<16xi32>, vector<16xi32>], vector<16xf32>,
          %add3A_252 = arith.constant 96 : i32
          %add3A_253 = vector.broadcast %add3A_252 : i32 to vector<16xi32>
          %add3A_254 = arith.addi %and3A_222, %add3A_253 : vector<16xi32>
          %gather3A_255 = tpu.vector_load_idx %arg12[%add3A_163, %add3A_254] : memref<80x128xf32, #tpu.memory_space<vmem>>[vector<16xi32>, vector<16xi32>], vector<16xf32>,
          %mul3A_256 = arith.mulf %gather3A_255, %get3A_204 : vector<16xf32>
          tpu.vector_store_idx %arg13[%add3A_163, %add3A_254], %mul3A_256 : memref<80x128xf32, #tpu.memory_space<vmem>>[vector<16xi32>, vector<16xi32>], vector<16xf32>,
          %add3A_257 = arith.constant 112 : i32
          %add3A_258 = vector.broadcast %add3A_257 : i32 to vector<16xi32>
          %add3A_259 = arith.addi %and3A_222, %add3A_258 : vector<16xi32>
          %gather3A_260 = tpu.vector_load_idx %arg12[%add3A_163, %add3A_259] : memref<80x128xf32, #tpu.memory_space<vmem>>[vector<16xi32>, vector<16xi32>], vector<16xf32>,
          %mul3A_261 = arith.mulf %gather3A_260, %get3A_210 : vector<16xf32>
          tpu.vector_store_idx %arg13[%add3A_163, %add3A_259], %mul3A_261 : memref<80x128xf32, #tpu.memory_space<vmem>>[vector<16xi32>, vector<16xi32>], vector<16xf32>,
        }
        %scan3A_216 = arith.constant 16 : i32
        %scan3A_217 = arith.constant 0 : i32
        scf.yield %scan3A_217 : i32
      }
      %scan3A_149 = arith.constant 5 : i32
      "tpu.region"() ({
        %run_scoped3A = tpu.sem_alloc : memref<!tpu.dma_semaphore, #tpu.memory_space<semaphore_mem>>
        %dma_start3A_158 = arith.constant 0 : i32
        %dma_start3A_159 = arith.constant 0 : i32
        %dma_start3A_160 = tpu.memref_slice %arg16[%dma_start3A_158, %dma_start3A_159] : memref<10000x128xf32, #tpu.memory_space<vmem_shared>> -> memref<10000x128xf32, #tpu.memory_space<vmem_shared>>
        tpu.enqueue_indirect_dma source(%arg13 : memref<80x128xf32, #tpu.memory_space<vmem>>) target(%dma_start3A_160 : memref<10000x128xf32, #tpu.memory_space<vmem_shared>>) offsets(%arg8 : memref<80xi32, #tpu.memory_space<vmem>>) semaphore(%run_scoped3A : memref<!tpu.dma_semaphore, #tpu.memory_space<semaphore_mem>>) {add = true}
        %dma_wait3A_161 = arith.constant 0 : i32
        %dma_wait3A_162 = arith.constant 0 : i32
        %dma_wait3A_163 = tpu.memref_slice %arg16[%dma_wait3A_161, %dma_wait3A_162] : memref<10000x128xf32, #tpu.memory_space<vmem_shared>> -> memref<10000x128xf32, #tpu.memory_space<vmem_shared>>
        tpu.wait_indirect_dma semaphore(%run_scoped3A : memref<!tpu.dma_semaphore, #tpu.memory_space<semaphore_mem>>) src(%arg13 : memref<80x128xf32, #tpu.memory_space<vmem>>) dst(%dma_wait3A_163 : memref<10000x128xf32, #tpu.memory_space<vmem_shared>>)
        tpu.yield
      }) : () -> ()
      %add3A_150 = arith.constant 2 : i32
      %add3A_151 = arith.addi %add3A_128, %add3A_150 : i32
      %lt3A_152 = arith.constant 125 : i32
      %lt3A_153 = arith.cmpi slt, %add3A_151, %lt3A_152 : i32
      %convert_element_type3A_154 = arith.extui %lt3A_153 : i1 to i32
      %cond3A_155 = arith.constant 0 : i32
      %cond3A_156 = arith.cmpi ne, %convert_element_type3A_154, %cond3A_155 : i32
      scf.if %cond3A_156 {
        %add3A_158 = arith.constant 2 : i32
        %add3A_159 = arith.addi %add3A_128, %add3A_158 : i32
        %scan3A_160 = arith.constant 0 : i32
        %scan3A_161 = arith.constant 0 : i32
        %scan3A_162 = arith.constant 5 : i32
        %scan3A_163 = arith.addi %scan3A_161, %scan3A_162 : i32
        %scan3A_164 = arith.constant 1 : i32
        %scan3A_165 = scf.for %scan3A_181 = %scan3A_161 to %scan3A_163 step %scan3A_164 iter_args(%scan3A_182 = %scan3A_160) -> (i32)  : i32 {
          %mul3A_183 = arith.constant 16 : i32
          %mul3A_184 = arith.muli %scan3A_181, %mul3A_183 : i32
          %get3A = arith.index_cast %add3A_159 : i32 to index
          %get3A_185 = arith.index_cast %mul3A_184 : i32 to index
          %get3A_186 = tpu.vector_load %arg6[%get3A, %get3A_185] {strides = array<i32>} : memref<125x80xi32, #tpu.memory_space<vmem>>, vector<16xi32>,
          %and3A = arith.constant 16383 : i32
          %and3A_187 = vector.broadcast %and3A : i32 to vector<16xi32>
          %and3A_188 = arith.andi %get3A_186, %and3A_187 : vector<16xi32>
          %mul3A_189 = arith.constant 16 : i32
          %mul3A_190 = arith.muli %scan3A_181, %mul3A_189 : i32
          %swap3A = arith.index_cast %mul3A_190 : i32 to index
          %swap3A_191 = tpu.vector_load %arg8[%swap3A] {strides = array<i32>} : memref<80xi32, #tpu.memory_space<vmem>>, vector<16xi32>,
          tpu.vector_store %arg8[%swap3A], %and3A_188 {strides = array<i32>} : memref<80xi32, #tpu.memory_space<vmem>>, vector<16xi32>,
          %shift_right_logical3A = arith.constant 14 : i32
          %shift_right_logical3A_192 = vector.broadcast %shift_right_logical3A : i32 to vector<16xi32>
          %shift_right_logical3A_193 = arith.shrui %get3A_186, %shift_right_logical3A_192 : vector<16xi32>
          %mul3A_194 = arith.constant 16 : i32
          %mul3A_195 = arith.muli %scan3A_181, %mul3A_194 : i32
          %swap3A_196 = arith.index_cast %mul3A_195 : i32 to index
          %swap3A_197 = tpu.vector_load %arg10[%swap3A_196] {strides = array<i32>} : memref<80xi32, #tpu.memory_space<vmem>>, vector<16xi32>,
          tpu.vector_store %arg10[%swap3A_196], %shift_right_logical3A_193 {strides = array<i32>} : memref<80xi32, #tpu.memory_space<vmem>>, vector<16xi32>,
          %scan3A_198 = arith.constant 0 : i32
          scf.yield %scan3A_198 : i32
        }
        %scan3A_166 = arith.constant 5 : i32
        %dma_start3A_167 = arith.constant 0 : i32
        %dma_start3A_168 = arith.constant 0 : i32
        %dma_start3A_169 = tpu.memref_slice %arg2[%dma_start3A_167, %dma_start3A_168] : memref<60000x128xf32, #tpu.memory_space<hbm>> -> memref<60000x128xf32, #tpu.memory_space<hbm>>
        tpu.enqueue_indirect_dma source(%dma_start3A_169 : memref<60000x128xf32, #tpu.memory_space<hbm>>) target(%arg12 : memref<80x128xf32, #tpu.memory_space<vmem>>) offsets(%arg10 : memref<80xi32, #tpu.memory_space<vmem>>) semaphore(%arg18 : memref<!tpu.dma_semaphore, #tpu.memory_space<semaphore_mem>>)
        %mul3A_170 = arith.constant 125 : i32
        %mul3A_171 = arith.muli %add3A, %mul3A_170 : i32
        %add3A_172 = arith.addi %mul3A_171, %add3A_159 : i32
        %dma_start3A_173 = arith.constant 0 : i32
        %dma_start3A_174 = arith.constant 0 : i32
        %dma_start3A_175 = tpu.memref_slice %arg3[%add3A_172, %dma_start3A_173, %dma_start3A_174] : memref<4000x8x80xf32, #tpu.memory_space<hbm>> -> memref<1x8x80xf32, #tpu.memory_space<hbm>>
        %dma_start3A_176 = tpu.memref_squeeze %dma_start3A_175 : memref<1x8x80xf32, #tpu.memory_space<hbm>> -> memref<8x80xf32, #tpu.memory_space<hbm>>
        %dma_start3A_177 = arith.constant 0 : i32
        %dma_start3A_178 = arith.constant 0 : i32
        %dma_start3A_179 = tpu.memref_slice %arg3[%add3A_172, %dma_start3A_177, %dma_start3A_178] : memref<4000x8x80xf32, #tpu.memory_space<hbm>> -> memref<1x8x80xf32, #tpu.memory_space<hbm>>
        %dma_start3A_180 = tpu.memref_squeeze %dma_start3A_179 : memref<1x8x80xf32, #tpu.memory_space<hbm>> -> memref<8x80xf32, #tpu.memory_space<hbm>>
        tpu.enqueue_dma source(%dma_start3A_180 : memref<8x80xf32, #tpu.memory_space<hbm>>) target(%arg15 : memref<8x80xf32, #tpu.memory_space<vmem>>) target_semaphore(%arg18 : memref<!tpu.dma_semaphore, #tpu.memory_space<semaphore_mem>>)
      } else {
      }
      %scan3A_157 = arith.constant 0 : i32
      scf.yield %scan3A_157 : i32
    }
    %scan3A_64 = arith.constant 62 : i32
    %dma_wait3A = arith.constant 0 : i32
    %dma_wait3A_65 = arith.constant 0 : i32
    %dma_wait3A_66 = tpu.memref_slice %arg2[%dma_wait3A, %dma_wait3A_65] : memref<60000x128xf32, #tpu.memory_space<hbm>> -> memref<60000x128xf32, #tpu.memory_space<hbm>>
    tpu.wait_indirect_dma semaphore(%arg17 : memref<!tpu.dma_semaphore, #tpu.memory_space<semaphore_mem>>) src(%dma_wait3A_66 : memref<60000x128xf32, #tpu.memory_space<hbm>>) dst(%arg11 : memref<80x128xf32, #tpu.memory_space<vmem>>)
    %mul3A_67 = arith.constant 125 : i32
    %mul3A_68 = arith.muli %add3A, %mul3A_67 : i32
    %add3A_69 = arith.constant 124 : i32
    %add3A_70 = arith.addi %mul3A_68, %add3A_69 : i32
    %dma_wait3A_71 = arith.constant 0 : i32
    %dma_wait3A_72 = arith.constant 0 : i32
    %dma_wait3A_73 = tpu.memref_slice %arg3[%add3A_70, %dma_wait3A_71, %dma_wait3A_72] : memref<4000x8x80xf32, #tpu.memory_space<hbm>> -> memref<1x8x80xf32, #tpu.memory_space<hbm>>
    %dma_wait3A_74 = tpu.memref_squeeze %dma_wait3A_73 : memref<1x8x80xf32, #tpu.memory_space<hbm>> -> memref<8x80xf32, #tpu.memory_space<hbm>>
    %dma_wait3A_75 = arith.constant 0 : i32
    %dma_wait3A_76 = arith.constant 0 : i32
    %dma_wait3A_77 = tpu.memref_slice %arg3[%add3A_70, %dma_wait3A_75, %dma_wait3A_76] : memref<4000x8x80xf32, #tpu.memory_space<hbm>> -> memref<1x8x80xf32, #tpu.memory_space<hbm>>
    %dma_wait3A_78 = tpu.memref_squeeze %dma_wait3A_77 : memref<1x8x80xf32, #tpu.memory_space<hbm>> -> memref<8x80xf32, #tpu.memory_space<hbm>>
    tpu.wait_dma2 semaphore(%arg17 : memref<!tpu.dma_semaphore, #tpu.memory_space<semaphore_mem>>) src(%dma_wait3A_78 : memref<8x80xf32, #tpu.memory_space<hbm>>) dst(%arg14 : memref<8x80xf32, #tpu.memory_space<vmem>>)
    %scan3A_79 = arith.constant 0 : i32
    %scan3A_80 = arith.constant 0 : i32
    %scan3A_81 = arith.constant 5 : i32
    %scan3A_82 = arith.addi %scan3A_80, %scan3A_81 : i32
    %scan3A_83 = arith.constant 1 : i32
    %scan3A_84 = scf.for %scan3A_94 = %scan3A_80 to %scan3A_82 step %scan3A_83 iter_args(%scan3A_95 = %scan3A_79) -> (i32)  : i32 {
      %mul3A_96 = arith.constant 16 : i32
      %mul3A_97 = arith.muli %scan3A_94, %mul3A_96 : i32
      %add3A_98 = vector.broadcast %mul3A_97 : i32 to vector<16xi32>
      %add3A_99 = arith.addi %iota3A, %add3A_98 : vector<16xi32>
      %mul3A_100 = arith.constant 16 : i32
      %mul3A_101 = arith.muli %scan3A_94, %mul3A_100 : i32
      %get3A = arith.constant 0 : i32
      %get3A_102 = arith.index_cast %get3A : i32 to index
      %get3A_103 = arith.index_cast %mul3A_101 : i32 to index
      %get3A_104 = tpu.vector_load %arg14[%get3A_102, %get3A_103] {strides = array<i32>} : memref<8x80xf32, #tpu.memory_space<vmem>>, vector<16xf32>,
      %mul3A_105 = arith.constant 16 : i32
      %mul3A_106 = arith.muli %scan3A_94, %mul3A_105 : i32
      %get3A_107 = arith.constant 1 : i32
      %get3A_108 = arith.index_cast %get3A_107 : i32 to index
      %get3A_109 = arith.index_cast %mul3A_106 : i32 to index
      %get3A_110 = tpu.vector_load %arg14[%get3A_108, %get3A_109] {strides = array<i32>} : memref<8x80xf32, #tpu.memory_space<vmem>>, vector<16xf32>,
      %mul3A_111 = arith.constant 16 : i32
      %mul3A_112 = arith.muli %scan3A_94, %mul3A_111 : i32
      %get3A_113 = arith.constant 2 : i32
      %get3A_114 = arith.index_cast %get3A_113 : i32 to index
      %get3A_115 = arith.index_cast %mul3A_112 : i32 to index
      %get3A_116 = tpu.vector_load %arg14[%get3A_114, %get3A_115] {strides = array<i32>} : memref<8x80xf32, #tpu.memory_space<vmem>>, vector<16xf32>,
      %mul3A_117 = arith.constant 16 : i32
      %mul3A_118 = arith.muli %scan3A_94, %mul3A_117 : i32
      %get3A_119 = arith.constant 3 : i32
      %get3A_120 = arith.index_cast %get3A_119 : i32 to index
      %get3A_121 = arith.index_cast %mul3A_118 : i32 to index
      %get3A_122 = tpu.vector_load %arg14[%get3A_120, %get3A_121] {strides = array<i32>} : memref<8x80xf32, #tpu.memory_space<vmem>>, vector<16xf32>,
      %mul3A_123 = arith.constant 16 : i32
      %mul3A_124 = arith.muli %scan3A_94, %mul3A_123 : i32
      %get3A_125 = arith.constant 4 : i32
      %get3A_126 = arith.index_cast %get3A_125 : i32 to index
      %get3A_127 = arith.index_cast %mul3A_124 : i32 to index
      %get3A_128 = tpu.vector_load %arg14[%get3A_126, %get3A_127] {strides = array<i32>} : memref<8x80xf32, #tpu.memory_space<vmem>>, vector<16xf32>,
      %mul3A_129 = arith.constant 16 : i32
      %mul3A_130 = arith.muli %scan3A_94, %mul3A_129 : i32
      %get3A_131 = arith.constant 5 : i32
      %get3A_132 = arith.index_cast %get3A_131 : i32 to index
      %get3A_133 = arith.index_cast %mul3A_130 : i32 to index
      %get3A_134 = tpu.vector_load %arg14[%get3A_132, %get3A_133] {strides = array<i32>} : memref<8x80xf32, #tpu.memory_space<vmem>>, vector<16xf32>,
      %mul3A_135 = arith.constant 16 : i32
      %mul3A_136 = arith.muli %scan3A_94, %mul3A_135 : i32
      %get3A_137 = arith.constant 6 : i32
      %get3A_138 = arith.index_cast %get3A_137 : i32 to index
      %get3A_139 = arith.index_cast %mul3A_136 : i32 to index
      %get3A_140 = tpu.vector_load %arg14[%get3A_138, %get3A_139] {strides = array<i32>} : memref<8x80xf32, #tpu.memory_space<vmem>>, vector<16xf32>,
      %mul3A_141 = arith.constant 16 : i32
      %mul3A_142 = arith.muli %scan3A_94, %mul3A_141 : i32
      %get3A_143 = arith.constant 7 : i32
      %get3A_144 = arith.index_cast %get3A_143 : i32 to index
      %get3A_145 = arith.index_cast %mul3A_142 : i32 to index
      %get3A_146 = tpu.vector_load %arg14[%get3A_144, %get3A_145] {strides = array<i32>} : memref<8x80xf32, #tpu.memory_space<vmem>>, vector<16xf32>,
      %scan3A_147 = arith.constant 0 : i32
      %scan3A_148 = arith.constant 0 : i32
      %scan3A_149 = arith.constant 16 : i32
      %scan3A_150 = arith.addi %scan3A_148, %scan3A_149 : i32
      %scan3A_151 = arith.constant 1 : i32
      scf.for %scan3A_154 = %scan3A_148 to %scan3A_150 step %scan3A_151  : i32 {
        %add3A_155 = vector.broadcast %scan3A_154 : i32 to vector<16xi32>
        %add3A_156 = arith.addi %iota3A, %add3A_155 : vector<16xi32>
        %and3A = arith.constant 15 : i32
        %and3A_157 = vector.broadcast %and3A : i32 to vector<16xi32>
        %and3A_158 = arith.andi %add3A_156, %and3A_157 : vector<16xi32>
        %add3A_159 = arith.constant 0 : i32
        %add3A_160 = vector.broadcast %add3A_159 : i32 to vector<16xi32>
        %add3A_161 = arith.addi %and3A_158, %add3A_160 : vector<16xi32>
        %gather3A = tpu.vector_load_idx %arg11[%add3A_99, %add3A_161] : memref<80x128xf32, #tpu.memory_space<vmem>>[vector<16xi32>, vector<16xi32>], vector<16xf32>,
        %mul3A_162 = arith.mulf %gather3A, %get3A_104 : vector<16xf32>
        tpu.vector_store_idx %arg13[%add3A_99, %add3A_161], %mul3A_162 : memref<80x128xf32, #tpu.memory_space<vmem>>[vector<16xi32>, vector<16xi32>], vector<16xf32>,
        %add3A_163 = arith.constant 16 : i32
        %add3A_164 = vector.broadcast %add3A_163 : i32 to vector<16xi32>
        %add3A_165 = arith.addi %and3A_158, %add3A_164 : vector<16xi32>
        %gather3A_166 = tpu.vector_load_idx %arg11[%add3A_99, %add3A_165] : memref<80x128xf32, #tpu.memory_space<vmem>>[vector<16xi32>, vector<16xi32>], vector<16xf32>,
        %mul3A_167 = arith.mulf %gather3A_166, %get3A_110 : vector<16xf32>
        tpu.vector_store_idx %arg13[%add3A_99, %add3A_165], %mul3A_167 : memref<80x128xf32, #tpu.memory_space<vmem>>[vector<16xi32>, vector<16xi32>], vector<16xf32>,
        %add3A_168 = arith.constant 32 : i32
        %add3A_169 = vector.broadcast %add3A_168 : i32 to vector<16xi32>
        %add3A_170 = arith.addi %and3A_158, %add3A_169 : vector<16xi32>
        %gather3A_171 = tpu.vector_load_idx %arg11[%add3A_99, %add3A_170] : memref<80x128xf32, #tpu.memory_space<vmem>>[vector<16xi32>, vector<16xi32>], vector<16xf32>,
        %mul3A_172 = arith.mulf %gather3A_171, %get3A_116 : vector<16xf32>
        tpu.vector_store_idx %arg13[%add3A_99, %add3A_170], %mul3A_172 : memref<80x128xf32, #tpu.memory_space<vmem>>[vector<16xi32>, vector<16xi32>], vector<16xf32>,
        %add3A_173 = arith.constant 48 : i32
        %add3A_174 = vector.broadcast %add3A_173 : i32 to vector<16xi32>
        %add3A_175 = arith.addi %and3A_158, %add3A_174 : vector<16xi32>
        %gather3A_176 = tpu.vector_load_idx %arg11[%add3A_99, %add3A_175] : memref<80x128xf32, #tpu.memory_space<vmem>>[vector<16xi32>, vector<16xi32>], vector<16xf32>,
        %mul3A_177 = arith.mulf %gather3A_176, %get3A_122 : vector<16xf32>
        tpu.vector_store_idx %arg13[%add3A_99, %add3A_175], %mul3A_177 : memref<80x128xf32, #tpu.memory_space<vmem>>[vector<16xi32>, vector<16xi32>], vector<16xf32>,
        %add3A_178 = arith.constant 64 : i32
        %add3A_179 = vector.broadcast %add3A_178 : i32 to vector<16xi32>
        %add3A_180 = arith.addi %and3A_158, %add3A_179 : vector<16xi32>
        %gather3A_181 = tpu.vector_load_idx %arg11[%add3A_99, %add3A_180] : memref<80x128xf32, #tpu.memory_space<vmem>>[vector<16xi32>, vector<16xi32>], vector<16xf32>,
        %mul3A_182 = arith.mulf %gather3A_181, %get3A_128 : vector<16xf32>
        tpu.vector_store_idx %arg13[%add3A_99, %add3A_180], %mul3A_182 : memref<80x128xf32, #tpu.memory_space<vmem>>[vector<16xi32>, vector<16xi32>], vector<16xf32>,
        %add3A_183 = arith.constant 80 : i32
        %add3A_184 = vector.broadcast %add3A_183 : i32 to vector<16xi32>
        %add3A_185 = arith.addi %and3A_158, %add3A_184 : vector<16xi32>
        %gather3A_186 = tpu.vector_load_idx %arg11[%add3A_99, %add3A_185] : memref<80x128xf32, #tpu.memory_space<vmem>>[vector<16xi32>, vector<16xi32>], vector<16xf32>,
        %mul3A_187 = arith.mulf %gather3A_186, %get3A_134 : vector<16xf32>
        tpu.vector_store_idx %arg13[%add3A_99, %add3A_185], %mul3A_187 : memref<80x128xf32, #tpu.memory_space<vmem>>[vector<16xi32>, vector<16xi32>], vector<16xf32>,
        %add3A_188 = arith.constant 96 : i32
        %add3A_189 = vector.broadcast %add3A_188 : i32 to vector<16xi32>
        %add3A_190 = arith.addi %and3A_158, %add3A_189 : vector<16xi32>
        %gather3A_191 = tpu.vector_load_idx %arg11[%add3A_99, %add3A_190] : memref<80x128xf32, #tpu.memory_space<vmem>>[vector<16xi32>, vector<16xi32>], vector<16xf32>,
        %mul3A_192 = arith.mulf %gather3A_191, %get3A_140 : vector<16xf32>
        tpu.vector_store_idx %arg13[%add3A_99, %add3A_190], %mul3A_192 : memref<80x128xf32, #tpu.memory_space<vmem>>[vector<16xi32>, vector<16xi32>], vector<16xf32>,
        %add3A_193 = arith.constant 112 : i32
        %add3A_194 = vector.broadcast %add3A_193 : i32 to vector<16xi32>
        %add3A_195 = arith.addi %and3A_158, %add3A_194 : vector<16xi32>
        %gather3A_196 = tpu.vector_load_idx %arg11[%add3A_99, %add3A_195] : memref<80x128xf32, #tpu.memory_space<vmem>>[vector<16xi32>, vector<16xi32>], vector<16xf32>,
        %mul3A_197 = arith.mulf %gather3A_196, %get3A_146 : vector<16xf32>
        tpu.vector_store_idx %arg13[%add3A_99, %add3A_195], %mul3A_197 : memref<80x128xf32, #tpu.memory_space<vmem>>[vector<16xi32>, vector<16xi32>], vector<16xf32>,
      }
      %scan3A_152 = arith.constant 16 : i32
      %scan3A_153 = arith.constant 0 : i32
      scf.yield %scan3A_153 : i32
    }
    %scan3A_85 = arith.constant 5 : i32
    "tpu.region"() ({
      %run_scoped3A = tpu.sem_alloc : memref<!tpu.dma_semaphore, #tpu.memory_space<semaphore_mem>>
      %dma_start3A_94 = arith.constant 0 : i32
      %dma_start3A_95 = arith.constant 0 : i32
      %dma_start3A_96 = tpu.memref_slice %arg16[%dma_start3A_94, %dma_start3A_95] : memref<10000x128xf32, #tpu.memory_space<vmem_shared>> -> memref<10000x128xf32, #tpu.memory_space<vmem_shared>>
      tpu.enqueue_indirect_dma source(%arg13 : memref<80x128xf32, #tpu.memory_space<vmem>>) target(%dma_start3A_96 : memref<10000x128xf32, #tpu.memory_space<vmem_shared>>) offsets(%arg7 : memref<80xi32, #tpu.memory_space<vmem>>) semaphore(%run_scoped3A : memref<!tpu.dma_semaphore, #tpu.memory_space<semaphore_mem>>) {add = true}
      %dma_wait3A_97 = arith.constant 0 : i32
      %dma_wait3A_98 = arith.constant 0 : i32
      %dma_wait3A_99 = tpu.memref_slice %arg16[%dma_wait3A_97, %dma_wait3A_98] : memref<10000x128xf32, #tpu.memory_space<vmem_shared>> -> memref<10000x128xf32, #tpu.memory_space<vmem_shared>>
      tpu.wait_indirect_dma semaphore(%run_scoped3A : memref<!tpu.dma_semaphore, #tpu.memory_space<semaphore_mem>>) src(%arg13 : memref<80x128xf32, #tpu.memory_space<vmem>>) dst(%dma_wait3A_99 : memref<10000x128xf32, #tpu.memory_space<vmem_shared>>)
      tpu.yield
    }) : () -> ()
    %barrier3A_86 = arith.constant 0 : index
    tpu.barrier barrier_id(%barrier3A_86)
    %scan3A_87 = arith.constant 0 : i32
    %scan3A_88 = arith.constant 0 : i32
    %scan3A_89 = arith.constant 125 : i32
    %scan3A_90 = arith.addi %scan3A_88, %scan3A_89 : i32
    %scan3A_91 = arith.constant 1 : i32
    %scan3A_92 = scf.for %scan3A_94 = %scan3A_88 to %scan3A_90 step %scan3A_91 iter_args(%scan3A_95 = %scan3A_87) -> (i32)  : i32 {
      %jit3A = arith.constant 16 : i32
      %eq3A = arith.constant 0 : i32
      %eq3A_96 = arith.cmpi eq, %jit3A, %eq3A : i32
      %jit3A_97 = arith.constant 1 : i32
      %select_n3A = arith.select %eq3A_96, %jit3A_97, %jit3A : i32
      %rem3A = arith.remsi %scan3A_94, %select_n3A : i32
      %ne3A = arith.constant 0 : i32
      %ne3A_98 = arith.cmpi ne, %rem3A, %ne3A : i32
      %lt3A = arith.constant 0 : i32
      %lt3A_99 = arith.cmpi slt, %rem3A, %lt3A : i32
      %lt3A_100 = arith.constant 0 : i32
      %lt3A_101 = arith.cmpi slt, %select_n3A, %lt3A_100 : i32
      %ne3A_102 = arith.xori %lt3A_99, %lt3A_101 : i1
      %and3A = arith.andi %ne3A_102, %ne3A_98 : i1
      %add3A_103 = arith.addi %rem3A, %select_n3A : i32
      %select_n3A_104 = arith.select %and3A, %add3A_103, %rem3A : i32
      %eq3A_105 = arith.cmpi eq, %select_n3A_104, %arg1 : i32
      %convert_element_type3A = arith.extui %eq3A_105 : i1 to i32
      %cond3A = arith.constant 0 : i32
      %cond3A_106 = arith.cmpi ne, %convert_element_type3A, %cond3A : i32
      scf.if %cond3A_106 {
        %mul3A_108 = arith.constant 80 : i32
        %mul3A_109 = arith.muli %scan3A_94, %mul3A_108 : i32
        %mul3A_110 = arith.constant 10000 : i32
        %mul3A_111 = arith.muli %arg0, %mul3A_110 : i32
        %mul3A_112 = arith.constant 80 : i32
        %mul3A_113 = arith.muli %scan3A_94, %mul3A_112 : i32
        %add3A_114 = arith.addi %mul3A_111, %mul3A_113 : i32
        "tpu.region"() ({
          %run_scoped3A = tpu.sem_alloc : memref<!tpu.dma_semaphore, #tpu.memory_space<semaphore_mem>>
          %dma_start3A_115 = arith.constant 0 : i32
          %dma_start3A_116 = tpu.memref_slice %arg5[%add3A_114, %dma_start3A_115] : memref<20000x128xf32, #tpu.memory_space<hbm>> -> memref<80x128xf32, #tpu.memory_space<hbm>>
          %dma_start3A_117 = arith.constant 0 : i32
          %dma_start3A_118 = tpu.memref_slice %arg16[%mul3A_109, %dma_start3A_117] : memref<10000x128xf32, #tpu.memory_space<vmem_shared>> -> memref<80x128xf32, #tpu.memory_space<vmem_shared>>
          tpu.enqueue_dma source(%dma_start3A_118 : memref<80x128xf32, #tpu.memory_space<vmem_shared>>) target(%dma_start3A_116 : memref<80x128xf32, #tpu.memory_space<hbm>>) target_semaphore(%run_scoped3A : memref<!tpu.dma_semaphore, #tpu.memory_space<semaphore_mem>>)
          %dma_wait3A_119 = arith.constant 0 : i32
          %dma_wait3A_120 = tpu.memref_slice %arg5[%add3A_114, %dma_wait3A_119] : memref<20000x128xf32, #tpu.memory_space<hbm>> -> memref<80x128xf32, #tpu.memory_space<hbm>>
          %dma_wait3A_121 = arith.constant 0 : i32
          %dma_wait3A_122 = tpu.memref_slice %arg16[%mul3A_109, %dma_wait3A_121] : memref<10000x128xf32, #tpu.memory_space<vmem_shared>> -> memref<80x128xf32, #tpu.memory_space<vmem_shared>>
          tpu.wait_dma2 semaphore(%run_scoped3A : memref<!tpu.dma_semaphore, #tpu.memory_space<semaphore_mem>>) src(%dma_wait3A_122 : memref<80x128xf32, #tpu.memory_space<vmem_shared>>) dst(%dma_wait3A_120 : memref<80x128xf32, #tpu.memory_space<hbm>>)
          tpu.yield
        }) : () -> ()
      } else {
      }
      %scan3A_107 = arith.constant 0 : i32
      scf.yield %scan3A_107 : i32
    }
    %scan3A_93 = arith.constant 125 : i32
    return
  }
}

module attributes {stable_mosaic.version = 14 : i64} {
  func.func @_proj_body(%arg0: i32, %arg1: i32, %arg2: memref<400x128xf32, #tpu.memory_space<vmem>>, %arg3: memref<400x128xi32, #tpu.memory_space<vmem>>, %arg4: memref<3x128x128xf32, #tpu.memory_space<vmem>>, %arg5: memref<3x128xf32, #tpu.memory_space<vmem>>, %arg6: memref<3x128x128xf32, #tpu.memory_space<vmem>>, %arg7: memref<3x128xf32, #tpu.memory_space<vmem>>, %arg8: memref<3x128x128xf32, #tpu.memory_space<vmem>>, %arg9: memref<3x128xf32, #tpu.memory_space<vmem>>, %arg10: memref<1x128x128xf32, #tpu.memory_space<vmem>>, %arg11: memref<1x128x128xf32, #tpu.memory_space<vmem>>, %arg12: memref<160x80xi32, #tpu.memory_space<vmem>>, %arg13: memref<160x80xi32, #tpu.memory_space<vmem>>, %arg14: memref<160x80xi32, #tpu.memory_space<vmem>>, %arg15: memref<400x128xf32, #tpu.memory_space<vmem>>, %arg16: memref<1x400x128xf32, #tpu.memory_space<vmem>>, %arg17: memref<1x400x128xf32, #tpu.memory_space<vmem>>, %arg18: memref<160x80xi32, #tpu.memory_space<vmem>>, %arg19: memref<400x128xf32, #tpu.memory_space<vmem>>, %arg20: memref<400x128xf32, #tpu.memory_space<vmem>>, %arg21: memref<400x128xf32, #tpu.memory_space<vmem>>) attributes {dimension_semantics = [#tpu.dimension_semantics<arbitrary>, #tpu.dimension_semantics<arbitrary>], iteration_bounds = array<i64: 25, 6>, scalar_prefetch = 0 : i64, scratch_operands = 3 : i64, tpu.core_type = #tpu.core_type<tc>, window_params = [{transform_indices = @transform_0, window_bounds = array<i64: 400, 128>}, {transform_indices = @transform_1, window_bounds = array<i64: 400, 128>}, {pipeline_mode = #tpu.pipeline_mode<synchronous>, transform_indices = @transform_2, window_bounds = array<i64: 3, 128, 128>}, {pipeline_mode = #tpu.pipeline_mode<synchronous>, transform_indices = @transform_3, window_bounds = array<i64: 3, 128>}, {pipeline_mode = #tpu.pipeline_mode<synchronous>, transform_indices = @transform_4, window_bounds = array<i64: 3, 128, 128>}, {pipeline_mode = #tpu.pipeline_mode<synchronous>, transform_indices = @transform_5, window_bounds = array<i64: 3, 128>}, {pipeline_mode = #tpu.pipeline_mode<synchronous>, transform_indices = @transform_6, window_bounds = array<i64: 3, 128, 128>}, {pipeline_mode = #tpu.pipeline_mode<synchronous>, transform_indices = @transform_7, window_bounds = array<i64: 3, 128>}, {transform_indices = @transform_8, window_bounds = array<i64: 1, 128, 128>}, {transform_indices = @transform_9, window_bounds = array<i64: 1, 128, 128>}, {transform_indices = @transform_10, window_bounds = array<i64: 160, 80>}, {transform_indices = @transform_11, window_bounds = array<i64: 160, 80>}, {transform_indices = @transform_12, window_bounds = array<i64: 160, 80>}, {transform_indices = @transform_13, window_bounds = array<i64: 400, 128>}, {transform_indices = @transform_14, window_bounds = array<i64: 1, 400, 128>}, {transform_indices = @transform_15, window_bounds = array<i64: 1, 400, 128>}, {transform_indices = @transform_16, window_bounds = array<i64: 160, 80>}]} {
    %eq3A = arith.constant 0 : i32
    %eq3A_0 = arith.cmpi eq, %arg1, %eq3A : i32
    %convert_element_type3A = arith.extui %eq3A_0 : i1 to i32
    %cond3A = arith.constant 0 : i32
    %cond3A_1 = arith.cmpi ne, %convert_element_type3A, %cond3A : i32
    scf.if %cond3A_1 {
      %get3A_37 = arith.constant 0 : index
      %get3A_38 = arith.constant 0 : index
      %get3A_39 = vector.load %arg12[%get3A_37, %get3A_38] : memref<160x80xi32, #tpu.memory_space<vmem>>, vector<160x80xi32>
      %mul3A = arith.constant 10000 : i32
      %mul3A_40 = vector.broadcast %mul3A : i32 to vector<160x80xi32>
      %mul3A_41 = arith.muli %get3A_39, %mul3A_40 : vector<160x80xi32>
      %get3A_42 = arith.constant 0 : index
      %get3A_43 = arith.constant 0 : index
      %get3A_44 = vector.load %arg13[%get3A_42, %get3A_43] : memref<160x80xi32, #tpu.memory_space<vmem>>, vector<160x80xi32>
      %add3A = arith.addi %mul3A_41, %get3A_44 : vector<160x80xi32>
      %mul3A_45 = arith.constant 16384 : i32
      %mul3A_46 = vector.broadcast %mul3A_45 : i32 to vector<160x80xi32>
      %mul3A_47 = arith.muli %add3A, %mul3A_46 : vector<160x80xi32>
      %get3A_48 = arith.constant 0 : index
      %get3A_49 = arith.constant 0 : index
      %get3A_50 = vector.load %arg14[%get3A_48, %get3A_49] : memref<160x80xi32, #tpu.memory_space<vmem>>, vector<160x80xi32>
      %add3A_51 = arith.addi %mul3A_47, %get3A_50 : vector<160x80xi32>
      %swap3A_52 = arith.constant 0 : index
      %swap3A_53 = arith.constant 0 : index
      %swap3A_54 = vector.load %arg18[%swap3A_52, %swap3A_53] : memref<160x80xi32, #tpu.memory_space<vmem>>, vector<160x80xi32>
      tpu.vector_store %arg18[%swap3A_52, %swap3A_53], %add3A_51 {strides = array<i32>} : memref<160x80xi32, #tpu.memory_space<vmem>>, vector<160x80xi32>,
      %get3A_55 = arith.constant 0 : index
      %get3A_56 = arith.constant 0 : index
      %get3A_57 = vector.load %arg2[%get3A_55, %get3A_56] : memref<400x128xf32, #tpu.memory_space<vmem>>, vector<400x128xf32>
      %get3A_58 = arith.constant 0 : index
      %get3A_59 = arith.constant 0 : index
      %get3A_60 = vector.load %arg3[%get3A_58, %get3A_59] : memref<400x128xi32, #tpu.memory_space<vmem>>, vector<400x128xi32>
      %broadcast_in_dim3A = arith.constant 0.000000e+00 : f32
      %broadcast_in_dim3A_61 = vector.broadcast %broadcast_in_dim3A : f32 to vector<400x128xf32>
      %broadcast_in_dim3A_62 = arith.constant 0.000000e+00 : f32
      %broadcast_in_dim3A_63 = vector.broadcast %broadcast_in_dim3A_62 : f32 to vector<400x128xf32>
      %broadcast_in_dim3A_64 = arith.constant 0.000000e+00 : f32
      %broadcast_in_dim3A_65 = vector.broadcast %broadcast_in_dim3A_64 : f32 to vector<400x128xf32>
      %eq3A_66 = arith.constant 0 : i32
      %eq3A_67 = vector.broadcast %eq3A_66 : i32 to vector<400x128xi32>
      %eq3A_68 = arith.cmpi eq, %get3A_60, %eq3A_67 : vector<400x128xi32>
      %get3A_69 = arith.constant 0 : index
      %get3A_70 = arith.constant 0 : index
      %get3A_71 = arith.constant 0 : index
      %get3A_72 = vector.load %arg4[%get3A_69, %get3A_70, %get3A_71] : memref<3x128x128xf32, #tpu.memory_space<vmem>>, vector<1x128x128xf32>
      %get3A_73 = vector.shape_cast %get3A_72 : vector<1x128x128xf32> to vector<128x128xf32>
      %dot_general3A_74 = arith.constant dense<0.000000e+00> : vector<400x128xf32>
      %dot_general3A_75 = tpu.matmul %get3A_57, %get3A_73, %dot_general3A_74 {dimension_numbers = #tpu.dot_dimension_numbers<[1], [1], [0], [0], [0, 0, 1, 0], [], []>, transpose_lhs_hint = false} : vector<400x128xf32>, vector<128x128xf32>, vector<400x128xf32> -> vector<400x128xf32>
      %get3A_76 = arith.constant 0 : index
      %get3A_77 = arith.constant 0 : index
      %get3A_78 = vector.load %arg5[%get3A_76, %get3A_77] : memref<3x128xf32, #tpu.memory_space<vmem>>, vector<1x128xf32>
      %add3A_79 = vector.broadcast %get3A_78 : vector<1x128xf32> to vector<400x128xf32>
      %add3A_80 = arith.addf %dot_general3A_75, %add3A_79 : vector<400x128xf32>
      %select_n3A = arith.select %eq3A_68, %add3A_80, %broadcast_in_dim3A_61 : vector<400x128xi1>, vector<400x128xf32>
      %get3A_81 = arith.constant 0 : index
      %get3A_82 = arith.constant 0 : index
      %get3A_83 = arith.constant 0 : index
      %get3A_84 = vector.load %arg6[%get3A_81, %get3A_82, %get3A_83] : memref<3x128x128xf32, #tpu.memory_space<vmem>>, vector<1x128x128xf32>
      %get3A_85 = vector.shape_cast %get3A_84 : vector<1x128x128xf32> to vector<128x128xf32>
      %dot_general3A_86 = arith.constant dense<0.000000e+00> : vector<400x128xf32>
      %dot_general3A_87 = tpu.matmul %get3A_57, %get3A_85, %dot_general3A_86 {dimension_numbers = #tpu.dot_dimension_numbers<[1], [1], [0], [0], [0, 0, 1, 0], [], []>, transpose_lhs_hint = false} : vector<400x128xf32>, vector<128x128xf32>, vector<400x128xf32> -> vector<400x128xf32>
      %get3A_88 = arith.constant 0 : index
      %get3A_89 = arith.constant 0 : index
      %get3A_90 = vector.load %arg7[%get3A_88, %get3A_89] : memref<3x128xf32, #tpu.memory_space<vmem>>, vector<1x128xf32>
      %add3A_91 = vector.broadcast %get3A_90 : vector<1x128xf32> to vector<400x128xf32>
      %add3A_92 = arith.addf %dot_general3A_87, %add3A_91 : vector<400x128xf32>
      %select_n3A_93 = arith.select %eq3A_68, %add3A_92, %broadcast_in_dim3A_63 : vector<400x128xi1>, vector<400x128xf32>
      %get3A_94 = arith.constant 0 : index
      %get3A_95 = arith.constant 0 : index
      %get3A_96 = arith.constant 0 : index
      %get3A_97 = vector.load %arg8[%get3A_94, %get3A_95, %get3A_96] : memref<3x128x128xf32, #tpu.memory_space<vmem>>, vector<1x128x128xf32>
      %get3A_98 = vector.shape_cast %get3A_97 : vector<1x128x128xf32> to vector<128x128xf32>
      %dot_general3A_99 = arith.constant dense<0.000000e+00> : vector<400x128xf32>
      %dot_general3A_100 = tpu.matmul %get3A_57, %get3A_98, %dot_general3A_99 {dimension_numbers = #tpu.dot_dimension_numbers<[1], [1], [0], [0], [0, 0, 1, 0], [], []>, transpose_lhs_hint = false} : vector<400x128xf32>, vector<128x128xf32>, vector<400x128xf32> -> vector<400x128xf32>
      %get3A_101 = arith.constant 0 : index
      %get3A_102 = arith.constant 0 : index
      %get3A_103 = vector.load %arg9[%get3A_101, %get3A_102] : memref<3x128xf32, #tpu.memory_space<vmem>>, vector<1x128xf32>
      %add3A_104 = vector.broadcast %get3A_103 : vector<1x128xf32> to vector<400x128xf32>
      %add3A_105 = arith.addf %dot_general3A_100, %add3A_104 : vector<400x128xf32>
      %select_n3A_106 = arith.select %eq3A_68, %add3A_105, %broadcast_in_dim3A_65 : vector<400x128xi1>, vector<400x128xf32>
      %eq3A_107 = arith.constant 1 : i32
      %eq3A_108 = vector.broadcast %eq3A_107 : i32 to vector<400x128xi32>
      %eq3A_109 = arith.cmpi eq, %get3A_60, %eq3A_108 : vector<400x128xi32>
      %get3A_110 = arith.constant 1 : index
      %get3A_111 = arith.constant 0 : index
      %get3A_112 = arith.constant 0 : index
      %get3A_113 = vector.load %arg4[%get3A_110, %get3A_111, %get3A_112] : memref<3x128x128xf32, #tpu.memory_space<vmem>>, vector<1x128x128xf32>
      %get3A_114 = vector.shape_cast %get3A_113 : vector<1x128x128xf32> to vector<128x128xf32>
      %dot_general3A_115 = arith.constant dense<0.000000e+00> : vector<400x128xf32>
      %dot_general3A_116 = tpu.matmul %get3A_57, %get3A_114, %dot_general3A_115 {dimension_numbers = #tpu.dot_dimension_numbers<[1], [1], [0], [0], [0, 0, 1, 0], [], []>, transpose_lhs_hint = false} : vector<400x128xf32>, vector<128x128xf32>, vector<400x128xf32> -> vector<400x128xf32>
      %get3A_117 = arith.constant 1 : index
      %get3A_118 = arith.constant 0 : index
      %get3A_119 = vector.load %arg5[%get3A_117, %get3A_118] : memref<3x128xf32, #tpu.memory_space<vmem>>, vector<1x128xf32>
      %add3A_120 = vector.broadcast %get3A_119 : vector<1x128xf32> to vector<400x128xf32>
      %add3A_121 = arith.addf %dot_general3A_116, %add3A_120 : vector<400x128xf32>
      %select_n3A_122 = arith.select %eq3A_109, %add3A_121, %select_n3A : vector<400x128xi1>, vector<400x128xf32>
      %get3A_123 = arith.constant 1 : index
      %get3A_124 = arith.constant 0 : index
      %get3A_125 = arith.constant 0 : index
      %get3A_126 = vector.load %arg6[%get3A_123, %get3A_124, %get3A_125] : memref<3x128x128xf32, #tpu.memory_space<vmem>>, vector<1x128x128xf32>
      %get3A_127 = vector.shape_cast %get3A_126 : vector<1x128x128xf32> to vector<128x128xf32>
      %dot_general3A_128 = arith.constant dense<0.000000e+00> : vector<400x128xf32>
      %dot_general3A_129 = tpu.matmul %get3A_57, %get3A_127, %dot_general3A_128 {dimension_numbers = #tpu.dot_dimension_numbers<[1], [1], [0], [0], [0, 0, 1, 0], [], []>, transpose_lhs_hint = false} : vector<400x128xf32>, vector<128x128xf32>, vector<400x128xf32> -> vector<400x128xf32>
      %get3A_130 = arith.constant 1 : index
      %get3A_131 = arith.constant 0 : index
      %get3A_132 = vector.load %arg7[%get3A_130, %get3A_131] : memref<3x128xf32, #tpu.memory_space<vmem>>, vector<1x128xf32>
      %add3A_133 = vector.broadcast %get3A_132 : vector<1x128xf32> to vector<400x128xf32>
      %add3A_134 = arith.addf %dot_general3A_129, %add3A_133 : vector<400x128xf32>
      %select_n3A_135 = arith.select %eq3A_109, %add3A_134, %select_n3A_93 : vector<400x128xi1>, vector<400x128xf32>
      %get3A_136 = arith.constant 1 : index
      %get3A_137 = arith.constant 0 : index
      %get3A_138 = arith.constant 0 : index
      %get3A_139 = vector.load %arg8[%get3A_136, %get3A_137, %get3A_138] : memref<3x128x128xf32, #tpu.memory_space<vmem>>, vector<1x128x128xf32>
      %get3A_140 = vector.shape_cast %get3A_139 : vector<1x128x128xf32> to vector<128x128xf32>
      %dot_general3A_141 = arith.constant dense<0.000000e+00> : vector<400x128xf32>
      %dot_general3A_142 = tpu.matmul %get3A_57, %get3A_140, %dot_general3A_141 {dimension_numbers = #tpu.dot_dimension_numbers<[1], [1], [0], [0], [0, 0, 1, 0], [], []>, transpose_lhs_hint = false} : vector<400x128xf32>, vector<128x128xf32>, vector<400x128xf32> -> vector<400x128xf32>
      %get3A_143 = arith.constant 1 : index
      %get3A_144 = arith.constant 0 : index
      %get3A_145 = vector.load %arg9[%get3A_143, %get3A_144] : memref<3x128xf32, #tpu.memory_space<vmem>>, vector<1x128xf32>
      %add3A_146 = vector.broadcast %get3A_145 : vector<1x128xf32> to vector<400x128xf32>
      %add3A_147 = arith.addf %dot_general3A_142, %add3A_146 : vector<400x128xf32>
      %select_n3A_148 = arith.select %eq3A_109, %add3A_147, %select_n3A_106 : vector<400x128xi1>, vector<400x128xf32>
      %eq3A_149 = arith.constant 2 : i32
      %eq3A_150 = vector.broadcast %eq3A_149 : i32 to vector<400x128xi32>
      %eq3A_151 = arith.cmpi eq, %get3A_60, %eq3A_150 : vector<400x128xi32>
      %get3A_152 = arith.constant 2 : index
      %get3A_153 = arith.constant 0 : index
      %get3A_154 = arith.constant 0 : index
      %get3A_155 = vector.load %arg4[%get3A_152, %get3A_153, %get3A_154] : memref<3x128x128xf32, #tpu.memory_space<vmem>>, vector<1x128x128xf32>
      %get3A_156 = vector.shape_cast %get3A_155 : vector<1x128x128xf32> to vector<128x128xf32>
      %dot_general3A_157 = arith.constant dense<0.000000e+00> : vector<400x128xf32>
      %dot_general3A_158 = tpu.matmul %get3A_57, %get3A_156, %dot_general3A_157 {dimension_numbers = #tpu.dot_dimension_numbers<[1], [1], [0], [0], [0, 0, 1, 0], [], []>, transpose_lhs_hint = false} : vector<400x128xf32>, vector<128x128xf32>, vector<400x128xf32> -> vector<400x128xf32>
      %get3A_159 = arith.constant 2 : index
      %get3A_160 = arith.constant 0 : index
      %get3A_161 = vector.load %arg5[%get3A_159, %get3A_160] : memref<3x128xf32, #tpu.memory_space<vmem>>, vector<1x128xf32>
      %add3A_162 = vector.broadcast %get3A_161 : vector<1x128xf32> to vector<400x128xf32>
      %add3A_163 = arith.addf %dot_general3A_158, %add3A_162 : vector<400x128xf32>
      %select_n3A_164 = arith.select %eq3A_151, %add3A_163, %select_n3A_122 : vector<400x128xi1>, vector<400x128xf32>
      %get3A_165 = arith.constant 2 : index
      %get3A_166 = arith.constant 0 : index
      %get3A_167 = arith.constant 0 : index
      %get3A_168 = vector.load %arg6[%get3A_165, %get3A_166, %get3A_167] : memref<3x128x128xf32, #tpu.memory_space<vmem>>, vector<1x128x128xf32>
      %get3A_169 = vector.shape_cast %get3A_168 : vector<1x128x128xf32> to vector<128x128xf32>
      %dot_general3A_170 = arith.constant dense<0.000000e+00> : vector<400x128xf32>
      %dot_general3A_171 = tpu.matmul %get3A_57, %get3A_169, %dot_general3A_170 {dimension_numbers = #tpu.dot_dimension_numbers<[1], [1], [0], [0], [0, 0, 1, 0], [], []>, transpose_lhs_hint = false} : vector<400x128xf32>, vector<128x128xf32>, vector<400x128xf32> -> vector<400x128xf32>
      %get3A_172 = arith.constant 2 : index
      %get3A_173 = arith.constant 0 : index
      %get3A_174 = vector.load %arg7[%get3A_172, %get3A_173] : memref<3x128xf32, #tpu.memory_space<vmem>>, vector<1x128xf32>
      %add3A_175 = vector.broadcast %get3A_174 : vector<1x128xf32> to vector<400x128xf32>
      %add3A_176 = arith.addf %dot_general3A_171, %add3A_175 : vector<400x128xf32>
      %select_n3A_177 = arith.select %eq3A_151, %add3A_176, %select_n3A_135 : vector<400x128xi1>, vector<400x128xf32>
      %get3A_178 = arith.constant 2 : index
      %get3A_179 = arith.constant 0 : index
      %get3A_180 = arith.constant 0 : index
      %get3A_181 = vector.load %arg8[%get3A_178, %get3A_179, %get3A_180] : memref<3x128x128xf32, #tpu.memory_space<vmem>>, vector<1x128x128xf32>
      %get3A_182 = vector.shape_cast %get3A_181 : vector<1x128x128xf32> to vector<128x128xf32>
      %dot_general3A_183 = arith.constant dense<0.000000e+00> : vector<400x128xf32>
      %dot_general3A_184 = tpu.matmul %get3A_57, %get3A_182, %dot_general3A_183 {dimension_numbers = #tpu.dot_dimension_numbers<[1], [1], [0], [0], [0, 0, 1, 0], [], []>, transpose_lhs_hint = false} : vector<400x128xf32>, vector<128x128xf32>, vector<400x128xf32> -> vector<400x128xf32>
      %get3A_185 = arith.constant 2 : index
      %get3A_186 = arith.constant 0 : index
      %get3A_187 = vector.load %arg9[%get3A_185, %get3A_186] : memref<3x128xf32, #tpu.memory_space<vmem>>, vector<1x128xf32>
      %add3A_188 = vector.broadcast %get3A_187 : vector<1x128xf32> to vector<400x128xf32>
      %add3A_189 = arith.addf %dot_general3A_184, %add3A_188 : vector<400x128xf32>
      %select_n3A_190 = arith.select %eq3A_151, %add3A_189, %select_n3A_148 : vector<400x128xi1>, vector<400x128xf32>
      %swap3A_191 = arith.constant 0 : index
      %swap3A_192 = arith.constant 0 : index
      %swap3A_193 = vector.load %arg19[%swap3A_191, %swap3A_192] : memref<400x128xf32, #tpu.memory_space<vmem>>, vector<400x128xf32>
      tpu.vector_store %arg19[%swap3A_191, %swap3A_192], %select_n3A_164 {strides = array<i32>} : memref<400x128xf32, #tpu.memory_space<vmem>>, vector<400x128xf32>,
      %swap3A_194 = arith.constant 0 : index
      %swap3A_195 = arith.constant 0 : index
      %swap3A_196 = vector.load %arg20[%swap3A_194, %swap3A_195] : memref<400x128xf32, #tpu.memory_space<vmem>>, vector<400x128xf32>
      tpu.vector_store %arg20[%swap3A_194, %swap3A_195], %select_n3A_177 {strides = array<i32>} : memref<400x128xf32, #tpu.memory_space<vmem>>, vector<400x128xf32>,
      %swap3A_197 = arith.constant 0 : index
      %swap3A_198 = arith.constant 0 : index
      %swap3A_199 = vector.load %arg21[%swap3A_197, %swap3A_198] : memref<400x128xf32, #tpu.memory_space<vmem>>, vector<400x128xf32>
      tpu.vector_store %arg21[%swap3A_197, %swap3A_198], %select_n3A_190 {strides = array<i32>} : memref<400x128xf32, #tpu.memory_space<vmem>>, vector<400x128xf32>,
    } else {
    }
    %get3A = arith.constant 0 : index
    %get3A_2 = arith.constant 0 : index
    %get3A_3 = vector.load %arg20[%get3A, %get3A_2] : memref<400x128xf32, #tpu.memory_space<vmem>>, vector<400x128xf32>
    %swap3A = arith.constant 0 : index
    %swap3A_4 = arith.constant 0 : index
    %swap3A_5 = vector.load %arg15[%swap3A, %swap3A_4] : memref<400x128xf32, #tpu.memory_space<vmem>>, vector<400x128xf32>
    tpu.vector_store %arg15[%swap3A, %swap3A_4], %get3A_3 {strides = array<i32>} : memref<400x128xf32, #tpu.memory_space<vmem>>, vector<400x128xf32>,
    %get3A_6 = arith.constant 0 : index
    %get3A_7 = arith.constant 0 : index
    %get3A_8 = vector.load %arg19[%get3A_6, %get3A_7] : memref<400x128xf32, #tpu.memory_space<vmem>>, vector<400x128xf32>
    %get3A_9 = arith.constant 0 : index
    %get3A_10 = arith.constant 0 : index
    %get3A_11 = arith.constant 0 : index
    %get3A_12 = vector.load %arg10[%get3A_9, %get3A_10, %get3A_11] : memref<1x128x128xf32, #tpu.memory_space<vmem>>, vector<1x128x128xf32>
    %get3A_13 = vector.shape_cast %get3A_12 : vector<1x128x128xf32> to vector<128x128xf32>
    %dot_general3A = arith.constant dense<0.000000e+00> : vector<400x128xf32>
    %dot_general3A_14 = tpu.matmul %get3A_8, %get3A_13, %dot_general3A {dimension_numbers = #tpu.dot_dimension_numbers<[1], [0], [0], [1], [0, 0, 1, 1], [], []>, transpose_lhs_hint = false} : vector<400x128xf32>, vector<128x128xf32>, vector<400x128xf32> -> vector<400x128xf32>
    %swap3A_15 = arith.constant 0 : index
    %swap3A_16 = arith.constant 0 : index
    %swap3A_17 = arith.constant 0 : index
    %swap3A_18 = vector.load %arg16[%swap3A_15, %swap3A_16, %swap3A_17] : memref<1x400x128xf32, #tpu.memory_space<vmem>>, vector<1x400x128xf32>
    %swap3A_19 = vector.shape_cast %swap3A_18 : vector<1x400x128xf32> to vector<400x128xf32>
    %swap3A_20 = vector.shape_cast %dot_general3A_14 : vector<400x128xf32> to vector<1x400x128xf32>
    tpu.vector_store %arg16[%swap3A_15, %swap3A_16, %swap3A_17], %swap3A_20 {strides = array<i32>} : memref<1x400x128xf32, #tpu.memory_space<vmem>>, vector<1x400x128xf32>,
    %get3A_21 = arith.constant 0 : index
    %get3A_22 = arith.constant 0 : index
    %get3A_23 = vector.load %arg21[%get3A_21, %get3A_22] : memref<400x128xf32, #tpu.memory_space<vmem>>, vector<400x128xf32>
    %get3A_24 = arith.constant 0 : index
    %get3A_25 = arith.constant 0 : index
    %get3A_26 = arith.constant 0 : index
    %get3A_27 = vector.load %arg11[%get3A_24, %get3A_25, %get3A_26] : memref<1x128x128xf32, #tpu.memory_space<vmem>>, vector<1x128x128xf32>
    %get3A_28 = vector.shape_cast %get3A_27 : vector<1x128x128xf32> to vector<128x128xf32>
    %dot_general3A_29 = arith.constant dense<0.000000e+00> : vector<400x128xf32>
    %dot_general3A_30 = tpu.matmul %get3A_23, %get3A_28, %dot_general3A_29 {dimension_numbers = #tpu.dot_dimension_numbers<[1], [0], [0], [1], [0, 0, 1, 1], [], []>, transpose_lhs_hint = false} : vector<400x128xf32>, vector<128x128xf32>, vector<400x128xf32> -> vector<400x128xf32>
    %swap3A_31 = arith.constant 0 : index
    %swap3A_32 = arith.constant 0 : index
    %swap3A_33 = arith.constant 0 : index
    %swap3A_34 = vector.load %arg17[%swap3A_31, %swap3A_32, %swap3A_33] : memref<1x400x128xf32, #tpu.memory_space<vmem>>, vector<1x400x128xf32>
    %swap3A_35 = vector.shape_cast %swap3A_34 : vector<1x400x128xf32> to vector<400x128xf32>
    %swap3A_36 = vector.shape_cast %dot_general3A_30 : vector<400x128xf32> to vector<1x400x128xf32>
    tpu.vector_store %arg17[%swap3A_31, %swap3A_32, %swap3A_33], %swap3A_36 {strides = array<i32>} : memref<1x400x128xf32, #tpu.memory_space<vmem>>, vector<1x400x128xf32>,
    return
  }
  func.func @transform_0(%arg0: i32, %arg1: i32) -> (i32, i32) {
    %c0_i32 = arith.constant 0 : i32
    %c0_i32_0 = arith.constant 0 : i32
    return %arg0, %c0_i32 : i32, i32
  }
  func.func @transform_1(%arg0: i32, %arg1: i32) -> (i32, i32) {
    %c0_i32 = arith.constant 0 : i32
    %c0_i32_0 = arith.constant 0 : i32
    return %arg0, %c0_i32 : i32, i32
  }
  func.func @transform_2(%arg0: i32, %arg1: i32) -> (i32, i32, i32) {
    %c0_i32 = arith.constant 0 : i32
    %c0_i32_0 = arith.constant 0 : i32
    %c0_i32_1 = arith.constant 0 : i32
    %c0_i32_2 = arith.constant 0 : i32
    return %c0_i32, %c0_i32_0, %c0_i32_1 : i32, i32, i32
  }
  func.func @transform_3(%arg0: i32, %arg1: i32) -> (i32, i32) {
    %c0_i32 = arith.constant 0 : i32
    %c0_i32_0 = arith.constant 0 : i32
    %c0_i32_1 = arith.constant 0 : i32
    return %c0_i32, %c0_i32_0 : i32, i32
  }
  func.func @transform_4(%arg0: i32, %arg1: i32) -> (i32, i32, i32) {
    %c0_i32 = arith.constant 0 : i32
    %c0_i32_0 = arith.constant 0 : i32
    %c0_i32_1 = arith.constant 0 : i32
    %c0_i32_2 = arith.constant 0 : i32
    return %c0_i32, %c0_i32_0, %c0_i32_1 : i32, i32, i32
  }
  func.func @transform_5(%arg0: i32, %arg1: i32) -> (i32, i32) {
    %c0_i32 = arith.constant 0 : i32
    %c0_i32_0 = arith.constant 0 : i32
    %c0_i32_1 = arith.constant 0 : i32
    return %c0_i32, %c0_i32_0 : i32, i32
  }
  func.func @transform_6(%arg0: i32, %arg1: i32) -> (i32, i32, i32) {
    %c0_i32 = arith.constant 0 : i32
    %c0_i32_0 = arith.constant 0 : i32
    %c0_i32_1 = arith.constant 0 : i32
    %c0_i32_2 = arith.constant 0 : i32
    return %c0_i32, %c0_i32_0, %c0_i32_1 : i32, i32, i32
  }
  func.func @transform_7(%arg0: i32, %arg1: i32) -> (i32, i32) {
    %c0_i32 = arith.constant 0 : i32
    %c0_i32_0 = arith.constant 0 : i32
    %c0_i32_1 = arith.constant 0 : i32
    return %c0_i32, %c0_i32_0 : i32, i32
  }
  func.func @transform_8(%arg0: i32, %arg1: i32) -> (i32, i32, i32) {
    %c0_i32 = arith.constant 0 : i32
    %c0_i32_0 = arith.constant 0 : i32
    %c0_i32_1 = arith.constant 0 : i32
    return %arg1, %c0_i32, %c0_i32_0 : i32, i32, i32
  }
  func.func @transform_9(%arg0: i32, %arg1: i32) -> (i32, i32, i32) {
    %c0_i32 = arith.constant 0 : i32
    %c0_i32_0 = arith.constant 0 : i32
    %c0_i32_1 = arith.constant 0 : i32
    return %arg1, %c0_i32, %c0_i32_0 : i32, i32, i32
  }
  func.func @transform_10(%arg0: i32, %arg1: i32) -> (i32, i32) {
    %c0_i32 = arith.constant 0 : i32
    %c0_i32_0 = arith.constant 0 : i32
    return %arg0, %c0_i32 : i32, i32
  }
  func.func @transform_11(%arg0: i32, %arg1: i32) -> (i32, i32) {
    %c0_i32 = arith.constant 0 : i32
    %c0_i32_0 = arith.constant 0 : i32
    return %arg0, %c0_i32 : i32, i32
  }
  func.func @transform_12(%arg0: i32, %arg1: i32) -> (i32, i32) {
    %c0_i32 = arith.constant 0 : i32
    %c0_i32_0 = arith.constant 0 : i32
    return %arg0, %c0_i32 : i32, i32
  }
  func.func @transform_13(%arg0: i32, %arg1: i32) -> (i32, i32) {
    %c0_i32 = arith.constant 0 : i32
    %c0_i32_0 = arith.constant 0 : i32
    return %arg0, %c0_i32 : i32, i32
  }
  func.func @transform_14(%arg0: i32, %arg1: i32) -> (i32, i32, i32) {
    %c0_i32 = arith.constant 0 : i32
    %c0_i32_0 = arith.constant 0 : i32
    return %arg1, %arg0, %c0_i32 : i32, i32, i32
  }
  func.func @transform_15(%arg0: i32, %arg1: i32) -> (i32, i32, i32) {
    %c0_i32 = arith.constant 0 : i32
    %c0_i32_0 = arith.constant 0 : i32
    return %arg1, %arg0, %c0_i32 : i32, i32, i32
  }
  func.func @transform_16(%arg0: i32, %arg1: i32) -> (i32, i32) {
    %c0_i32 = arith.constant 0 : i32
    %c0_i32_0 = arith.constant 0 : i32
    return %arg0, %c0_i32 : i32, i32
  }
}

module attributes {stable_mosaic.version = 14 : i64} {
  func.func @_sm_body(%arg0: i32, %arg1: i32, %arg2: memref<40x8x80xf32, #tpu.memory_space<vmem>>, %arg3: memref<40x80xi32, #tpu.memory_space<vmem>>, %arg4: memref<40x80xf32, #tpu.memory_space<vmem>>, %arg5: memref<40x8x80xf32, #tpu.memory_space<vmem>>, %arg6: memref<8x128xf32, #tpu.memory_space<vmem>>, %arg7: memref<8x128xf32, #tpu.memory_space<vmem>>) attributes {dimension_semantics = [#tpu.dimension_semantics<arbitrary>, #tpu.dimension_semantics<arbitrary>], iteration_bounds = array<i64: 3, 100>, scalar_prefetch = 0 : i64, scratch_operands = 2 : i64, tpu.core_type = #tpu.core_type<tc>, window_params = [{transform_indices = @transform_0, window_bounds = array<i64: 40, 8, 80>}, {transform_indices = @transform_1, window_bounds = array<i64: 40, 80>}, {transform_indices = @transform_2, window_bounds = array<i64: 40, 80>}, {transform_indices = @transform_3, window_bounds = array<i64: 40, 8, 80>}]} {
    %get3A = arith.constant 0 : index
    %get3A_0 = arith.constant 0 : index
    %get3A_1 = arith.constant 0 : index
    %get3A_2 = vector.load %arg2[%get3A, %get3A_0, %get3A_1] : memref<40x8x80xf32, #tpu.memory_space<vmem>>, vector<40x8x80xf32>
    %get3A_3 = arith.constant 0 : index
    %get3A_4 = arith.constant 0 : index
    %get3A_5 = vector.load %arg4[%get3A_3, %get3A_4] : memref<40x80xf32, #tpu.memory_space<vmem>>, vector<40x80xf32>
    %gt3A = arith.constant 0.000000e+00 : f32
    %gt3A_6 = vector.broadcast %gt3A : f32 to vector<40x80xf32>
    %gt3A_7 = arith.cmpf ogt, %get3A_5, %gt3A_6 : vector<40x80xf32>
    %iota3A = tpu.iota {dimensions = array<i32: 1>} : vector<8x128xi32>
    %eq3A = arith.constant 0 : i32
    %eq3A_8 = arith.cmpi eq, %arg0, %eq3A : i32
    %eq3A_9 = arith.constant 0 : i32
    %eq3A_10 = arith.cmpi eq, %arg1, %eq3A_9 : i32
    %and3A = arith.andi %eq3A_8, %eq3A_10 : i1
    %convert_element_type3A = arith.extui %and3A : i1 to i32
    %cond3A = arith.constant 0 : i32
    %cond3A_11 = arith.cmpi ne, %convert_element_type3A, %cond3A : i32
    scf.if %cond3A_11 {
      %broadcast_in_dim3A = arith.constant 0xFF800000 : f32
      %broadcast_in_dim3A_35 = vector.broadcast %broadcast_in_dim3A : f32 to vector<8x128xf32>
      %swap3A = arith.constant 0 : index
      %swap3A_36 = arith.constant 0 : index
      %swap3A_37 = vector.load %arg6[%swap3A, %swap3A_36] : memref<8x128xf32, #tpu.memory_space<vmem>>, vector<8x128xf32>
      tpu.vector_store %arg6[%swap3A, %swap3A_36], %broadcast_in_dim3A_35 {strides = array<i32>} : memref<8x128xf32, #tpu.memory_space<vmem>>, vector<8x128xf32>,
    } else {
    }
    %eq3A_12 = arith.constant 0 : i32
    %eq3A_13 = arith.cmpi eq, %arg0, %eq3A_12 : i32
    %convert_element_type3A_14 = arith.extui %eq3A_13 : i1 to i32
    %cond3A_15 = arith.constant 0 : i32
    %cond3A_16 = arith.cmpi ne, %convert_element_type3A_14, %cond3A_15 : i32
    scf.if %cond3A_16 {
      %get3A_35 = arith.constant 0 : index
      %get3A_36 = arith.constant 0 : index
      %get3A_37 = vector.load %arg3[%get3A_35, %get3A_36] : memref<40x80xi32, #tpu.memory_space<vmem>>, vector<40x80xi32>
      %eq3A_38 = arith.constant 0 : i32
      %eq3A_39 = vector.broadcast %eq3A_38 : i32 to vector<40x80xi32>
      %eq3A_40 = arith.cmpi eq, %get3A_37, %eq3A_39 : vector<40x80xi32>
      %and3A_41 = arith.andi %eq3A_40, %gt3A_7 : vector<40x80xi1>
      %broadcast_in_dim3A = vector.shape_cast %and3A_41 : vector<40x80xi1> to vector<40x1x80xi1>
      %broadcast_in_dim3A_42 = vector.shape_cast %broadcast_in_dim3A : vector<40x1x80xi1> to vector<40x1x80xi1>
      %broadcast_in_dim3A_43 = vector.broadcast %broadcast_in_dim3A_42 : vector<40x1x80xi1> to vector<40x8x80xi1>
      %jit3A = arith.constant 0xFF800000 : f32
      %broadcast_in_dim3A_44 = vector.broadcast %jit3A : f32 to vector<40x8x80xf32>
      %select_n3A = arith.select %broadcast_in_dim3A_43, %get3A_2, %broadcast_in_dim3A_44 : vector<40x8x80xi1>, vector<40x8x80xf32>
      %reduce_max3A = arith.constant dense<0xFF800000> : vector<40x8xf32>
      %reduce_max3A_45 = vector.multi_reduction <maximumf>, %select_n3A, %reduce_max3A [2] : vector<40x8x80xf32> to vector<40x8xf32>
      %reduce_max3A_46 = arith.constant dense<0xFF800000> : vector<8xf32>
      %reduce_max3A_47 = vector.multi_reduction <maximumf>, %reduce_max3A_45, %reduce_max3A_46 [0] : vector<40x8xf32> to vector<8xf32>
      %eq3A_48 = arith.constant 0 : i32
      %eq3A_49 = vector.broadcast %eq3A_48 : i32 to vector<8x128xi32>
      %eq3A_50 = arith.cmpi eq, %iota3A, %eq3A_49 : vector<8x128xi32>
      %broadcast_in_dim3A_51 = vector.shape_cast %reduce_max3A_47 : vector<8xf32> to vector<8x1xf32>
      %jit3A_52 = arith.constant 0xFF800000 : f32
      %broadcast_in_dim3A_53 = vector.shape_cast %broadcast_in_dim3A_51 : vector<8x1xf32> to vector<8x1xf32>
      %broadcast_in_dim3A_54 = vector.broadcast %broadcast_in_dim3A_53 : vector<8x1xf32> to vector<8x128xf32>
      %broadcast_in_dim3A_55 = vector.broadcast %jit3A_52 : f32 to vector<8x128xf32>
      %select_n3A_56 = arith.select %eq3A_50, %broadcast_in_dim3A_54, %broadcast_in_dim3A_55 : vector<8x128xi1>, vector<8x128xf32>
      %get3A_57 = arith.constant 0 : index
      %get3A_58 = arith.constant 0 : index
      %get3A_59 = vector.load %arg6[%get3A_57, %get3A_58] : memref<8x128xf32, #tpu.memory_space<vmem>>, vector<8x128xf32>
      %max3A = arith.maximumf %get3A_59, %select_n3A_56 : vector<8x128xf32>
      %swap3A = arith.constant 0 : index
      %swap3A_60 = arith.constant 0 : index
      %swap3A_61 = vector.load %arg6[%swap3A, %swap3A_60] : memref<8x128xf32, #tpu.memory_space<vmem>>, vector<8x128xf32>
      tpu.vector_store %arg6[%swap3A, %swap3A_60], %max3A {strides = array<i32>} : memref<8x128xf32, #tpu.memory_space<vmem>>, vector<8x128xf32>,
      %get3A_62 = arith.constant 0 : index
      %get3A_63 = arith.constant 0 : index
      %get3A_64 = vector.load %arg3[%get3A_62, %get3A_63] : memref<40x80xi32, #tpu.memory_space<vmem>>, vector<40x80xi32>
      %eq3A_65 = arith.constant 1 : i32
      %eq3A_66 = vector.broadcast %eq3A_65 : i32 to vector<40x80xi32>
      %eq3A_67 = arith.cmpi eq, %get3A_64, %eq3A_66 : vector<40x80xi32>
      %and3A_68 = arith.andi %eq3A_67, %gt3A_7 : vector<40x80xi1>
      %broadcast_in_dim3A_69 = vector.shape_cast %and3A_68 : vector<40x80xi1> to vector<40x1x80xi1>
      %broadcast_in_dim3A_70 = vector.shape_cast %broadcast_in_dim3A_69 : vector<40x1x80xi1> to vector<40x1x80xi1>
      %broadcast_in_dim3A_71 = vector.broadcast %broadcast_in_dim3A_70 : vector<40x1x80xi1> to vector<40x8x80xi1>
      %jit3A_72 = arith.constant 0xFF800000 : f32
      %broadcast_in_dim3A_73 = vector.broadcast %jit3A_72 : f32 to vector<40x8x80xf32>
      %select_n3A_74 = arith.select %broadcast_in_dim3A_71, %get3A_2, %broadcast_in_dim3A_73 : vector<40x8x80xi1>, vector<40x8x80xf32>
      %reduce_max3A_75 = arith.constant dense<0xFF800000> : vector<40x8xf32>
      %reduce_max3A_76 = vector.multi_reduction <maximumf>, %select_n3A_74, %reduce_max3A_75 [2] : vector<40x8x80xf32> to vector<40x8xf32>
      %reduce_max3A_77 = arith.constant dense<0xFF800000> : vector<8xf32>
      %reduce_max3A_78 = vector.multi_reduction <maximumf>, %reduce_max3A_76, %reduce_max3A_77 [0] : vector<40x8xf32> to vector<8xf32>
      %eq3A_79 = arith.constant 1 : i32
      %eq3A_80 = vector.broadcast %eq3A_79 : i32 to vector<8x128xi32>
      %eq3A_81 = arith.cmpi eq, %iota3A, %eq3A_80 : vector<8x128xi32>
      %broadcast_in_dim3A_82 = vector.shape_cast %reduce_max3A_78 : vector<8xf32> to vector<8x1xf32>
      %jit3A_83 = arith.constant 0xFF800000 : f32
      %broadcast_in_dim3A_84 = vector.shape_cast %broadcast_in_dim3A_82 : vector<8x1xf32> to vector<8x1xf32>
      %broadcast_in_dim3A_85 = vector.broadcast %broadcast_in_dim3A_84 : vector<8x1xf32> to vector<8x128xf32>
      %broadcast_in_dim3A_86 = vector.broadcast %jit3A_83 : f32 to vector<8x128xf32>
      %select_n3A_87 = arith.select %eq3A_81, %broadcast_in_dim3A_85, %broadcast_in_dim3A_86 : vector<8x128xi1>, vector<8x128xf32>
      %get3A_88 = arith.constant 0 : index
      %get3A_89 = arith.constant 0 : index
      %get3A_90 = vector.load %arg6[%get3A_88, %get3A_89] : memref<8x128xf32, #tpu.memory_space<vmem>>, vector<8x128xf32>
      %max3A_91 = arith.maximumf %get3A_90, %select_n3A_87 : vector<8x128xf32>
      %swap3A_92 = arith.constant 0 : index
      %swap3A_93 = arith.constant 0 : index
      %swap3A_94 = vector.load %arg6[%swap3A_92, %swap3A_93] : memref<8x128xf32, #tpu.memory_space<vmem>>, vector<8x128xf32>
      tpu.vector_store %arg6[%swap3A_92, %swap3A_93], %max3A_91 {strides = array<i32>} : memref<8x128xf32, #tpu.memory_space<vmem>>, vector<8x128xf32>,
      %get3A_95 = arith.constant 0 : index
      %get3A_96 = arith.constant 0 : index
      %get3A_97 = vector.load %arg3[%get3A_95, %get3A_96] : memref<40x80xi32, #tpu.memory_space<vmem>>, vector<40x80xi32>
      %eq3A_98 = arith.constant 2 : i32
      %eq3A_99 = vector.broadcast %eq3A_98 : i32 to vector<40x80xi32>
      %eq3A_100 = arith.cmpi eq, %get3A_97, %eq3A_99 : vector<40x80xi32>
      %and3A_101 = arith.andi %eq3A_100, %gt3A_7 : vector<40x80xi1>
      %broadcast_in_dim3A_102 = vector.shape_cast %and3A_101 : vector<40x80xi1> to vector<40x1x80xi1>
      %broadcast_in_dim3A_103 = vector.shape_cast %broadcast_in_dim3A_102 : vector<40x1x80xi1> to vector<40x1x80xi1>
      %broadcast_in_dim3A_104 = vector.broadcast %broadcast_in_dim3A_103 : vector<40x1x80xi1> to vector<40x8x80xi1>
      %jit3A_105 = arith.constant 0xFF800000 : f32
      %broadcast_in_dim3A_106 = vector.broadcast %jit3A_105 : f32 to vector<40x8x80xf32>
      %select_n3A_107 = arith.select %broadcast_in_dim3A_104, %get3A_2, %broadcast_in_dim3A_106 : vector<40x8x80xi1>, vector<40x8x80xf32>
      %reduce_max3A_108 = arith.constant dense<0xFF800000> : vector<40x8xf32>
      %reduce_max3A_109 = vector.multi_reduction <maximumf>, %select_n3A_107, %reduce_max3A_108 [2] : vector<40x8x80xf32> to vector<40x8xf32>
      %reduce_max3A_110 = arith.constant dense<0xFF800000> : vector<8xf32>
      %reduce_max3A_111 = vector.multi_reduction <maximumf>, %reduce_max3A_109, %reduce_max3A_110 [0] : vector<40x8xf32> to vector<8xf32>
      %eq3A_112 = arith.constant 2 : i32
      %eq3A_113 = vector.broadcast %eq3A_112 : i32 to vector<8x128xi32>
      %eq3A_114 = arith.cmpi eq, %iota3A, %eq3A_113 : vector<8x128xi32>
      %broadcast_in_dim3A_115 = vector.shape_cast %reduce_max3A_111 : vector<8xf32> to vector<8x1xf32>
      %jit3A_116 = arith.constant 0xFF800000 : f32
      %broadcast_in_dim3A_117 = vector.shape_cast %broadcast_in_dim3A_115 : vector<8x1xf32> to vector<8x1xf32>
      %broadcast_in_dim3A_118 = vector.broadcast %broadcast_in_dim3A_117 : vector<8x1xf32> to vector<8x128xf32>
      %broadcast_in_dim3A_119 = vector.broadcast %jit3A_116 : f32 to vector<8x128xf32>
      %select_n3A_120 = arith.select %eq3A_114, %broadcast_in_dim3A_118, %broadcast_in_dim3A_119 : vector<8x128xi1>, vector<8x128xf32>
      %get3A_121 = arith.constant 0 : index
      %get3A_122 = arith.constant 0 : index
      %get3A_123 = vector.load %arg6[%get3A_121, %get3A_122] : memref<8x128xf32, #tpu.memory_space<vmem>>, vector<8x128xf32>
      %max3A_124 = arith.maximumf %get3A_123, %select_n3A_120 : vector<8x128xf32>
      %swap3A_125 = arith.constant 0 : index
      %swap3A_126 = arith.constant 0 : index
      %swap3A_127 = vector.load %arg6[%swap3A_125, %swap3A_126] : memref<8x128xf32, #tpu.memory_space<vmem>>, vector<8x128xf32>
      tpu.vector_store %arg6[%swap3A_125, %swap3A_126], %max3A_124 {strides = array<i32>} : memref<8x128xf32, #tpu.memory_space<vmem>>, vector<8x128xf32>,
      %get3A_128 = arith.constant 0 : index
      %get3A_129 = arith.constant 0 : index
      %get3A_130 = vector.load %arg3[%get3A_128, %get3A_129] : memref<40x80xi32, #tpu.memory_space<vmem>>, vector<40x80xi32>
      %eq3A_131 = arith.constant 3 : i32
      %eq3A_132 = vector.broadcast %eq3A_131 : i32 to vector<40x80xi32>
      %eq3A_133 = arith.cmpi eq, %get3A_130, %eq3A_132 : vector<40x80xi32>
      %and3A_134 = arith.andi %eq3A_133, %gt3A_7 : vector<40x80xi1>
      %broadcast_in_dim3A_135 = vector.shape_cast %and3A_134 : vector<40x80xi1> to vector<40x1x80xi1>
      %broadcast_in_dim3A_136 = vector.shape_cast %broadcast_in_dim3A_135 : vector<40x1x80xi1> to vector<40x1x80xi1>
      %broadcast_in_dim3A_137 = vector.broadcast %broadcast_in_dim3A_136 : vector<40x1x80xi1> to vector<40x8x80xi1>
      %jit3A_138 = arith.constant 0xFF800000 : f32
      %broadcast_in_dim3A_139 = vector.broadcast %jit3A_138 : f32 to vector<40x8x80xf32>
      %select_n3A_140 = arith.select %broadcast_in_dim3A_137, %get3A_2, %broadcast_in_dim3A_139 : vector<40x8x80xi1>, vector<40x8x80xf32>
      %reduce_max3A_141 = arith.constant dense<0xFF800000> : vector<40x8xf32>
      %reduce_max3A_142 = vector.multi_reduction <maximumf>, %select_n3A_140, %reduce_max3A_141 [2] : vector<40x8x80xf32> to vector<40x8xf32>
      %reduce_max3A_143 = arith.constant dense<0xFF800000> : vector<8xf32>
      %reduce_max3A_144 = vector.multi_reduction <maximumf>, %reduce_max3A_142, %reduce_max3A_143 [0] : vector<40x8xf32> to vector<8xf32>
      %eq3A_145 = arith.constant 3 : i32
      %eq3A_146 = vector.broadcast %eq3A_145 : i32 to vector<8x128xi32>
      %eq3A_147 = arith.cmpi eq, %iota3A, %eq3A_146 : vector<8x128xi32>
      %broadcast_in_dim3A_148 = vector.shape_cast %reduce_max3A_144 : vector<8xf32> to vector<8x1xf32>
      %jit3A_149 = arith.constant 0xFF800000 : f32
      %broadcast_in_dim3A_150 = vector.shape_cast %broadcast_in_dim3A_148 : vector<8x1xf32> to vector<8x1xf32>
      %broadcast_in_dim3A_151 = vector.broadcast %broadcast_in_dim3A_150 : vector<8x1xf32> to vector<8x128xf32>
      %broadcast_in_dim3A_152 = vector.broadcast %jit3A_149 : f32 to vector<8x128xf32>
      %select_n3A_153 = arith.select %eq3A_147, %broadcast_in_dim3A_151, %broadcast_in_dim3A_152 : vector<8x128xi1>, vector<8x128xf32>
      %get3A_154 = arith.constant 0 : index
      %get3A_155 = arith.constant 0 : index
      %get3A_156 = vector.load %arg6[%get3A_154, %get3A_155] : memref<8x128xf32, #tpu.memory_space<vmem>>, vector<8x128xf32>
      %max3A_157 = arith.maximumf %get3A_156, %select_n3A_153 : vector<8x128xf32>
      %swap3A_158 = arith.constant 0 : index
      %swap3A_159 = arith.constant 0 : index
      %swap3A_160 = vector.load %arg6[%swap3A_158, %swap3A_159] : memref<8x128xf32, #tpu.memory_space<vmem>>, vector<8x128xf32>
      tpu.vector_store %arg6[%swap3A_158, %swap3A_159], %max3A_157 {strides = array<i32>} : memref<8x128xf32, #tpu.memory_space<vmem>>, vector<8x128xf32>,
      %get3A_161 = arith.constant 0 : index
      %get3A_162 = arith.constant 0 : index
      %get3A_163 = vector.load %arg3[%get3A_161, %get3A_162] : memref<40x80xi32, #tpu.memory_space<vmem>>, vector<40x80xi32>
      %eq3A_164 = arith.constant 4 : i32
      %eq3A_165 = vector.broadcast %eq3A_164 : i32 to vector<40x80xi32>
      %eq3A_166 = arith.cmpi eq, %get3A_163, %eq3A_165 : vector<40x80xi32>
      %and3A_167 = arith.andi %eq3A_166, %gt3A_7 : vector<40x80xi1>
      %broadcast_in_dim3A_168 = vector.shape_cast %and3A_167 : vector<40x80xi1> to vector<40x1x80xi1>
      %broadcast_in_dim3A_169 = vector.shape_cast %broadcast_in_dim3A_168 : vector<40x1x80xi1> to vector<40x1x80xi1>
      %broadcast_in_dim3A_170 = vector.broadcast %broadcast_in_dim3A_169 : vector<40x1x80xi1> to vector<40x8x80xi1>
      %jit3A_171 = arith.constant 0xFF800000 : f32
      %broadcast_in_dim3A_172 = vector.broadcast %jit3A_171 : f32 to vector<40x8x80xf32>
      %select_n3A_173 = arith.select %broadcast_in_dim3A_170, %get3A_2, %broadcast_in_dim3A_172 : vector<40x8x80xi1>, vector<40x8x80xf32>
      %reduce_max3A_174 = arith.constant dense<0xFF800000> : vector<40x8xf32>
      %reduce_max3A_175 = vector.multi_reduction <maximumf>, %select_n3A_173, %reduce_max3A_174 [2] : vector<40x8x80xf32> to vector<40x8xf32>
      %reduce_max3A_176 = arith.constant dense<0xFF800000> : vector<8xf32>
      %reduce_max3A_177 = vector.multi_reduction <maximumf>, %reduce_max3A_175, %reduce_max3A_176 [0] : vector<40x8xf32> to vector<8xf32>
      %eq3A_178 = arith.constant 4 : i32
      %eq3A_179 = vector.broadcast %eq3A_178 : i32 to vector<8x128xi32>
      %eq3A_180 = arith.cmpi eq, %iota3A, %eq3A_179 : vector<8x128xi32>
      %broadcast_in_dim3A_181 = vector.shape_cast %reduce_max3A_177 : vector<8xf32> to vector<8x1xf32>
      %jit3A_182 = arith.constant 0xFF800000 : f32
      %broadcast_in_dim3A_183 = vector.shape_cast %broadcast_in_dim3A_181 : vector<8x1xf32> to vector<8x1xf32>
      %broadcast_in_dim3A_184 = vector.broadcast %broadcast_in_dim3A_183 : vector<8x1xf32> to vector<8x128xf32>
      %broadcast_in_dim3A_185 = vector.broadcast %jit3A_182 : f32 to vector<8x128xf32>
      %select_n3A_186 = arith.select %eq3A_180, %broadcast_in_dim3A_184, %broadcast_in_dim3A_185 : vector<8x128xi1>, vector<8x128xf32>
      %get3A_187 = arith.constant 0 : index
      %get3A_188 = arith.constant 0 : index
      %get3A_189 = vector.load %arg6[%get3A_187, %get3A_188] : memref<8x128xf32, #tpu.memory_space<vmem>>, vector<8x128xf32>
      %max3A_190 = arith.maximumf %get3A_189, %select_n3A_186 : vector<8x128xf32>
      %swap3A_191 = arith.constant 0 : index
      %swap3A_192 = arith.constant 0 : index
      %swap3A_193 = vector.load %arg6[%swap3A_191, %swap3A_192] : memref<8x128xf32, #tpu.memory_space<vmem>>, vector<8x128xf32>
      tpu.vector_store %arg6[%swap3A_191, %swap3A_192], %max3A_190 {strides = array<i32>} : memref<8x128xf32, #tpu.memory_space<vmem>>, vector<8x128xf32>,
      %get3A_194 = arith.constant 0 : index
      %get3A_195 = arith.constant 0 : index
      %get3A_196 = vector.load %arg3[%get3A_194, %get3A_195] : memref<40x80xi32, #tpu.memory_space<vmem>>, vector<40x80xi32>
      %eq3A_197 = arith.constant 5 : i32
      %eq3A_198 = vector.broadcast %eq3A_197 : i32 to vector<40x80xi32>
      %eq3A_199 = arith.cmpi eq, %get3A_196, %eq3A_198 : vector<40x80xi32>
      %and3A_200 = arith.andi %eq3A_199, %gt3A_7 : vector<40x80xi1>
      %broadcast_in_dim3A_201 = vector.shape_cast %and3A_200 : vector<40x80xi1> to vector<40x1x80xi1>
      %broadcast_in_dim3A_202 = vector.shape_cast %broadcast_in_dim3A_201 : vector<40x1x80xi1> to vector<40x1x80xi1>
      %broadcast_in_dim3A_203 = vector.broadcast %broadcast_in_dim3A_202 : vector<40x1x80xi1> to vector<40x8x80xi1>
      %jit3A_204 = arith.constant 0xFF800000 : f32
      %broadcast_in_dim3A_205 = vector.broadcast %jit3A_204 : f32 to vector<40x8x80xf32>
      %select_n3A_206 = arith.select %broadcast_in_dim3A_203, %get3A_2, %broadcast_in_dim3A_205 : vector<40x8x80xi1>, vector<40x8x80xf32>
      %reduce_max3A_207 = arith.constant dense<0xFF800000> : vector<40x8xf32>
      %reduce_max3A_208 = vector.multi_reduction <maximumf>, %select_n3A_206, %reduce_max3A_207 [2] : vector<40x8x80xf32> to vector<40x8xf32>
      %reduce_max3A_209 = arith.constant dense<0xFF800000> : vector<8xf32>
      %reduce_max3A_210 = vector.multi_reduction <maximumf>, %reduce_max3A_208, %reduce_max3A_209 [0] : vector<40x8xf32> to vector<8xf32>
      %eq3A_211 = arith.constant 5 : i32
      %eq3A_212 = vector.broadcast %eq3A_211 : i32 to vector<8x128xi32>
      %eq3A_213 = arith.cmpi eq, %iota3A, %eq3A_212 : vector<8x128xi32>
      %broadcast_in_dim3A_214 = vector.shape_cast %reduce_max3A_210 : vector<8xf32> to vector<8x1xf32>
      %jit3A_215 = arith.constant 0xFF800000 : f32
      %broadcast_in_dim3A_216 = vector.shape_cast %broadcast_in_dim3A_214 : vector<8x1xf32> to vector<8x1xf32>
      %broadcast_in_dim3A_217 = vector.broadcast %broadcast_in_dim3A_216 : vector<8x1xf32> to vector<8x128xf32>
      %broadcast_in_dim3A_218 = vector.broadcast %jit3A_215 : f32 to vector<8x128xf32>
      %select_n3A_219 = arith.select %eq3A_213, %broadcast_in_dim3A_217, %broadcast_in_dim3A_218 : vector<8x128xi1>, vector<8x128xf32>
      %get3A_220 = arith.constant 0 : index
      %get3A_221 = arith.constant 0 : index
      %get3A_222 = vector.load %arg6[%get3A_220, %get3A_221] : memref<8x128xf32, #tpu.memory_space<vmem>>, vector<8x128xf32>
      %max3A_223 = arith.maximumf %get3A_222, %select_n3A_219 : vector<8x128xf32>
      %swap3A_224 = arith.constant 0 : index
      %swap3A_225 = arith.constant 0 : index
      %swap3A_226 = vector.load %arg6[%swap3A_224, %swap3A_225] : memref<8x128xf32, #tpu.memory_space<vmem>>, vector<8x128xf32>
      tpu.vector_store %arg6[%swap3A_224, %swap3A_225], %max3A_223 {strides = array<i32>} : memref<8x128xf32, #tpu.memory_space<vmem>>, vector<8x128xf32>,
    } else {
    }
    %eq3A_17 = arith.constant 1 : i32
    %eq3A_18 = arith.cmpi eq, %arg0, %eq3A_17 : i32
    %eq3A_19 = arith.constant 0 : i32
    %eq3A_20 = arith.cmpi eq, %arg1, %eq3A_19 : i32
    %and3A_21 = arith.andi %eq3A_18, %eq3A_20 : i1
    %convert_element_type3A_22 = arith.extui %and3A_21 : i1 to i32
    %cond3A_23 = arith.constant 0 : i32
    %cond3A_24 = arith.cmpi ne, %convert_element_type3A_22, %cond3A_23 : i32
    scf.if %cond3A_24 {
      %get3A_35 = arith.constant 0 : index
      %get3A_36 = arith.constant 0 : index
      %get3A_37 = vector.load %arg6[%get3A_35, %get3A_36] : memref<8x128xf32, #tpu.memory_space<vmem>>, vector<8x128xf32>
      %is_finite3A = tpu.weird %get3A_37 : vector<8x128xf32> -> vector<8x128xi1>
      %is_finite3A_38 = arith.constant dense<true> : vector<8x128xi1>
      %is_finite3A_39 = arith.xori %is_finite3A, %is_finite3A_38 : vector<8x128xi1>
      %get3A_40 = arith.constant 0 : index
      %get3A_41 = arith.constant 0 : index
      %get3A_42 = vector.load %arg6[%get3A_40, %get3A_41] : memref<8x128xf32, #tpu.memory_space<vmem>>, vector<8x128xf32>
      %jit3A = arith.constant 0.000000e+00 : f32
      %broadcast_in_dim3A = vector.broadcast %jit3A : f32 to vector<8x128xf32>
      %select_n3A = arith.select %is_finite3A_39, %get3A_42, %broadcast_in_dim3A : vector<8x128xi1>, vector<8x128xf32>
      %swap3A = arith.constant 0 : index
      %swap3A_43 = arith.constant 0 : index
      %swap3A_44 = vector.load %arg6[%swap3A, %swap3A_43] : memref<8x128xf32, #tpu.memory_space<vmem>>, vector<8x128xf32>
      tpu.vector_store %arg6[%swap3A, %swap3A_43], %select_n3A {strides = array<i32>} : memref<8x128xf32, #tpu.memory_space<vmem>>, vector<8x128xf32>,
      %broadcast_in_dim3A_45 = arith.constant 0.000000e+00 : f32
      %broadcast_in_dim3A_46 = vector.broadcast %broadcast_in_dim3A_45 : f32 to vector<8x128xf32>
      %swap3A_47 = arith.constant 0 : index
      %swap3A_48 = arith.constant 0 : index
      %swap3A_49 = vector.load %arg7[%swap3A_47, %swap3A_48] : memref<8x128xf32, #tpu.memory_space<vmem>>, vector<8x128xf32>
      tpu.vector_store %arg7[%swap3A_47, %swap3A_48], %broadcast_in_dim3A_46 {strides = array<i32>} : memref<8x128xf32, #tpu.memory_space<vmem>>, vector<8x128xf32>,
    } else {
    }
    %eq3A_25 = arith.constant 1 : i32
    %eq3A_26 = arith.cmpi eq, %arg0, %eq3A_25 : i32
    %convert_element_type3A_27 = arith.extui %eq3A_26 : i1 to i32
    %cond3A_28 = arith.constant 0 : i32
    %cond3A_29 = arith.cmpi ne, %convert_element_type3A_27, %cond3A_28 : i32
    scf.if %cond3A_29 {
      %get3A_35 = arith.constant 0 : index
      %get3A_36 = arith.constant 0 : index
      %get3A_37 = vector.load %arg6[%get3A_35, %get3A_36] : memref<8x128xf32, #tpu.memory_space<vmem>>, vector<8x128xf32>
      %get3A_38 = arith.constant 0 : index
      %get3A_39 = arith.constant 0 : index
      %get3A_40 = vector.load %arg3[%get3A_38, %get3A_39] : memref<40x80xi32, #tpu.memory_space<vmem>>, vector<40x80xi32>
      %eq3A_41 = arith.constant 0 : i32
      %eq3A_42 = vector.broadcast %eq3A_41 : i32 to vector<40x80xi32>
      %eq3A_43 = arith.cmpi eq, %get3A_40, %eq3A_42 : vector<40x80xi32>
      %and3A_44 = arith.andi %eq3A_43, %gt3A_7 : vector<40x80xi1>
      %broadcast_in_dim3A = vector.shape_cast %and3A_44 : vector<40x80xi1> to vector<40x1x80xi1>
      %broadcast_in_dim3A_45 = vector.shape_cast %broadcast_in_dim3A : vector<40x1x80xi1> to vector<40x1x80xi1>
      %broadcast_in_dim3A_46 = vector.broadcast %broadcast_in_dim3A_45 : vector<40x1x80xi1> to vector<40x8x80xi1>
      %slice3A = vector.extract_strided_slice %get3A_37 {offsets = [0, 0], sizes = [8, 1], strides = [1, 1]} : vector<8x128xf32> to vector<8x1xf32>
      %squeeze3A = vector.shape_cast %slice3A : vector<8x1xf32> to vector<8xf32>
      %broadcast_in_dim3A_47 = vector.shape_cast %squeeze3A : vector<8xf32> to vector<1x8x1xf32>
      %sub3A = vector.broadcast %broadcast_in_dim3A_47 : vector<1x8x1xf32> to vector<40x8x80xf32>
      %sub3A_48 = arith.subf %get3A_2, %sub3A : vector<40x8x80xf32>
      %exp3A = math.exp %sub3A_48 : vector<40x8x80xf32>
      %jit3A = arith.constant 0.000000e+00 : f32
      %broadcast_in_dim3A_49 = vector.broadcast %jit3A : f32 to vector<40x8x80xf32>
      %select_n3A = arith.select %broadcast_in_dim3A_46, %exp3A, %broadcast_in_dim3A_49 : vector<40x8x80xi1>, vector<40x8x80xf32>
      %reduce_sum3A = arith.constant dense<0.000000e+00> : vector<40x8xf32>
      %reduce_sum3A_50 = vector.multi_reduction <add>, %select_n3A, %reduce_sum3A [2] : vector<40x8x80xf32> to vector<40x8xf32>
      %reduce_sum3A_51 = arith.constant dense<0.000000e+00> : vector<8xf32>
      %reduce_sum3A_52 = vector.multi_reduction <add>, %reduce_sum3A_50, %reduce_sum3A_51 [0] : vector<40x8xf32> to vector<8xf32>
      %get3A_53 = arith.constant 0 : index
      %get3A_54 = arith.constant 0 : index
      %get3A_55 = vector.load %arg7[%get3A_53, %get3A_54] : memref<8x128xf32, #tpu.memory_space<vmem>>, vector<8x128xf32>
      %eq3A_56 = arith.constant 0 : i32
      %eq3A_57 = vector.broadcast %eq3A_56 : i32 to vector<8x128xi32>
      %eq3A_58 = arith.cmpi eq, %iota3A, %eq3A_57 : vector<8x128xi32>
      %broadcast_in_dim3A_59 = vector.shape_cast %reduce_sum3A_52 : vector<8xf32> to vector<8x1xf32>
      %jit3A_60 = arith.constant 0.000000e+00 : f32
      %broadcast_in_dim3A_61 = vector.shape_cast %broadcast_in_dim3A_59 : vector<8x1xf32> to vector<8x1xf32>
      %broadcast_in_dim3A_62 = vector.broadcast %broadcast_in_dim3A_61 : vector<8x1xf32> to vector<8x128xf32>
      %broadcast_in_dim3A_63 = vector.broadcast %jit3A_60 : f32 to vector<8x128xf32>
      %select_n3A_64 = arith.select %eq3A_58, %broadcast_in_dim3A_62, %broadcast_in_dim3A_63 : vector<8x128xi1>, vector<8x128xf32>
      %add3A = arith.addf %get3A_55, %select_n3A_64 : vector<8x128xf32>
      %swap3A = arith.constant 0 : index
      %swap3A_65 = arith.constant 0 : index
      %swap3A_66 = vector.load %arg7[%swap3A, %swap3A_65] : memref<8x128xf32, #tpu.memory_space<vmem>>, vector<8x128xf32>
      tpu.vector_store %arg7[%swap3A, %swap3A_65], %add3A {strides = array<i32>} : memref<8x128xf32, #tpu.memory_space<vmem>>, vector<8x128xf32>,
      %get3A_67 = arith.constant 0 : index
      %get3A_68 = arith.constant 0 : index
      %get3A_69 = vector.load %arg3[%get3A_67, %get3A_68] : memref<40x80xi32, #tpu.memory_space<vmem>>, vector<40x80xi32>
      %eq3A_70 = arith.constant 1 : i32
      %eq3A_71 = vector.broadcast %eq3A_70 : i32 to vector<40x80xi32>
      %eq3A_72 = arith.cmpi eq, %get3A_69, %eq3A_71 : vector<40x80xi32>
      %and3A_73 = arith.andi %eq3A_72, %gt3A_7 : vector<40x80xi1>
      %broadcast_in_dim3A_74 = vector.shape_cast %and3A_73 : vector<40x80xi1> to vector<40x1x80xi1>
      %broadcast_in_dim3A_75 = vector.shape_cast %broadcast_in_dim3A_74 : vector<40x1x80xi1> to vector<40x1x80xi1>
      %broadcast_in_dim3A_76 = vector.broadcast %broadcast_in_dim3A_75 : vector<40x1x80xi1> to vector<40x8x80xi1>
      %slice3A_77 = vector.extract_strided_slice %get3A_37 {offsets = [0, 1], sizes = [8, 1], strides = [1, 1]} : vector<8x128xf32> to vector<8x1xf32>
      %squeeze3A_78 = vector.shape_cast %slice3A_77 : vector<8x1xf32> to vector<8xf32>
      %broadcast_in_dim3A_79 = vector.shape_cast %squeeze3A_78 : vector<8xf32> to vector<1x8x1xf32>
      %sub3A_80 = vector.broadcast %broadcast_in_dim3A_79 : vector<1x8x1xf32> to vector<40x8x80xf32>
      %sub3A_81 = arith.subf %get3A_2, %sub3A_80 : vector<40x8x80xf32>
      %exp3A_82 = math.exp %sub3A_81 : vector<40x8x80xf32>
      %jit3A_83 = arith.constant 0.000000e+00 : f32
      %broadcast_in_dim3A_84 = vector.broadcast %jit3A_83 : f32 to vector<40x8x80xf32>
      %select_n3A_85 = arith.select %broadcast_in_dim3A_76, %exp3A_82, %broadcast_in_dim3A_84 : vector<40x8x80xi1>, vector<40x8x80xf32>
      %reduce_sum3A_86 = arith.constant dense<0.000000e+00> : vector<40x8xf32>
      %reduce_sum3A_87 = vector.multi_reduction <add>, %select_n3A_85, %reduce_sum3A_86 [2] : vector<40x8x80xf32> to vector<40x8xf32>
      %reduce_sum3A_88 = arith.constant dense<0.000000e+00> : vector<8xf32>
      %reduce_sum3A_89 = vector.multi_reduction <add>, %reduce_sum3A_87, %reduce_sum3A_88 [0] : vector<40x8xf32> to vector<8xf32>
      %get3A_90 = arith.constant 0 : index
      %get3A_91 = arith.constant 0 : index
      %get3A_92 = vector.load %arg7[%get3A_90, %get3A_91] : memref<8x128xf32, #tpu.memory_space<vmem>>, vector<8x128xf32>
      %eq3A_93 = arith.constant 1 : i32
      %eq3A_94 = vector.broadcast %eq3A_93 : i32 to vector<8x128xi32>
      %eq3A_95 = arith.cmpi eq, %iota3A, %eq3A_94 : vector<8x128xi32>
      %broadcast_in_dim3A_96 = vector.shape_cast %reduce_sum3A_89 : vector<8xf32> to vector<8x1xf32>
      %jit3A_97 = arith.constant 0.000000e+00 : f32
      %broadcast_in_dim3A_98 = vector.shape_cast %broadcast_in_dim3A_96 : vector<8x1xf32> to vector<8x1xf32>
      %broadcast_in_dim3A_99 = vector.broadcast %broadcast_in_dim3A_98 : vector<8x1xf32> to vector<8x128xf32>
      %broadcast_in_dim3A_100 = vector.broadcast %jit3A_97 : f32 to vector<8x128xf32>
      %select_n3A_101 = arith.select %eq3A_95, %broadcast_in_dim3A_99, %broadcast_in_dim3A_100 : vector<8x128xi1>, vector<8x128xf32>
      %add3A_102 = arith.addf %get3A_92, %select_n3A_101 : vector<8x128xf32>
      %swap3A_103 = arith.constant 0 : index
      %swap3A_104 = arith.constant 0 : index
      %swap3A_105 = vector.load %arg7[%swap3A_103, %swap3A_104] : memref<8x128xf32, #tpu.memory_space<vmem>>, vector<8x128xf32>
      tpu.vector_store %arg7[%swap3A_103, %swap3A_104], %add3A_102 {strides = array<i32>} : memref<8x128xf32, #tpu.memory_space<vmem>>, vector<8x128xf32>,
      %get3A_106 = arith.constant 0 : index
      %get3A_107 = arith.constant 0 : index
      %get3A_108 = vector.load %arg3[%get3A_106, %get3A_107] : memref<40x80xi32, #tpu.memory_space<vmem>>, vector<40x80xi32>
      %eq3A_109 = arith.constant 2 : i32
      %eq3A_110 = vector.broadcast %eq3A_109 : i32 to vector<40x80xi32>
      %eq3A_111 = arith.cmpi eq, %get3A_108, %eq3A_110 : vector<40x80xi32>
      %and3A_112 = arith.andi %eq3A_111, %gt3A_7 : vector<40x80xi1>
      %broadcast_in_dim3A_113 = vector.shape_cast %and3A_112 : vector<40x80xi1> to vector<40x1x80xi1>
      %broadcast_in_dim3A_114 = vector.shape_cast %broadcast_in_dim3A_113 : vector<40x1x80xi1> to vector<40x1x80xi1>
      %broadcast_in_dim3A_115 = vector.broadcast %broadcast_in_dim3A_114 : vector<40x1x80xi1> to vector<40x8x80xi1>
      %slice3A_116 = vector.extract_strided_slice %get3A_37 {offsets = [0, 2], sizes = [8, 1], strides = [1, 1]} : vector<8x128xf32> to vector<8x1xf32>
      %squeeze3A_117 = vector.shape_cast %slice3A_116 : vector<8x1xf32> to vector<8xf32>
      %broadcast_in_dim3A_118 = vector.shape_cast %squeeze3A_117 : vector<8xf32> to vector<1x8x1xf32>
      %sub3A_119 = vector.broadcast %broadcast_in_dim3A_118 : vector<1x8x1xf32> to vector<40x8x80xf32>
      %sub3A_120 = arith.subf %get3A_2, %sub3A_119 : vector<40x8x80xf32>
      %exp3A_121 = math.exp %sub3A_120 : vector<40x8x80xf32>
      %jit3A_122 = arith.constant 0.000000e+00 : f32
      %broadcast_in_dim3A_123 = vector.broadcast %jit3A_122 : f32 to vector<40x8x80xf32>
      %select_n3A_124 = arith.select %broadcast_in_dim3A_115, %exp3A_121, %broadcast_in_dim3A_123 : vector<40x8x80xi1>, vector<40x8x80xf32>
      %reduce_sum3A_125 = arith.constant dense<0.000000e+00> : vector<40x8xf32>
      %reduce_sum3A_126 = vector.multi_reduction <add>, %select_n3A_124, %reduce_sum3A_125 [2] : vector<40x8x80xf32> to vector<40x8xf32>
      %reduce_sum3A_127 = arith.constant dense<0.000000e+00> : vector<8xf32>
      %reduce_sum3A_128 = vector.multi_reduction <add>, %reduce_sum3A_126, %reduce_sum3A_127 [0] : vector<40x8xf32> to vector<8xf32>
      %get3A_129 = arith.constant 0 : index
      %get3A_130 = arith.constant 0 : index
      %get3A_131 = vector.load %arg7[%get3A_129, %get3A_130] : memref<8x128xf32, #tpu.memory_space<vmem>>, vector<8x128xf32>
      %eq3A_132 = arith.constant 2 : i32
      %eq3A_133 = vector.broadcast %eq3A_132 : i32 to vector<8x128xi32>
      %eq3A_134 = arith.cmpi eq, %iota3A, %eq3A_133 : vector<8x128xi32>
      %broadcast_in_dim3A_135 = vector.shape_cast %reduce_sum3A_128 : vector<8xf32> to vector<8x1xf32>
      %jit3A_136 = arith.constant 0.000000e+00 : f32
      %broadcast_in_dim3A_137 = vector.shape_cast %broadcast_in_dim3A_135 : vector<8x1xf32> to vector<8x1xf32>
      %broadcast_in_dim3A_138 = vector.broadcast %broadcast_in_dim3A_137 : vector<8x1xf32> to vector<8x128xf32>
      %broadcast_in_dim3A_139 = vector.broadcast %jit3A_136 : f32 to vector<8x128xf32>
      %select_n3A_140 = arith.select %eq3A_134, %broadcast_in_dim3A_138, %broadcast_in_dim3A_139 : vector<8x128xi1>, vector<8x128xf32>
      %add3A_141 = arith.addf %get3A_131, %select_n3A_140 : vector<8x128xf32>
      %swap3A_142 = arith.constant 0 : index
      %swap3A_143 = arith.constant 0 : index
      %swap3A_144 = vector.load %arg7[%swap3A_142, %swap3A_143] : memref<8x128xf32, #tpu.memory_space<vmem>>, vector<8x128xf32>
      tpu.vector_store %arg7[%swap3A_142, %swap3A_143], %add3A_141 {strides = array<i32>} : memref<8x128xf32, #tpu.memory_space<vmem>>, vector<8x128xf32>,
      %get3A_145 = arith.constant 0 : index
      %get3A_146 = arith.constant 0 : index
      %get3A_147 = vector.load %arg3[%get3A_145, %get3A_146] : memref<40x80xi32, #tpu.memory_space<vmem>>, vector<40x80xi32>
      %eq3A_148 = arith.constant 3 : i32
      %eq3A_149 = vector.broadcast %eq3A_148 : i32 to vector<40x80xi32>
      %eq3A_150 = arith.cmpi eq, %get3A_147, %eq3A_149 : vector<40x80xi32>
      %and3A_151 = arith.andi %eq3A_150, %gt3A_7 : vector<40x80xi1>
      %broadcast_in_dim3A_152 = vector.shape_cast %and3A_151 : vector<40x80xi1> to vector<40x1x80xi1>
      %broadcast_in_dim3A_153 = vector.shape_cast %broadcast_in_dim3A_152 : vector<40x1x80xi1> to vector<40x1x80xi1>
      %broadcast_in_dim3A_154 = vector.broadcast %broadcast_in_dim3A_153 : vector<40x1x80xi1> to vector<40x8x80xi1>
      %slice3A_155 = vector.extract_strided_slice %get3A_37 {offsets = [0, 3], sizes = [8, 1], strides = [1, 1]} : vector<8x128xf32> to vector<8x1xf32>
      %squeeze3A_156 = vector.shape_cast %slice3A_155 : vector<8x1xf32> to vector<8xf32>
      %broadcast_in_dim3A_157 = vector.shape_cast %squeeze3A_156 : vector<8xf32> to vector<1x8x1xf32>
      %sub3A_158 = vector.broadcast %broadcast_in_dim3A_157 : vector<1x8x1xf32> to vector<40x8x80xf32>
      %sub3A_159 = arith.subf %get3A_2, %sub3A_158 : vector<40x8x80xf32>
      %exp3A_160 = math.exp %sub3A_159 : vector<40x8x80xf32>
      %jit3A_161 = arith.constant 0.000000e+00 : f32
      %broadcast_in_dim3A_162 = vector.broadcast %jit3A_161 : f32 to vector<40x8x80xf32>
      %select_n3A_163 = arith.select %broadcast_in_dim3A_154, %exp3A_160, %broadcast_in_dim3A_162 : vector<40x8x80xi1>, vector<40x8x80xf32>
      %reduce_sum3A_164 = arith.constant dense<0.000000e+00> : vector<40x8xf32>
      %reduce_sum3A_165 = vector.multi_reduction <add>, %select_n3A_163, %reduce_sum3A_164 [2] : vector<40x8x80xf32> to vector<40x8xf32>
      %reduce_sum3A_166 = arith.constant dense<0.000000e+00> : vector<8xf32>
      %reduce_sum3A_167 = vector.multi_reduction <add>, %reduce_sum3A_165, %reduce_sum3A_166 [0] : vector<40x8xf32> to vector<8xf32>
      %get3A_168 = arith.constant 0 : index
      %get3A_169 = arith.constant 0 : index
      %get3A_170 = vector.load %arg7[%get3A_168, %get3A_169] : memref<8x128xf32, #tpu.memory_space<vmem>>, vector<8x128xf32>
      %eq3A_171 = arith.constant 3 : i32
      %eq3A_172 = vector.broadcast %eq3A_171 : i32 to vector<8x128xi32>
      %eq3A_173 = arith.cmpi eq, %iota3A, %eq3A_172 : vector<8x128xi32>
      %broadcast_in_dim3A_174 = vector.shape_cast %reduce_sum3A_167 : vector<8xf32> to vector<8x1xf32>
      %jit3A_175 = arith.constant 0.000000e+00 : f32
      %broadcast_in_dim3A_176 = vector.shape_cast %broadcast_in_dim3A_174 : vector<8x1xf32> to vector<8x1xf32>
      %broadcast_in_dim3A_177 = vector.broadcast %broadcast_in_dim3A_176 : vector<8x1xf32> to vector<8x128xf32>
      %broadcast_in_dim3A_178 = vector.broadcast %jit3A_175 : f32 to vector<8x128xf32>
      %select_n3A_179 = arith.select %eq3A_173, %broadcast_in_dim3A_177, %broadcast_in_dim3A_178 : vector<8x128xi1>, vector<8x128xf32>
      %add3A_180 = arith.addf %get3A_170, %select_n3A_179 : vector<8x128xf32>
      %swap3A_181 = arith.constant 0 : index
      %swap3A_182 = arith.constant 0 : index
      %swap3A_183 = vector.load %arg7[%swap3A_181, %swap3A_182] : memref<8x128xf32, #tpu.memory_space<vmem>>, vector<8x128xf32>
      tpu.vector_store %arg7[%swap3A_181, %swap3A_182], %add3A_180 {strides = array<i32>} : memref<8x128xf32, #tpu.memory_space<vmem>>, vector<8x128xf32>,
      %get3A_184 = arith.constant 0 : index
      %get3A_185 = arith.constant 0 : index
      %get3A_186 = vector.load %arg3[%get3A_184, %get3A_185] : memref<40x80xi32, #tpu.memory_space<vmem>>, vector<40x80xi32>
      %eq3A_187 = arith.constant 4 : i32
      %eq3A_188 = vector.broadcast %eq3A_187 : i32 to vector<40x80xi32>
      %eq3A_189 = arith.cmpi eq, %get3A_186, %eq3A_188 : vector<40x80xi32>
      %and3A_190 = arith.andi %eq3A_189, %gt3A_7 : vector<40x80xi1>
      %broadcast_in_dim3A_191 = vector.shape_cast %and3A_190 : vector<40x80xi1> to vector<40x1x80xi1>
      %broadcast_in_dim3A_192 = vector.shape_cast %broadcast_in_dim3A_191 : vector<40x1x80xi1> to vector<40x1x80xi1>
      %broadcast_in_dim3A_193 = vector.broadcast %broadcast_in_dim3A_192 : vector<40x1x80xi1> to vector<40x8x80xi1>
      %slice3A_194 = vector.extract_strided_slice %get3A_37 {offsets = [0, 4], sizes = [8, 1], strides = [1, 1]} : vector<8x128xf32> to vector<8x1xf32>
      %squeeze3A_195 = vector.shape_cast %slice3A_194 : vector<8x1xf32> to vector<8xf32>
      %broadcast_in_dim3A_196 = vector.shape_cast %squeeze3A_195 : vector<8xf32> to vector<1x8x1xf32>
      %sub3A_197 = vector.broadcast %broadcast_in_dim3A_196 : vector<1x8x1xf32> to vector<40x8x80xf32>
      %sub3A_198 = arith.subf %get3A_2, %sub3A_197 : vector<40x8x80xf32>
      %exp3A_199 = math.exp %sub3A_198 : vector<40x8x80xf32>
      %jit3A_200 = arith.constant 0.000000e+00 : f32
      %broadcast_in_dim3A_201 = vector.broadcast %jit3A_200 : f32 to vector<40x8x80xf32>
      %select_n3A_202 = arith.select %broadcast_in_dim3A_193, %exp3A_199, %broadcast_in_dim3A_201 : vector<40x8x80xi1>, vector<40x8x80xf32>
      %reduce_sum3A_203 = arith.constant dense<0.000000e+00> : vector<40x8xf32>
      %reduce_sum3A_204 = vector.multi_reduction <add>, %select_n3A_202, %reduce_sum3A_203 [2] : vector<40x8x80xf32> to vector<40x8xf32>
      %reduce_sum3A_205 = arith.constant dense<0.000000e+00> : vector<8xf32>
      %reduce_sum3A_206 = vector.multi_reduction <add>, %reduce_sum3A_204, %reduce_sum3A_205 [0] : vector<40x8xf32> to vector<8xf32>
      %get3A_207 = arith.constant 0 : index
      %get3A_208 = arith.constant 0 : index
      %get3A_209 = vector.load %arg7[%get3A_207, %get3A_208] : memref<8x128xf32, #tpu.memory_space<vmem>>, vector<8x128xf32>
      %eq3A_210 = arith.constant 4 : i32
      %eq3A_211 = vector.broadcast %eq3A_210 : i32 to vector<8x128xi32>
      %eq3A_212 = arith.cmpi eq, %iota3A, %eq3A_211 : vector<8x128xi32>
      %broadcast_in_dim3A_213 = vector.shape_cast %reduce_sum3A_206 : vector<8xf32> to vector<8x1xf32>
      %jit3A_214 = arith.constant 0.000000e+00 : f32
      %broadcast_in_dim3A_215 = vector.shape_cast %broadcast_in_dim3A_213 : vector<8x1xf32> to vector<8x1xf32>
      %broadcast_in_dim3A_216 = vector.broadcast %broadcast_in_dim3A_215 : vector<8x1xf32> to vector<8x128xf32>
      %broadcast_in_dim3A_217 = vector.broadcast %jit3A_214 : f32 to vector<8x128xf32>
      %select_n3A_218 = arith.select %eq3A_212, %broadcast_in_dim3A_216, %broadcast_in_dim3A_217 : vector<8x128xi1>, vector<8x128xf32>
      %add3A_219 = arith.addf %get3A_209, %select_n3A_218 : vector<8x128xf32>
      %swap3A_220 = arith.constant 0 : index
      %swap3A_221 = arith.constant 0 : index
      %swap3A_222 = vector.load %arg7[%swap3A_220, %swap3A_221] : memref<8x128xf32, #tpu.memory_space<vmem>>, vector<8x128xf32>
      tpu.vector_store %arg7[%swap3A_220, %swap3A_221], %add3A_219 {strides = array<i32>} : memref<8x128xf32, #tpu.memory_space<vmem>>, vector<8x128xf32>,
      %get3A_223 = arith.constant 0 : index
      %get3A_224 = arith.constant 0 : index
      %get3A_225 = vector.load %arg3[%get3A_223, %get3A_224] : memref<40x80xi32, #tpu.memory_space<vmem>>, vector<40x80xi32>
      %eq3A_226 = arith.constant 5 : i32
      %eq3A_227 = vector.broadcast %eq3A_226 : i32 to vector<40x80xi32>
      %eq3A_228 = arith.cmpi eq, %get3A_225, %eq3A_227 : vector<40x80xi32>
      %and3A_229 = arith.andi %eq3A_228, %gt3A_7 : vector<40x80xi1>
      %broadcast_in_dim3A_230 = vector.shape_cast %and3A_229 : vector<40x80xi1> to vector<40x1x80xi1>
      %broadcast_in_dim3A_231 = vector.shape_cast %broadcast_in_dim3A_230 : vector<40x1x80xi1> to vector<40x1x80xi1>
      %broadcast_in_dim3A_232 = vector.broadcast %broadcast_in_dim3A_231 : vector<40x1x80xi1> to vector<40x8x80xi1>
      %slice3A_233 = vector.extract_strided_slice %get3A_37 {offsets = [0, 5], sizes = [8, 1], strides = [1, 1]} : vector<8x128xf32> to vector<8x1xf32>
      %squeeze3A_234 = vector.shape_cast %slice3A_233 : vector<8x1xf32> to vector<8xf32>
      %broadcast_in_dim3A_235 = vector.shape_cast %squeeze3A_234 : vector<8xf32> to vector<1x8x1xf32>
      %sub3A_236 = vector.broadcast %broadcast_in_dim3A_235 : vector<1x8x1xf32> to vector<40x8x80xf32>
      %sub3A_237 = arith.subf %get3A_2, %sub3A_236 : vector<40x8x80xf32>
      %exp3A_238 = math.exp %sub3A_237 : vector<40x8x80xf32>
      %jit3A_239 = arith.constant 0.000000e+00 : f32
      %broadcast_in_dim3A_240 = vector.broadcast %jit3A_239 : f32 to vector<40x8x80xf32>
      %select_n3A_241 = arith.select %broadcast_in_dim3A_232, %exp3A_238, %broadcast_in_dim3A_240 : vector<40x8x80xi1>, vector<40x8x80xf32>
      %reduce_sum3A_242 = arith.constant dense<0.000000e+00> : vector<40x8xf32>
      %reduce_sum3A_243 = vector.multi_reduction <add>, %select_n3A_241, %reduce_sum3A_242 [2] : vector<40x8x80xf32> to vector<40x8xf32>
      %reduce_sum3A_244 = arith.constant dense<0.000000e+00> : vector<8xf32>
      %reduce_sum3A_245 = vector.multi_reduction <add>, %reduce_sum3A_243, %reduce_sum3A_244 [0] : vector<40x8xf32> to vector<8xf32>
      %get3A_246 = arith.constant 0 : index
      %get3A_247 = arith.constant 0 : index
      %get3A_248 = vector.load %arg7[%get3A_246, %get3A_247] : memref<8x128xf32, #tpu.memory_space<vmem>>, vector<8x128xf32>
      %eq3A_249 = arith.constant 5 : i32
      %eq3A_250 = vector.broadcast %eq3A_249 : i32 to vector<8x128xi32>
      %eq3A_251 = arith.cmpi eq, %iota3A, %eq3A_250 : vector<8x128xi32>
      %broadcast_in_dim3A_252 = vector.shape_cast %reduce_sum3A_245 : vector<8xf32> to vector<8x1xf32>
      %jit3A_253 = arith.constant 0.000000e+00 : f32
      %broadcast_in_dim3A_254 = vector.shape_cast %broadcast_in_dim3A_252 : vector<8x1xf32> to vector<8x1xf32>
      %broadcast_in_dim3A_255 = vector.broadcast %broadcast_in_dim3A_254 : vector<8x1xf32> to vector<8x128xf32>
      %broadcast_in_dim3A_256 = vector.broadcast %jit3A_253 : f32 to vector<8x128xf32>
      %select_n3A_257 = arith.select %eq3A_251, %broadcast_in_dim3A_255, %broadcast_in_dim3A_256 : vector<8x128xi1>, vector<8x128xf32>
      %add3A_258 = arith.addf %get3A_248, %select_n3A_257 : vector<8x128xf32>
      %swap3A_259 = arith.constant 0 : index
      %swap3A_260 = arith.constant 0 : index
      %swap3A_261 = vector.load %arg7[%swap3A_259, %swap3A_260] : memref<8x128xf32, #tpu.memory_space<vmem>>, vector<8x128xf32>
      tpu.vector_store %arg7[%swap3A_259, %swap3A_260], %add3A_258 {strides = array<i32>} : memref<8x128xf32, #tpu.memory_space<vmem>>, vector<8x128xf32>,
    } else {
    }
    %eq3A_30 = arith.constant 2 : i32
    %eq3A_31 = arith.cmpi eq, %arg0, %eq3A_30 : i32
    %convert_element_type3A_32 = arith.extui %eq3A_31 : i1 to i32
    %cond3A_33 = arith.constant 0 : i32
    %cond3A_34 = arith.cmpi ne, %convert_element_type3A_32, %cond3A_33 : i32
    scf.if %cond3A_34 {
      %get3A_35 = arith.constant 0 : index
      %get3A_36 = arith.constant 0 : index
      %get3A_37 = vector.load %arg6[%get3A_35, %get3A_36] : memref<8x128xf32, #tpu.memory_space<vmem>>, vector<8x128xf32>
      %get3A_38 = arith.constant 0 : index
      %get3A_39 = arith.constant 0 : index
      %get3A_40 = vector.load %arg7[%get3A_38, %get3A_39] : memref<8x128xf32, #tpu.memory_space<vmem>>, vector<8x128xf32>
      %broadcast_in_dim3A = arith.constant 0.000000e+00 : f32
      %broadcast_in_dim3A_41 = vector.broadcast %broadcast_in_dim3A : f32 to vector<40x8x80xf32>
      %get3A_42 = arith.constant 0 : index
      %get3A_43 = arith.constant 0 : index
      %get3A_44 = vector.load %arg3[%get3A_42, %get3A_43] : memref<40x80xi32, #tpu.memory_space<vmem>>, vector<40x80xi32>
      %eq3A_45 = arith.constant 0 : i32
      %eq3A_46 = vector.broadcast %eq3A_45 : i32 to vector<40x80xi32>
      %eq3A_47 = arith.cmpi eq, %get3A_44, %eq3A_46 : vector<40x80xi32>
      %and3A_48 = arith.andi %eq3A_47, %gt3A_7 : vector<40x80xi1>
      %broadcast_in_dim3A_49 = vector.shape_cast %and3A_48 : vector<40x80xi1> to vector<40x1x80xi1>
      %broadcast_in_dim3A_50 = vector.shape_cast %broadcast_in_dim3A_49 : vector<40x1x80xi1> to vector<40x1x80xi1>
      %broadcast_in_dim3A_51 = vector.broadcast %broadcast_in_dim3A_50 : vector<40x1x80xi1> to vector<40x8x80xi1>
      %slice3A = vector.extract_strided_slice %get3A_37 {offsets = [0, 0], sizes = [8, 1], strides = [1, 1]} : vector<8x128xf32> to vector<8x1xf32>
      %squeeze3A = vector.shape_cast %slice3A : vector<8x1xf32> to vector<8xf32>
      %broadcast_in_dim3A_52 = vector.shape_cast %squeeze3A : vector<8xf32> to vector<1x8x1xf32>
      %sub3A = vector.broadcast %broadcast_in_dim3A_52 : vector<1x8x1xf32> to vector<40x8x80xf32>
      %sub3A_53 = arith.subf %get3A_2, %sub3A : vector<40x8x80xf32>
      %exp3A = math.exp %sub3A_53 : vector<40x8x80xf32>
      %slice3A_54 = vector.extract_strided_slice %get3A_40 {offsets = [0, 0], sizes = [8, 1], strides = [1, 1]} : vector<8x128xf32> to vector<8x1xf32>
      %squeeze3A_55 = vector.shape_cast %slice3A_54 : vector<8x1xf32> to vector<8xf32>
      %broadcast_in_dim3A_56 = vector.shape_cast %squeeze3A_55 : vector<8xf32> to vector<1x8x1xf32>
      %max3A = arith.constant 1.000000e-30 : f32
      %max3A_57 = vector.broadcast %max3A : f32 to vector<1x8x1xf32>
      %max3A_58 = arith.maximumf %broadcast_in_dim3A_56, %max3A_57 : vector<1x8x1xf32>
      %div3A = vector.broadcast %max3A_58 : vector<1x8x1xf32> to vector<40x8x80xf32>
      %div3A_59 = arith.divf %exp3A, %div3A : vector<40x8x80xf32>
      %select_n3A = arith.select %broadcast_in_dim3A_51, %div3A_59, %broadcast_in_dim3A_41 : vector<40x8x80xi1>, vector<40x8x80xf32>
      %get3A_60 = arith.constant 0 : index
      %get3A_61 = arith.constant 0 : index
      %get3A_62 = vector.load %arg3[%get3A_60, %get3A_61] : memref<40x80xi32, #tpu.memory_space<vmem>>, vector<40x80xi32>
      %eq3A_63 = arith.constant 1 : i32
      %eq3A_64 = vector.broadcast %eq3A_63 : i32 to vector<40x80xi32>
      %eq3A_65 = arith.cmpi eq, %get3A_62, %eq3A_64 : vector<40x80xi32>
      %and3A_66 = arith.andi %eq3A_65, %gt3A_7 : vector<40x80xi1>
      %broadcast_in_dim3A_67 = vector.shape_cast %and3A_66 : vector<40x80xi1> to vector<40x1x80xi1>
      %broadcast_in_dim3A_68 = vector.shape_cast %broadcast_in_dim3A_67 : vector<40x1x80xi1> to vector<40x1x80xi1>
      %broadcast_in_dim3A_69 = vector.broadcast %broadcast_in_dim3A_68 : vector<40x1x80xi1> to vector<40x8x80xi1>
      %slice3A_70 = vector.extract_strided_slice %get3A_37 {offsets = [0, 1], sizes = [8, 1], strides = [1, 1]} : vector<8x128xf32> to vector<8x1xf32>
      %squeeze3A_71 = vector.shape_cast %slice3A_70 : vector<8x1xf32> to vector<8xf32>
      %broadcast_in_dim3A_72 = vector.shape_cast %squeeze3A_71 : vector<8xf32> to vector<1x8x1xf32>
      %sub3A_73 = vector.broadcast %broadcast_in_dim3A_72 : vector<1x8x1xf32> to vector<40x8x80xf32>
      %sub3A_74 = arith.subf %get3A_2, %sub3A_73 : vector<40x8x80xf32>
      %exp3A_75 = math.exp %sub3A_74 : vector<40x8x80xf32>
      %slice3A_76 = vector.extract_strided_slice %get3A_40 {offsets = [0, 1], sizes = [8, 1], strides = [1, 1]} : vector<8x128xf32> to vector<8x1xf32>
      %squeeze3A_77 = vector.shape_cast %slice3A_76 : vector<8x1xf32> to vector<8xf32>
      %broadcast_in_dim3A_78 = vector.shape_cast %squeeze3A_77 : vector<8xf32> to vector<1x8x1xf32>
      %max3A_79 = arith.constant 1.000000e-30 : f32
      %max3A_80 = vector.broadcast %max3A_79 : f32 to vector<1x8x1xf32>
      %max3A_81 = arith.maximumf %broadcast_in_dim3A_78, %max3A_80 : vector<1x8x1xf32>
      %div3A_82 = vector.broadcast %max3A_81 : vector<1x8x1xf32> to vector<40x8x80xf32>
      %div3A_83 = arith.divf %exp3A_75, %div3A_82 : vector<40x8x80xf32>
      %select_n3A_84 = arith.select %broadcast_in_dim3A_69, %div3A_83, %select_n3A : vector<40x8x80xi1>, vector<40x8x80xf32>
      %get3A_85 = arith.constant 0 : index
      %get3A_86 = arith.constant 0 : index
      %get3A_87 = vector.load %arg3[%get3A_85, %get3A_86] : memref<40x80xi32, #tpu.memory_space<vmem>>, vector<40x80xi32>
      %eq3A_88 = arith.constant 2 : i32
      %eq3A_89 = vector.broadcast %eq3A_88 : i32 to vector<40x80xi32>
      %eq3A_90 = arith.cmpi eq, %get3A_87, %eq3A_89 : vector<40x80xi32>
      %and3A_91 = arith.andi %eq3A_90, %gt3A_7 : vector<40x80xi1>
      %broadcast_in_dim3A_92 = vector.shape_cast %and3A_91 : vector<40x80xi1> to vector<40x1x80xi1>
      %broadcast_in_dim3A_93 = vector.shape_cast %broadcast_in_dim3A_92 : vector<40x1x80xi1> to vector<40x1x80xi1>
      %broadcast_in_dim3A_94 = vector.broadcast %broadcast_in_dim3A_93 : vector<40x1x80xi1> to vector<40x8x80xi1>
      %slice3A_95 = vector.extract_strided_slice %get3A_37 {offsets = [0, 2], sizes = [8, 1], strides = [1, 1]} : vector<8x128xf32> to vector<8x1xf32>
      %squeeze3A_96 = vector.shape_cast %slice3A_95 : vector<8x1xf32> to vector<8xf32>
      %broadcast_in_dim3A_97 = vector.shape_cast %squeeze3A_96 : vector<8xf32> to vector<1x8x1xf32>
      %sub3A_98 = vector.broadcast %broadcast_in_dim3A_97 : vector<1x8x1xf32> to vector<40x8x80xf32>
      %sub3A_99 = arith.subf %get3A_2, %sub3A_98 : vector<40x8x80xf32>
      %exp3A_100 = math.exp %sub3A_99 : vector<40x8x80xf32>
      %slice3A_101 = vector.extract_strided_slice %get3A_40 {offsets = [0, 2], sizes = [8, 1], strides = [1, 1]} : vector<8x128xf32> to vector<8x1xf32>
      %squeeze3A_102 = vector.shape_cast %slice3A_101 : vector<8x1xf32> to vector<8xf32>
      %broadcast_in_dim3A_103 = vector.shape_cast %squeeze3A_102 : vector<8xf32> to vector<1x8x1xf32>
      %max3A_104 = arith.constant 1.000000e-30 : f32
      %max3A_105 = vector.broadcast %max3A_104 : f32 to vector<1x8x1xf32>
      %max3A_106 = arith.maximumf %broadcast_in_dim3A_103, %max3A_105 : vector<1x8x1xf32>
      %div3A_107 = vector.broadcast %max3A_106 : vector<1x8x1xf32> to vector<40x8x80xf32>
      %div3A_108 = arith.divf %exp3A_100, %div3A_107 : vector<40x8x80xf32>
      %select_n3A_109 = arith.select %broadcast_in_dim3A_94, %div3A_108, %select_n3A_84 : vector<40x8x80xi1>, vector<40x8x80xf32>
      %get3A_110 = arith.constant 0 : index
      %get3A_111 = arith.constant 0 : index
      %get3A_112 = vector.load %arg3[%get3A_110, %get3A_111] : memref<40x80xi32, #tpu.memory_space<vmem>>, vector<40x80xi32>
      %eq3A_113 = arith.constant 3 : i32
      %eq3A_114 = vector.broadcast %eq3A_113 : i32 to vector<40x80xi32>
      %eq3A_115 = arith.cmpi eq, %get3A_112, %eq3A_114 : vector<40x80xi32>
      %and3A_116 = arith.andi %eq3A_115, %gt3A_7 : vector<40x80xi1>
      %broadcast_in_dim3A_117 = vector.shape_cast %and3A_116 : vector<40x80xi1> to vector<40x1x80xi1>
      %broadcast_in_dim3A_118 = vector.shape_cast %broadcast_in_dim3A_117 : vector<40x1x80xi1> to vector<40x1x80xi1>
      %broadcast_in_dim3A_119 = vector.broadcast %broadcast_in_dim3A_118 : vector<40x1x80xi1> to vector<40x8x80xi1>
      %slice3A_120 = vector.extract_strided_slice %get3A_37 {offsets = [0, 3], sizes = [8, 1], strides = [1, 1]} : vector<8x128xf32> to vector<8x1xf32>
      %squeeze3A_121 = vector.shape_cast %slice3A_120 : vector<8x1xf32> to vector<8xf32>
      %broadcast_in_dim3A_122 = vector.shape_cast %squeeze3A_121 : vector<8xf32> to vector<1x8x1xf32>
      %sub3A_123 = vector.broadcast %broadcast_in_dim3A_122 : vector<1x8x1xf32> to vector<40x8x80xf32>
      %sub3A_124 = arith.subf %get3A_2, %sub3A_123 : vector<40x8x80xf32>
      %exp3A_125 = math.exp %sub3A_124 : vector<40x8x80xf32>
      %slice3A_126 = vector.extract_strided_slice %get3A_40 {offsets = [0, 3], sizes = [8, 1], strides = [1, 1]} : vector<8x128xf32> to vector<8x1xf32>
      %squeeze3A_127 = vector.shape_cast %slice3A_126 : vector<8x1xf32> to vector<8xf32>
      %broadcast_in_dim3A_128 = vector.shape_cast %squeeze3A_127 : vector<8xf32> to vector<1x8x1xf32>
      %max3A_129 = arith.constant 1.000000e-30 : f32
      %max3A_130 = vector.broadcast %max3A_129 : f32 to vector<1x8x1xf32>
      %max3A_131 = arith.maximumf %broadcast_in_dim3A_128, %max3A_130 : vector<1x8x1xf32>
      %div3A_132 = vector.broadcast %max3A_131 : vector<1x8x1xf32> to vector<40x8x80xf32>
      %div3A_133 = arith.divf %exp3A_125, %div3A_132 : vector<40x8x80xf32>
      %select_n3A_134 = arith.select %broadcast_in_dim3A_119, %div3A_133, %select_n3A_109 : vector<40x8x80xi1>, vector<40x8x80xf32>
      %get3A_135 = arith.constant 0 : index
      %get3A_136 = arith.constant 0 : index
      %get3A_137 = vector.load %arg3[%get3A_135, %get3A_136] : memref<40x80xi32, #tpu.memory_space<vmem>>, vector<40x80xi32>
      %eq3A_138 = arith.constant 4 : i32
      %eq3A_139 = vector.broadcast %eq3A_138 : i32 to vector<40x80xi32>
      %eq3A_140 = arith.cmpi eq, %get3A_137, %eq3A_139 : vector<40x80xi32>
      %and3A_141 = arith.andi %eq3A_140, %gt3A_7 : vector<40x80xi1>
      %broadcast_in_dim3A_142 = vector.shape_cast %and3A_141 : vector<40x80xi1> to vector<40x1x80xi1>
      %broadcast_in_dim3A_143 = vector.shape_cast %broadcast_in_dim3A_142 : vector<40x1x80xi1> to vector<40x1x80xi1>
      %broadcast_in_dim3A_144 = vector.broadcast %broadcast_in_dim3A_143 : vector<40x1x80xi1> to vector<40x8x80xi1>
      %slice3A_145 = vector.extract_strided_slice %get3A_37 {offsets = [0, 4], sizes = [8, 1], strides = [1, 1]} : vector<8x128xf32> to vector<8x1xf32>
      %squeeze3A_146 = vector.shape_cast %slice3A_145 : vector<8x1xf32> to vector<8xf32>
      %broadcast_in_dim3A_147 = vector.shape_cast %squeeze3A_146 : vector<8xf32> to vector<1x8x1xf32>
      %sub3A_148 = vector.broadcast %broadcast_in_dim3A_147 : vector<1x8x1xf32> to vector<40x8x80xf32>
      %sub3A_149 = arith.subf %get3A_2, %sub3A_148 : vector<40x8x80xf32>
      %exp3A_150 = math.exp %sub3A_149 : vector<40x8x80xf32>
      %slice3A_151 = vector.extract_strided_slice %get3A_40 {offsets = [0, 4], sizes = [8, 1], strides = [1, 1]} : vector<8x128xf32> to vector<8x1xf32>
      %squeeze3A_152 = vector.shape_cast %slice3A_151 : vector<8x1xf32> to vector<8xf32>
      %broadcast_in_dim3A_153 = vector.shape_cast %squeeze3A_152 : vector<8xf32> to vector<1x8x1xf32>
      %max3A_154 = arith.constant 1.000000e-30 : f32
      %max3A_155 = vector.broadcast %max3A_154 : f32 to vector<1x8x1xf32>
      %max3A_156 = arith.maximumf %broadcast_in_dim3A_153, %max3A_155 : vector<1x8x1xf32>
      %div3A_157 = vector.broadcast %max3A_156 : vector<1x8x1xf32> to vector<40x8x80xf32>
      %div3A_158 = arith.divf %exp3A_150, %div3A_157 : vector<40x8x80xf32>
      %select_n3A_159 = arith.select %broadcast_in_dim3A_144, %div3A_158, %select_n3A_134 : vector<40x8x80xi1>, vector<40x8x80xf32>
      %get3A_160 = arith.constant 0 : index
      %get3A_161 = arith.constant 0 : index
      %get3A_162 = vector.load %arg3[%get3A_160, %get3A_161] : memref<40x80xi32, #tpu.memory_space<vmem>>, vector<40x80xi32>
      %eq3A_163 = arith.constant 5 : i32
      %eq3A_164 = vector.broadcast %eq3A_163 : i32 to vector<40x80xi32>
      %eq3A_165 = arith.cmpi eq, %get3A_162, %eq3A_164 : vector<40x80xi32>
      %and3A_166 = arith.andi %eq3A_165, %gt3A_7 : vector<40x80xi1>
      %broadcast_in_dim3A_167 = vector.shape_cast %and3A_166 : vector<40x80xi1> to vector<40x1x80xi1>
      %broadcast_in_dim3A_168 = vector.shape_cast %broadcast_in_dim3A_167 : vector<40x1x80xi1> to vector<40x1x80xi1>
      %broadcast_in_dim3A_169 = vector.broadcast %broadcast_in_dim3A_168 : vector<40x1x80xi1> to vector<40x8x80xi1>
      %slice3A_170 = vector.extract_strided_slice %get3A_37 {offsets = [0, 5], sizes = [8, 1], strides = [1, 1]} : vector<8x128xf32> to vector<8x1xf32>
      %squeeze3A_171 = vector.shape_cast %slice3A_170 : vector<8x1xf32> to vector<8xf32>
      %broadcast_in_dim3A_172 = vector.shape_cast %squeeze3A_171 : vector<8xf32> to vector<1x8x1xf32>
      %sub3A_173 = vector.broadcast %broadcast_in_dim3A_172 : vector<1x8x1xf32> to vector<40x8x80xf32>
      %sub3A_174 = arith.subf %get3A_2, %sub3A_173 : vector<40x8x80xf32>
      %exp3A_175 = math.exp %sub3A_174 : vector<40x8x80xf32>
      %slice3A_176 = vector.extract_strided_slice %get3A_40 {offsets = [0, 5], sizes = [8, 1], strides = [1, 1]} : vector<8x128xf32> to vector<8x1xf32>
      %squeeze3A_177 = vector.shape_cast %slice3A_176 : vector<8x1xf32> to vector<8xf32>
      %broadcast_in_dim3A_178 = vector.shape_cast %squeeze3A_177 : vector<8xf32> to vector<1x8x1xf32>
      %max3A_179 = arith.constant 1.000000e-30 : f32
      %max3A_180 = vector.broadcast %max3A_179 : f32 to vector<1x8x1xf32>
      %max3A_181 = arith.maximumf %broadcast_in_dim3A_178, %max3A_180 : vector<1x8x1xf32>
      %div3A_182 = vector.broadcast %max3A_181 : vector<1x8x1xf32> to vector<40x8x80xf32>
      %div3A_183 = arith.divf %exp3A_175, %div3A_182 : vector<40x8x80xf32>
      %select_n3A_184 = arith.select %broadcast_in_dim3A_169, %div3A_183, %select_n3A_159 : vector<40x8x80xi1>, vector<40x8x80xf32>
      %swap3A = arith.constant 0 : index
      %swap3A_185 = arith.constant 0 : index
      %swap3A_186 = arith.constant 0 : index
      %swap3A_187 = vector.load %arg5[%swap3A, %swap3A_185, %swap3A_186] : memref<40x8x80xf32, #tpu.memory_space<vmem>>, vector<40x8x80xf32>
      tpu.vector_store %arg5[%swap3A, %swap3A_185, %swap3A_186], %select_n3A_184 {strides = array<i32>} : memref<40x8x80xf32, #tpu.memory_space<vmem>>, vector<40x8x80xf32>,
    } else {
    }
    return
  }
  func.func @transform_0(%arg0: i32, %arg1: i32) -> (i32, i32, i32) {
    %c0_i32 = arith.constant 0 : i32
    %c0_i32_0 = arith.constant 0 : i32
    %c0_i32_1 = arith.constant 0 : i32
    return %arg1, %c0_i32, %c0_i32_0 : i32, i32, i32
  }
  func.func @transform_1(%arg0: i32, %arg1: i32) -> (i32, i32) {
    %c0_i32 = arith.constant 0 : i32
    %c0_i32_0 = arith.constant 0 : i32
    return %arg1, %c0_i32 : i32, i32
  }
  func.func @transform_2(%arg0: i32, %arg1: i32) -> (i32, i32) {
    %c0_i32 = arith.constant 0 : i32
    %c0_i32_0 = arith.constant 0 : i32
    return %arg1, %c0_i32 : i32, i32
  }
  func.func @transform_3(%arg0: i32, %arg1: i32) -> (i32, i32, i32) {
    %c0_i32 = arith.constant 0 : i32
    %c0_i32_0 = arith.constant 0 : i32
    %c0_i32_1 = arith.constant 0 : i32
    return %arg1, %c0_i32, %c0_i32_0 : i32, i32, i32
  }
}

module attributes {stable_mosaic.version = 14 : i64} {
  func.func @_out_body(%arg0: i32, %arg1: memref<400x128xf32, #tpu.memory_space<vmem>>, %arg2: memref<400x128xf32, #tpu.memory_space<vmem>>, %arg3: memref<400x128xf32, #tpu.memory_space<vmem>>, %arg4: memref<400x128xf32, #tpu.memory_space<vmem>>, %arg5: memref<128x128xf32, #tpu.memory_space<vmem>>, %arg6: memref<1x128xf32, #tpu.memory_space<vmem>>, %arg7: memref<1x128xf32, #tpu.memory_space<vmem>>, %arg8: memref<1x128xf32, #tpu.memory_space<vmem>>, %arg9: memref<400x128xf32, #tpu.memory_space<vmem>>) attributes {dimension_semantics = [#tpu.dimension_semantics<arbitrary>], iteration_bounds = array<i64: 25>, scalar_prefetch = 0 : i64, scratch_operands = 0 : i64, tpu.core_type = #tpu.core_type<tc>, window_params = [{transform_indices = @transform_0, window_bounds = array<i64: 400, 128>}, {transform_indices = @transform_1, window_bounds = array<i64: 400, 128>}, {transform_indices = @transform_2, window_bounds = array<i64: 400, 128>}, {transform_indices = @transform_3, window_bounds = array<i64: 400, 128>}, {pipeline_mode = #tpu.pipeline_mode<synchronous>, transform_indices = @transform_4, window_bounds = array<i64: 128, 128>}, {pipeline_mode = #tpu.pipeline_mode<synchronous>, transform_indices = @transform_5, window_bounds = array<i64: 1, 128>}, {pipeline_mode = #tpu.pipeline_mode<synchronous>, transform_indices = @transform_6, window_bounds = array<i64: 1, 128>}, {pipeline_mode = #tpu.pipeline_mode<synchronous>, transform_indices = @transform_7, window_bounds = array<i64: 1, 128>}, {transform_indices = @transform_8, window_bounds = array<i64: 400, 128>}]} {
    %get3A = arith.constant 0 : index
    %get3A_0 = arith.constant 0 : index
    %get3A_1 = vector.load %arg1[%get3A, %get3A_0] : memref<400x128xf32, #tpu.memory_space<vmem>>, vector<400x128xf32>
    %get3A_2 = arith.constant 0 : index
    %get3A_3 = arith.constant 0 : index
    %get3A_4 = vector.load %arg2[%get3A_2, %get3A_3] : memref<400x128xf32, #tpu.memory_space<vmem>>, vector<400x128xf32>
    %add3A = arith.addf %get3A_1, %get3A_4 : vector<400x128xf32>
    %get3A_5 = arith.constant 0 : index
    %get3A_6 = arith.constant 0 : index
    %get3A_7 = vector.load %arg5[%get3A_5, %get3A_6] : memref<128x128xf32, #tpu.memory_space<vmem>>, vector<128x128xf32>
    %dot_general3A = arith.constant dense<0.000000e+00> : vector<400x128xf32>
    %dot_general3A_8 = tpu.matmul %add3A, %get3A_7, %dot_general3A {dimension_numbers = #tpu.dot_dimension_numbers<[1], [1], [0], [0], [0, 0, 1, 0], [], []>, transpose_lhs_hint = false} : vector<400x128xf32>, vector<128x128xf32>, vector<400x128xf32> -> vector<400x128xf32>
    %get3A_9 = arith.constant 0 : index
    %get3A_10 = arith.constant 0 : index
    %get3A_11 = vector.load %arg6[%get3A_9, %get3A_10] : memref<1x128xf32, #tpu.memory_space<vmem>>, vector<1x128xf32>
    %add3A_12 = vector.broadcast %get3A_11 : vector<1x128xf32> to vector<400x128xf32>
    %add3A_13 = arith.addf %dot_general3A_8, %add3A_12 : vector<400x128xf32>
    %get3A_14 = arith.constant 0 : index
    %get3A_15 = arith.constant 0 : index
    %get3A_16 = vector.load %arg3[%get3A_14, %get3A_15] : memref<400x128xf32, #tpu.memory_space<vmem>>, vector<400x128xf32>
    %add3A_17 = arith.addf %add3A_13, %get3A_16 : vector<400x128xf32>
    %reduce_sum3A = arith.constant dense<0.000000e+00> : vector<400xf32>
    %reduce_sum3A_18 = vector.multi_reduction <add>, %add3A_17, %reduce_sum3A [1] : vector<400x128xf32> to vector<400xf32>
    %broadcast_in_dim3A = vector.shape_cast %reduce_sum3A_18 : vector<400xf32> to vector<400x1xf32>
    %div3A = arith.constant 1.280000e+02 : f32
    %div3A_19 = vector.broadcast %div3A : f32 to vector<400x1xf32>
    %div3A_20 = arith.divf %broadcast_in_dim3A, %div3A_19 : vector<400x1xf32>
    %sub3A = vector.broadcast %div3A_20 : vector<400x1xf32> to vector<400x128xf32>
    %sub3A_21 = arith.subf %add3A_17, %sub3A : vector<400x128xf32>
    %integer_pow3A = arith.mulf %sub3A_21, %sub3A_21 : vector<400x128xf32>
    %reduce_sum3A_22 = arith.constant dense<0.000000e+00> : vector<400xf32>
    %reduce_sum3A_23 = vector.multi_reduction <add>, %integer_pow3A, %reduce_sum3A_22 [1] : vector<400x128xf32> to vector<400xf32>
    %broadcast_in_dim3A_24 = vector.shape_cast %reduce_sum3A_23 : vector<400xf32> to vector<400x1xf32>
    %div3A_25 = arith.constant 1.280000e+02 : f32
    %div3A_26 = vector.broadcast %div3A_25 : f32 to vector<400x1xf32>
    %div3A_27 = arith.divf %broadcast_in_dim3A_24, %div3A_26 : vector<400x1xf32>
    %get3A_28 = arith.constant 0 : index
    %get3A_29 = arith.constant 0 : index
    %get3A_30 = vector.load %arg7[%get3A_28, %get3A_29] : memref<1x128xf32, #tpu.memory_space<vmem>>, vector<1x128xf32>
    %sub3A_31 = vector.broadcast %div3A_20 : vector<400x1xf32> to vector<400x128xf32>
    %sub3A_32 = arith.subf %add3A_17, %sub3A_31 : vector<400x128xf32>
    %mul3A = vector.broadcast %get3A_30 : vector<1x128xf32> to vector<400x128xf32>
    %mul3A_33 = arith.mulf %mul3A, %sub3A_32 : vector<400x128xf32>
    %add3A_34 = arith.constant 9.99999974E-6 : f32
    %add3A_35 = vector.broadcast %add3A_34 : f32 to vector<400x1xf32>
    %add3A_36 = arith.addf %div3A_27, %add3A_35 : vector<400x1xf32>
    %sqrt3A = math.sqrt %add3A_36 : vector<400x1xf32>
    %div3A_37 = vector.broadcast %sqrt3A : vector<400x1xf32> to vector<400x128xf32>
    %div3A_38 = arith.divf %mul3A_33, %div3A_37 : vector<400x128xf32>
    %get3A_39 = arith.constant 0 : index
    %get3A_40 = arith.constant 0 : index
    %get3A_41 = vector.load %arg8[%get3A_39, %get3A_40] : memref<1x128xf32, #tpu.memory_space<vmem>>, vector<1x128xf32>
    %add3A_42 = vector.broadcast %get3A_41 : vector<1x128xf32> to vector<400x128xf32>
    %add3A_43 = arith.addf %div3A_38, %add3A_42 : vector<400x128xf32>
    %get3A_44 = arith.constant 0 : index
    %get3A_45 = arith.constant 0 : index
    %get3A_46 = vector.load %arg4[%get3A_44, %get3A_45] : memref<400x128xf32, #tpu.memory_space<vmem>>, vector<400x128xf32>
    %mul3A_47 = arith.mulf %add3A_43, %get3A_46 : vector<400x128xf32>
    %swap3A = arith.constant 0 : index
    %swap3A_48 = arith.constant 0 : index
    %swap3A_49 = vector.load %arg9[%swap3A, %swap3A_48] : memref<400x128xf32, #tpu.memory_space<vmem>>, vector<400x128xf32>
    tpu.vector_store %arg9[%swap3A, %swap3A_48], %mul3A_47 {strides = array<i32>} : memref<400x128xf32, #tpu.memory_space<vmem>>, vector<400x128xf32>,
    return
  }
  func.func @transform_0(%arg0: i32) -> (i32, i32) {
    %c0_i32 = arith.constant 0 : i32
    %c0_i32_0 = arith.constant 0 : i32
    return %arg0, %c0_i32 : i32, i32
  }
  func.func @transform_1(%arg0: i32) -> (i32, i32) {
    %add3A = arith.constant 25 : i32
    %add3A_0 = arith.addi %arg0, %add3A : i32
    %c0_i32 = arith.constant 0 : i32
    %c0_i32_1 = arith.constant 0 : i32
    return %add3A_0, %c0_i32 : i32, i32
  }
  func.func @transform_2(%arg0: i32) -> (i32, i32) {
    %c0_i32 = arith.constant 0 : i32
    %c0_i32_0 = arith.constant 0 : i32
    return %arg0, %c0_i32 : i32, i32
  }
  func.func @transform_3(%arg0: i32) -> (i32, i32) {
    %c0_i32 = arith.constant 0 : i32
    %c0_i32_0 = arith.constant 0 : i32
    return %arg0, %c0_i32 : i32, i32
  }
  func.func @transform_4(%arg0: i32) -> (i32, i32) {
    %c0_i32 = arith.constant 0 : i32
    %c0_i32_0 = arith.constant 0 : i32
    %c0_i32_1 = arith.constant 0 : i32
    return %c0_i32, %c0_i32_0 : i32, i32
  }
  func.func @transform_5(%arg0: i32) -> (i32, i32) {
    %c0_i32 = arith.constant 0 : i32
    %c0_i32_0 = arith.constant 0 : i32
    %c0_i32_1 = arith.constant 0 : i32
    return %c0_i32, %c0_i32_0 : i32, i32
  }
  func.func @transform_6(%arg0: i32) -> (i32, i32) {
    %c0_i32 = arith.constant 0 : i32
    %c0_i32_0 = arith.constant 0 : i32
    %c0_i32_1 = arith.constant 0 : i32
    return %c0_i32, %c0_i32_0 : i32, i32
  }
  func.func @transform_7(%arg0: i32) -> (i32, i32) {
    %c0_i32 = arith.constant 0 : i32
    %c0_i32_0 = arith.constant 0 : i32
    %c0_i32_1 = arith.constant 0 : i32
    return %c0_i32, %c0_i32_0 : i32, i32
  }
  func.func @transform_8(%arg0: i32) -> (i32, i32) {
    %c0_i32 = arith.constant 0 : i32
    %c0_i32_0 = arith.constant 0 : i32
    return %arg0, %c0_i32 : i32, i32
  }
}

</mosaic_0001>

<sc_bundles>
// kernel: kernel.10.cloned.1.call-start
scs
__scs_entry_jumppad:
0x0: {  	(pc) =	sbr.rel $0x88, $3  }
0x1: {  	(tag) =	ssettag $0x0;
	lr =	simm.s32 $0x1  }
0x2: {  	[smem:$0x3F8E] =	sst lr;
	_ =	strace $0xD0000000  }
0x3: {  	_ = 	snop  }
0x4: {  	_ = 	snop  }
0x5: {  	_ = 	snop  }
0x6: {  	_ = 	snop  }
0x7: {  	_ = 	snop  }
__scs_overlays_trampoline_lowered:
0x8: {  	[smem:$0x3F9D] =	sst s0  }
0x9: {  	[smem:$0x3F9E] =	sst s1  }
0xa: {  	[smem:$0x3F9F] =	sst s2  }
0xb: {  	[smem:$0x3FA0] =	sst s3  }
0xc: {  	[smem:$0x3FA1] =	sst s4  }
0xd: {  	[smem:$0x3FA2] =	sst s5  }
0xe: {  	[smem:$0x3FA3] =	sst s6  }
0xf: {  	[smem:$0x3FA4] =	sst s7  }
0x10: {  	[smem:$0x3FA5] =	sst s8  }
0x11: {  	[smem:$0x3FA6] =	sst s9;
	s0 =	simm.s32 @!p0 $0x0  }
0x12: {  	s1 =	sld [smem:$0x3F8C];
	s0 =	simm.s32 @p0 $0x1  }
0x13: {  	[smem:$0x3FA7] =	sst s0;
	s0 =	simm.s32 @!p1 $0x0  }
0x14: {  	s2 =	sld [smem:$0x3F8B];
	s0 =	simm.s32 @p1 $0x1  }
0x15: {  	[smem:$0x3FA8] =	sst s0;
	s0 =	simm.s32 @!p2 $0x0  }
0x16: {  	s3 =	sld [smem:$0x3FDB];
	s0 =	simm.s32 @p2 $0x1  }
0x17: {  	s4 =	simm.s32 $0x1BF5;
	[smem:$0x3FAA] =	sst s0  }
0x18: {  	s0 =	sld [smem:$0x3F8D];
	_ =	swait.ge [sflag:s4], $0x0  }
0x19: {  	s7 =	sld [smem:$0x3F8E]  }
0x1a: {  	s8 =	sadd.s32 $0xFFFFE003, lr  }
0x1b: {  	s9 =	sadd.s32 $0xFFFFFEF7, lr;
	s5 =	simm.s32 $0xFFFFFFFF;
	p2 =	slt.u32 s8, $0xFFFFF086  }
0x1c: {  	p1 =	slt.u32 s9, $0xF7A;
	s5 =	simm.s32 @!p2 $0x0  }
0x1d: {  	s5 =	simm.s32 @p1 $0x1;
	p0 =	seq.s32 s7, s2  }
0x1e: {  	s7 =	smul.u32 @!p0 $0xF7A, s2;
	p2 =	seq.s32 @!p0 s5, $0x0  }
0x1f: {  	s9 =	smul.u32 $0xF7A, s1;
	s8 =	simm.s32 @!p0 $0x1BF5;
	p2 =	por !p2, p0  }
0x20: {  	[sflag:s8] =	ssyncset.s32 @!p0 $0xFFFFF086;
	s6 =	sadd.s32 @!p0 s3, s7;
	s7 =	simm.s32 @!p0 $0x108  }
0x21: {  	s3 =	sadd.s32 s3, s9;
	s6 =	sadd.s32 @!p0 $0x88, s6;
	s7 =	simm.s32 @p2 $0x1082  }
0x22: {  	[simem:s7], [sflag:s8] =	dma.local @!p0 [hbm:s6], $0xF7A  }
0x23: {  	s9 =	sor.u32 $0xD0000000, s2;
	s6 =	simm.s32 $0x108;
	_ =	swait.ge @!p0 [sflag:s8], $0x0  }
0x24: {  	s3 =	sadd.s32 $0x88, s3;
	s6 =	simm.s32 @!p1 $0x1082;
	[sflag:s4] =	ssyncset.s32 $0xFFFFF086  }
0x25: {  	[simem:s6], [sflag:s4] =	dma.local [hbm:s3], $0xF7A  }
0x26: {  	[smem:$0x3F8E] =	sst s1;
	(tag) =	ssettag s2;
	_ =	strace s9  }
0x27: {  	s1 =	sld [smem:$0x3F9E]  }
0x28: {  	s2 =	sld [smem:$0x3F9F]  }
0x29: {  	s4 =	sld [smem:$0x3FA1]  }
0x2a: {  	p0 =	seq.s32 s5, $0x0;
	s5 =	sld [smem:$0x3FA2]  }
0x2b: {  	s6 =	sld [smem:$0x3FA3]  }
0x2c: {  	s7 =	sld [smem:$0x3FA4]  }
0x2d: {  	s3 =	simm.s32 $0x108;
	s8 =	sld [smem:$0x3FA5]  }
0x2e: {  	s3 =	simm.s32 @!p0 $0x1082;
	s9 =	sld [smem:$0x3FA6]  }
0x2f: {  	lr =	sadd.s32 s0, s3;
	s0 =	sld [smem:$0x3F9D]  }
0x30: {  	s3 =	sld [smem:$0x3FA0]  }
0x31: {  	[smem:$0x3FA9] =	sst s10  }
0x32: {  	s10 =	sld [smem:$0x3FA7];
	_ =	sdelay $0x3  }
0x33: {  	p0 =	seq.s32 s10, $0x1;
	s10 =	sld [smem:$0x3FA9];
	_ =	sdelay $0x3  }
0x34: {  	[smem:$0x3FA9] =	sst s10  }
0x35: {  	s10 =	sld [smem:$0x3FA8];
	_ =	sdelay $0x3  }
0x36: {  	p1 =	seq.s32 s10, $0x1;
	s10 =	sld [smem:$0x3FA9];
	_ =	sdelay $0x3  }
0x37: {  	[smem:$0x3FA9] =	sst s10  }
0x38: {  	s10 =	sld [smem:$0x3FAA]  }
0x39: {  	_ = 	snop;
	(pc) =	sbr.ind lr, $3  }
0x3a: {  	_ = 	snop  }
0x3b: {  	_ = 	snop  }
0x3c: {  	p2 =	seq.s32 s10, $0x1;
	s10 =	sld [smem:$0x3FA9]  }
0x3d: {  	_ =	shalt  }
0x3e: {  	_ =	shalt  }
0x3f: {  	_ =	shalt  }
0x40: {  	_ =	shalt  }
0x41: {  	_ =	shalt  }
0x42: {  	_ =	shalt  }
0x43: {  	_ =	shalt  }
0x44: {  	_ =	shalt  }
0x45: {  	_ =	shalt  }
0x46: {  	_ =	shalt  }
0x47: {  	_ =	shalt  }
0x48: {  	_ =	shalt  }
0x49: {  	_ =	shalt  }
0x4a: {  	_ =	shalt  }
0x4b: {  	_ =	shalt  }
0x4c: {  	_ =	shalt  }
0x4d: {  	_ =	shalt  }
0x4e: {  	_ =	shalt  }
0x4f: {  	_ =	shalt  }
0x50: {  	_ =	shalt  }
0x51: {  	_ =	shalt  }
0x52: {  	_ =	shalt  }
0x53: {  	_ =	shalt  }
0x54: {  	_ =	shalt  }
0x55: {  	_ =	shalt  }
0x56: {  	_ =	shalt  }
0x57: {  	_ =	shalt  }
0x58: {  	_ =	shalt  }
0x59: {  	_ =	shalt  }
0x5a: {  	_ =	shalt  }
0x5b: {  	_ =	shalt  }
0x5c: {  	_ =	shalt  }
0x5d: {  	_ =	shalt  }
0x5e: {  	_ =	shalt  }
0x5f: {  	_ =	shalt  }
0x60: {  	_ =	shalt  }
0x61: {  	_ =	shalt  }
0x62: {  	_ =	shalt  }
0x63: {  	_ =	shalt  }
0x64: {  	_ =	shalt  }
0x65: {  	_ =	shalt  }
0x66: {  	_ =	shalt  }
0x67: {  	_ =	shalt  }
0x68: {  	_ =	shalt  }
0x69: {  	_ =	shalt  }
0x6a: {  	_ =	shalt  }
0x6b: {  	_ =	shalt  }
0x6c: {  	_ =	shalt  }
0x6d: {  	_ =	shalt  }
0x6e: {  	_ =	shalt  }
0x6f: {  	_ =	shalt  }
0x70: {  	_ =	shalt  }
0x71: {  	_ =	shalt  }
0x72: {  	_ =	shalt  }
0x73: {  	_ =	shalt  }
0x74: {  	_ =	shalt  }
0x75: {  	_ =	shalt  }
0x76: {  	_ =	shalt  }
0x77: {  	_ =	shalt  }
0x78: {  	_ =	shalt  }
0x79: {  	_ =	shalt  }
0x7a: {  	_ =	shalt  }
0x7b: {  	_ =	shalt  }
0x7c: {  	_ =	shalt  }
0x7d: {  	_ =	shalt  }
0x7e: {  	_ =	shalt  }
0x7f: {  	_ =	shalt  }
0x80: {  	_ =	shalt  }
0x81: {  	_ =	shalt  }
0x82: {  	_ =	shalt  }
0x83: {  	_ =	shalt  }
0x84: {  	_ =	shalt  }
0x85: {  	_ =	shalt  }
0x86: {  	_ =	shalt  }
0x87: {  	_ =	shalt  }
.Lfunc_end0:
.L_simem_size_0:
called_computation.1_lowered:
.L_overlay_start_0:
0x88: {  	s2 =	sld [smem:$0x3FD9]  }
0x89: {  	s3 =	sld [smem:$0x3FFE];
	_ =	sdelay $0x1  }
0x8a: {  	s1 =	srdreg.scid  }
0x8b: {  	s0 =	sand.u32 $0x1, s1  }
0x8c: {  	s16 =	sshll.u32 s0, $0xA;
	s2 =	sadd.s32 s3, s2  }
0x8d: {  	s2 =	sadd.s32 s2, s16  }
0x8e: {  	[smem:$0x3FB5] =	sst s2  }
0x8f: {  	_ = 	snop  }
0x90: {  	(tm) =	ssettm $0x1  }
0x91: {  	s17 =	sld [smem:$0x3FFB];
	_ =	sdelay $0x3  }
0x92: {  	_ =	strace s17  }
0x93: {  	s2 =	sld [smem:$0x3FFC];
	_ =	sdelay $0x3  }
0x94: {  	_ =	strace s2  }
0x95: {  	s2 =	sld [smem:$0x3FFD];
	_ =	sdelay $0x3  }
0x96: {  	_ =	strace s2  }
0x97: {  	_ =	strace $0x8FFFFFFF  }
0x98: {  	s18 =	sld [smem:$0x3FDB];
	_ =	sdelay $0x1  }
0x99: {  	s19 =	simm.s32 $_scs_section_size  }
0x9a: {  	s4 =	simm.s32 $_size__tile_overlayer_lowered;
	s5 =	simm.s32 $_tile_overlayer_lowered  }
0x9b: {  	s22 =	simm.s32 $0x1BFF;
	s21 =	sshll.u32 s5, $0x1;
	s2 =	sadd.s32 s19, s18  }
0x9c: {  	s6 =	simm.s32 $0x0;
	s20 =	sshll.u32 s4, $0x1;
	s4 =	sadd.s32 s21, s2  }
0x9d: {  	[timem:s6], [sflag:s22] =	dma.local [hbm:s4], s20  }
0x9e: {  	_ =	swait.ge [sflag:s22], s20  }
0x9f: {  	s3 =	ssub.s32 $0x0, s20;
	[sflag:s22] =	ssyncset.done $0x0  }
0xa0: {  	[sflag:s22] =	ssyncadd.s32 s3;
	_ =	sdelay $0x1  }
0xa1: {  	s23 =	simm.s32 $0x1B8B  }
0xa2: {  	_ =	swait.ge [sflag:s23], $0x1  }
0xa3: {  	[sflag:s23] =	ssyncset.done $0x0  }
0xa4: {  	s25 =	simm.s32 $0x1B8E;
	s24 =	sld [smem:$0x3FFE];
	[sflag:s23] =	ssyncadd.s32 $0xFFFFFFFF  }
0xa5: {  	s26 =	simm.s32 $execute0_lowered;
	[smem:$0x3FD2] =	sst s25  }
0xa6: {  	s4 =	sshll.u32 s26, $0x1;
	_ =	strace $0x80000049;
	[dreg:$0x1] =	wrdreg $0xFFFFFFFF  }
0xa7: {  	s28 =	simm.s32 $_size_execute0_lowered;
	s2 =	sadd.s32 s2, s4;
	[dreg:$0x0] =	wrdreg $0x0  }
0xa8: {  	s4 =	sshll.u32 s28, $0x1;
	[dreg:$0x2] =	wrdreg s2  }
0xa9: {  	[dreg:$0x3] =	wrdreg s4  }
0xaa: {  	[dreg:$0x4] =	wrdreg $0xC0  }
0xab: {  	_ =	task [dreg:s6], $0x5FFFF  }
0xac: {  	[dreg:$0x1] =	wrdreg $0xFFFFFFFF  }
0xad: {  	[dreg:$0x0] =	wrdreg $0x60  }
0xae: {  	[dreg:$0x2] =	wrdreg s24  }
0xaf: {  	[dreg:$0x3] =	wrdreg $0xC2000  }
0xb0: {  	[dreg:$0x4] =	wrdreg $0x9  }
0xb1: {  	_ =	task.clear_ibuf [dreg:s6], $0x5FFFF;
	_ =	strace $0x90000049  }
0xb2: {  	s29 =	simm.s32 $0x9;
	_ =	strace $0x8000004B  }
0xb3: {  	_ =	swait.ge [sflag:s29], $0x1  }
0xb4: {  	[sflag:s29] =	ssyncadd.s32 $0xFFFFFFFF  }
0xb5: {  	_ =	strace $0x9000004B  }
0xb6: {  	_ =	sfence  }
0xb7: {  	s30 =	sld [smem:$0x0];
	_ =	sdelay $0x2  }
0xb8: {  	s31 =	sshll.u32 s1, $0xD;
	s1 =	sshrl.u32 s1, $0x2  }
0xb9: {  	s3 =	sand.u32 $0x4000, s31;
	s1 =	sadd.s32 s1, s30  }
0xba: {  	s0 =	sor.u32 s3, s0;
	s1 =	sshll.u32 s1, $0x11  }
0xbb: {  	s0 =	sor.u32 s1, s0  }
0xbc: {  	s0 =	sadd.s32 $0x8F2B, s0  }
0xbd: {  	[sflag:s0] =	ssyncadd.remote.s32 $0x1  }
0xbe: {  	_ =	sfence.sel $0xFFFF  }
0xbf: {  	[dreg:$0x0] =	wrdreg $0xFFFFFFFF;
	(pc) =	sbr.abs _section_cstart, $3  }
0xc0: {  	[dreg:$0x1] =	wrdreg $0xFFFFFFFF  }
0xc1: {  	_ =	task.clear_ibuf [dreg:s6], $0x2FFFF;
	_ =	strace $0x9FFFFFFF  }
0xc2: {  	(tm) =	ssettm $0x7FFFFFFF  }
0xc3: {  	_ =	shalt  }
tec
execute0_lowered:
.L_overlay_start_1:
0x0: {  	(tag) =	ssettag $0x1  }
0x1: {  	s0 =	rddreg [dreg:$0x0]  }
0x2: {  	s1 =	rddreg [dreg:$0x1]  }
0x3: {  	s3 =	simm.s32 $0x0;
	s5 =	srdreg.scid;
	s2 =	stileid.u32  }
0x4: {  	s12 =	simm.s32 $0x3;
	s13 =	simm.s32 $0x50;
	s14 =	simm.s32 $0x4100  }
0x5: {  	s15 =	simm.s32 $0x4200;
	s16 =	simm.s32 $0xBA00;
	s17 =	simm.s32 $0x4180  }
0x6: {  	s18 =	simm.s32 $0x6A00;
	s19 =	simm.s32 $0xBE00;
	s20 =	simm.s32 $0x1  }
0x7: {  	s21 =	simm.s32 $0x9200;
	s22 =	simm.s32 $0x4000;
	s23 =	simm.s32 $0x2  }
0x8: {  	s24 =	simm.s32 $0x4080;
	s25 =	simm.s32 $0x0;
	[smem:$0x7FF] =	sst s3  }
0x9: {  	s4 =	sadd.s32 $0xEBE00, s0;
	s6 =	sand.u32 $0x1, s5;
	s7 =	sshll.u32 s2, $0x1  }
0xa: {  	s5 =	sadd.s32 $0x1800, s0;
	s7 =	sor.u32 s6, s7;
	s8 =	smul.u32 $0x27100, s6  }
0xb: {  	_ =	strace $0x8000004A;
	s6 =	ssub.s32 $0x2, s6;
	s10 =	smul.u32 $0x1F400, s7  }
0xc: {  	s9 =	sshll.u32 s7, $0xB;
	s28 =	sshrl.u32 s6, $0x1;
	s29 =	smul.u32 $0x3E80, s7  }
0xd: {  	s7 =	smul.u32 $0x7D, s7;
	s9 =	sadd.s32 s9, s0;
	s0 =	sadd.s32 s8, s0  }
0xe: {  	s11 =	ssub.s32 s6, s28;
	s10 =	sshrl.u32 s10, $0x3;
	s30 =	sadd.s32 $0x1D6400, s9  }
0xf: {  	v0 =	vlaneseq.u32;
	s8 =	sadd.s32 s5, s29;
	s11 =	smax.u32 s11, $0x1;
	s31 =	sadd.s32 s5, s10  }
0x10: {  	v1 =	vimm.f32 $0.0e+00;
	v2 =	vmul.u32 $0x80, v0;
	[dreg:$0x3] =	wrdreg s30;
	s10 =	sadd.s32 $0x7E800, s0;
	s9 =	sadd.s32 $0x80, s31  }
.LBB2_1:
0x11: {  	s0 =	rddreg [dreg:$0x3]  }
0x12: {  	[tilespmem:s3], [sflag:$0x3] =	stream.linear.gather [hbm4b:s0+s3], $0x3E80, $0x38;
	[tilespmem:$0x1FA80] =	vst v63  }
0x13: {  	_ =	swait.ge [sflag:s12], $0x3E80  }
0x14: {  	[sflag:s12] =	ssyncset.done $0x0  }
0x15: {  	s26 =	simm.s32 $0x0;
	s0 =	simm.s32 $0x0;
	[sflag:s12] =	ssyncadd.s32 $0xFFFFC180  }
.LBB2_2:
0x16: {  	p0 =	sne.s32 s26, $0x9FC0  }
.Ltmp0:
0x17: {  	_ = 	snop;
	(pc) =	sbr.rel @p0 .LBB2_2-.Ltmp0, $4  }
0x18: {  	s28 =	sand.u32 $0xFE00, s26  }
0x19: {  	s29 =	sand.u32 $0x70, s0;
	s28 =	sshrl.u32 s28, $0x2  }
0x1a: {  	s28 =	sor.u32 s29, s28  }
0x1b: {  	s0 =	sadd.s32 $0x10, s0;
	s26 =	sadd.s32 $0x40, s26;
	[tilespmem:s28+$0x4200] =	vst v1  }
0x1c: {  	s0 =	simm.s32 $0x0  }
0x1d: {  	s0 =	sand.u32 $0xF, s0  }
0x1e: {  	p0 =	sne.s32 s0, s2  }
0x1f: {  	s0 =	simm.s32 @!p0 $0x4200;
	s29 =	simm.s32 @!p0 $0x3  }
0x20: {  	[spmem:s1] =	stream.linear.scatter @!p0 [tilespmem:s0], [sflag:$0x3], $0x2800, $0x38;
	[tilespmem:$0x1FA80] =	vst v63  }
0x21: {  	s26 =	simm.s32 $0x1;
	_ =	swait.ge @!p0 [sflag:s29], $0x2800  }
0x22: {  	s28 =	simm.s32 $0x2;
	s0 =	sadd.s32 $0x2800, s1;
	[sflag:s29] =	ssyncset.done @!p0 $0x0  }
.LBB2_4:
0x23: {  	s30 =	sand.u32 $0xF, s26;
	s26 =	smov.u32 s28;
	s28 =	sadd.s32 $0x1, s28  }
0x24: {  	[sflag:s29] =	ssyncadd.s32 @!p0 $0xFFFFD800;
	p1 =	sne.s32 s28, $0x7D  }
.Ltmp1:
0x25: {  	p0 =	sne.s32 s30, s2;
	(pc) =	sbr.rel @p1 .LBB2_4-.Ltmp1, $4  }
0x26: {  	s30 =	simm.s32 @!p0 $0x4200;
	s29 =	simm.s32 @!p0 $0x3  }
0x27: {  	[spmem:s0] =	stream.linear.scatter @!p0 [tilespmem:s30], [sflag:$0x3], $0x2800, $0x38;
	[tilespmem:$0x1FA80] =	vst v63  }
0x28: {  	_ =	swait.ge @!p0 [sflag:s29], $0x2800  }
0x29: {  	s0 =	sadd.s32 $0x2800, s0;
	[sflag:s29] =	ssyncset.done @!p0 $0x0  }
0x2a: {  	s26 =	sand.u32 $0xF, s26  }
0x2b: {  	p1 =	sne.s32 s26, s2  }
0x2c: {  	[sflag:s29] =	ssyncadd.s32 @!p0 $0xFFFFD800;
	s26 =	simm.s32 @!p1 $0x4200;
	s28 =	simm.s32 @!p1 $0x3  }
0x2d: {  	[spmem:s0] =	stream.linear.scatter @!p1 [tilespmem:s26], [sflag:$0x3], $0x2800, $0x38;
	[tilespmem:$0x1FA80] =	vst v63  }
0x2e: {  	_ =	swait.ge @!p1 [sflag:s28], $0x2800  }
0x2f: {  	[sflag:s28] =	ssyncset.done @!p1 $0x0  }
0x30: {  	[sflag:s28] =	ssyncadd.s32 @!p1 $0xFFFFD800  }
0x31: {  	[bflag:$0x0] =	sbarrier.arrive $0xFFFF  }
0x32: {  	v3 =	vld [tilespmem:$0x0];
	_ =	sdelay $0x1  }
0x33: {  	v4 =	vld [tilespmem:$0x10];
	_ =	sdelay $0x1  }
0x34: {  	v5 =	vld [tilespmem:$0x20]  }
0x35: {  	v6 =	vand.u32 $0x3FFF, v3  }
0x36: {  	v57 =	vld [tilespmem:$0x30];
	v3 =	vshrl.u32 v3, $0xE;
	[tilespmem:$0x4000] =	vst v6  }
0x37: {  	[tilespmem:$0x4100] =	vst v3;
	v3 =	vand.u32 $0x3FFF, v4  }
0x38: {  	v58 =	vld [tilespmem:$0x40];
	[tilespmem:$0x4010] =	vst v3;
	v3 =	vshrl.u32 v4, $0xE  }
0x39: {  	[tilespmem:$0x4110] =	vst v3;
	v3 =	vand.u32 $0x3FFF, v5  }
0x3a: {  	[tilespmem:$0x4020] =	vst v3;
	v3 =	vshrl.u32 v5, $0xE  }
0x3b: {  	[tilespmem:$0x4120] =	vst v3;
	v3 =	vand.u32 $0x3FFF, v57  }
0x3c: {  	[tilespmem:$0x4030] =	vst v3;
	v3 =	vshrl.u32 v57, $0xE  }
0x3d: {  	[tilespmem:$0x4130] =	vst v3;
	v3 =	vand.u32 $0x3FFF, v58  }
0x3e: {  	[tilespmem:$0x4040] =	vst v3;
	v3 =	vshrl.u32 v58, $0xE  }
0x3f: {  	[tilespmem:$0x4140] =	vst v3  }
0x40: {  	[tilespmem:s15], [sflag:$0x1] =	stream.indirect.gather [hbm4b:s4+s13], $0x80, s14, s13, $0xb8;
	[tilespmem:$0x1FA80] =	vst v63  }
0x41: {  	s26 =	simm.s32 $0x0  }
0x42: {  	[tilespmem:s16], [sflag:$0x1] =	stream.linear.gather [hbm4b:s8+s26], $0x400, $0x38;
	[tilespmem:$0x1FA80] =	vst v63  }
0x43: {  	v3 =	vld [tilespmem:$0x80];
	_ =	sdelay $0x1  }
0x44: {  	v59 =	vld [tilespmem:$0x90];
	_ =	sdelay $0x1  }
0x45: {  	v60 =	vld [tilespmem:$0xA0]  }
0x46: {  	v61 =	vand.u32 $0x3FFF, v3  }
0x47: {  	v62 =	vld [tilespmem:$0xB0];
	v3 =	vshrl.u32 v3, $0xE;
	[tilespmem:$0x4080] =	vst v61  }
0x48: {  	[tilespmem:$0x4180] =	vst v3;
	v3 =	vand.u32 $0x3FFF, v59  }
0x49: {  	v63 =	vld [tilespmem:$0xC0];
	[tilespmem:$0x4090] =	vst v3;
	v3 =	vshrl.u32 v59, $0xE  }
0x4a: {  	[tilespmem:$0x4190] =	vst v3;
	v3 =	vand.u32 $0x3FFF, v60  }
0x4b: {  	[tilespmem:$0x40A0] =	vst v3;
	v3 =	vshrl.u32 v60, $0xE  }
0x4c: {  	[tilespmem:$0x41A0] =	vst v3;
	v3 =	vand.u32 $0x3FFF, v62  }
0x4d: {  	[tilespmem:$0x40B0] =	vst v3;
	v3 =	vshrl.u32 v62, $0xE  }
0x4e: {  	[tilespmem:$0x41B0] =	vst v3;
	v3 =	vand.u32 $0x3FFF, v63  }
0x4f: {  	[tilespmem:$0x40C0] =	vst v3;
	v3 =	vshrl.u32 v63, $0xE  }
0x50: {  	[tilespmem:$0x41C0] =	vst v3  }
0x51: {  	[tilespmem:s18], [sflag:$0x2] =	stream.indirect.gather [hbm4b:s4+s13], $0x80, s17, s13, $0xb8;
	[tilespmem:$0x1FA80] =	vst v63  }
0x52: {  	_ = 	snop  }
0x53: {  	[tilespmem:s19], [sflag:$0x2] =	stream.linear.gather [hbm4b:s9+s26], $0x400, $0x38;
	[tilespmem:$0x1FA80] =	vst v63  }
.LBB2_6:
0x54: {  	_ =	swait.ge [sflag:s20], $0x2800  }
0x55: {  	[sflag:s20] =	ssyncset.done $0x0  }
0x56: {  	[sflag:s20] =	ssyncadd.s32 $0xFFFFD800  }
0x57: {  	_ =	swait.ge [sflag:s20], $0x400  }
0x58: {  	[sflag:s20] =	ssyncset.done $0x0  }
0x59: {  	s28 =	simm.s32 $0x0;
	[sflag:s20] =	ssyncadd.s32 $0xFFFFFC00  }
.LBB2_7:
0x5a: {  	s0 =	sshll.u32 s28, $0x4  }
0x5b: {  	s29 =	simm.s32 $0x0;
	v3 =	vmov s0  }
0x5c: {  	v19 =	vadd.s32 s29, v0;
	v3 =	vshll.u32 v3, $0x7  }
0x5d: {  	v18 =	vand.u32 $0xF, v19;
	v11 =	vor.u32 v2, v3  }
0x5e: {  	v13 =	vor.u32 v11, v18;
	_ =	sdelay $0x3  }
0x5f: {  	v10 =	vld [tilespmem:s0+$0xBA00]  }
0x60: {  	v3 =	vld.idx.msk [tilespmem:v13+s15+$0x0], $0xffff  }
0x61: {  	v9 =	vld [tilespmem:s0+$0xBA80]  }
0x62: {  	v8 =	vld [tilespmem:s0+$0xBB00];
	v12 =	vor.u32 $0x10, v11  }
0x63: {  	v7 =	vld [tilespmem:s0+$0xBB80];
	v14 =	vor.u32 v12, v19  }
0x64: {  	v6 =	vld [tilespmem:s0+$0xBC00]  }
0x65: {  	v5 =	vld [tilespmem:s0+$0xBC80];
	v15 =	vmul.f32 v3, v10  }
0x66: {  	v4 =	vld [tilespmem:s0+$0xBD00]  }
0x67: {  	v3 =	vld [tilespmem:s0+$0xBD80];
	[tilespmem:v13+s21+$0x0] =	vst.idx.msk $0xffff, v15  }
0x68: {  	v15 =	vld.idx.msk [tilespmem:v14+s15+$0x0], $0xffff;
	_ =	sdelay $0x1  }
0x69: {  	v13 =	vor.u32 $0x20, v11  }
0x6a: {  	v16 =	vor.u32 v13, v18;
	_ =	sdelay $0x1  }
0x6b: {  	v15 =	vmul.f32 v15, v9;
	_ =	sdelay $0x1  }
0x6c: {  	[tilespmem:v14+s21+$0x0] =	vst.idx.msk $0xffff, v15  }
0x6d: {  	v15 =	vld.idx.msk [tilespmem:v16+s15+$0x0], $0xffff;
	_ =	sdelay $0x1  }
0x6e: {  	v14 =	vor.u32 $0x30, v11  }
0x6f: {  	v17 =	vor.u32 v14, v19;
	_ =	sdelay $0x1  }
0x70: {  	v15 =	vmul.f32 v15, v8;
	_ =	sdelay $0x1  }
0x71: {  	[tilespmem:v16+s21+$0x0] =	vst.idx.msk $0xffff, v15  }
0x72: {  	v16 =	vld.idx.msk [tilespmem:v17+s15+$0x0], $0xffff;
	_ =	sdelay $0x1  }
0x73: {  	v15 =	vor.u32 $0x40, v11  }
0x74: {  	v20 =	vor.u32 v15, v18;
	_ =	sdelay $0x1  }
0x75: {  	v16 =	vmul.f32 v16, v7;
	_ =	sdelay $0x1  }
0x76: {  	[tilespmem:v17+s21+$0x0] =	vst.idx.msk $0xffff, v16  }
0x77: {  	v17 =	vld.idx.msk [tilespmem:v20+s15+$0x0], $0xffff;
	_ =	sdelay $0x1  }
0x78: {  	v16 =	vor.u32 $0x50, v11  }
0x79: {  	v21 =	vor.u32 v16, v19;
	_ =	sdelay $0x1  }
0x7a: {  	v17 =	vmul.f32 v17, v6;
	_ =	sdelay $0x1  }
0x7b: {  	[tilespmem:v20+s21+$0x0] =	vst.idx.msk $0xffff, v17  }
0x7c: {  	v20 =	vld.idx.msk [tilespmem:v21+s15+$0x0], $0xffff;
	_ =	sdelay $0x1  }
0x7d: {  	v17 =	vor.u32 $0x60, v11  }
0x7e: {  	v22 =	vor.u32 v17, v18;
	_ =	sdelay $0x1  }
0x7f: {  	v18 =	vmul.f32 v20, v5;
	_ =	sdelay $0x1  }
0x80: {  	[tilespmem:v21+s21+$0x0] =	vst.idx.msk $0xffff, v18  }
0x81: {  	v20 =	vld.idx.msk [tilespmem:v22+s15+$0x0], $0xffff;
	_ =	sdelay $0x1  }
0x82: {  	v18 =	vor.u32 $0x70, v11  }
0x83: {  	v21 =	vor.u32 v18, v19;
	_ =	sdelay $0x1  }
0x84: {  	v19 =	vmul.f32 v20, v4;
	_ =	sdelay $0x1  }
0x85: {  	[tilespmem:v22+s21+$0x0] =	vst.idx.msk $0xffff, v19  }
0x86: {  	s31 =	simm.s32 $0x1;
	v23 =	vld.idx.msk [tilespmem:v21+s15+$0x0], $0xffff  }
0x87: {  	v19 =	vadd.s32 s31, v0  }
0x88: {  	v20 =	vand.u32 $0xF, v19  }
0x89: {  	v22 =	vor.u32 v11, v20;
	_ =	sdelay $0x1  }
0x8a: {  	s29 =	simm.s32 $0x2;
	v23 =	vmul.f32 v23, v3  }
.LBB2_8:
0x8b: {  	_ = 	snop  }
0x8c: {  	p0 =	sne.s32 s29, $0xF;
	s30 =	smov.u32 s29;
	s29 =	sadd.s32 $0x1, s29;
	[tilespmem:v21+s21+$0x0] =	vst.idx.msk $0xffff, v23  }
0x8d: {  	v21 =	vld.idx.msk [tilespmem:v22+s15+$0x0], $0xffff;
	_ =	sdelay $0x3  }
0x8e: {  	v23 =	vor.u32 v12, v19;
	_ =	sdelay $0x1  }
0x8f: {  	v21 =	vmul.f32 v21, v10;
	_ =	sdelay $0x1  }
0x90: {  	[tilespmem:v22+s21+$0x0] =	vst.idx.msk $0xffff, v21  }
0x91: {  	v21 =	vld.idx.msk [tilespmem:v23+s15+$0x0], $0xffff;
	_ =	sdelay $0x3  }
0x92: {  	v22 =	vor.u32 v13, v20;
	_ =	sdelay $0x1  }
0x93: {  	v21 =	vmul.f32 v21, v9;
	_ =	sdelay $0x1  }
0x94: {  	[tilespmem:v23+s21+$0x0] =	vst.idx.msk $0xffff, v21  }
0x95: {  	v21 =	vld.idx.msk [tilespmem:v22+s15+$0x0], $0xffff;
	_ =	sdelay $0x3  }
0x96: {  	v23 =	vor.u32 v14, v19;
	_ =	sdelay $0x1  }
0x97: {  	v21 =	vmul.f32 v21, v8;
	_ =	sdelay $0x1  }
0x98: {  	[tilespmem:v22+s21+$0x0] =	vst.idx.msk $0xffff, v21  }
0x99: {  	v21 =	vld.idx.msk [tilespmem:v23+s15+$0x0], $0xffff;
	_ =	sdelay $0x3  }
0x9a: {  	v22 =	vor.u32 v15, v20;
	_ =	sdelay $0x1  }
0x9b: {  	v21 =	vmul.f32 v21, v7;
	_ =	sdelay $0x1  }
0x9c: {  	[tilespmem:v23+s21+$0x0] =	vst.idx.msk $0xffff, v21  }
0x9d: {  	v21 =	vld.idx.msk [tilespmem:v22+s15+$0x0], $0xffff;
	_ =	sdelay $0x3  }
0x9e: {  	v23 =	vor.u32 v16, v19;
	_ =	sdelay $0x1  }
0x9f: {  	v21 =	vmul.f32 v21, v6;
	_ =	sdelay $0x1  }
0xa0: {  	[tilespmem:v22+s21+$0x0] =	vst.idx.msk $0xffff, v21  }
0xa1: {  	v21 =	vld.idx.msk [tilespmem:v23+s15+$0x0], $0xffff;
	_ =	sdelay $0x3  }
0xa2: {  	v20 =	vor.u32 v17, v20;
	_ =	sdelay $0x1  }
0xa3: {  	v21 =	vmul.f32 v21, v5;
	_ =	sdelay $0x1  }
0xa4: {  	[tilespmem:v23+s21+$0x0] =	vst.idx.msk $0xffff, v21  }
0xa5: {  	v22 =	vld.idx.msk [tilespmem:v20+s15+$0x0], $0xffff;
	_ =	sdelay $0x3  }
0xa6: {  	v21 =	vor.u32 v18, v19;
	_ =	sdelay $0x1  }
0xa7: {  	v19 =	vmul.f32 v22, v4;
	_ =	sdelay $0x1  }
0xa8: {  	[tilespmem:v20+s21+$0x0] =	vst.idx.msk $0xffff, v19  }
0xa9: {  	v23 =	vld.idx.msk [tilespmem:v21+s15+$0x0], $0xffff;
	_ =	sdelay $0x1  }
.Ltmp2:
0xaa: {  	v19 =	vadd.s32 s30, v0;
	(pc) =	sbr.rel @p0 .LBB2_8-.Ltmp2, $3  }
0xab: {  	v20 =	vand.u32 $0xF, v19  }
0xac: {  	v22 =	vor.u32 v11, v20;
	_ =	sdelay $0x1  }
0xad: {  	v23 =	vmul.f32 v23, v3  }
0xae: {  	_ =	sdelay $0x3  }
0xaf: {  	[tilespmem:v21+s21+$0x0] =	vst.idx.msk $0xffff, v23  }
0xb0: {  	v11 =	vld.idx.msk [tilespmem:v22+s15+$0x0], $0xffff;
	_ =	sdelay $0x2  }
0xb1: {  	v12 =	vor.u32 v12, v19;
	_ =	sdelay $0x1  }
0xb2: {  	v10 =	vmul.f32 v11, v10;
	_ =	sdelay $0x1  }
0xb3: {  	[tilespmem:v22+s21+$0x0] =	vst.idx.msk $0xffff, v10  }
0xb4: {  	v10 =	vld.idx.msk [tilespmem:v12+s15+$0x0], $0xffff;
	_ =	sdelay $0x2  }
0xb5: {  	v58 =	vor.u32 v13, v20;
	_ =	sdelay $0x1  }
0xb6: {  	v9 =	vmul.f32 v10, v9;
	_ =	sdelay $0x1  }
0xb7: {  	[tilespmem:v12+s21+$0x0] =	vst.idx.msk $0xffff, v9  }
0xb8: {  	v9 =	vld.idx.msk [tilespmem:v58+s15+$0x0], $0xffff;
	_ =	sdelay $0x2  }
0xb9: {  	v59 =	vor.u32 v14, v19;
	_ =	sdelay $0x1  }
0xba: {  	v8 =	vmul.f32 v9, v8;
	_ =	sdelay $0x1  }
0xbb: {  	[tilespmem:v58+s21+$0x0] =	vst.idx.msk $0xffff, v8  }
0xbc: {  	v8 =	vld.idx.msk [tilespmem:v59+s15+$0x0], $0xffff;
	_ =	sdelay $0x2  }
0xbd: {  	v60 =	vor.u32 v15, v20;
	_ =	sdelay $0x1  }
0xbe: {  	v7 =	vmul.f32 v8, v7;
	_ =	sdelay $0x1  }
0xbf: {  	[tilespmem:v59+s21+$0x0] =	vst.idx.msk $0xffff, v7  }
0xc0: {  	v7 =	vld.idx.msk [tilespmem:v60+s15+$0x0], $0xffff;
	_ =	sdelay $0x2  }
0xc1: {  	v61 =	vor.u32 v16, v19;
	_ =	sdelay $0x1  }
0xc2: {  	v6 =	vmul.f32 v7, v6;
	_ =	sdelay $0x1  }
0xc3: {  	[tilespmem:v60+s21+$0x0] =	vst.idx.msk $0xffff, v6  }
0xc4: {  	v6 =	vld.idx.msk [tilespmem:v61+s15+$0x0], $0xffff;
	_ =	sdelay $0x2  }
0xc5: {  	v62 =	vor.u32 v17, v20;
	_ =	sdelay $0x1  }
0xc6: {  	v5 =	vmul.f32 v6, v5;
	_ =	sdelay $0x1  }
0xc7: {  	[tilespmem:v61+s21+$0x0] =	vst.idx.msk $0xffff, v5  }
0xc8: {  	v5 =	vld.idx.msk [tilespmem:v62+s15+$0x0], $0xffff;
	_ =	sdelay $0x2  }
0xc9: {  	v63 =	vor.u32 v18, v19;
	_ =	sdelay $0x1  }
0xca: {  	v4 =	vmul.f32 v5, v4;
	_ =	sdelay $0x1  }
0xcb: {  	[tilespmem:v62+s21+$0x0] =	vst.idx.msk $0xffff, v4  }
0xcc: {  	v4 =	vld.idx.msk [tilespmem:v63+s15+$0x0], $0xffff  }
0xcd: {  	s28 =	sadd.s32 $0x1, s28  }
0xce: {  	p0 =	sne.s32 s28, $0x5  }
.Ltmp3:
0xcf: {  	_ = 	snop;
	(pc) =	sbr.rel @p0 .LBB2_7-.Ltmp3, $3  }
0xd0: {  	_ = 	snop  }
0xd1: {  	v3 =	vmul.f32 v4, v3;
	_ =	sdelay $0x1  }
0xd2: {  	[tilespmem:v63+s21+$0x0] =	vst.idx.msk $0xffff, v3  }
0xd3: {  	s28 =	sshll.u32 s26, $0x1  }
0xd4: {  	[spmem:s1] =	stream.indirect.scatter.add.f32 [tilespmem:s21], [sflag:$0x3], $0x80, s22, s13, $0xb8;
	[tilespmem:$0x1FA80] =	vst v63  }
0xd5: {  	_ =	swait.ge [sflag:s12], $0x2800;
	s0 =	sadd.s32 $0x2, s28  }
0xd6: {  	[sflag:s12] =	ssyncset.done $0x0;
	s29 =	sshll.u32 s0, $0x7  }
0xd7: {  	[sflag:s12] =	ssyncadd.s32 $0xFFFFD800;
	s29 =	sand.u32 $0x3FFFFF00, s29  }
0xd8: {  	v3 =	vld [tilespmem:s29+$0x0];
	_ =	sdelay $0x4  }
0xd9: {  	v4 =	vand.u32 $0x3FFF, v3  }
0xda: {  	v3 =	vshrl.u32 v3, $0xE;
	[tilespmem:$0x4000] =	vst v4  }
0xdb: {  	[tilespmem:$0x4100] =	vst v3  }
0xdc: {  	v3 =	vld [tilespmem:s29+$0x10];
	_ =	sdelay $0x4  }
0xdd: {  	v60 =	vand.u32 $0x3FFF, v3  }
0xde: {  	v3 =	vshrl.u32 v3, $0xE;
	[tilespmem:$0x4010] =	vst v60  }
0xdf: {  	[tilespmem:$0x4110] =	vst v3  }
0xe0: {  	v3 =	vld [tilespmem:s29+$0x20];
	_ =	sdelay $0x4  }
0xe1: {  	v61 =	vand.u32 $0x3FFF, v3  }
0xe2: {  	v3 =	vshrl.u32 v3, $0xE;
	[tilespmem:$0x4020] =	vst v61  }
0xe3: {  	[tilespmem:$0x4120] =	vst v3  }
0xe4: {  	v3 =	vld [tilespmem:s29+$0x30];
	_ =	sdelay $0x4  }
0xe5: {  	v62 =	vand.u32 $0x3FFF, v3  }
0xe6: {  	v3 =	vshrl.u32 v3, $0xE;
	[tilespmem:$0x4030] =	vst v62  }
0xe7: {  	[tilespmem:$0x4130] =	vst v3  }
0xe8: {  	v3 =	vld [tilespmem:s29+$0x40];
	_ =	sdelay $0x4  }
0xe9: {  	s0 =	sadd.s32 s7, s0;
	v63 =	vand.u32 $0x3FFF, v3  }
0xea: {  	s0 =	sshll.u32 s0, $0x7;
	v3 =	vshrl.u32 v3, $0xE;
	[tilespmem:$0x4040] =	vst v63  }
0xeb: {  	s0 =	sand.u32 $0x1FFFFF80, s0;
	[tilespmem:$0x4140] =	vst v3  }
0xec: {  	[tilespmem:s15], [sflag:$0x1] =	stream.indirect.gather [hbm4b:s4+s13], $0x80, s14, s13, $0xb8;
	[tilespmem:$0x1FA80] =	vst v63  }
0xed: {  	s0 =	sadd.s32 s5, s0;
	s29 =	simm.s32 $0x0  }
0xee: {  	[tilespmem:s16], [sflag:$0x1] =	stream.linear.gather [hbm4b:s0+s29], $0x400, $0x38;
	[tilespmem:$0x1FA80] =	vst v63  }
0xef: {  	_ =	swait.ge [sflag:s23], $0x2800  }
0xf0: {  	[sflag:s23] =	ssyncset.done $0x0  }
0xf1: {  	[sflag:s23] =	ssyncadd.s32 $0xFFFFD800  }
0xf2: {  	_ =	swait.ge [sflag:s23], $0x400  }
0xf3: {  	[sflag:s23] =	ssyncset.done $0x0  }
0xf4: {  	s30 =	simm.s32 $0x0;
	[sflag:s23] =	ssyncadd.s32 $0xFFFFFC00  }
.LBB2_11:
0xf5: {  	s0 =	sshll.u32 s30, $0x4  }
0xf6: {  	v3 =	vmov s0  }
0xf7: {  	v19 =	vadd.s32 s29, v0;
	v3 =	vshll.u32 v3, $0x7  }
0xf8: {  	v18 =	vand.u32 $0xF, v19;
	v11 =	vor.u32 v2, v3  }
0xf9: {  	v13 =	vor.u32 v11, v18;
	_ =	sdelay $0x3  }
0xfa: {  	v10 =	vld [tilespmem:s0+$0xBE00]  }
0xfb: {  	v3 =	vld.idx.msk [tilespmem:v13+s18+$0x0], $0xffff  }
0xfc: {  	v9 =	vld [tilespmem:s0+$0xBE80]  }
0xfd: {  	v8 =	vld [tilespmem:s0+$0xBF00];
	v12 =	vor.u32 $0x10, v11  }
0xfe: {  	v7 =	vld [tilespmem:s0+$0xBF80];
	v14 =	vor.u32 v12, v19  }
0xff: {  	v6 =	vld [tilespmem:s0+$0xC000]  }
0x100: {  	v5 =	vld [tilespmem:s0+$0xC080];
	v15 =	vmul.f32 v3, v10  }
0x101: {  	v4 =	vld [tilespmem:s0+$0xC100]  }
0x102: {  	v3 =	vld [tilespmem:s0+$0xC180];
	[tilespmem:v13+s21+$0x0] =	vst.idx.msk $0xffff, v15  }
0x103: {  	v15 =	vld.idx.msk [tilespmem:v14+s18+$0x0], $0xffff;
	_ =	sdelay $0x1  }
0x104: {  	v13 =	vor.u32 $0x20, v11  }
0x105: {  	v16 =	vor.u32 v13, v18;
	_ =	sdelay $0x1  }
0x106: {  	v15 =	vmul.f32 v15, v9;
	_ =	sdelay $0x1  }
0x107: {  	[tilespmem:v14+s21+$0x0] =	vst.idx.msk $0xffff, v15  }
0x108: {  	v15 =	vld.idx.msk [tilespmem:v16+s18+$0x0], $0xffff;
	_ =	sdelay $0x1  }
0x109: {  	v14 =	vor.u32 $0x30, v11  }
0x10a: {  	v17 =	vor.u32 v14, v19;
	_ =	sdelay $0x1  }
0x10b: {  	v15 =	vmul.f32 v15, v8;
	_ =	sdelay $0x1  }
0x10c: {  	[tilespmem:v16+s21+$0x0] =	vst.idx.msk $0xffff, v15  }
0x10d: {  	v16 =	vld.idx.msk [tilespmem:v17+s18+$0x0], $0xffff;
	_ =	sdelay $0x1  }
0x10e: {  	v15 =	vor.u32 $0x40, v11  }
0x10f: {  	v20 =	vor.u32 v15, v18;
	_ =	sdelay $0x1  }
0x110: {  	v16 =	vmul.f32 v16, v7;
	_ =	sdelay $0x1  }
0x111: {  	[tilespmem:v17+s21+$0x0] =	vst.idx.msk $0xffff, v16  }
0x112: {  	v17 =	vld.idx.msk [tilespmem:v20+s18+$0x0], $0xffff;
	_ =	sdelay $0x1  }
0x113: {  	v16 =	vor.u32 $0x50, v11  }
0x114: {  	v21 =	vor.u32 v16, v19;
	_ =	sdelay $0x1  }
0x115: {  	v17 =	vmul.f32 v17, v6;
	_ =	sdelay $0x1  }
0x116: {  	[tilespmem:v20+s21+$0x0] =	vst.idx.msk $0xffff, v17  }
0x117: {  	v20 =	vld.idx.msk [tilespmem:v21+s18+$0x0], $0xffff;
	_ =	sdelay $0x1  }
0x118: {  	v17 =	vor.u32 $0x60, v11  }
0x119: {  	v22 =	vor.u32 v17, v18;
	_ =	sdelay $0x1  }
0x11a: {  	v18 =	vmul.f32 v20, v5;
	_ =	sdelay $0x1  }
0x11b: {  	[tilespmem:v21+s21+$0x0] =	vst.idx.msk $0xffff, v18  }
0x11c: {  	v20 =	vld.idx.msk [tilespmem:v22+s18+$0x0], $0xffff;
	_ =	sdelay $0x1  }
0x11d: {  	v18 =	vor.u32 $0x70, v11  }
0x11e: {  	v21 =	vor.u32 v18, v19;
	_ =	sdelay $0x1  }
0x11f: {  	v19 =	vmul.f32 v20, v4;
	_ =	sdelay $0x1  }
0x120: {  	[tilespmem:v22+s21+$0x0] =	vst.idx.msk $0xffff, v19  }
0x121: {  	s6 =	simm.s32 $0x1;
	v23 =	vld.idx.msk [tilespmem:v21+s18+$0x0], $0xffff  }
0x122: {  	v19 =	vadd.s32 s6, v0  }
0x123: {  	v20 =	vand.u32 $0xF, v19  }
0x124: {  	v22 =	vor.u32 v11, v20;
	_ =	sdelay $0x1  }
0x125: {  	s31 =	simm.s32 $0x2;
	v23 =	vmul.f32 v23, v3  }
.LBB2_12:
0x126: {  	_ = 	snop  }
0x127: {  	p0 =	sne.s32 s31, $0xF;
	s0 =	smov.u32 s31;
	s31 =	sadd.s32 $0x1, s31;
	[tilespmem:v21+s21+$0x0] =	vst.idx.msk $0xffff, v23  }
0x128: {  	v21 =	vld.idx.msk [tilespmem:v22+s18+$0x0], $0xffff;
	_ =	sdelay $0x3  }
0x129: {  	v23 =	vor.u32 v12, v19;
	_ =	sdelay $0x1  }
0x12a: {  	v21 =	vmul.f32 v21, v10;
	_ =	sdelay $0x1  }
0x12b: {  	[tilespmem:v22+s21+$0x0] =	vst.idx.msk $0xffff, v21  }
0x12c: {  	v21 =	vld.idx.msk [tilespmem:v23+s18+$0x0], $0xffff;
	_ =	sdelay $0x3  }
0x12d: {  	v22 =	vor.u32 v13, v20;
	_ =	sdelay $0x1  }
0x12e: {  	v21 =	vmul.f32 v21, v9;
	_ =	sdelay $0x1  }
0x12f: {  	[tilespmem:v23+s21+$0x0] =	vst.idx.msk $0xffff, v21  }
0x130: {  	v21 =	vld.idx.msk [tilespmem:v22+s18+$0x0], $0xffff;
	_ =	sdelay $0x3  }
0x131: {  	v23 =	vor.u32 v14, v19;
	_ =	sdelay $0x1  }
0x132: {  	v21 =	vmul.f32 v21, v8;
	_ =	sdelay $0x1  }
0x133: {  	[tilespmem:v22+s21+$0x0] =	vst.idx.msk $0xffff, v21  }
0x134: {  	v21 =	vld.idx.msk [tilespmem:v23+s18+$0x0], $0xffff;
	_ =	sdelay $0x3  }
0x135: {  	v22 =	vor.u32 v15, v20;
	_ =	sdelay $0x1  }
0x136: {  	v21 =	vmul.f32 v21, v7;
	_ =	sdelay $0x1  }
0x137: {  	[tilespmem:v23+s21+$0x0] =	vst.idx.msk $0xffff, v21  }
0x138: {  	v21 =	vld.idx.msk [tilespmem:v22+s18+$0x0], $0xffff;
	_ =	sdelay $0x3  }
0x139: {  	v23 =	vor.u32 v16, v19;
	_ =	sdelay $0x1  }
0x13a: {  	v21 =	vmul.f32 v21, v6;
	_ =	sdelay $0x1  }
0x13b: {  	[tilespmem:v22+s21+$0x0] =	vst.idx.msk $0xffff, v21  }
0x13c: {  	v21 =	vld.idx.msk [tilespmem:v23+s18+$0x0], $0xffff;
	_ =	sdelay $0x3  }
0x13d: {  	v20 =	vor.u32 v17, v20;
	_ =	sdelay $0x1  }
0x13e: {  	v21 =	vmul.f32 v21, v5;
	_ =	sdelay $0x1  }
0x13f: {  	[tilespmem:v23+s21+$0x0] =	vst.idx.msk $0xffff, v21  }
0x140: {  	v22 =	vld.idx.msk [tilespmem:v20+s18+$0x0], $0xffff;
	_ =	sdelay $0x3  }
0x141: {  	v21 =	vor.u32 v18, v19;
	_ =	sdelay $0x1  }
0x142: {  	v19 =	vmul.f32 v22, v4;
	_ =	sdelay $0x1  }
0x143: {  	[tilespmem:v20+s21+$0x0] =	vst.idx.msk $0xffff, v19  }
0x144: {  	v23 =	vld.idx.msk [tilespmem:v21+s18+$0x0], $0xffff;
	_ =	sdelay $0x1  }
.Ltmp4:
0x145: {  	v19 =	vadd.s32 s0, v0;
	(pc) =	sbr.rel @p0 .LBB2_12-.Ltmp4, $3  }
0x146: {  	v20 =	vand.u32 $0xF, v19  }
0x147: {  	v22 =	vor.u32 v11, v20;
	_ =	sdelay $0x1  }
0x148: {  	v23 =	vmul.f32 v23, v3  }
0x149: {  	_ =	sdelay $0x3  }
0x14a: {  	[tilespmem:v21+s21+$0x0] =	vst.idx.msk $0xffff, v23  }
0x14b: {  	v11 =	vld.idx.msk [tilespmem:v22+s18+$0x0], $0xffff;
	_ =	sdelay $0x2  }
0x14c: {  	v12 =	vor.u32 v12, v19;
	_ =	sdelay $0x1  }
0x14d: {  	v10 =	vmul.f32 v11, v10;
	_ =	sdelay $0x1  }
0x14e: {  	[tilespmem:v22+s21+$0x0] =	vst.idx.msk $0xffff, v10  }
0x14f: {  	v10 =	vld.idx.msk [tilespmem:v12+s18+$0x0], $0xffff;
	_ =	sdelay $0x2  }
0x150: {  	v58 =	vor.u32 v13, v20;
	_ =	sdelay $0x1  }
0x151: {  	v9 =	vmul.f32 v10, v9;
	_ =	sdelay $0x1  }
0x152: {  	[tilespmem:v12+s21+$0x0] =	vst.idx.msk $0xffff, v9  }
0x153: {  	v9 =	vld.idx.msk [tilespmem:v58+s18+$0x0], $0xffff;
	_ =	sdelay $0x2  }
0x154: {  	v59 =	vor.u32 v14, v19;
	_ =	sdelay $0x1  }
0x155: {  	v8 =	vmul.f32 v9, v8;
	_ =	sdelay $0x1  }
0x156: {  	[tilespmem:v58+s21+$0x0] =	vst.idx.msk $0xffff, v8  }
0x157: {  	v8 =	vld.idx.msk [tilespmem:v59+s18+$0x0], $0xffff;
	_ =	sdelay $0x2  }
0x158: {  	v60 =	vor.u32 v15, v20;
	_ =	sdelay $0x1  }
0x159: {  	v7 =	vmul.f32 v8, v7;
	_ =	sdelay $0x1  }
0x15a: {  	[tilespmem:v59+s21+$0x0] =	vst.idx.msk $0xffff, v7  }
0x15b: {  	v7 =	vld.idx.msk [tilespmem:v60+s18+$0x0], $0xffff;
	_ =	sdelay $0x2  }
0x15c: {  	v61 =	vor.u32 v16, v19;
	_ =	sdelay $0x1  }
0x15d: {  	v6 =	vmul.f32 v7, v6;
	_ =	sdelay $0x1  }
0x15e: {  	[tilespmem:v60+s21+$0x0] =	vst.idx.msk $0xffff, v6  }
0x15f: {  	v6 =	vld.idx.msk [tilespmem:v61+s18+$0x0], $0xffff;
	_ =	sdelay $0x2  }
0x160: {  	v62 =	vor.u32 v17, v20;
	_ =	sdelay $0x1  }
0x161: {  	v5 =	vmul.f32 v6, v5;
	_ =	sdelay $0x1  }
0x162: {  	[tilespmem:v61+s21+$0x0] =	vst.idx.msk $0xffff, v5  }
0x163: {  	v5 =	vld.idx.msk [tilespmem:v62+s18+$0x0], $0xffff;
	_ =	sdelay $0x2  }
0x164: {  	v63 =	vor.u32 v18, v19;
	_ =	sdelay $0x1  }
0x165: {  	v4 =	vmul.f32 v5, v4;
	_ =	sdelay $0x1  }
0x166: {  	[tilespmem:v62+s21+$0x0] =	vst.idx.msk $0xffff, v4  }
0x167: {  	v4 =	vld.idx.msk [tilespmem:v63+s18+$0x0], $0xffff  }
0x168: {  	s30 =	sadd.s32 $0x1, s30  }
0x169: {  	p0 =	sne.s32 s30, $0x5  }
.Ltmp5:
0x16a: {  	_ = 	snop;
	(pc) =	sbr.rel @p0 .LBB2_11-.Ltmp5, $3  }
0x16b: {  	_ = 	snop  }
0x16c: {  	v3 =	vmul.f32 v4, v3;
	_ =	sdelay $0x1  }
0x16d: {  	[tilespmem:v63+s21+$0x0] =	vst.idx.msk $0xffff, v3  }
0x16e: {  	p0 =	seq.s32 s26, $0x3D  }
.Ltmp6:
0x16f: {  	_ = 	snop;
	(pc) =	sbr.rel @p0 .LBB2_16-.Ltmp6, $4  }
0x170: {  	[spmem:s1] =	stream.indirect.scatter.add.f32 [tilespmem:s21], [sflag:$0x3], $0x80, s24, s13, $0xb8;
	[tilespmem:$0x1FA80] =	vst v63  }
0x171: {  	_ =	swait.ge [sflag:s12], $0x2800  }
0x172: {  	[sflag:s12] =	ssyncset.done $0x0  }
0x173: {  	[sflag:s12] =	ssyncadd.s32 $0xFFFFD800  }
0x174: {  	s0 =	sadd.s32 $0x3, s28  }
0x175: {  	s28 =	sshll.u32 s0, $0x7  }
0x176: {  	s28 =	sand.u32 $0x3FFFFF80, s28  }
0x177: {  	v3 =	vld [tilespmem:s28+$0x0];
	_ =	sdelay $0x4  }
0x178: {  	v4 =	vand.u32 $0x3FFF, v3  }
0x179: {  	v3 =	vshrl.u32 v3, $0xE;
	[tilespmem:$0x4080] =	vst v4  }
0x17a: {  	[tilespmem:$0x4180] =	vst v3  }
0x17b: {  	v3 =	vld [tilespmem:s28+$0x10];
	_ =	sdelay $0x4  }
0x17c: {  	v60 =	vand.u32 $0x3FFF, v3  }
0x17d: {  	v3 =	vshrl.u32 v3, $0xE;
	[tilespmem:$0x4090] =	vst v60  }
0x17e: {  	[tilespmem:$0x4190] =	vst v3  }
0x17f: {  	v3 =	vld [tilespmem:s28+$0x20];
	_ =	sdelay $0x4  }
0x180: {  	v61 =	vand.u32 $0x3FFF, v3  }
0x181: {  	v3 =	vshrl.u32 v3, $0xE;
	[tilespmem:$0x40A0] =	vst v61  }
0x182: {  	[tilespmem:$0x41A0] =	vst v3  }
0x183: {  	v3 =	vld [tilespmem:s28+$0x30];
	_ =	sdelay $0x4  }
0x184: {  	v62 =	vand.u32 $0x3FFF, v3  }
0x185: {  	v3 =	vshrl.u32 v3, $0xE;
	[tilespmem:$0x40B0] =	vst v62  }
0x186: {  	[tilespmem:$0x41B0] =	vst v3  }
0x187: {  	v3 =	vld [tilespmem:s28+$0x40];
	_ =	sdelay $0x4  }
0x188: {  	s0 =	sadd.s32 s7, s0;
	v63 =	vand.u32 $0x3FFF, v3  }
.Ltmp7:
0x189: {  	s0 =	sshll.u32 s0, $0x7;
	v3 =	vshrl.u32 v3, $0xE;
	[tilespmem:$0x40C0] =	vst v63;
	(pc) =	sbr.rel .LBB2_6-.Ltmp7, $4  }
0x18a: {  	s0 =	sand.u32 $0x1FFFFF80, s0;
	[tilespmem:$0x41C0] =	vst v3  }
0x18b: {  	[tilespmem:s18], [sflag:$0x2] =	stream.indirect.gather [hbm4b:s4+s13], $0x80, s17, s13, $0xb8;
	[tilespmem:$0x1FA80] =	vst v63  }
0x18c: {  	s26 =	sadd.s32 $0x1, s26;
	s0 =	sadd.s32 s5, s0  }
0x18d: {  	[tilespmem:s19], [sflag:$0x2] =	stream.linear.gather [hbm4b:s0+s3], $0x400, $0x38;
	[tilespmem:$0x1FA80] =	vst v63  }
.LBB2_16:
0x18e: {  	_ =	swait.ge [sflag:s20], $0x2800  }
0x18f: {  	[sflag:s20] =	ssyncset.done $0x0  }
0x190: {  	[sflag:s20] =	ssyncadd.s32 $0xFFFFD800  }
0x191: {  	_ =	swait.ge [sflag:s20], $0x400  }
0x192: {  	[sflag:s20] =	ssyncset.done $0x0  }
0x193: {  	s26 =	simm.s32 $0x0;
	s28 =	simm.s32 $0x0;
	[sflag:s20] =	ssyncadd.s32 $0xFFFFFC00  }
.LBB2_17:
0x194: {  	s0 =	sshll.u32 s28, $0x4  }
0x195: {  	v3 =	vmov s0  }
0x196: {  	v19 =	vadd.s32 s26, v0;
	v3 =	vshll.u32 v3, $0x7  }
0x197: {  	v18 =	vand.u32 $0xF, v19;
	v11 =	vor.u32 v2, v3  }
0x198: {  	v13 =	vor.u32 v11, v18;
	_ =	sdelay $0x3  }
0x199: {  	v10 =	vld [tilespmem:s0+$0xBA00]  }
0x19a: {  	v3 =	vld.idx.msk [tilespmem:v13+s15+$0x0], $0xffff  }
0x19b: {  	v9 =	vld [tilespmem:s0+$0xBA80]  }
0x19c: {  	v8 =	vld [tilespmem:s0+$0xBB00];
	v12 =	vor.u32 $0x10, v11  }
0x19d: {  	v7 =	vld [tilespmem:s0+$0xBB80];
	v14 =	vor.u32 v12, v19  }
0x19e: {  	v6 =	vld [tilespmem:s0+$0xBC00]  }
0x19f: {  	v5 =	vld [tilespmem:s0+$0xBC80];
	v15 =	vmul.f32 v3, v10  }
0x1a0: {  	v4 =	vld [tilespmem:s0+$0xBD00]  }
0x1a1: {  	v3 =	vld [tilespmem:s0+$0xBD80];
	[tilespmem:v13+s21+$0x0] =	vst.idx.msk $0xffff, v15  }
0x1a2: {  	v15 =	vld.idx.msk [tilespmem:v14+s15+$0x0], $0xffff;
	_ =	sdelay $0x1  }
0x1a3: {  	v13 =	vor.u32 $0x20, v11  }
0x1a4: {  	v16 =	vor.u32 v13, v18;
	_ =	sdelay $0x1  }
0x1a5: {  	v15 =	vmul.f32 v15, v9;
	_ =	sdelay $0x1  }
0x1a6: {  	[tilespmem:v14+s21+$0x0] =	vst.idx.msk $0xffff, v15  }
0x1a7: {  	v15 =	vld.idx.msk [tilespmem:v16+s15+$0x0], $0xffff;
	_ =	sdelay $0x1  }
0x1a8: {  	v14 =	vor.u32 $0x30, v11  }
0x1a9: {  	v17 =	vor.u32 v14, v19;
	_ =	sdelay $0x1  }
0x1aa: {  	v15 =	vmul.f32 v15, v8;
	_ =	sdelay $0x1  }
0x1ab: {  	[tilespmem:v16+s21+$0x0] =	vst.idx.msk $0xffff, v15  }
0x1ac: {  	v16 =	vld.idx.msk [tilespmem:v17+s15+$0x0], $0xffff;
	_ =	sdelay $0x1  }
0x1ad: {  	v15 =	vor.u32 $0x40, v11  }
0x1ae: {  	v20 =	vor.u32 v15, v18;
	_ =	sdelay $0x1  }
0x1af: {  	v16 =	vmul.f32 v16, v7;
	_ =	sdelay $0x1  }
0x1b0: {  	[tilespmem:v17+s21+$0x0] =	vst.idx.msk $0xffff, v16  }
0x1b1: {  	v17 =	vld.idx.msk [tilespmem:v20+s15+$0x0], $0xffff;
	_ =	sdelay $0x1  }
0x1b2: {  	v16 =	vor.u32 $0x50, v11  }
0x1b3: {  	v21 =	vor.u32 v16, v19;
	_ =	sdelay $0x1  }
0x1b4: {  	v17 =	vmul.f32 v17, v6;
	_ =	sdelay $0x1  }
0x1b5: {  	[tilespmem:v20+s21+$0x0] =	vst.idx.msk $0xffff, v17  }
0x1b6: {  	v20 =	vld.idx.msk [tilespmem:v21+s15+$0x0], $0xffff;
	_ =	sdelay $0x1  }
0x1b7: {  	v17 =	vor.u32 $0x60, v11  }
0x1b8: {  	v22 =	vor.u32 v17, v18;
	_ =	sdelay $0x1  }
0x1b9: {  	v18 =	vmul.f32 v20, v5;
	_ =	sdelay $0x1  }
0x1ba: {  	[tilespmem:v21+s21+$0x0] =	vst.idx.msk $0xffff, v18  }
0x1bb: {  	v20 =	vld.idx.msk [tilespmem:v22+s15+$0x0], $0xffff;
	_ =	sdelay $0x1  }
0x1bc: {  	v18 =	vor.u32 $0x70, v11  }
0x1bd: {  	v21 =	vor.u32 v18, v19;
	_ =	sdelay $0x1  }
0x1be: {  	v19 =	vmul.f32 v20, v4;
	_ =	sdelay $0x1  }
0x1bf: {  	[tilespmem:v22+s21+$0x0] =	vst.idx.msk $0xffff, v19  }
0x1c0: {  	s31 =	simm.s32 $0x1;
	v23 =	vld.idx.msk [tilespmem:v21+s15+$0x0], $0xffff  }
0x1c1: {  	v19 =	vadd.s32 s31, v0  }
0x1c2: {  	v20 =	vand.u32 $0xF, v19  }
0x1c3: {  	v22 =	vor.u32 v11, v20;
	_ =	sdelay $0x1  }
0x1c4: {  	s29 =	simm.s32 $0x2;
	v23 =	vmul.f32 v23, v3  }
.LBB2_18:
0x1c5: {  	_ = 	snop  }
0x1c6: {  	p0 =	sne.s32 s29, $0xF;
	s0 =	smov.u32 s29;
	s29 =	sadd.s32 $0x1, s29;
	[tilespmem:v21+s21+$0x0] =	vst.idx.msk $0xffff, v23  }
0x1c7: {  	v21 =	vld.idx.msk [tilespmem:v22+s15+$0x0], $0xffff;
	_ =	sdelay $0x3  }
0x1c8: {  	v23 =	vor.u32 v12, v19;
	_ =	sdelay $0x1  }
0x1c9: {  	v21 =	vmul.f32 v21, v10;
	_ =	sdelay $0x1  }
0x1ca: {  	[tilespmem:v22+s21+$0x0] =	vst.idx.msk $0xffff, v21  }
0x1cb: {  	v21 =	vld.idx.msk [tilespmem:v23+s15+$0x0], $0xffff;
	_ =	sdelay $0x3  }
0x1cc: {  	v22 =	vor.u32 v13, v20;
	_ =	sdelay $0x1  }
0x1cd: {  	v21 =	vmul.f32 v21, v9;
	_ =	sdelay $0x1  }
0x1ce: {  	[tilespmem:v23+s21+$0x0] =	vst.idx.msk $0xffff, v21  }
0x1cf: {  	v21 =	vld.idx.msk [tilespmem:v22+s15+$0x0], $0xffff;
	_ =	sdelay $0x3  }
0x1d0: {  	v23 =	vor.u32 v14, v19;
	_ =	sdelay $0x1  }
0x1d1: {  	v21 =	vmul.f32 v21, v8;
	_ =	sdelay $0x1  }
0x1d2: {  	[tilespmem:v22+s21+$0x0] =	vst.idx.msk $0xffff, v21  }
0x1d3: {  	v21 =	vld.idx.msk [tilespmem:v23+s15+$0x0], $0xffff;
	_ =	sdelay $0x3  }
0x1d4: {  	v22 =	vor.u32 v15, v20;
	_ =	sdelay $0x1  }
0x1d5: {  	v21 =	vmul.f32 v21, v7;
	_ =	sdelay $0x1  }
0x1d6: {  	[tilespmem:v23+s21+$0x0] =	vst.idx.msk $0xffff, v21  }
0x1d7: {  	v21 =	vld.idx.msk [tilespmem:v22+s15+$0x0], $0xffff;
	_ =	sdelay $0x3  }
0x1d8: {  	v23 =	vor.u32 v16, v19;
	_ =	sdelay $0x1  }
0x1d9: {  	v21 =	vmul.f32 v21, v6;
	_ =	sdelay $0x1  }
0x1da: {  	[tilespmem:v22+s21+$0x0] =	vst.idx.msk $0xffff, v21  }
0x1db: {  	v21 =	vld.idx.msk [tilespmem:v23+s15+$0x0], $0xffff;
	_ =	sdelay $0x3  }
0x1dc: {  	v20 =	vor.u32 v17, v20;
	_ =	sdelay $0x1  }
0x1dd: {  	v21 =	vmul.f32 v21, v5;
	_ =	sdelay $0x1  }
0x1de: {  	[tilespmem:v23+s21+$0x0] =	vst.idx.msk $0xffff, v21  }
0x1df: {  	v22 =	vld.idx.msk [tilespmem:v20+s15+$0x0], $0xffff;
	_ =	sdelay $0x3  }
0x1e0: {  	v21 =	vor.u32 v18, v19;
	_ =	sdelay $0x1  }
0x1e1: {  	v19 =	vmul.f32 v22, v4;
	_ =	sdelay $0x1  }
0x1e2: {  	[tilespmem:v20+s21+$0x0] =	vst.idx.msk $0xffff, v19  }
0x1e3: {  	v23 =	vld.idx.msk [tilespmem:v21+s15+$0x0], $0xffff;
	_ =	sdelay $0x1  }
.Ltmp8:
0x1e4: {  	v19 =	vadd.s32 s0, v0;
	(pc) =	sbr.rel @p0 .LBB2_18-.Ltmp8, $3  }
0x1e5: {  	v20 =	vand.u32 $0xF, v19  }
0x1e6: {  	v22 =	vor.u32 v11, v20;
	_ =	sdelay $0x1  }
0x1e7: {  	v23 =	vmul.f32 v23, v3  }
0x1e8: {  	_ =	sdelay $0x3  }
0x1e9: {  	[tilespmem:v21+s21+$0x0] =	vst.idx.msk $0xffff, v23  }
0x1ea: {  	v11 =	vld.idx.msk [tilespmem:v22+s15+$0x0], $0xffff;
	_ =	sdelay $0x2  }
0x1eb: {  	v12 =	vor.u32 v12, v19;
	_ =	sdelay $0x1  }
0x1ec: {  	v10 =	vmul.f32 v11, v10;
	_ =	sdelay $0x1  }
0x1ed: {  	[tilespmem:v22+s21+$0x0] =	vst.idx.msk $0xffff, v10  }
0x1ee: {  	v10 =	vld.idx.msk [tilespmem:v12+s15+$0x0], $0xffff;
	_ =	sdelay $0x2  }
0x1ef: {  	v58 =	vor.u32 v13, v20;
	_ =	sdelay $0x1  }
0x1f0: {  	v9 =	vmul.f32 v10, v9;
	_ =	sdelay $0x1  }
0x1f1: {  	[tilespmem:v12+s21+$0x0] =	vst.idx.msk $0xffff, v9  }
0x1f2: {  	v9 =	vld.idx.msk [tilespmem:v58+s15+$0x0], $0xffff;
	_ =	sdelay $0x2  }
0x1f3: {  	v59 =	vor.u32 v14, v19;
	_ =	sdelay $0x1  }
0x1f4: {  	v8 =	vmul.f32 v9, v8;
	_ =	sdelay $0x1  }
0x1f5: {  	[tilespmem:v58+s21+$0x0] =	vst.idx.msk $0xffff, v8  }
0x1f6: {  	v8 =	vld.idx.msk [tilespmem:v59+s15+$0x0], $0xffff;
	_ =	sdelay $0x2  }
0x1f7: {  	v60 =	vor.u32 v15, v20;
	_ =	sdelay $0x1  }
0x1f8: {  	v7 =	vmul.f32 v8, v7;
	_ =	sdelay $0x1  }
0x1f9: {  	[tilespmem:v59+s21+$0x0] =	vst.idx.msk $0xffff, v7  }
0x1fa: {  	v7 =	vld.idx.msk [tilespmem:v60+s15+$0x0], $0xffff;
	_ =	sdelay $0x2  }
0x1fb: {  	v61 =	vor.u32 v16, v19;
	_ =	sdelay $0x1  }
0x1fc: {  	v6 =	vmul.f32 v7, v6;
	_ =	sdelay $0x1  }
0x1fd: {  	[tilespmem:v60+s21+$0x0] =	vst.idx.msk $0xffff, v6  }
0x1fe: {  	v6 =	vld.idx.msk [tilespmem:v61+s15+$0x0], $0xffff;
	_ =	sdelay $0x2  }
0x1ff: {  	v62 =	vor.u32 v17, v20;
	_ =	sdelay $0x1  }
0x200: {  	v5 =	vmul.f32 v6, v5;
	_ =	sdelay $0x1  }
0x201: {  	[tilespmem:v61+s21+$0x0] =	vst.idx.msk $0xffff, v5  }
0x202: {  	v5 =	vld.idx.msk [tilespmem:v62+s15+$0x0], $0xffff;
	_ =	sdelay $0x2  }
0x203: {  	v63 =	vor.u32 v18, v19;
	_ =	sdelay $0x1  }
0x204: {  	v4 =	vmul.f32 v5, v4;
	_ =	sdelay $0x1  }
0x205: {  	[tilespmem:v62+s21+$0x0] =	vst.idx.msk $0xffff, v4  }
0x206: {  	v4 =	vld.idx.msk [tilespmem:v63+s15+$0x0], $0xffff  }
0x207: {  	s28 =	sadd.s32 $0x1, s28  }
0x208: {  	p0 =	sne.s32 s28, $0x5  }
.Ltmp9:
0x209: {  	_ = 	snop;
	(pc) =	sbr.rel @p0 .LBB2_17-.Ltmp9, $3  }
0x20a: {  	_ = 	snop  }
0x20b: {  	v3 =	vmul.f32 v4, v3;
	_ =	sdelay $0x1  }
0x20c: {  	[tilespmem:v63+s21+$0x0] =	vst.idx.msk $0xffff, v3  }
0x20d: {  	[spmem:s1] =	stream.indirect.scatter.add.f32 [tilespmem:s21], [sflag:$0x3], $0x80, s22, s13, $0xb8;
	[tilespmem:$0x1FA80] =	vst v63  }
0x20e: {  	s0 =	simm.s32 $0x0  }
0x20f: {  	_ =	swait.ge [sflag:s12], $0x2800;
	s0 =	sand.u32 $0xF, s0  }
0x210: {  	s28 =	simm.s32 $0x1;
	[sflag:s12] =	ssyncset.done $0x0;
	p0 =	sne.s32 s0, s2  }
0x211: {  	[sflag:s12] =	ssyncadd.s32 $0xFFFFD800;
	s0 =	sshll.u32 @!p0 s2, $0x6;
	s26 =	sshrl.u32 @!p0 s1, $0x3  }
0x212: {  	s29 =	simm.s32 @!p0 $0x3;
	[bflag:$0x0] =	sbarrier.arrive $0xFFFF;
	s0 =	sor.u32 @!p0 $0x1C03, s0  }
0x213: {  	[hbm:s10], [sflag:s0] =	dma.local @!p0 [spmem:s26], $0x500  }
0x214: {  	s30 =	sand.u32 $0xF, s28;
	s28 =	sadd.s32 $0x2800, s1;
	_ =	swait.ge @!p0 [sflag:s29], $0x500  }
0x215: {  	s26 =	simm.s32 $0x2;
	s0 =	sadd.s32 $0x500, s10;
	[sflag:s29] =	ssyncset.done @!p0 $0x0  }
.LBB2_21:
0x216: {  	[sflag:s29] =	ssyncadd.s32 @!p0 $0xFFFFFB00  }
0x217: {  	p0 =	sne.s32 s30, s2;
	s30 =	smov.u32 s26;
	s26 =	sadd.s32 $0x1, s26  }
0x218: {  	p1 =	sne.s32 s26, $0x7D  }
.Ltmp10:
0x219: {  	s29 =	sshll.u32 @!p0 s2, $0x6;
	s31 =	sshrl.u32 @!p0 s28, $0x3;
	(pc) =	sbr.rel @p1 .LBB2_21-.Ltmp10, $4  }
0x21a: {  	s6 =	sor.u32 @!p0 $0x1C03, s29;
	s29 =	simm.s32 @!p0 $0x3  }
0x21b: {  	[hbm:s0], [sflag:s6] =	dma.local @!p0 [spmem:s31], $0x500  }
0x21c: {  	s0 =	sadd.s32 $0x500, s0;
	_ =	swait.ge @!p0 [sflag:s29], $0x500  }
0x21d: {  	s30 =	sand.u32 $0xF, s30;
	s28 =	sadd.s32 $0x2800, s28;
	[sflag:s29] =	ssyncset.done @!p0 $0x0  }
0x21e: {  	p1 =	sne.s32 s30, s2;
	[sflag:s29] =	ssyncadd.s32 @!p0 $0xFFFFFB00;
	s25 =	sadd.s32 $0x1, s25  }
0x21f: {  	s6 =	sshll.u32 @!p1 s2, $0x6;
	s26 =	sshrl.u32 @!p1 s28, $0x3;
	p0 =	sne.s32 s25, s11  }
.Ltmp11:
0x220: {  	s28 =	simm.s32 @!p1 $0x3;
	s6 =	sor.u32 @!p1 $0x1C03, s6;
	(pc) =	sbr.rel @p0 .LBB2_1-.Ltmp11, $4  }
0x221: {  	[hbm:s0], [sflag:s6] =	dma.local @!p1 [spmem:s26], $0x500  }
0x222: {  	_ =	swait.ge @!p1 [sflag:s28], $0x500  }
0x223: {  	[sflag:s28] =	ssyncset.done @!p1 $0x0  }
0x224: {  	[sflag:s28] =	ssyncadd.s32 @!p1 $0xFFFFFB00  }
0x225: {  	_ =	sfence.sel $0x180000  }
0x226: {  	[bflag:$0x0] =	sbarrier.arrive $0xFFFF  }
0x227: {  	_ =	strace $0x9000004A  }
0x228: {  	[bflag:$0x2] =	sbarrier.arrive $0xFFFF  }
0x229: {  	p0 =	sne.s32 s2, $0x0;
	s0 =	rddreg [dreg:$0x2]  }
0x22a: {  	s0 =	sadd.s32 @!p0 $0x100000, s0  }
0x22b: {  	[sflag:s0] =	ssyncadd.tile.s32 @!p0 $0x1;
	_ =	shalt  }
.Lfunc_end2:
_tile_overlayer_lowered:
.L_overlay_start_2:
0x22c: {  	(tag) =	ssettag $0x2  }
0x22d: {  	s0 =	rddreg [dreg:$0x0];
	s2 =	stileid.u32  }
0x22e: {  	s1 =	rddreg [dreg:$0x1];
	p0 =	sne.s32 s2, $0x0  }
0x22f: {  	s3 =	rddreg [dreg:$0x2];
	[bflag:$0x3] =	sbarrier.arrive $0xFFFF;
	s2 =	simm.s32 @!p0 $0x1C03  }
0x230: {  	[timem:s3], [sflag:s2] =	dma.local @!p0 [hbm:s0], s1  }
0x231: {  	s0 =	simm.s32 @!p0 $0x3  }
0x232: {  	_ =	swait.ge @!p0 [sflag:s0], s1  }
0x233: {  	s1 =	ssub.s32 @!p0 $0x0, s1;
	[sflag:s0] =	ssyncset.done @!p0 $0x0  }
0x234: {  	[sflag:s0] =	ssyncadd.s32 @!p0 s1  }
0x235: {  	[bflag:$0x3] =	sbarrier.arrive $0xFFFF  }
0x236: {  	_ =	shalt  }

// kernel: kernel.7.cloned.1.call-start
scs
__scs_entry_jumppad:
0x0: {  	(pc) =	sbr.rel $0x88, $3  }
0x1: {  	(tag) =	ssettag $0x0;
	lr =	simm.s32 $0x1  }
0x2: {  	[smem:$0x3F8E] =	sst lr;
	_ =	strace $0xD0000000  }
0x3: {  	_ = 	snop  }
0x4: {  	_ = 	snop  }
0x5: {  	_ = 	snop  }
0x6: {  	_ = 	snop  }
0x7: {  	_ = 	snop  }
__scs_overlays_trampoline_lowered:
0x8: {  	[smem:$0x3F9D] =	sst s0  }
0x9: {  	[smem:$0x3F9E] =	sst s1  }
0xa: {  	[smem:$0x3F9F] =	sst s2  }
0xb: {  	[smem:$0x3FA0] =	sst s3  }
0xc: {  	[smem:$0x3FA1] =	sst s4  }
0xd: {  	[smem:$0x3FA2] =	sst s5  }
0xe: {  	[smem:$0x3FA3] =	sst s6  }
0xf: {  	[smem:$0x3FA4] =	sst s7  }
0x10: {  	[smem:$0x3FA5] =	sst s8  }
0x11: {  	[smem:$0x3FA6] =	sst s9;
	s0 =	simm.s32 @!p0 $0x0  }
0x12: {  	s1 =	sld [smem:$0x3F8C];
	s0 =	simm.s32 @p0 $0x1  }
0x13: {  	[smem:$0x3FA7] =	sst s0;
	s0 =	simm.s32 @!p1 $0x0  }
0x14: {  	s2 =	sld [smem:$0x3F8B];
	s0 =	simm.s32 @p1 $0x1  }
0x15: {  	[smem:$0x3FA8] =	sst s0;
	s0 =	simm.s32 @!p2 $0x0  }
0x16: {  	s3 =	sld [smem:$0x3FDB];
	s0 =	simm.s32 @p2 $0x1  }
0x17: {  	s4 =	simm.s32 $0x1BF5;
	[smem:$0x3FAA] =	sst s0  }
0x18: {  	s0 =	sld [smem:$0x3F8D];
	_ =	swait.ge [sflag:s4], $0x0  }
0x19: {  	s7 =	sld [smem:$0x3F8E]  }
0x1a: {  	s8 =	sadd.s32 $0xFFFFE003, lr  }
0x1b: {  	s9 =	sadd.s32 $0xFFFFFEF7, lr;
	s5 =	simm.s32 $0xFFFFFFFF;
	p2 =	slt.u32 s8, $0xFFFFF086  }
0x1c: {  	p1 =	slt.u32 s9, $0xF7A;
	s5 =	simm.s32 @!p2 $0x0  }
0x1d: {  	s5 =	simm.s32 @p1 $0x1;
	p0 =	seq.s32 s7, s2  }
0x1e: {  	s7 =	smul.u32 @!p0 $0xF7A, s2;
	p2 =	seq.s32 @!p0 s5, $0x0  }
0x1f: {  	s9 =	smul.u32 $0xF7A, s1;
	s8 =	simm.s32 @!p0 $0x1BF5;
	p2 =	por !p2, p0  }
0x20: {  	[sflag:s8] =	ssyncset.s32 @!p0 $0xFFFFF086;
	s6 =	sadd.s32 @!p0 s3, s7;
	s7 =	simm.s32 @!p0 $0x108  }
0x21: {  	s3 =	sadd.s32 s3, s9;
	s6 =	sadd.s32 @!p0 $0x88, s6;
	s7 =	simm.s32 @p2 $0x1082  }
0x22: {  	[simem:s7], [sflag:s8] =	dma.local @!p0 [hbm:s6], $0xF7A  }
0x23: {  	s9 =	sor.u32 $0xD0000000, s2;
	s6 =	simm.s32 $0x108;
	_ =	swait.ge @!p0 [sflag:s8], $0x0  }
0x24: {  	s3 =	sadd.s32 $0x88, s3;
	s6 =	simm.s32 @!p1 $0x1082;
	[sflag:s4] =	ssyncset.s32 $0xFFFFF086  }
0x25: {  	[simem:s6], [sflag:s4] =	dma.local [hbm:s3], $0xF7A  }
0x26: {  	[smem:$0x3F8E] =	sst s1;
	(tag) =	ssettag s2;
	_ =	strace s9  }
0x27: {  	s1 =	sld [smem:$0x3F9E]  }
0x28: {  	s2 =	sld [smem:$0x3F9F]  }
0x29: {  	s4 =	sld [smem:$0x3FA1]  }
0x2a: {  	p0 =	seq.s32 s5, $0x0;
	s5 =	sld [smem:$0x3FA2]  }
0x2b: {  	s6 =	sld [smem:$0x3FA3]  }
0x2c: {  	s7 =	sld [smem:$0x3FA4]  }
0x2d: {  	s3 =	simm.s32 $0x108;
	s8 =	sld [smem:$0x3FA5]  }
0x2e: {  	s3 =	simm.s32 @!p0 $0x1082;
	s9 =	sld [smem:$0x3FA6]  }
0x2f: {  	lr =	sadd.s32 s0, s3;
	s0 =	sld [smem:$0x3F9D]  }
0x30: {  	s3 =	sld [smem:$0x3FA0]  }
0x31: {  	[smem:$0x3FA9] =	sst s10  }
0x32: {  	s10 =	sld [smem:$0x3FA7];
	_ =	sdelay $0x3  }
0x33: {  	p0 =	seq.s32 s10, $0x1;
	s10 =	sld [smem:$0x3FA9];
	_ =	sdelay $0x3  }
0x34: {  	[smem:$0x3FA9] =	sst s10  }
0x35: {  	s10 =	sld [smem:$0x3FA8];
	_ =	sdelay $0x3  }
0x36: {  	p1 =	seq.s32 s10, $0x1;
	s10 =	sld [smem:$0x3FA9];
	_ =	sdelay $0x3  }
0x37: {  	[smem:$0x3FA9] =	sst s10  }
0x38: {  	s10 =	sld [smem:$0x3FAA]  }
0x39: {  	_ = 	snop;
	(pc) =	sbr.ind lr, $3  }
0x3a: {  	_ = 	snop  }
0x3b: {  	_ = 	snop  }
0x3c: {  	p2 =	seq.s32 s10, $0x1;
	s10 =	sld [smem:$0x3FA9]  }
0x3d: {  	_ =	shalt  }
0x3e: {  	_ =	shalt  }
0x3f: {  	_ =	shalt  }
0x40: {  	_ =	shalt  }
0x41: {  	_ =	shalt  }
0x42: {  	_ =	shalt  }
0x43: {  	_ =	shalt  }
0x44: {  	_ =	shalt  }
0x45: {  	_ =	shalt  }
0x46: {  	_ =	shalt  }
0x47: {  	_ =	shalt  }
0x48: {  	_ =	shalt  }
0x49: {  	_ =	shalt  }
0x4a: {  	_ =	shalt  }
0x4b: {  	_ =	shalt  }
0x4c: {  	_ =	shalt  }
0x4d: {  	_ =	shalt  }
0x4e: {  	_ =	shalt  }
0x4f: {  	_ =	shalt  }
0x50: {  	_ =	shalt  }
0x51: {  	_ =	shalt  }
0x52: {  	_ =	shalt  }
0x53: {  	_ =	shalt  }
0x54: {  	_ =	shalt  }
0x55: {  	_ =	shalt  }
0x56: {  	_ =	shalt  }
0x57: {  	_ =	shalt  }
0x58: {  	_ =	shalt  }
0x59: {  	_ =	shalt  }
0x5a: {  	_ =	shalt  }
0x5b: {  	_ =	shalt  }
0x5c: {  	_ =	shalt  }
0x5d: {  	_ =	shalt  }
0x5e: {  	_ =	shalt  }
0x5f: {  	_ =	shalt  }
0x60: {  	_ =	shalt  }
0x61: {  	_ =	shalt  }
0x62: {  	_ =	shalt  }
0x63: {  	_ =	shalt  }
0x64: {  	_ =	shalt  }
0x65: {  	_ =	shalt  }
0x66: {  	_ =	shalt  }
0x67: {  	_ =	shalt  }
0x68: {  	_ =	shalt  }
0x69: {  	_ =	shalt  }
0x6a: {  	_ =	shalt  }
0x6b: {  	_ =	shalt  }
0x6c: {  	_ =	shalt  }
0x6d: {  	_ =	shalt  }
0x6e: {  	_ =	shalt  }
0x6f: {  	_ =	shalt  }
0x70: {  	_ =	shalt  }
0x71: {  	_ =	shalt  }
0x72: {  	_ =	shalt  }
0x73: {  	_ =	shalt  }
0x74: {  	_ =	shalt  }
0x75: {  	_ =	shalt  }
0x76: {  	_ =	shalt  }
0x77: {  	_ =	shalt  }
0x78: {  	_ =	shalt  }
0x79: {  	_ =	shalt  }
0x7a: {  	_ =	shalt  }
0x7b: {  	_ =	shalt  }
0x7c: {  	_ =	shalt  }
0x7d: {  	_ =	shalt  }
0x7e: {  	_ =	shalt  }
0x7f: {  	_ =	shalt  }
0x80: {  	_ =	shalt  }
0x81: {  	_ =	shalt  }
0x82: {  	_ =	shalt  }
0x83: {  	_ =	shalt  }
0x84: {  	_ =	shalt  }
0x85: {  	_ =	shalt  }
0x86: {  	_ =	shalt  }
0x87: {  	_ =	shalt  }
.Lfunc_end0:
.L_simem_size_0:
called_computation_lowered:
.L_overlay_start_0:
0x88: {  	s2 =	sld [smem:$0x3FD9]  }
0x89: {  	s3 =	sld [smem:$0x3FFE];
	_ =	sdelay $0x1  }
0x8a: {  	s1 =	srdreg.scid  }
0x8b: {  	s0 =	sand.u32 $0x1, s1  }
0x8c: {  	s17 =	sshll.u32 s0, $0xA;
	s2 =	sadd.s32 s3, s2  }
0x8d: {  	s2 =	sadd.s32 s2, s17  }
0x8e: {  	[smem:$0x3FB5] =	sst s2  }
0x8f: {  	_ = 	snop  }
0x90: {  	s2 =	sld [smem:$0x3FD0];
	(tm) =	ssettm $0x1  }
0x91: {  	s18 =	sld [smem:$0x3FFB];
	_ =	sdelay $0x3  }
0x92: {  	_ =	strace s18  }
0x93: {  	s3 =	sld [smem:$0x3FFC];
	_ =	sdelay $0x3  }
0x94: {  	_ =	strace s3  }
0x95: {  	s3 =	sld [smem:$0x3FFD];
	_ =	sdelay $0x3  }
0x96: {  	_ =	strace s3  }
0x97: {  	_ =	strace $0x8FFFFFFF  }
0x98: {  	s19 =	sld [smem:$0x3FDB];
	_ =	sdelay $0x1  }
0x99: {  	s4 =	simm.s32 $_scs_section_size  }
0x9a: {  	s5 =	simm.s32 $_size__tile_overlayer_lowered;
	s6 =	simm.s32 $_tile_overlayer_lowered  }
0x9b: {  	s22 =	simm.s32 $0x1BFF;
	s21 =	sshll.u32 s6, $0x1;
	s3 =	sadd.s32 s4, s19  }
0x9c: {  	s7 =	simm.s32 $0x0;
	s20 =	sshll.u32 s5, $0x1;
	s5 =	sadd.s32 s21, s3  }
0x9d: {  	[timem:s7], [sflag:s22] =	dma.local [hbm:s5], s20  }
0x9e: {  	_ =	swait.ge [sflag:s22], s20  }
0x9f: {  	s4 =	ssub.s32 $0x0, s20;
	[sflag:s22] =	ssyncset.done $0x0  }
0xa0: {  	[sflag:s22] =	ssyncadd.s32 s4;
	_ =	sdelay $0x1  }
0xa1: {  	s23 =	simm.s32 $0x1B8B  }
0xa2: {  	_ =	swait.ge [sflag:s23], $0x1  }
0xa3: {  	[sflag:s23] =	ssyncset.done $0x0  }
0xa4: {  	s25 =	simm.s32 $0x1B8E;
	s24 =	sld [smem:$0x3FFE];
	[sflag:s23] =	ssyncadd.s32 $0xFFFFFFFF  }
0xa5: {  	s26 =	simm.s32 $execute0_lowered;
	[smem:$0x3FD2] =	sst s25  }
0xa6: {  	s5 =	sshll.u32 s26, $0x1;
	_ =	strace $0x80000046;
	[dreg:$0x1] =	wrdreg $0xFFFFFFFF  }
0xa7: {  	s28 =	simm.s32 $_size_execute0_lowered;
	s3 =	sadd.s32 s3, s5;
	[dreg:$0x0] =	wrdreg $0x0  }
0xa8: {  	s5 =	sshll.u32 s28, $0x1;
	[dreg:$0x2] =	wrdreg s3  }
0xa9: {  	[dreg:$0x3] =	wrdreg s5  }
0xaa: {  	[dreg:$0x4] =	wrdreg $0xC0  }
0xab: {  	_ =	task [dreg:s7], $0x5FFFF  }
0xac: {  	[dreg:$0x1] =	wrdreg $0xFFFFFFFF  }
0xad: {  	[dreg:$0x0] =	wrdreg $0x60  }
0xae: {  	[dreg:$0x2] =	wrdreg s2  }
0xaf: {  	[dreg:$0x3] =	wrdreg s24  }
0xb0: {  	[dreg:$0x4] =	wrdreg $0x9  }
0xb1: {  	_ =	task.clear_ibuf [dreg:s7], $0x5FFFF;
	_ =	strace $0x90000046  }
0xb2: {  	s29 =	simm.s32 $0x9;
	_ =	strace $0x80000048  }
0xb3: {  	_ =	swait.ge [sflag:s29], $0x1  }
0xb4: {  	[sflag:s29] =	ssyncadd.s32 $0xFFFFFFFF  }
0xb5: {  	_ =	strace $0x90000048  }
0xb6: {  	_ =	sfence  }
0xb7: {  	s30 =	sld [smem:$0x0];
	_ =	sdelay $0x2  }
0xb8: {  	s31 =	sshll.u32 s1, $0xD;
	s1 =	sshrl.u32 s1, $0x2  }
0xb9: {  	s3 =	sand.u32 $0x4000, s31;
	s1 =	sadd.s32 s1, s30  }
0xba: {  	s0 =	sor.u32 s3, s0;
	s1 =	sshll.u32 s1, $0x11  }
0xbb: {  	s0 =	sor.u32 s1, s0  }
0xbc: {  	s0 =	sadd.s32 $0x8F2B, s0  }
0xbd: {  	[sflag:s0] =	ssyncadd.remote.s32 $0x1  }
0xbe: {  	_ =	sfence.sel $0xFFFF  }
0xbf: {  	[dreg:$0x0] =	wrdreg $0xFFFFFFFF;
	(pc) =	sbr.abs _section_cstart, $3  }
0xc0: {  	[dreg:$0x1] =	wrdreg $0xFFFFFFFF  }
0xc1: {  	_ =	task.clear_ibuf [dreg:s7], $0x2FFFF;
	_ =	strace $0x9FFFFFFF  }
0xc2: {  	(tm) =	ssettm $0x7FFFFFFF  }
0xc3: {  	_ =	shalt  }
tec
execute0_lowered:
.L_overlay_start_1:
0x0: {  	(tag) =	ssettag $0x1  }
0x1: {  	s2 =	rddreg [dreg:$0x0]  }
0x2: {  	s0 =	rddreg [dreg:$0x1]  }
0x3: {  	s1 =	srdreg.scid;
	s4 =	stileid.u32;
	s3 =	simm.s32 $0x0  }
0x4: {  	s11 =	simm.s32 $0x5;
	s12 =	simm.s32 $0x50;
	s13 =	simm.s32 $0x4000  }
0x5: {  	s14 =	simm.s32 $0x4200;
	s15 =	simm.s32 $0x4100;
	s16 =	simm.s32 $0x9200  }
0x6: {  	s17 =	simm.s32 $0x4080;
	s18 =	simm.s32 $0x6A00;
	s19 =	simm.s32 $0x4180  }
0x7: {  	s20 =	simm.s32 $0xBA00;
	s21 =	simm.s32 $0x1;
	s22 =	simm.s32 $0xE200  }
0x8: {  	s23 =	simm.s32 $0x2;
	s24 =	simm.s32 $0xE600;
	s25 =	simm.s32 $0x3  }
0x9: {  	s26 =	simm.s32 $0x4;
	s1 =	sand.u32 $0x1, s1;
	s4 =	sshll.u32 s4, $0x1  }
0xa: {  	[smem:$0x7FF] =	sst s3;
	s5 =	sadd.s32 $0x1E6400, s0;
	s6 =	sor.u32 s1, s4  }
0xb: {  	s28 =	simm.s32 $0x0;
	_ =	strace $0x80000047;
	s7 =	smul.u32 $0x1F400, s6  }
0xc: {  	s4 =	sadd.s32 $0x1800, s0;
	s1 =	ssub.s32 $0x2, s1;
	s8 =	sshll.u32 s6, $0xB  }
0xd: {  	s9 =	sshrl.u32 s1, $0x1;
	s0 =	sadd.s32 s8, s0;
	s7 =	sshrl.u32 s7, $0x3  }
0xe: {  	s6 =	smul.u32 $0x7D, s6;
	s0 =	sadd.s32 $0x1D6400, s0;
	s7 =	sadd.s32 s5, s7  }
0xf: {  	v0 =	vlaneseq.u32;
	s1 =	ssub.s32 s1, s9;
	[dreg:$0x3] =	wrdreg s0;
	s31 =	sadd.s32 $0x3E00, s7  }
0x10: {  	v1 =	vmul.u32 $0x80, v0;
	s8 =	sadd.s32 $0x1, s6;
	s10 =	smax.u32 s1, $0x1;
	[dreg:$0x4] =	wrdreg s31  }
.LBB2_1:
0x11: {  	s0 =	rddreg [dreg:$0x3]  }
0x12: {  	[tilespmem:s3], [sflag:$0x5] =	stream.linear.gather [hbm4b:s0+s3], $0x3E80, $0x38;
	[tilespmem:$0xEA00] =	vst v63  }
0x13: {  	_ =	swait.ge [sflag:s11], $0x3E80  }
0x14: {  	[sflag:s11] =	ssyncset.done $0x0  }
0x15: {  	[sflag:s11] =	ssyncadd.s32 $0xFFFFC180  }
0x16: {  	v2 =	vld [tilespmem:$0x0];
	_ =	sdelay $0x1  }
0x17: {  	v3 =	vld [tilespmem:$0x10];
	_ =	sdelay $0x1  }
0x18: {  	v4 =	vld [tilespmem:$0x20]  }
0x19: {  	v5 =	vand.u32 $0x3FFF, v2  }
0x1a: {  	v60 =	vld [tilespmem:$0x30];
	v2 =	vshrl.u32 v2, $0xE;
	[tilespmem:$0x4000] =	vst v5  }
0x1b: {  	[tilespmem:$0x4100] =	vst v2;
	v2 =	vand.u32 $0x3FFF, v3  }
0x1c: {  	[tilespmem:$0x4010] =	vst v2;
	v2 =	vshrl.u32 v3, $0xE;
	v3 =	vld [tilespmem:$0x40]  }
0x1d: {  	[tilespmem:$0x4110] =	vst v2;
	v2 =	vand.u32 $0x3FFF, v4  }
0x1e: {  	[tilespmem:$0x4020] =	vst v2;
	v2 =	vshrl.u32 v4, $0xE  }
0x1f: {  	[tilespmem:$0x4120] =	vst v2;
	v2 =	vand.u32 $0x3FFF, v60  }
0x20: {  	[tilespmem:$0x4030] =	vst v2;
	v2 =	vshrl.u32 v60, $0xE  }
0x21: {  	[tilespmem:$0x4130] =	vst v2;
	v2 =	vand.u32 $0x3FFF, v3  }
0x22: {  	[tilespmem:$0x4040] =	vst v2;
	v2 =	vshrl.u32 v3, $0xE  }
0x23: {  	[tilespmem:$0x4140] =	vst v2  }
0x24: {  	[tilespmem:s14], [sflag:$0x1] =	stream.indirect.gather [hbm4b:s2+s12], $0x80, s13, s12, $0xb8;
	[tilespmem:$0xEA00] =	vst v63  }
0x25: {  	_ = 	snop  }
0x26: {  	[tilespmem:s16], [sflag:$0x1] =	stream.indirect.gather [hbm4b:s4+s12], $0x80, s15, s12, $0xb8;
	[tilespmem:$0xEA00] =	vst v63  }
0x27: {  	v2 =	vld [tilespmem:$0x80];
	_ =	sdelay $0x1  }
0x28: {  	v3 =	vld [tilespmem:$0x90];
	_ =	sdelay $0x1  }
0x29: {  	v61 =	vld [tilespmem:$0xA0]  }
0x2a: {  	v62 =	vand.u32 $0x3FFF, v2  }
0x2b: {  	v63 =	vld [tilespmem:$0xB0];
	v2 =	vshrl.u32 v2, $0xE;
	[tilespmem:$0x4080] =	vst v62  }
0x2c: {  	[tilespmem:$0x4180] =	vst v2;
	v2 =	vand.u32 $0x3FFF, v3  }
0x2d: {  	[tilespmem:$0x4090] =	vst v2;
	v2 =	vshrl.u32 v3, $0xE;
	v3 =	vld [tilespmem:$0xC0]  }
0x2e: {  	[tilespmem:$0x4190] =	vst v2;
	v2 =	vand.u32 $0x3FFF, v61  }
0x2f: {  	[tilespmem:$0x40A0] =	vst v2;
	v2 =	vshrl.u32 v61, $0xE  }
0x30: {  	[tilespmem:$0x41A0] =	vst v2;
	v2 =	vand.u32 $0x3FFF, v63  }
0x31: {  	[tilespmem:$0x40B0] =	vst v2;
	v2 =	vshrl.u32 v63, $0xE  }
0x32: {  	[tilespmem:$0x41B0] =	vst v2;
	v2 =	vand.u32 $0x3FFF, v3  }
0x33: {  	[tilespmem:$0x40C0] =	vst v2;
	v2 =	vshrl.u32 v3, $0xE  }
0x34: {  	[tilespmem:$0x41C0] =	vst v2  }
0x35: {  	[tilespmem:s18], [sflag:$0x2] =	stream.indirect.gather [hbm4b:s2+s12], $0x80, s17, s12, $0xb8;
	[tilespmem:$0xEA00] =	vst v63  }
0x36: {  	s29 =	simm.s32 $0x0  }
0x37: {  	[tilespmem:s20], [sflag:$0x2] =	stream.indirect.gather [hbm4b:s4+s12], $0x80, s19, s12, $0xb8;
	[tilespmem:$0xEA00] =	vst v63  }
.LBB2_2:
0x38: {  	_ =	swait.ge [sflag:s21], $0x2800  }
0x39: {  	[sflag:s21] =	ssyncset.done $0x0  }
0x3a: {  	[sflag:s21] =	ssyncadd.s32 $0xFFFFD800  }
0x3b: {  	_ =	swait.ge [sflag:s21], $0x2800  }
0x3c: {  	p0 =	seq.s32 s29, $0x0;
	[sflag:s21] =	ssyncset.done $0x0  }
0x3d: {  	s0 =	simm.s32 @!p0 $0x3;
	[sflag:s21] =	ssyncadd.s32 $0xFFFFD800  }
0x3e: {  	_ =	swait.ge @!p0 [sflag:s0], $0x400  }
0x3f: {  	s30 =	sshll.u32 s29, $0x1;
	[sflag:s0] =	ssyncset.done @!p0 $0x0  }
0x40: {  	s31 =	simm.s32 $0x0;
	[sflag:s0] =	ssyncadd.s32 @!p0 $0xFFFFFC00;
	s0 =	simm.s32 $0x0  }
.LBB2_3:
0x41: {  	s1 =	sshll.u32 s0, $0x4  }
0x42: {  	v2 =	vmov s1  }
0x43: {  	v2 =	vshll.u32 v2, $0x7  }
0x44: {  	v5 =	vor.u32 v1, v2;
	v2 =	vadd.s32 s31, v0  }
0x45: {  	v9 =	vor.u32 $0x60, v5;
	v3 =	vand.u32 $0xF, v2  }
0x46: {  	v4 =	vor.u32 v9, v3;
	_ =	sdelay $0x1  }
0x47: {  	v6 =	vor.u32 v5, v3  }
0x48: {  	v14 =	vor.u32 $0x10, v5  }
0x49: {  	v7 =	vor.u32 $0x20, v5;
	v10 =	vor.u32 v14, v2  }
0x4a: {  	v12 =	vor.u32 v7, v3;
	v15 =	vld.idx.msk [tilespmem:v4+s14+$0x0], $0xffff  }
0x4b: {  	v8 =	vor.u32 $0x40, v5;
	v16 =	vld.idx.msk [tilespmem:v4+s16+$0x0], $0xffff  }
0x4c: {  	v3 =	vor.u32 v8, v3;
	v17 =	vld.idx.msk [tilespmem:v6+s14+$0x0], $0xffff  }
0x4d: {  	v18 =	vld.idx.msk [tilespmem:v6+s16+$0x0], $0xffff  }
0x4e: {  	v19 =	vor.u32 $0x30, v5;
	v4 =	vld.idx.msk [tilespmem:v10+s14+$0x0], $0xffff  }
0x4f: {  	s7 =	simm.s32 $0x1;
	v29 =	vor.u32 v19, v2;
	v20 =	vld.idx.msk [tilespmem:v12+s14+$0x0], $0xffff  }
0x50: {  	v31 =	vadd.s32 s7, v0;
	v13 =	vor.u32 $0x50, v5;
	v11 =	vor.u32 $0x70, v5;
	v24 =	vld.idx.msk [tilespmem:v12+s16+$0x0], $0xffff  }
0x51: {  	v32 =	vand.u32 $0xF, v31;
	v23 =	vor.u32 v13, v2;
	v21 =	vor.u32 v11, v2;
	v26 =	vld.idx.msk [tilespmem:v3+s14+$0x0], $0xffff  }
0x52: {  	v22 =	vor.u32 v14, v31;
	v6 =	vimm.f32 $0.0e+00;
	v28 =	vld.idx.msk [tilespmem:v10+s16+$0x0], $0xffff;
	v10 =	vimm.f32 $0.0e+00  }
0x53: {  	v27 =	vld.idx.msk [tilespmem:v3+s16+$0x0], $0xffff;
	v3 =	vimm.f32 $0.0e+00;
	v12 =	vmul.f32 v16, v15;
	v30 =	vmul.f32 v18, v17  }
0x54: {  	v25 =	vld.idx.msk [tilespmem:v29+s14+$0x0], $0xffff;
	v18 =	vor.u32 v19, v31;
	v16 =	vimm.f32 $0.0e+00;
	v17 =	vimm.f32 $0.0e+00  }
0x55: {  	s7 =	simm.s32 $0x2;
	v29 =	vld.idx.msk [tilespmem:v29+s16+$0x0], $0xffff;
	v15 =	vimm.f32 $0.0e+00;
	v2 =	vadd.f32 v12, v6;
	v12 =	vimm.f32 $0.0e+00  }
.LBB2_4:
0x56: {  	p1 =	sne.s32 s7, $0xF;
	v33 =	vor.u32 v5, v32;
	v34 =	vor.u32 v7, v32;
	v35 =	vor.u32 v9, v32;
	v36 =	vld.idx.msk [tilespmem:v23+s14+$0x0], $0xffff  }
0x57: {  	v32 =	vor.u32 v8, v32;
	v37 =	vor.u32 v11, v31;
	v38 =	vld.idx.msk [tilespmem:v23+s16+$0x0], $0xffff;
	v23 =	vor.u32 v13, v31  }
0x58: {  	v6 =	vadd.f32 v30, v6;
	v20 =	vmul.f32 v24, v20;
	v24 =	vmul.f32 v27, v26;
	v26 =	vld.idx.msk [tilespmem:v21+s14+$0x0], $0xffff  }
0x59: {  	v27 =	vmul.f32 v28, v4;
	v28 =	vld.idx.msk [tilespmem:v21+s16+$0x0], $0xffff;
	v21 =	vmov v37  }
0x5a: {  	v16 =	vadd.f32 v20, v16;
	v17 =	vadd.f32 v24, v17;
	v4 =	vld.idx.msk [tilespmem:v22+s14+$0x0], $0xffff  }
0x5b: {  	v15 =	vadd.f32 v27, v15;
	v20 =	vmul.f32 v29, v25;
	v30 =	vld.idx.msk [tilespmem:v35+s14+$0x0], $0xffff  }
0x5c: {  	v25 =	vld.idx.msk [tilespmem:v35+s16+$0x0], $0xffff  }
0x5d: {  	v12 =	vadd.f32 v20, v12;
	v24 =	vmul.f32 v38, v36;
	v29 =	vld.idx.msk [tilespmem:v33+s14+$0x0], $0xffff  }
0x5e: {  	v33 =	vld.idx.msk [tilespmem:v33+s16+$0x0], $0xffff  }
0x5f: {  	v10 =	vadd.f32 v24, v10;
	v27 =	vmul.f32 v28, v26;
	v20 =	vld.idx.msk [tilespmem:v34+s14+$0x0], $0xffff  }
0x60: {  	v24 =	vld.idx.msk [tilespmem:v34+s16+$0x0], $0xffff  }
.Ltmp0:
0x61: {  	v3 =	vadd.f32 v27, v3;
	v26 =	vld.idx.msk [tilespmem:v32+s14+$0x0], $0xffff;
	(pc) =	sbr.rel @p1 .LBB2_4-.Ltmp0, $4  }
0x62: {  	v27 =	vld.idx.msk [tilespmem:v32+s16+$0x0], $0xffff;
	v32 =	vmul.f32 v25, v30  }
0x63: {  	v28 =	vld.idx.msk [tilespmem:v22+s16+$0x0], $0xffff  }
0x64: {  	v31 =	vadd.s32 s7, v0;
	v30 =	vmul.f32 v33, v29;
	v25 =	vld.idx.msk [tilespmem:v18+s14+$0x0], $0xffff;
	v2 =	vadd.f32 v32, v2  }
0x65: {  	s7 =	sadd.s32 $0x1, s7;
	v22 =	vor.u32 v14, v31;
	v32 =	vand.u32 $0xF, v31;
	v29 =	vld.idx.msk [tilespmem:v18+s16+$0x0], $0xffff;
	v18 =	vor.u32 v19, v31  }
0x66: {  	_ =	sdelay $0x3  }
0x67: {  	v14 =	vld.idx.msk [tilespmem:v23+s14+$0x0], $0xffff  }
0x68: {  	v19 =	vld.idx.msk [tilespmem:v23+s16+$0x0], $0xffff  }
0x69: {  	v45 =	vld.idx.msk [tilespmem:v21+s14+$0x0], $0xffff  }
0x6a: {  	v9 =	vor.u32 v9, v32;
	v46 =	vld.idx.msk [tilespmem:v21+s16+$0x0], $0xffff  }
0x6b: {  	v33 =	vld.idx.msk [tilespmem:v22+s14+$0x0], $0xffff  }
0x6c: {  	v5 =	vor.u32 v5, v32;
	v48 =	vld.idx.msk [tilespmem:v22+s16+$0x0], $0xffff  }
0x6d: {  	v49 =	vld.idx.msk [tilespmem:v18+s14+$0x0], $0xffff  }
0x6e: {  	v7 =	vor.u32 v7, v32;
	v51 =	vld.idx.msk [tilespmem:v18+s16+$0x0], $0xffff  }
0x6f: {  	v34 =	vld.idx.msk [tilespmem:v9+s14+$0x0], $0xffff  }
0x70: {  	v8 =	vor.u32 v8, v32;
	v9 =	vld.idx.msk [tilespmem:v9+s16+$0x0], $0xffff  }
0x71: {  	v47 =	vld.idx.msk [tilespmem:v5+s14+$0x0], $0xffff  }
0x72: {  	v13 =	vor.u32 v13, v31;
	v5 =	vld.idx.msk [tilespmem:v5+s16+$0x0], $0xffff  }
0x73: {  	v35 =	vld.idx.msk [tilespmem:v7+s14+$0x0], $0xffff  }
0x74: {  	v11 =	vor.u32 v11, v31;
	v7 =	vld.idx.msk [tilespmem:v7+s16+$0x0], $0xffff  }
0x75: {  	v36 =	vld.idx.msk [tilespmem:v8+s14+$0x0], $0xffff  }
0x76: {  	v4 =	vmul.f32 v28, v4;
	v8 =	vld.idx.msk [tilespmem:v8+s16+$0x0], $0xffff  }
0x77: {  	v20 =	vmul.f32 v24, v20;
	v6 =	vadd.f32 v30, v6;
	v53 =	vmul.f32 v29, v25;
	v52 =	vld.idx.msk [tilespmem:v13+s14+$0x0], $0xffff  }
0x78: {  	v50 =	vmul.f32 v27, v26;
	v4 =	vadd.f32 v4, v15;
	v13 =	vld.idx.msk [tilespmem:v13+s16+$0x0], $0xffff;
	v22 =	vmul.f32 v48, v33  }
0x79: {  	v16 =	vadd.f32 v20, v16;
	v54 =	vld.idx.msk [tilespmem:v11+s14+$0x0], $0xffff;
	v58 =	vmul.f32 v51, v49;
	v57 =	vadd.f32 v53, v12  }
0x7a: {  	v17 =	vadd.f32 v50, v17;
	v56 =	vld.idx.msk [tilespmem:v11+s16+$0x0], $0xffff;
	v4 =	vadd.f32 v22, v4;
	v5 =	vmul.f32 v5, v47  }
0x7b: {  	v14 =	vmul.f32 v19, v14;
	v11 =	vadd.f32 v58, v57;
	v55 =	vmul.f32 v7, v35  }
0x7c: {  	v59 =	vmul.f32 v46, v45;
	[tilespmem:s1+$0xE280] =	vst v4;
	v8 =	vmul.f32 v8, v36;
	v5 =	vadd.f32 v5, v6  }
0x7d: {  	s0 =	sadd.s32 $0x1, s0;
	v10 =	vadd.f32 v14, v10;
	v60 =	vmul.f32 v13, v52;
	[tilespmem:s1+$0xE380] =	vst v11;
	v6 =	vadd.f32 v55, v16  }
0x7e: {  	p1 =	sne.s32 s0, $0x5;
	v61 =	vmul.f32 v9, v34;
	v8 =	vadd.f32 v8, v17;
	[tilespmem:s1+$0xE200] =	vst v5  }
.Ltmp1:
0x7f: {  	v3 =	vadd.f32 v59, v3;
	v63 =	vmul.f32 v56, v54;
	v62 =	vadd.f32 v60, v10;
	[tilespmem:s1+$0xE300] =	vst v6;
	(pc) =	sbr.rel @p1 .LBB2_3-.Ltmp1, $4  }
0x80: {  	v2 =	vadd.f32 v61, v2;
	[tilespmem:s1+$0xE400] =	vst v8  }
0x81: {  	v3 =	vadd.f32 v63, v3;
	[tilespmem:s1+$0xE480] =	vst v62  }
0x82: {  	[tilespmem:s1+$0xE500] =	vst v2  }
0x83: {  	[tilespmem:s1+$0xE580] =	vst v3  }
0x84: {  	s0 =	sadd.s32 s6, s30  }
0x85: {  	s9 =	sshll.u32 s29, $0x8;
	s0 =	sshll.u32 s0, $0x7  }
0x86: {  	s31 =	sand.u32 $0x3FFFFF00, s9;
	s0 =	sadd.s32 s5, s0  }
0x87: {  	[hbm4b:s0+s3] =	stream.linear.scatter [tilespmem:s22], [sflag:$0x3], $0x400, $0x38;
	[tilespmem:$0xEA00] =	vst v63  }
0x88: {  	v2 =	vld [tilespmem:s31+$0x100];
	_ =	sdelay $0x4  }
0x89: {  	v3 =	vand.u32 $0x3FFF, v2  }
0x8a: {  	v2 =	vshrl.u32 v2, $0xE;
	[tilespmem:$0x4000] =	vst v3  }
0x8b: {  	[tilespmem:$0x4100] =	vst v2  }
0x8c: {  	v2 =	vld [tilespmem:s31+$0x110];
	_ =	sdelay $0x4  }
0x8d: {  	v3 =	vand.u32 $0x3FFF, v2  }
0x8e: {  	v2 =	vshrl.u32 v2, $0xE;
	[tilespmem:$0x4010] =	vst v3  }
0x8f: {  	[tilespmem:$0x4110] =	vst v2  }
0x90: {  	v2 =	vld [tilespmem:s31+$0x120];
	_ =	sdelay $0x4  }
0x91: {  	v3 =	vand.u32 $0x3FFF, v2  }
0x92: {  	v2 =	vshrl.u32 v2, $0xE;
	[tilespmem:$0x4020] =	vst v3  }
0x93: {  	[tilespmem:$0x4120] =	vst v2  }
0x94: {  	v2 =	vld [tilespmem:s31+$0x130];
	_ =	sdelay $0x4  }
0x95: {  	v3 =	vand.u32 $0x3FFF, v2  }
0x96: {  	v2 =	vshrl.u32 v2, $0xE;
	[tilespmem:$0x4030] =	vst v3  }
0x97: {  	[tilespmem:$0x4130] =	vst v2  }
0x98: {  	v2 =	vld [tilespmem:s31+$0x140];
	_ =	sdelay $0x4  }
0x99: {  	v3 =	vand.u32 $0x3FFF, v2  }
0x9a: {  	v2 =	vshrl.u32 v2, $0xE;
	[tilespmem:$0x4040] =	vst v3  }
0x9b: {  	[tilespmem:$0x4140] =	vst v2  }
0x9c: {  	[tilespmem:s14], [sflag:$0x1] =	stream.indirect.gather [hbm4b:s2+s12], $0x80, s13, s12, $0xb8;
	[tilespmem:$0xEA00] =	vst v63  }
0x9d: {  	_ = 	snop  }
0x9e: {  	[tilespmem:s16], [sflag:$0x1] =	stream.indirect.gather [hbm4b:s4+s12], $0x80, s15, s12, $0xb8;
	[tilespmem:$0xEA00] =	vst v63  }
0x9f: {  	_ =	swait.ge [sflag:s23], $0x2800  }
0xa0: {  	[sflag:s23] =	ssyncset.done $0x0  }
0xa1: {  	[sflag:s23] =	ssyncadd.s32 $0xFFFFD800  }
0xa2: {  	_ =	swait.ge [sflag:s23], $0x2800  }
0xa3: {  	[sflag:s23] =	ssyncset.done $0x0  }
0xa4: {  	s0 =	simm.s32 @!p0 $0x4;
	[sflag:s23] =	ssyncadd.s32 $0xFFFFD800  }
0xa5: {  	_ =	swait.ge @!p0 [sflag:s0], $0x400  }
0xa6: {  	[sflag:s0] =	ssyncset.done @!p0 $0x0  }
0xa7: {  	s1 =	simm.s32 $0x0;
	[sflag:s0] =	ssyncadd.s32 @!p0 $0xFFFFFC00;
	s0 =	simm.s32 $0x0  }
.LBB2_7:
0xa8: {  	s7 =	sshll.u32 s1, $0x4  }
0xa9: {  	v2 =	vmov s7  }
0xaa: {  	v2 =	vshll.u32 v2, $0x7  }
0xab: {  	v5 =	vor.u32 v1, v2;
	v2 =	vadd.s32 s0, v0  }
0xac: {  	v9 =	vor.u32 $0x60, v5;
	v3 =	vand.u32 $0xF, v2  }
0xad: {  	v4 =	vor.u32 v9, v3;
	_ =	sdelay $0x1  }
0xae: {  	v6 =	vor.u32 v5, v3  }
0xaf: {  	v14 =	vor.u32 $0x10, v5  }
0xb0: {  	v7 =	vor.u32 $0x20, v5;
	v10 =	vor.u32 v14, v2  }
0xb1: {  	v12 =	vor.u32 v7, v3;
	v15 =	vld.idx.msk [tilespmem:v4+s18+$0x0], $0xffff  }
0xb2: {  	v8 =	vor.u32 $0x40, v5;
	v16 =	vld.idx.msk [tilespmem:v4+s20+$0x0], $0xffff  }
0xb3: {  	v3 =	vor.u32 v8, v3;
	v17 =	vld.idx.msk [tilespmem:v6+s18+$0x0], $0xffff  }
0xb4: {  	v18 =	vld.idx.msk [tilespmem:v6+s20+$0x0], $0xffff  }
0xb5: {  	v19 =	vor.u32 $0x30, v5;
	v4 =	vld.idx.msk [tilespmem:v10+s18+$0x0], $0xffff  }
0xb6: {  	s9 =	simm.s32 $0x1;
	v29 =	vor.u32 v19, v2;
	v20 =	vld.idx.msk [tilespmem:v12+s18+$0x0], $0xffff  }
0xb7: {  	v31 =	vadd.s32 s9, v0;
	v13 =	vor.u32 $0x50, v5;
	v11 =	vor.u32 $0x70, v5;
	v24 =	vld.idx.msk [tilespmem:v12+s20+$0x0], $0xffff  }
0xb8: {  	v32 =	vand.u32 $0xF, v31;
	v23 =	vor.u32 v13, v2;
	v21 =	vor.u32 v11, v2;
	v26 =	vld.idx.msk [tilespmem:v3+s18+$0x0], $0xffff  }
0xb9: {  	v22 =	vor.u32 v14, v31;
	v6 =	vimm.f32 $0.0e+00;
	v28 =	vld.idx.msk [tilespmem:v10+s20+$0x0], $0xffff;
	v10 =	vimm.f32 $0.0e+00  }
0xba: {  	v27 =	vld.idx.msk [tilespmem:v3+s20+$0x0], $0xffff;
	v3 =	vimm.f32 $0.0e+00;
	v12 =	vmul.f32 v16, v15;
	v30 =	vmul.f32 v18, v17  }
0xbb: {  	v25 =	vld.idx.msk [tilespmem:v29+s18+$0x0], $0xffff;
	v18 =	vor.u32 v19, v31;
	v16 =	vimm.f32 $0.0e+00;
	v17 =	vimm.f32 $0.0e+00  }
0xbc: {  	s9 =	simm.s32 $0x2;
	v29 =	vld.idx.msk [tilespmem:v29+s20+$0x0], $0xffff;
	v15 =	vimm.f32 $0.0e+00;
	v2 =	vadd.f32 v12, v6;
	v12 =	vimm.f32 $0.0e+00  }
.LBB2_8:
0xbd: {  	p0 =	sne.s32 s9, $0xF;
	v33 =	vor.u32 v5, v32;
	v34 =	vor.u32 v7, v32;
	v35 =	vor.u32 v9, v32;
	v36 =	vld.idx.msk [tilespmem:v23+s18+$0x0], $0xffff  }
0xbe: {  	v32 =	vor.u32 v8, v32;
	v37 =	vor.u32 v11, v31;
	v38 =	vld.idx.msk [tilespmem:v23+s20+$0x0], $0xffff;
	v23 =	vor.u32 v13, v31  }
0xbf: {  	v6 =	vadd.f32 v30, v6;
	v20 =	vmul.f32 v24, v20;
	v24 =	vmul.f32 v27, v26;
	v26 =	vld.idx.msk [tilespmem:v21+s18+$0x0], $0xffff  }
0xc0: {  	v27 =	vmul.f32 v28, v4;
	v28 =	vld.idx.msk [tilespmem:v21+s20+$0x0], $0xffff;
	v21 =	vmov v37  }
0xc1: {  	v16 =	vadd.f32 v20, v16;
	v17 =	vadd.f32 v24, v17;
	v4 =	vld.idx.msk [tilespmem:v22+s18+$0x0], $0xffff  }
0xc2: {  	v15 =	vadd.f32 v27, v15;
	v20 =	vmul.f32 v29, v25;
	v30 =	vld.idx.msk [tilespmem:v35+s18+$0x0], $0xffff  }
0xc3: {  	v25 =	vld.idx.msk [tilespmem:v35+s20+$0x0], $0xffff  }
0xc4: {  	v12 =	vadd.f32 v20, v12;
	v24 =	vmul.f32 v38, v36;
	v29 =	vld.idx.msk [tilespmem:v33+s18+$0x0], $0xffff  }
0xc5: {  	v33 =	vld.idx.msk [tilespmem:v33+s20+$0x0], $0xffff  }
0xc6: {  	v10 =	vadd.f32 v24, v10;
	v27 =	vmul.f32 v28, v26;
	v20 =	vld.idx.msk [tilespmem:v34+s18+$0x0], $0xffff  }
0xc7: {  	v24 =	vld.idx.msk [tilespmem:v34+s20+$0x0], $0xffff  }
.Ltmp2:
0xc8: {  	v3 =	vadd.f32 v27, v3;
	v26 =	vld.idx.msk [tilespmem:v32+s18+$0x0], $0xffff;
	(pc) =	sbr.rel @p0 .LBB2_8-.Ltmp2, $4  }
0xc9: {  	v27 =	vld.idx.msk [tilespmem:v32+s20+$0x0], $0xffff;
	v32 =	vmul.f32 v25, v30  }
0xca: {  	v28 =	vld.idx.msk [tilespmem:v22+s20+$0x0], $0xffff  }
0xcb: {  	v31 =	vadd.s32 s9, v0;
	v30 =	vmul.f32 v33, v29;
	v25 =	vld.idx.msk [tilespmem:v18+s18+$0x0], $0xffff;
	v2 =	vadd.f32 v32, v2  }
0xcc: {  	s9 =	sadd.s32 $0x1, s9;
	v22 =	vor.u32 v14, v31;
	v32 =	vand.u32 $0xF, v31;
	v29 =	vld.idx.msk [tilespmem:v18+s20+$0x0], $0xffff;
	v18 =	vor.u32 v19, v31  }
0xcd: {  	_ =	sdelay $0x3  }
0xce: {  	v14 =	vld.idx.msk [tilespmem:v23+s18+$0x0], $0xffff  }
0xcf: {  	v19 =	vld.idx.msk [tilespmem:v23+s20+$0x0], $0xffff  }
0xd0: {  	v45 =	vld.idx.msk [tilespmem:v21+s18+$0x0], $0xffff  }
0xd1: {  	v9 =	vor.u32 v9, v32;
	v46 =	vld.idx.msk [tilespmem:v21+s20+$0x0], $0xffff  }
0xd2: {  	v33 =	vld.idx.msk [tilespmem:v22+s18+$0x0], $0xffff  }
0xd3: {  	v5 =	vor.u32 v5, v32;
	v48 =	vld.idx.msk [tilespmem:v22+s20+$0x0], $0xffff  }
0xd4: {  	v49 =	vld.idx.msk [tilespmem:v18+s18+$0x0], $0xffff  }
0xd5: {  	v7 =	vor.u32 v7, v32;
	v51 =	vld.idx.msk [tilespmem:v18+s20+$0x0], $0xffff  }
0xd6: {  	v34 =	vld.idx.msk [tilespmem:v9+s18+$0x0], $0xffff  }
0xd7: {  	v8 =	vor.u32 v8, v32;
	v9 =	vld.idx.msk [tilespmem:v9+s20+$0x0], $0xffff  }
0xd8: {  	v47 =	vld.idx.msk [tilespmem:v5+s18+$0x0], $0xffff  }
0xd9: {  	v13 =	vor.u32 v13, v31;
	v5 =	vld.idx.msk [tilespmem:v5+s20+$0x0], $0xffff  }
0xda: {  	v35 =	vld.idx.msk [tilespmem:v7+s18+$0x0], $0xffff  }
0xdb: {  	v11 =	vor.u32 v11, v31;
	v7 =	vld.idx.msk [tilespmem:v7+s20+$0x0], $0xffff  }
0xdc: {  	v36 =	vld.idx.msk [tilespmem:v8+s18+$0x0], $0xffff  }
0xdd: {  	v4 =	vmul.f32 v28, v4;
	v8 =	vld.idx.msk [tilespmem:v8+s20+$0x0], $0xffff  }
0xde: {  	v20 =	vmul.f32 v24, v20;
	v6 =	vadd.f32 v30, v6;
	v53 =	vmul.f32 v29, v25;
	v52 =	vld.idx.msk [tilespmem:v13+s18+$0x0], $0xffff  }
0xdf: {  	v50 =	vmul.f32 v27, v26;
	v4 =	vadd.f32 v4, v15;
	v13 =	vld.idx.msk [tilespmem:v13+s20+$0x0], $0xffff;
	v22 =	vmul.f32 v48, v33  }
0xe0: {  	v16 =	vadd.f32 v20, v16;
	v54 =	vld.idx.msk [tilespmem:v11+s18+$0x0], $0xffff;
	v58 =	vmul.f32 v51, v49;
	v57 =	vadd.f32 v53, v12  }
0xe1: {  	v17 =	vadd.f32 v50, v17;
	v56 =	vld.idx.msk [tilespmem:v11+s20+$0x0], $0xffff;
	v4 =	vadd.f32 v22, v4;
	v5 =	vmul.f32 v5, v47  }
0xe2: {  	v14 =	vmul.f32 v19, v14;
	v11 =	vadd.f32 v58, v57;
	v55 =	vmul.f32 v7, v35  }
0xe3: {  	v59 =	vmul.f32 v46, v45;
	[tilespmem:s7+$0xE680] =	vst v4;
	v8 =	vmul.f32 v8, v36;
	v5 =	vadd.f32 v5, v6  }
0xe4: {  	s1 =	sadd.s32 $0x1, s1;
	v10 =	vadd.f32 v14, v10;
	v60 =	vmul.f32 v13, v52;
	[tilespmem:s7+$0xE780] =	vst v11;
	v6 =	vadd.f32 v55, v16  }
0xe5: {  	p0 =	sne.s32 s1, $0x5;
	v61 =	vmul.f32 v9, v34;
	v8 =	vadd.f32 v8, v17;
	[tilespmem:s7+$0xE600] =	vst v5  }
.Ltmp3:
0xe6: {  	v3 =	vadd.f32 v59, v3;
	v63 =	vmul.f32 v56, v54;
	v62 =	vadd.f32 v60, v10;
	[tilespmem:s7+$0xE700] =	vst v6;
	(pc) =	sbr.rel @p0 .LBB2_7-.Ltmp3, $4  }
0xe7: {  	v2 =	vadd.f32 v61, v2;
	[tilespmem:s7+$0xE800] =	vst v8  }
0xe8: {  	v3 =	vadd.f32 v63, v3;
	[tilespmem:s7+$0xE880] =	vst v62  }
0xe9: {  	[tilespmem:s7+$0xE900] =	vst v2  }
0xea: {  	[tilespmem:s7+$0xE980] =	vst v3  }
0xeb: {  	p0 =	seq.s32 s29, $0x3D  }
.Ltmp4:
0xec: {  	s0 =	sadd.s32 s30, s8;
	(pc) =	sbr.rel @p0 .LBB2_12-.Ltmp4, $4  }
0xed: {  	s0 =	sshll.u32 s0, $0x7  }
0xee: {  	s0 =	sand.u32 $0x1FFFFF80, s0  }
0xef: {  	s0 =	sadd.s32 s5, s0  }
0xf0: {  	[hbm4b:s0+s3] =	stream.linear.scatter [tilespmem:s24], [sflag:$0x4], $0x400, $0x38;
	[tilespmem:$0xEA00] =	vst v63  }
0xf1: {  	v2 =	vld [tilespmem:s31+$0x180];
	_ =	sdelay $0x4  }
0xf2: {  	v3 =	vand.u32 $0x3FFF, v2  }
0xf3: {  	v2 =	vshrl.u32 v2, $0xE;
	[tilespmem:$0x4080] =	vst v3  }
0xf4: {  	[tilespmem:$0x4180] =	vst v2  }
0xf5: {  	v2 =	vld [tilespmem:s31+$0x190];
	_ =	sdelay $0x4  }
0xf6: {  	v3 =	vand.u32 $0x3FFF, v2  }
0xf7: {  	v2 =	vshrl.u32 v2, $0xE;
	[tilespmem:$0x4090] =	vst v3  }
0xf8: {  	[tilespmem:$0x4190] =	vst v2  }
0xf9: {  	v2 =	vld [tilespmem:s31+$0x1A0];
	_ =	sdelay $0x4  }
0xfa: {  	v3 =	vand.u32 $0x3FFF, v2  }
0xfb: {  	v2 =	vshrl.u32 v2, $0xE;
	[tilespmem:$0x40A0] =	vst v3  }
0xfc: {  	[tilespmem:$0x41A0] =	vst v2  }
0xfd: {  	v2 =	vld [tilespmem:s31+$0x1B0];
	_ =	sdelay $0x4  }
0xfe: {  	v3 =	vand.u32 $0x3FFF, v2  }
0xff: {  	v2 =	vshrl.u32 v2, $0xE;
	[tilespmem:$0x40B0] =	vst v3  }
0x100: {  	[tilespmem:$0x41B0] =	vst v2  }
0x101: {  	v2 =	vld [tilespmem:s31+$0x1C0];
	_ =	sdelay $0x4  }
0x102: {  	v3 =	vand.u32 $0x3FFF, v2  }
.Ltmp5:
0x103: {  	v2 =	vshrl.u32 v2, $0xE;
	[tilespmem:$0x40C0] =	vst v3;
	(pc) =	sbr.rel .LBB2_2-.Ltmp5, $4  }
0x104: {  	[tilespmem:$0x41C0] =	vst v2  }
0x105: {  	[tilespmem:s18], [sflag:$0x2] =	stream.indirect.gather [hbm4b:s2+s12], $0x80, s17, s12, $0xb8;
	[tilespmem:$0xEA00] =	vst v63  }
0x106: {  	s29 =	sadd.s32 $0x1, s29  }
0x107: {  	[tilespmem:s20], [sflag:$0x2] =	stream.indirect.gather [hbm4b:s4+s12], $0x80, s19, s12, $0xb8;
	[tilespmem:$0xEA00] =	vst v63  }
.LBB2_12:
0x108: {  	_ =	swait.ge [sflag:s21], $0x2800  }
0x109: {  	[sflag:s21] =	ssyncset.done $0x0  }
0x10a: {  	[sflag:s21] =	ssyncadd.s32 $0xFFFFD800  }
0x10b: {  	_ =	swait.ge [sflag:s21], $0x2800  }
0x10c: {  	[sflag:s21] =	ssyncset.done $0x0  }
0x10d: {  	[sflag:s21] =	ssyncadd.s32 $0xFFFFD800  }
0x10e: {  	_ =	swait.ge [sflag:s25], $0x400  }
0x10f: {  	[sflag:s25] =	ssyncset.done $0x0  }
0x110: {  	s0 =	simm.s32 $0x0;
	s1 =	simm.s32 $0x0;
	[sflag:s25] =	ssyncadd.s32 $0xFFFFFC00  }
.LBB2_13:
0x111: {  	s7 =	sshll.u32 s1, $0x4  }
0x112: {  	v2 =	vmov s7  }
0x113: {  	v2 =	vshll.u32 v2, $0x7  }
0x114: {  	v5 =	vor.u32 v1, v2;
	v2 =	vadd.s32 s0, v0  }
0x115: {  	v9 =	vor.u32 $0x60, v5;
	v3 =	vand.u32 $0xF, v2  }
0x116: {  	v4 =	vor.u32 v9, v3;
	_ =	sdelay $0x1  }
0x117: {  	v6 =	vor.u32 v5, v3  }
0x118: {  	v14 =	vor.u32 $0x10, v5  }
0x119: {  	v7 =	vor.u32 $0x20, v5;
	v10 =	vor.u32 v14, v2  }
0x11a: {  	v12 =	vor.u32 v7, v3;
	v15 =	vld.idx.msk [tilespmem:v4+s14+$0x0], $0xffff  }
0x11b: {  	v8 =	vor.u32 $0x40, v5;
	v16 =	vld.idx.msk [tilespmem:v4+s16+$0x0], $0xffff  }
0x11c: {  	v3 =	vor.u32 v8, v3;
	v17 =	vld.idx.msk [tilespmem:v6+s14+$0x0], $0xffff  }
0x11d: {  	v18 =	vld.idx.msk [tilespmem:v6+s16+$0x0], $0xffff  }
0x11e: {  	v19 =	vor.u32 $0x30, v5;
	v4 =	vld.idx.msk [tilespmem:v10+s14+$0x0], $0xffff  }
0x11f: {  	s9 =	simm.s32 $0x1;
	v29 =	vor.u32 v19, v2;
	v20 =	vld.idx.msk [tilespmem:v12+s14+$0x0], $0xffff  }
0x120: {  	v31 =	vadd.s32 s9, v0;
	v13 =	vor.u32 $0x50, v5;
	v11 =	vor.u32 $0x70, v5;
	v24 =	vld.idx.msk [tilespmem:v12+s16+$0x0], $0xffff  }
0x121: {  	v32 =	vand.u32 $0xF, v31;
	v23 =	vor.u32 v13, v2;
	v21 =	vor.u32 v11, v2;
	v26 =	vld.idx.msk [tilespmem:v3+s14+$0x0], $0xffff  }
0x122: {  	v22 =	vor.u32 v14, v31;
	v6 =	vimm.f32 $0.0e+00;
	v28 =	vld.idx.msk [tilespmem:v10+s16+$0x0], $0xffff;
	v10 =	vimm.f32 $0.0e+00  }
0x123: {  	v27 =	vld.idx.msk [tilespmem:v3+s16+$0x0], $0xffff;
	v3 =	vimm.f32 $0.0e+00;
	v12 =	vmul.f32 v16, v15;
	v30 =	vmul.f32 v18, v17  }
0x124: {  	v25 =	vld.idx.msk [tilespmem:v29+s14+$0x0], $0xffff;
	v18 =	vor.u32 v19, v31;
	v16 =	vimm.f32 $0.0e+00;
	v17 =	vimm.f32 $0.0e+00  }
0x125: {  	s9 =	simm.s32 $0x2;
	v29 =	vld.idx.msk [tilespmem:v29+s16+$0x0], $0xffff;
	v15 =	vimm.f32 $0.0e+00;
	v2 =	vadd.f32 v12, v6;
	v12 =	vimm.f32 $0.0e+00  }
.LBB2_14:
0x126: {  	p0 =	sne.s32 s9, $0xF;
	v33 =	vor.u32 v5, v32;
	v34 =	vor.u32 v7, v32;
	v35 =	vor.u32 v9, v32;
	v36 =	vld.idx.msk [tilespmem:v23+s14+$0x0], $0xffff  }
0x127: {  	v32 =	vor.u32 v8, v32;
	v37 =	vor.u32 v11, v31;
	v38 =	vld.idx.msk [tilespmem:v23+s16+$0x0], $0xffff;
	v23 =	vor.u32 v13, v31  }
0x128: {  	v6 =	vadd.f32 v30, v6;
	v20 =	vmul.f32 v24, v20;
	v24 =	vmul.f32 v27, v26;
	v26 =	vld.idx.msk [tilespmem:v21+s14+$0x0], $0xffff  }
0x129: {  	v27 =	vmul.f32 v28, v4;
	v28 =	vld.idx.msk [tilespmem:v21+s16+$0x0], $0xffff;
	v21 =	vmov v37  }
0x12a: {  	v16 =	vadd.f32 v20, v16;
	v17 =	vadd.f32 v24, v17;
	v4 =	vld.idx.msk [tilespmem:v22+s14+$0x0], $0xffff  }
0x12b: {  	v15 =	vadd.f32 v27, v15;
	v20 =	vmul.f32 v29, v25;
	v30 =	vld.idx.msk [tilespmem:v35+s14+$0x0], $0xffff  }
0x12c: {  	v25 =	vld.idx.msk [tilespmem:v35+s16+$0x0], $0xffff  }
0x12d: {  	v12 =	vadd.f32 v20, v12;
	v24 =	vmul.f32 v38, v36;
	v29 =	vld.idx.msk [tilespmem:v33+s14+$0x0], $0xffff  }
0x12e: {  	v33 =	vld.idx.msk [tilespmem:v33+s16+$0x0], $0xffff  }
0x12f: {  	v10 =	vadd.f32 v24, v10;
	v27 =	vmul.f32 v28, v26;
	v20 =	vld.idx.msk [tilespmem:v34+s14+$0x0], $0xffff  }
0x130: {  	v24 =	vld.idx.msk [tilespmem:v34+s16+$0x0], $0xffff  }
.Ltmp6:
0x131: {  	v3 =	vadd.f32 v27, v3;
	v26 =	vld.idx.msk [tilespmem:v32+s14+$0x0], $0xffff;
	(pc) =	sbr.rel @p0 .LBB2_14-.Ltmp6, $4  }
0x132: {  	v27 =	vld.idx.msk [tilespmem:v32+s16+$0x0], $0xffff;
	v32 =	vmul.f32 v25, v30  }
0x133: {  	v28 =	vld.idx.msk [tilespmem:v22+s16+$0x0], $0xffff  }
0x134: {  	v31 =	vadd.s32 s9, v0;
	v30 =	vmul.f32 v33, v29;
	v25 =	vld.idx.msk [tilespmem:v18+s14+$0x0], $0xffff;
	v2 =	vadd.f32 v32, v2  }
0x135: {  	s9 =	sadd.s32 $0x1, s9;
	v22 =	vor.u32 v14, v31;
	v32 =	vand.u32 $0xF, v31;
	v29 =	vld.idx.msk [tilespmem:v18+s16+$0x0], $0xffff;
	v18 =	vor.u32 v19, v31  }
0x136: {  	_ =	sdelay $0x3  }
0x137: {  	v14 =	vld.idx.msk [tilespmem:v23+s14+$0x0], $0xffff  }
0x138: {  	v19 =	vld.idx.msk [tilespmem:v23+s16+$0x0], $0xffff  }
0x139: {  	v45 =	vld.idx.msk [tilespmem:v21+s14+$0x0], $0xffff  }
0x13a: {  	v9 =	vor.u32 v9, v32;
	v46 =	vld.idx.msk [tilespmem:v21+s16+$0x0], $0xffff  }
0x13b: {  	v33 =	vld.idx.msk [tilespmem:v22+s14+$0x0], $0xffff  }
0x13c: {  	v5 =	vor.u32 v5, v32;
	v48 =	vld.idx.msk [tilespmem:v22+s16+$0x0], $0xffff  }
0x13d: {  	v49 =	vld.idx.msk [tilespmem:v18+s14+$0x0], $0xffff  }
0x13e: {  	v7 =	vor.u32 v7, v32;
	v51 =	vld.idx.msk [tilespmem:v18+s16+$0x0], $0xffff  }
0x13f: {  	v34 =	vld.idx.msk [tilespmem:v9+s14+$0x0], $0xffff  }
0x140: {  	v8 =	vor.u32 v8, v32;
	v9 =	vld.idx.msk [tilespmem:v9+s16+$0x0], $0xffff  }
0x141: {  	v47 =	vld.idx.msk [tilespmem:v5+s14+$0x0], $0xffff  }
0x142: {  	v13 =	vor.u32 v13, v31;
	v5 =	vld.idx.msk [tilespmem:v5+s16+$0x0], $0xffff  }
0x143: {  	v35 =	vld.idx.msk [tilespmem:v7+s14+$0x0], $0xffff  }
0x144: {  	v11 =	vor.u32 v11, v31;
	v7 =	vld.idx.msk [tilespmem:v7+s16+$0x0], $0xffff  }
0x145: {  	v36 =	vld.idx.msk [tilespmem:v8+s14+$0x0], $0xffff  }
0x146: {  	v4 =	vmul.f32 v28, v4;
	v8 =	vld.idx.msk [tilespmem:v8+s16+$0x0], $0xffff  }
0x147: {  	v20 =	vmul.f32 v24, v20;
	v6 =	vadd.f32 v30, v6;
	v53 =	vmul.f32 v29, v25;
	v52 =	vld.idx.msk [tilespmem:v13+s14+$0x0], $0xffff  }
0x148: {  	v50 =	vmul.f32 v27, v26;
	v4 =	vadd.f32 v4, v15;
	v13 =	vld.idx.msk [tilespmem:v13+s16+$0x0], $0xffff;
	v22 =	vmul.f32 v48, v33  }
0x149: {  	v16 =	vadd.f32 v20, v16;
	v54 =	vld.idx.msk [tilespmem:v11+s14+$0x0], $0xffff;
	v58 =	vmul.f32 v51, v49;
	v57 =	vadd.f32 v53, v12  }
0x14a: {  	v17 =	vadd.f32 v50, v17;
	v56 =	vld.idx.msk [tilespmem:v11+s16+$0x0], $0xffff;
	v4 =	vadd.f32 v22, v4;
	v5 =	vmul.f32 v5, v47  }
0x14b: {  	v14 =	vmul.f32 v19, v14;
	v11 =	vadd.f32 v58, v57;
	v55 =	vmul.f32 v7, v35  }
0x14c: {  	v59 =	vmul.f32 v46, v45;
	[tilespmem:s7+$0xE280] =	vst v4;
	v8 =	vmul.f32 v8, v36;
	v5 =	vadd.f32 v5, v6  }
0x14d: {  	s1 =	sadd.s32 $0x1, s1;
	v10 =	vadd.f32 v14, v10;
	v60 =	vmul.f32 v13, v52;
	[tilespmem:s7+$0xE380] =	vst v11;
	v6 =	vadd.f32 v55, v16  }
0x14e: {  	p0 =	sne.s32 s1, $0x5;
	v61 =	vmul.f32 v9, v34;
	v8 =	vadd.f32 v8, v17;
	[tilespmem:s7+$0xE200] =	vst v5  }
.Ltmp7:
0x14f: {  	v3 =	vadd.f32 v59, v3;
	v63 =	vmul.f32 v56, v54;
	v62 =	vadd.f32 v60, v10;
	[tilespmem:s7+$0xE300] =	vst v6;
	(pc) =	sbr.rel @p0 .LBB2_13-.Ltmp7, $4  }
0x150: {  	v2 =	vadd.f32 v61, v2;
	[tilespmem:s7+$0xE400] =	vst v8  }
0x151: {  	v3 =	vadd.f32 v63, v3;
	[tilespmem:s7+$0xE480] =	vst v62  }
0x152: {  	[tilespmem:s7+$0xE500] =	vst v2  }
0x153: {  	[tilespmem:s7+$0xE580] =	vst v3  }
0x154: {  	s0 =	rddreg [dreg:$0x4];
	s28 =	sadd.s32 $0x1, s28  }
0x155: {  	[hbm4b:s0+s3] =	stream.linear.scatter [tilespmem:s22], [sflag:$0x5], $0x400, $0x38;
	[tilespmem:$0xEA00] =	vst v63  }
0x156: {  	p0 =	sne.s32 s28, s10;
	_ =	swait.ge [sflag:s11], $0x400  }
.Ltmp8:
0x157: {  	[sflag:s11] =	ssyncset.done $0x0;
	(pc) =	sbr.rel @p0 .LBB2_1-.Ltmp8, $4  }
0x158: {  	[sflag:s11] =	ssyncadd.s32 $0xFFFFFC00  }
0x159: {  	_ =	swait.ge [sflag:s26], $0x400  }
0x15a: {  	[sflag:s26] =	ssyncset.done $0x0  }
0x15b: {  	[sflag:s26] =	ssyncadd.s32 $0xFFFFFC00  }
0x15c: {  	_ =	sfence.sel $0x180000  }
0x15d: {  	[bflag:$0x0] =	sbarrier.arrive $0xFFFF  }
0x15e: {  	_ =	strace $0x90000047  }
0x15f: {  	s0 =	stileid.u32;
	[bflag:$0x2] =	sbarrier.arrive $0xFFFF  }
0x160: {  	p0 =	sne.s32 s0, $0x0;
	s0 =	rddreg [dreg:$0x2]  }
0x161: {  	s0 =	sadd.s32 @!p0 $0x100000, s0  }
0x162: {  	[sflag:s0] =	ssyncadd.tile.s32 @!p0 $0x1;
	_ =	shalt  }
.Lfunc_end2:
_tile_overlayer_lowered:
.L_overlay_start_2:
0x163: {  	(tag) =	ssettag $0x2  }
0x164: {  	s0 =	rddreg [dreg:$0x0];
	s2 =	stileid.u32  }
0x165: {  	s1 =	rddreg [dreg:$0x1];
	p0 =	sne.s32 s2, $0x0  }
0x166: {  	s3 =	rddreg [dreg:$0x2];
	[bflag:$0x3] =	sbarrier.arrive $0xFFFF;
	s2 =	simm.s32 @!p0 $0x1C05  }
0x167: {  	[timem:s3], [sflag:s2] =	dma.local @!p0 [hbm:s0], s1  }
0x168: {  	s0 =	simm.s32 @!p0 $0x5  }
0x169: {  	_ =	swait.ge @!p0 [sflag:s0], s1  }
0x16a: {  	s1 =	ssub.s32 @!p0 $0x0, s1;
	[sflag:s0] =	ssyncset.done @!p0 $0x0  }
0x16b: {  	[sflag:s0] =	ssyncadd.s32 @!p0 s1  }
0x16c: {  	[bflag:$0x3] =	sbarrier.arrive $0xFFFF  }
0x16d: {  	_ =	shalt  }

</sc_bundles>
